<compile_context>
chip_gen: v7x
topology: tpu7x:2x2x1
jax: 0.10.2.dev20260603
libtpu: 0.0.44.dev20260713+nightly
codegen_flags: <defaults>
</compile_context>

<pallas_src>
import jax
import jax.numpy as jnp
from jax import lax
from jax.experimental import pallas as pl
from jax.experimental.pallas import tpu as pltpu
from jax.experimental.pallas import tpu_sc as plsc

VOCAB = 100000
DIM = 64
BATCH = 16384
NEG = 20

NC = 2
NS = 16
L = 16
NW = NC * NS
BPW = BATCH // NW
C = 64
NCHUNK = BPW // C
NSUB = C * NEG // 128


def _sc_body(pos_u, pos_v, neg_v, u_table, v_table, pos_out, neg_out,
             iu, iv, ineg, ru, rv, rneg, sp, sn, sem):
  wid = lax.axis_index("s") * NC + lax.axis_index("c")

  lane = lax.iota(jnp.int32, 16)
  m0 = lane == jnp.zeros((16,), jnp.int32)
  m08 = (lane == jnp.zeros((16,), jnp.int32)) | (
      lane == jnp.full((16,), 8, jnp.int32))
  perms = [((lane + jnp.full((16,), r, jnp.int32)) &
            jnp.full((16,), 15, jnp.int32)) for r in (8, 4, 2, 1)]

  def _reduce_all(x):
    for p in perms:
      x = x + x.at[p].get(mode="promise_in_bounds")
    return x

  lo8 = lane < jnp.full((16,), 8, jnp.int32)
  hperms = [((lane & jnp.full((16,), 8, jnp.int32)) |
             ((lane + jnp.full((16,), r, jnp.int32)) &
              jnp.full((16,), 7, jnp.int32))) for r in (4, 2, 1)]

  def _reduce_two(x, y):
    x = x + x.at[perms[0]].get(mode="promise_in_bounds")
    y = y + y.at[perms[0]].get(mode="promise_in_bounds")
    z = jnp.where(lo8, x, y)
    for p in hperms:
      z = z + z.at[p].get(mode="promise_in_bounds")
    return z

  def chunk_body(ci, _):
    base = wid * BPW + ci * C
    pltpu.sync_copy(pos_u.at[pl.ds(base, C)], iu)
    pltpu.sync_copy(pos_v.at[pl.ds(base, C)], iv)
    pltpu.sync_copy(neg_v.at[pl.ds(base * NEG, C * NEG)], ineg)
    cps = [pltpu.async_copy(u_table.at[iu], ru, sem),
           pltpu.async_copy(v_table.at[iv], rv, sem)]
    for j in range(NSUB):
      cps.append(pltpu.async_copy(
          v_table.at[ineg.at[pl.ds(j * 128, 128)]],
          rneg.at[pl.ds(j * 128, 128)], sem))
    for cp in cps:
      cp.wait()

    def b_body(b):
      us = [ru[b, pl.ds(k * L, L)] for k in range(DIM // L)]
      hi1 = (lane >> jnp.full((16,), 3, jnp.int32)) & jnp.full((16,), 1,
                                                              jnp.int32)
      nvecp = jnp.full((16,), b * NEG, jnp.int32) + hi1
      bvec = jnp.full((16,), b, jnp.int32)
      prod = None
      for k in range(DIM // L):
        t = us[k] * rv[b, pl.ds(k * L, L)]
        prod = t if prod is None else prod + t
      plsc.store_scatter(sp, [bvec], _reduce_all(prod), mask=m0)

      def _prod(n):
        p = None
        for k in range(DIM // L):
          t = us[k] * rneg[b * NEG + n, pl.ds(k * L, L)]
          p = t if p is None else p + t
        return p

      for n in range(0, NEG, 2):
        z = _reduce_two(_prod(n), _prod(n + 1))
        plsc.store_scatter(sn, [nvecp + n], z, mask=m08)

    plsc.parallel_loop(0, C, 1, unroll=2)(b_body)
    pltpu.sync_copy(sp, pos_out.at[pl.ds(base, C)])
    pltpu.sync_copy(sn, neg_out.at[pl.ds(base * NEG, C * NEG)])
    return 0

  lax.fori_loop(0, NCHUNK, chunk_body, 0, unroll=1)


_sc_scores = pl.kernel(
    _sc_body,
    out_type=[jax.ShapeDtypeStruct((BATCH,), jnp.float32),
              jax.ShapeDtypeStruct((BATCH * NEG,), jnp.float32)],
    mesh=plsc.VectorSubcoreMesh(core_axis_name="c", subcore_axis_name="s",
                                num_cores=NC, num_subcores=NS),
    scratch_types=[
        pltpu.VMEM((C,), jnp.int32),
        pltpu.VMEM((C,), jnp.int32),
        pltpu.VMEM((C * NEG,), jnp.int32),
        pltpu.VMEM((C, DIM), jnp.float32),
        pltpu.VMEM((C, DIM), jnp.float32),
        pltpu.VMEM((C * NEG, DIM), jnp.float32),
        pltpu.VMEM((C,), jnp.float32),
        pltpu.VMEM((C * NEG,), jnp.float32),
        pltpu.SemaphoreType.DMA,
    ],
    compiler_params=pltpu.CompilerParams(needs_layout_passes=False,
                                         use_tc_tiling_on_sc=False,
                                         disable_bounds_checks=True),
)


def _tc_body(ps_ref, ns_ref, loss_ref, ap_ref, an_ref):
  ps = ps_ref[...]
  ns = ns_ref[...]
  ap_ref[...] = 1.0 / (1.0 + jnp.exp(-ps))
  an_ref[...] = 1.0 / (1.0 + jnp.exp(ns))
  lp = jnp.minimum(ps, 0.0) - jnp.log(1.0 + jnp.exp(-jnp.abs(ps)))
  mns = -ns
  ln = jnp.minimum(mns, 0.0) - jnp.log(1.0 + jnp.exp(-jnp.abs(ns)))
  loss = -(jnp.sum(lp) + jnp.sum(ln))
  loss_ref[...] = jnp.full((1, 1), loss, jnp.float32)


_tc_post = pl.pallas_call(
    _tc_body,
    out_shape=[jax.ShapeDtypeStruct((1, 1), jnp.float32),
               jax.ShapeDtypeStruct((BATCH // 128, 128), jnp.float32),
               jax.ShapeDtypeStruct((BATCH * NEG // 128, 128), jnp.float32)],
)


def kernel(pos_u, pos_v, neg_v, u_table, v_table):
  pos_u = pos_u.astype(jnp.int32)
  pos_v = pos_v.astype(jnp.int32)
  neg_flat = neg_v.astype(jnp.int32).reshape(BATCH * NEG)
  ps, ns = _sc_scores(pos_u, pos_v, neg_flat, u_table, v_table)
  loss, ap, an = _tc_post(ps.reshape(BATCH // 128, 128),
                          ns.reshape(BATCH * NEG // 128, 128))
  return (loss.reshape(()), ap.reshape(BATCH), an.reshape(BATCH, NEG))

# --- scband reference (transcript-rebuilt; emitter-appended) ---
"""Pipeline reference for scband-skip-gram-model-47347719471617 (READ-ONLY COPY).

The authoritative reference and input builder live on the scoring server;
editing this copy changes nothing except your own understanding.
"""

import jax, jax.numpy as jnp
import numpy as np

VOCAB = 100000
DIM = 64
BATCH = 16384
NEG = 20

def setup_inputs(seed: int = 0) -> dict:
    key = jax.random.key(seed)
    k1, k2, k3, k4, k5 = jax.random.split(key, 5)
    pos_u = jax.random.randint(k1, (BATCH,), 0, VOCAB)
    pos_v = jax.random.randint(k2, (BATCH,), 0, VOCAB)
    neg_v = jax.random.randint(k3, (BATCH, NEG), 0, VOCAB)
    initrange = 0.5 / DIM
    u_table = jax.random.uniform(k4, (VOCAB, DIM), dtype=jnp.float32, minval=-initrange, maxval=initrange)
    # original inits v to zeros; use small random values so scores are nontrivial
    v_table = jax.random.normal(k5, (VOCAB, DIM), dtype=jnp.float32) * 0.01
    return {"pos_u": pos_u, "pos_v": pos_v, "neg_v": neg_v, "u_table": u_table, "v_table": v_table}

def reference(pos_u, pos_v, neg_v, u_table, v_table):
    emb_u = jnp.take(u_table, pos_u, axis=0)            # [B, D]
    emb_v = jnp.take(v_table, pos_v, axis=0)            # [B, D]
    emb_neg = jnp.take(v_table, neg_v, axis=0)          # [B, NEG, D]
    pos_score = jnp.sum(emb_u * emb_v, axis=1)          # [B]
    alt_pos_score = jax.nn.sigmoid(pos_score)
    pos_logsig = jax.nn.log_sigmoid(pos_score)
    # bmm: [B, NEG, D] @ [B, D, 1] -> [B, NEG]
    neg_score = jnp.einsum('bnd,bd->bn', emb_neg, emb_u)
    alt_neg_score = jax.nn.sigmoid(-neg_score)
    neg_logsig = jax.nn.log_sigmoid(-neg_score)
    loss = -1.0 * (jnp.sum(pos_logsig) + jnp.sum(neg_logsig))
    return (loss, alt_pos_score, alt_neg_score)

if __name__ == "__main__":
    import jax
    _d = setup_inputs()
    print(jax.jit(kernel)(*tuple(_d.values())))

</pallas_src>

<mosaic_0001>
#map = affine_map<(d0, d1) -> (0)>
#map1 = affine_map<(d0, d1) -> (0, 0)>
module attributes {stable_mosaic.version = 14 : i64} {
  func.func @_sc_body(%arg0: i32, %arg1: i32, %arg2: memref<16384xi32, #tpu.memory_space<hbm>>, %arg3: memref<16384xi32, #tpu.memory_space<hbm>>, %arg4: memref<327680xi32, #tpu.memory_space<hbm>>, %arg5: memref<100000x64xf32, #tpu.memory_space<hbm>>, %arg6: memref<100000x64xf32, #tpu.memory_space<hbm>>, %arg7: memref<16384xf32, #tpu.memory_space<hbm>>, %arg8: memref<327680xf32, #tpu.memory_space<hbm>>, %arg9: memref<64xi32, #tpu.memory_space<vmem>>, %arg10: memref<64xi32, #tpu.memory_space<vmem>>, %arg11: memref<1280xi32, #tpu.memory_space<vmem>>, %arg12: memref<64x64xf32, #tpu.memory_space<vmem>>, %arg13: memref<64x64xf32, #tpu.memory_space<vmem>>, %arg14: memref<1280x64xf32, #tpu.memory_space<vmem>>, %arg15: memref<64xf32, #tpu.memory_space<vmem>>, %arg16: memref<1280xf32, #tpu.memory_space<vmem>>, %arg17: memref<!tpu.dma_semaphore, #tpu.memory_space<semaphore_mem>>) attributes {dimension_semantics = [#tpu.dimension_semantics<core_parallel>, #tpu.dimension_semantics<subcore_parallel>], iteration_bounds = array<i64: 2, 16>, scalar_prefetch = 0 : i64, scratch_operands = 9 : i64, tpu.core_type = #tpu.core_type<sc_vector_subcore>, window_params = [{transform_indices = #map}, {transform_indices = #map}, {transform_indices = #map}, {transform_indices = #map1}, {transform_indices = #map1}, {transform_indices = #map}, {transform_indices = #map}]} {
    %mul3A = arith.constant 2 : i32
    %mul3A_0 = arith.muli %arg1, %mul3A : i32
    %add3A = arith.addi %mul3A_0, %arg0 : i32
    %iota3A = tpu.iota {dimensions = array<i32: 0>} : vector<16xi32>
    %broadcast_in_dim3A = arith.constant 0 : i32
    %broadcast_in_dim3A_1 = vector.broadcast %broadcast_in_dim3A : i32 to vector<16xi32>
    %eq3A = arith.cmpi eq, %iota3A, %broadcast_in_dim3A_1 : vector<16xi32>
    %broadcast_in_dim3A_2 = arith.constant 0 : i32
    %broadcast_in_dim3A_3 = vector.broadcast %broadcast_in_dim3A_2 : i32 to vector<16xi32>
    %eq3A_4 = arith.cmpi eq, %iota3A, %broadcast_in_dim3A_3 : vector<16xi32>
    %broadcast_in_dim3A_5 = arith.constant 8 : i32
    %broadcast_in_dim3A_6 = vector.broadcast %broadcast_in_dim3A_5 : i32 to vector<16xi32>
    %eq3A_7 = arith.cmpi eq, %iota3A, %broadcast_in_dim3A_6 : vector<16xi32>
    %or3A = arith.ori %eq3A_4, %eq3A_7 : vector<16xi1>
    %broadcast_in_dim3A_8 = arith.constant 8 : i32
    %broadcast_in_dim3A_9 = vector.broadcast %broadcast_in_dim3A_8 : i32 to vector<16xi32>
    %add3A_10 = arith.addi %iota3A, %broadcast_in_dim3A_9 : vector<16xi32>
    %broadcast_in_dim3A_11 = arith.constant 15 : i32
    %broadcast_in_dim3A_12 = vector.broadcast %broadcast_in_dim3A_11 : i32 to vector<16xi32>
    %and3A = arith.andi %add3A_10, %broadcast_in_dim3A_12 : vector<16xi32>
    %broadcast_in_dim3A_13 = arith.constant 4 : i32
    %broadcast_in_dim3A_14 = vector.broadcast %broadcast_in_dim3A_13 : i32 to vector<16xi32>
    %add3A_15 = arith.addi %iota3A, %broadcast_in_dim3A_14 : vector<16xi32>
    %broadcast_in_dim3A_16 = arith.constant 15 : i32
    %broadcast_in_dim3A_17 = vector.broadcast %broadcast_in_dim3A_16 : i32 to vector<16xi32>
    %and3A_18 = arith.andi %add3A_15, %broadcast_in_dim3A_17 : vector<16xi32>
    %broadcast_in_dim3A_19 = arith.constant 2 : i32
    %broadcast_in_dim3A_20 = vector.broadcast %broadcast_in_dim3A_19 : i32 to vector<16xi32>
    %add3A_21 = arith.addi %iota3A, %broadcast_in_dim3A_20 : vector<16xi32>
    %broadcast_in_dim3A_22 = arith.constant 15 : i32
    %broadcast_in_dim3A_23 = vector.broadcast %broadcast_in_dim3A_22 : i32 to vector<16xi32>
    %and3A_24 = arith.andi %add3A_21, %broadcast_in_dim3A_23 : vector<16xi32>
    %broadcast_in_dim3A_25 = arith.constant 1 : i32
    %broadcast_in_dim3A_26 = vector.broadcast %broadcast_in_dim3A_25 : i32 to vector<16xi32>
    %add3A_27 = arith.addi %iota3A, %broadcast_in_dim3A_26 : vector<16xi32>
    %broadcast_in_dim3A_28 = arith.constant 15 : i32
    %broadcast_in_dim3A_29 = vector.broadcast %broadcast_in_dim3A_28 : i32 to vector<16xi32>
    %and3A_30 = arith.andi %add3A_27, %broadcast_in_dim3A_29 : vector<16xi32>
    %broadcast_in_dim3A_31 = arith.constant 8 : i32
    %broadcast_in_dim3A_32 = vector.broadcast %broadcast_in_dim3A_31 : i32 to vector<16xi32>
    %lt3A = arith.cmpi slt, %iota3A, %broadcast_in_dim3A_32 : vector<16xi32>
    %broadcast_in_dim3A_33 = arith.constant 8 : i32
    %broadcast_in_dim3A_34 = vector.broadcast %broadcast_in_dim3A_33 : i32 to vector<16xi32>
    %and3A_35 = arith.andi %iota3A, %broadcast_in_dim3A_34 : vector<16xi32>
    %broadcast_in_dim3A_36 = arith.constant 4 : i32
    %broadcast_in_dim3A_37 = vector.broadcast %broadcast_in_dim3A_36 : i32 to vector<16xi32>
    %add3A_38 = arith.addi %iota3A, %broadcast_in_dim3A_37 : vector<16xi32>
    %broadcast_in_dim3A_39 = arith.constant 7 : i32
    %broadcast_in_dim3A_40 = vector.broadcast %broadcast_in_dim3A_39 : i32 to vector<16xi32>
    %and3A_41 = arith.andi %add3A_38, %broadcast_in_dim3A_40 : vector<16xi32>
    %or3A_42 = arith.ori %and3A_35, %and3A_41 : vector<16xi32>
    %broadcast_in_dim3A_43 = arith.constant 8 : i32
    %broadcast_in_dim3A_44 = vector.broadcast %broadcast_in_dim3A_43 : i32 to vector<16xi32>
    %and3A_45 = arith.andi %iota3A, %broadcast_in_dim3A_44 : vector<16xi32>
    %broadcast_in_dim3A_46 = arith.constant 2 : i32
    %broadcast_in_dim3A_47 = vector.broadcast %broadcast_in_dim3A_46 : i32 to vector<16xi32>
    %add3A_48 = arith.addi %iota3A, %broadcast_in_dim3A_47 : vector<16xi32>
    %broadcast_in_dim3A_49 = arith.constant 7 : i32
    %broadcast_in_dim3A_50 = vector.broadcast %broadcast_in_dim3A_49 : i32 to vector<16xi32>
    %and3A_51 = arith.andi %add3A_48, %broadcast_in_dim3A_50 : vector<16xi32>
    %or3A_52 = arith.ori %and3A_45, %and3A_51 : vector<16xi32>
    %broadcast_in_dim3A_53 = arith.constant 8 : i32
    %broadcast_in_dim3A_54 = vector.broadcast %broadcast_in_dim3A_53 : i32 to vector<16xi32>
    %and3A_55 = arith.andi %iota3A, %broadcast_in_dim3A_54 : vector<16xi32>
    %broadcast_in_dim3A_56 = arith.constant 1 : i32
    %broadcast_in_dim3A_57 = vector.broadcast %broadcast_in_dim3A_56 : i32 to vector<16xi32>
    %add3A_58 = arith.addi %iota3A, %broadcast_in_dim3A_57 : vector<16xi32>
    %broadcast_in_dim3A_59 = arith.constant 7 : i32
    %broadcast_in_dim3A_60 = vector.broadcast %broadcast_in_dim3A_59 : i32 to vector<16xi32>
    %and3A_61 = arith.andi %add3A_58, %broadcast_in_dim3A_60 : vector<16xi32>
    %or3A_62 = arith.ori %and3A_55, %and3A_61 : vector<16xi32>
    %scan3A = arith.constant 0 : i32
    %scan3A_63 = arith.constant 0 : i32
    %scan3A_64 = arith.constant 8 : i32
    %scan3A_65 = arith.addi %scan3A_63, %scan3A_64 : i32
    %scan3A_66 = arith.constant 1 : i32
    %scan3A_67 = scf.for %scan3A_69 = %scan3A_63 to %scan3A_65 step %scan3A_66 iter_args(%scan3A_70 = %scan3A) -> (i32)  : i32 {
      %mul3A_71 = arith.constant 512 : i32
      %mul3A_72 = arith.muli %add3A, %mul3A_71 : i32
      %mul3A_73 = arith.constant 64 : i32
      %mul3A_74 = arith.muli %scan3A_69, %mul3A_73 : i32
      %add3A_75 = arith.addi %mul3A_72, %mul3A_74 : i32
      "tpu.region"() ({
        %run_scoped3A = tpu.sem_alloc : memref<!tpu.dma_semaphore, #tpu.memory_space<semaphore_mem>>
        %dma_start3A_253 = tpu.memref_slice %arg2[%add3A_75] : memref<16384xi32, #tpu.memory_space<hbm>> -> memref<64xi32, #tpu.memory_space<hbm>>
        %dma_start3A_254 = tpu.memref_slice %arg2[%add3A_75] : memref<16384xi32, #tpu.memory_space<hbm>> -> memref<64xi32, #tpu.memory_space<hbm>>
        tpu.enqueue_dma source(%dma_start3A_254 : memref<64xi32, #tpu.memory_space<hbm>>) target(%arg9 : memref<64xi32, #tpu.memory_space<vmem>>) target_semaphore(%run_scoped3A : memref<!tpu.dma_semaphore, #tpu.memory_space<semaphore_mem>>)
        %dma_wait3A_255 = tpu.memref_slice %arg2[%add3A_75] : memref<16384xi32, #tpu.memory_space<hbm>> -> memref<64xi32, #tpu.memory_space<hbm>>
        %dma_wait3A_256 = tpu.memref_slice %arg2[%add3A_75] : memref<16384xi32, #tpu.memory_space<hbm>> -> memref<64xi32, #tpu.memory_space<hbm>>
        tpu.wait_dma2 semaphore(%run_scoped3A : memref<!tpu.dma_semaphore, #tpu.memory_space<semaphore_mem>>) src(%dma_wait3A_256 : memref<64xi32, #tpu.memory_space<hbm>>) dst(%arg9 : memref<64xi32, #tpu.memory_space<vmem>>)
        tpu.yield
      }) : () -> ()
      "tpu.region"() ({
        %run_scoped3A = tpu.sem_alloc : memref<!tpu.dma_semaphore, #tpu.memory_space<semaphore_mem>>
        %dma_start3A_253 = tpu.memref_slice %arg3[%add3A_75] : memref<16384xi32, #tpu.memory_space<hbm>> -> memref<64xi32, #tpu.memory_space<hbm>>
        %dma_start3A_254 = tpu.memref_slice %arg3[%add3A_75] : memref<16384xi32, #tpu.memory_space<hbm>> -> memref<64xi32, #tpu.memory_space<hbm>>
        tpu.enqueue_dma source(%dma_start3A_254 : memref<64xi32, #tpu.memory_space<hbm>>) target(%arg10 : memref<64xi32, #tpu.memory_space<vmem>>) target_semaphore(%run_scoped3A : memref<!tpu.dma_semaphore, #tpu.memory_space<semaphore_mem>>)
        %dma_wait3A_255 = tpu.memref_slice %arg3[%add3A_75] : memref<16384xi32, #tpu.memory_space<hbm>> -> memref<64xi32, #tpu.memory_space<hbm>>
        %dma_wait3A_256 = tpu.memref_slice %arg3[%add3A_75] : memref<16384xi32, #tpu.memory_space<hbm>> -> memref<64xi32, #tpu.memory_space<hbm>>
        tpu.wait_dma2 semaphore(%run_scoped3A : memref<!tpu.dma_semaphore, #tpu.memory_space<semaphore_mem>>) src(%dma_wait3A_256 : memref<64xi32, #tpu.memory_space<hbm>>) dst(%arg10 : memref<64xi32, #tpu.memory_space<vmem>>)
        tpu.yield
      }) : () -> ()
      %mul3A_76 = arith.constant 20 : i32
      %mul3A_77 = arith.muli %add3A_75, %mul3A_76 : i32
      "tpu.region"() ({
        %run_scoped3A = tpu.sem_alloc : memref<!tpu.dma_semaphore, #tpu.memory_space<semaphore_mem>>
        %dma_start3A_253 = tpu.memref_slice %arg4[%mul3A_77] : memref<327680xi32, #tpu.memory_space<hbm>> -> memref<1280xi32, #tpu.memory_space<hbm>>
        %dma_start3A_254 = tpu.memref_slice %arg4[%mul3A_77] : memref<327680xi32, #tpu.memory_space<hbm>> -> memref<1280xi32, #tpu.memory_space<hbm>>
        tpu.enqueue_dma source(%dma_start3A_254 : memref<1280xi32, #tpu.memory_space<hbm>>) target(%arg11 : memref<1280xi32, #tpu.memory_space<vmem>>) target_semaphore(%run_scoped3A : memref<!tpu.dma_semaphore, #tpu.memory_space<semaphore_mem>>)
        %dma_wait3A_255 = tpu.memref_slice %arg4[%mul3A_77] : memref<327680xi32, #tpu.memory_space<hbm>> -> memref<1280xi32, #tpu.memory_space<hbm>>
        %dma_wait3A_256 = tpu.memref_slice %arg4[%mul3A_77] : memref<327680xi32, #tpu.memory_space<hbm>> -> memref<1280xi32, #tpu.memory_space<hbm>>
        tpu.wait_dma2 semaphore(%run_scoped3A : memref<!tpu.dma_semaphore, #tpu.memory_space<semaphore_mem>>) src(%dma_wait3A_256 : memref<1280xi32, #tpu.memory_space<hbm>>) dst(%arg11 : memref<1280xi32, #tpu.memory_space<vmem>>)
        tpu.yield
      }) : () -> ()
      %dma_start3A = arith.constant 0 : i32
      %dma_start3A_78 = arith.constant 0 : i32
      %dma_start3A_79 = tpu.memref_slice %arg5[%dma_start3A, %dma_start3A_78] : memref<100000x64xf32, #tpu.memory_space<hbm>> -> memref<100000x64xf32, #tpu.memory_space<hbm>>
      tpu.enqueue_indirect_dma source(%dma_start3A_79 : memref<100000x64xf32, #tpu.memory_space<hbm>>) target(%arg12 : memref<64x64xf32, #tpu.memory_space<vmem>>) offsets(%arg9 : memref<64xi32, #tpu.memory_space<vmem>>) semaphore(%arg17 : memref<!tpu.dma_semaphore, #tpu.memory_space<semaphore_mem>>)
      %dma_start3A_80 = arith.constant 0 : i32
      %dma_start3A_81 = arith.constant 0 : i32
      %dma_start3A_82 = tpu.memref_slice %arg6[%dma_start3A_80, %dma_start3A_81] : memref<100000x64xf32, #tpu.memory_space<hbm>> -> memref<100000x64xf32, #tpu.memory_space<hbm>>
      tpu.enqueue_indirect_dma source(%dma_start3A_82 : memref<100000x64xf32, #tpu.memory_space<hbm>>) target(%arg13 : memref<64x64xf32, #tpu.memory_space<vmem>>) offsets(%arg10 : memref<64xi32, #tpu.memory_space<vmem>>) semaphore(%arg17 : memref<!tpu.dma_semaphore, #tpu.memory_space<semaphore_mem>>)
      %dma_start3A_83 = arith.constant 0 : i32
      %dma_start3A_84 = arith.constant 0 : i32
      %dma_start3A_85 = tpu.memref_slice %arg14[%dma_start3A_83, %dma_start3A_84] : memref<1280x64xf32, #tpu.memory_space<vmem>> -> memref<128x64xf32, #tpu.memory_space<vmem>>
      %dma_start3A_86 = arith.constant 0 : i32
      %dma_start3A_87 = tpu.memref_slice %arg11[%dma_start3A_86] : memref<1280xi32, #tpu.memory_space<vmem>> -> memref<128xi32, #tpu.memory_space<vmem>>
      %dma_start3A_88 = arith.constant 0 : i32
      %dma_start3A_89 = arith.constant 0 : i32
      %dma_start3A_90 = tpu.memref_slice %arg6[%dma_start3A_88, %dma_start3A_89] : memref<100000x64xf32, #tpu.memory_space<hbm>> -> memref<100000x64xf32, #tpu.memory_space<hbm>>
      tpu.enqueue_indirect_dma source(%dma_start3A_90 : memref<100000x64xf32, #tpu.memory_space<hbm>>) target(%dma_start3A_85 : memref<128x64xf32, #tpu.memory_space<vmem>>) offsets(%dma_start3A_87 : memref<128xi32, #tpu.memory_space<vmem>>) semaphore(%arg17 : memref<!tpu.dma_semaphore, #tpu.memory_space<semaphore_mem>>)
      %dma_start3A_91 = arith.constant 128 : i32
      %dma_start3A_92 = arith.constant 0 : i32
      %dma_start3A_93 = tpu.memref_slice %arg14[%dma_start3A_91, %dma_start3A_92] : memref<1280x64xf32, #tpu.memory_space<vmem>> -> memref<128x64xf32, #tpu.memory_space<vmem>>
      %dma_start3A_94 = arith.constant 128 : i32
      %dma_start3A_95 = tpu.memref_slice %arg11[%dma_start3A_94] : memref<1280xi32, #tpu.memory_space<vmem>> -> memref<128xi32, #tpu.memory_space<vmem>>
      %dma_start3A_96 = arith.constant 0 : i32
      %dma_start3A_97 = arith.constant 0 : i32
      %dma_start3A_98 = tpu.memref_slice %arg6[%dma_start3A_96, %dma_start3A_97] : memref<100000x64xf32, #tpu.memory_space<hbm>> -> memref<100000x64xf32, #tpu.memory_space<hbm>>
      tpu.enqueue_indirect_dma source(%dma_start3A_98 : memref<100000x64xf32, #tpu.memory_space<hbm>>) target(%dma_start3A_93 : memref<128x64xf32, #tpu.memory_space<vmem>>) offsets(%dma_start3A_95 : memref<128xi32, #tpu.memory_space<vmem>>) semaphore(%arg17 : memref<!tpu.dma_semaphore, #tpu.memory_space<semaphore_mem>>)
      %dma_start3A_99 = arith.constant 256 : i32
      %dma_start3A_100 = arith.constant 0 : i32
      %dma_start3A_101 = tpu.memref_slice %arg14[%dma_start3A_99, %dma_start3A_100] : memref<1280x64xf32, #tpu.memory_space<vmem>> -> memref<128x64xf32, #tpu.memory_space<vmem>>
      %dma_start3A_102 = arith.constant 256 : i32
      %dma_start3A_103 = tpu.memref_slice %arg11[%dma_start3A_102] : memref<1280xi32, #tpu.memory_space<vmem>> -> memref<128xi32, #tpu.memory_space<vmem>>
      %dma_start3A_104 = arith.constant 0 : i32
      %dma_start3A_105 = arith.constant 0 : i32
      %dma_start3A_106 = tpu.memref_slice %arg6[%dma_start3A_104, %dma_start3A_105] : memref<100000x64xf32, #tpu.memory_space<hbm>> -> memref<100000x64xf32, #tpu.memory_space<hbm>>
      tpu.enqueue_indirect_dma source(%dma_start3A_106 : memref<100000x64xf32, #tpu.memory_space<hbm>>) target(%dma_start3A_101 : memref<128x64xf32, #tpu.memory_space<vmem>>) offsets(%dma_start3A_103 : memref<128xi32, #tpu.memory_space<vmem>>) semaphore(%arg17 : memref<!tpu.dma_semaphore, #tpu.memory_space<semaphore_mem>>)
      %dma_start3A_107 = arith.constant 384 : i32
      %dma_start3A_108 = arith.constant 0 : i32
      %dma_start3A_109 = tpu.memref_slice %arg14[%dma_start3A_107, %dma_start3A_108] : memref<1280x64xf32, #tpu.memory_space<vmem>> -> memref<128x64xf32, #tpu.memory_space<vmem>>
      %dma_start3A_110 = arith.constant 384 : i32
      %dma_start3A_111 = tpu.memref_slice %arg11[%dma_start3A_110] : memref<1280xi32, #tpu.memory_space<vmem>> -> memref<128xi32, #tpu.memory_space<vmem>>
      %dma_start3A_112 = arith.constant 0 : i32
      %dma_start3A_113 = arith.constant 0 : i32
      %dma_start3A_114 = tpu.memref_slice %arg6[%dma_start3A_112, %dma_start3A_113] : memref<100000x64xf32, #tpu.memory_space<hbm>> -> memref<100000x64xf32, #tpu.memory_space<hbm>>
      tpu.enqueue_indirect_dma source(%dma_start3A_114 : memref<100000x64xf32, #tpu.memory_space<hbm>>) target(%dma_start3A_109 : memref<128x64xf32, #tpu.memory_space<vmem>>) offsets(%dma_start3A_111 : memref<128xi32, #tpu.memory_space<vmem>>) semaphore(%arg17 : memref<!tpu.dma_semaphore, #tpu.memory_space<semaphore_mem>>)
      %dma_start3A_115 = arith.constant 512 : i32
      %dma_start3A_116 = arith.constant 0 : i32
      %dma_start3A_117 = tpu.memref_slice %arg14[%dma_start3A_115, %dma_start3A_116] : memref<1280x64xf32, #tpu.memory_space<vmem>> -> memref<128x64xf32, #tpu.memory_space<vmem>>
      %dma_start3A_118 = arith.constant 512 : i32
      %dma_start3A_119 = tpu.memref_slice %arg11[%dma_start3A_118] : memref<1280xi32, #tpu.memory_space<vmem>> -> memref<128xi32, #tpu.memory_space<vmem>>
      %dma_start3A_120 = arith.constant 0 : i32
      %dma_start3A_121 = arith.constant 0 : i32
      %dma_start3A_122 = tpu.memref_slice %arg6[%dma_start3A_120, %dma_start3A_121] : memref<100000x64xf32, #tpu.memory_space<hbm>> -> memref<100000x64xf32, #tpu.memory_space<hbm>>
      tpu.enqueue_indirect_dma source(%dma_start3A_122 : memref<100000x64xf32, #tpu.memory_space<hbm>>) target(%dma_start3A_117 : memref<128x64xf32, #tpu.memory_space<vmem>>) offsets(%dma_start3A_119 : memref<128xi32, #tpu.memory_space<vmem>>) semaphore(%arg17 : memref<!tpu.dma_semaphore, #tpu.memory_space<semaphore_mem>>)
      %dma_start3A_123 = arith.constant 640 : i32
      %dma_start3A_124 = arith.constant 0 : i32
      %dma_start3A_125 = tpu.memref_slice %arg14[%dma_start3A_123, %dma_start3A_124] : memref<1280x64xf32, #tpu.memory_space<vmem>> -> memref<128x64xf32, #tpu.memory_space<vmem>>
      %dma_start3A_126 = arith.constant 640 : i32
      %dma_start3A_127 = tpu.memref_slice %arg11[%dma_start3A_126] : memref<1280xi32, #tpu.memory_space<vmem>> -> memref<128xi32, #tpu.memory_space<vmem>>
      %dma_start3A_128 = arith.constant 0 : i32
      %dma_start3A_129 = arith.constant 0 : i32
      %dma_start3A_130 = tpu.memref_slice %arg6[%dma_start3A_128, %dma_start3A_129] : memref<100000x64xf32, #tpu.memory_space<hbm>> -> memref<100000x64xf32, #tpu.memory_space<hbm>>
      tpu.enqueue_indirect_dma source(%dma_start3A_130 : memref<100000x64xf32, #tpu.memory_space<hbm>>) target(%dma_start3A_125 : memref<128x64xf32, #tpu.memory_space<vmem>>) offsets(%dma_start3A_127 : memref<128xi32, #tpu.memory_space<vmem>>) semaphore(%arg17 : memref<!tpu.dma_semaphore, #tpu.memory_space<semaphore_mem>>)
      %dma_start3A_131 = arith.constant 768 : i32
      %dma_start3A_132 = arith.constant 0 : i32
      %dma_start3A_133 = tpu.memref_slice %arg14[%dma_start3A_131, %dma_start3A_132] : memref<1280x64xf32, #tpu.memory_space<vmem>> -> memref<128x64xf32, #tpu.memory_space<vmem>>
      %dma_start3A_134 = arith.constant 768 : i32
      %dma_start3A_135 = tpu.memref_slice %arg11[%dma_start3A_134] : memref<1280xi32, #tpu.memory_space<vmem>> -> memref<128xi32, #tpu.memory_space<vmem>>
      %dma_start3A_136 = arith.constant 0 : i32
      %dma_start3A_137 = arith.constant 0 : i32
      %dma_start3A_138 = tpu.memref_slice %arg6[%dma_start3A_136, %dma_start3A_137] : memref<100000x64xf32, #tpu.memory_space<hbm>> -> memref<100000x64xf32, #tpu.memory_space<hbm>>
      tpu.enqueue_indirect_dma source(%dma_start3A_138 : memref<100000x64xf32, #tpu.memory_space<hbm>>) target(%dma_start3A_133 : memref<128x64xf32, #tpu.memory_space<vmem>>) offsets(%dma_start3A_135 : memref<128xi32, #tpu.memory_space<vmem>>) semaphore(%arg17 : memref<!tpu.dma_semaphore, #tpu.memory_space<semaphore_mem>>)
      %dma_start3A_139 = arith.constant 896 : i32
      %dma_start3A_140 = arith.constant 0 : i32
      %dma_start3A_141 = tpu.memref_slice %arg14[%dma_start3A_139, %dma_start3A_140] : memref<1280x64xf32, #tpu.memory_space<vmem>> -> memref<128x64xf32, #tpu.memory_space<vmem>>
      %dma_start3A_142 = arith.constant 896 : i32
      %dma_start3A_143 = tpu.memref_slice %arg11[%dma_start3A_142] : memref<1280xi32, #tpu.memory_space<vmem>> -> memref<128xi32, #tpu.memory_space<vmem>>
      %dma_start3A_144 = arith.constant 0 : i32
      %dma_start3A_145 = arith.constant 0 : i32
      %dma_start3A_146 = tpu.memref_slice %arg6[%dma_start3A_144, %dma_start3A_145] : memref<100000x64xf32, #tpu.memory_space<hbm>> -> memref<100000x64xf32, #tpu.memory_space<hbm>>
      tpu.enqueue_indirect_dma source(%dma_start3A_146 : memref<100000x64xf32, #tpu.memory_space<hbm>>) target(%dma_start3A_141 : memref<128x64xf32, #tpu.memory_space<vmem>>) offsets(%dma_start3A_143 : memref<128xi32, #tpu.memory_space<vmem>>) semaphore(%arg17 : memref<!tpu.dma_semaphore, #tpu.memory_space<semaphore_mem>>)
      %dma_start3A_147 = arith.constant 1024 : i32
      %dma_start3A_148 = arith.constant 0 : i32
      %dma_start3A_149 = tpu.memref_slice %arg14[%dma_start3A_147, %dma_start3A_148] : memref<1280x64xf32, #tpu.memory_space<vmem>> -> memref<128x64xf32, #tpu.memory_space<vmem>>
      %dma_start3A_150 = arith.constant 1024 : i32
      %dma_start3A_151 = tpu.memref_slice %arg11[%dma_start3A_150] : memref<1280xi32, #tpu.memory_space<vmem>> -> memref<128xi32, #tpu.memory_space<vmem>>
      %dma_start3A_152 = arith.constant 0 : i32
      %dma_start3A_153 = arith.constant 0 : i32
      %dma_start3A_154 = tpu.memref_slice %arg6[%dma_start3A_152, %dma_start3A_153] : memref<100000x64xf32, #tpu.memory_space<hbm>> -> memref<100000x64xf32, #tpu.memory_space<hbm>>
      tpu.enqueue_indirect_dma source(%dma_start3A_154 : memref<100000x64xf32, #tpu.memory_space<hbm>>) target(%dma_start3A_149 : memref<128x64xf32, #tpu.memory_space<vmem>>) offsets(%dma_start3A_151 : memref<128xi32, #tpu.memory_space<vmem>>) semaphore(%arg17 : memref<!tpu.dma_semaphore, #tpu.memory_space<semaphore_mem>>)
      %dma_start3A_155 = arith.constant 1152 : i32
      %dma_start3A_156 = arith.constant 0 : i32
      %dma_start3A_157 = tpu.memref_slice %arg14[%dma_start3A_155, %dma_start3A_156] : memref<1280x64xf32, #tpu.memory_space<vmem>> -> memref<128x64xf32, #tpu.memory_space<vmem>>
      %dma_start3A_158 = arith.constant 1152 : i32
      %dma_start3A_159 = tpu.memref_slice %arg11[%dma_start3A_158] : memref<1280xi32, #tpu.memory_space<vmem>> -> memref<128xi32, #tpu.memory_space<vmem>>
      %dma_start3A_160 = arith.constant 0 : i32
      %dma_start3A_161 = arith.constant 0 : i32
      %dma_start3A_162 = tpu.memref_slice %arg6[%dma_start3A_160, %dma_start3A_161] : memref<100000x64xf32, #tpu.memory_space<hbm>> -> memref<100000x64xf32, #tpu.memory_space<hbm>>
      tpu.enqueue_indirect_dma source(%dma_start3A_162 : memref<100000x64xf32, #tpu.memory_space<hbm>>) target(%dma_start3A_157 : memref<128x64xf32, #tpu.memory_space<vmem>>) offsets(%dma_start3A_159 : memref<128xi32, #tpu.memory_space<vmem>>) semaphore(%arg17 : memref<!tpu.dma_semaphore, #tpu.memory_space<semaphore_mem>>)
      %dma_wait3A = arith.constant 0 : i32
      %dma_wait3A_163 = arith.constant 0 : i32
      %dma_wait3A_164 = tpu.memref_slice %arg5[%dma_wait3A, %dma_wait3A_163] : memref<100000x64xf32, #tpu.memory_space<hbm>> -> memref<100000x64xf32, #tpu.memory_space<hbm>>
      tpu.wait_indirect_dma semaphore(%arg17 : memref<!tpu.dma_semaphore, #tpu.memory_space<semaphore_mem>>) src(%dma_wait3A_164 : memref<100000x64xf32, #tpu.memory_space<hbm>>) dst(%arg12 : memref<64x64xf32, #tpu.memory_space<vmem>>)
      %dma_wait3A_165 = arith.constant 0 : i32
      %dma_wait3A_166 = arith.constant 0 : i32
      %dma_wait3A_167 = tpu.memref_slice %arg6[%dma_wait3A_165, %dma_wait3A_166] : memref<100000x64xf32, #tpu.memory_space<hbm>> -> memref<100000x64xf32, #tpu.memory_space<hbm>>
      tpu.wait_indirect_dma semaphore(%arg17 : memref<!tpu.dma_semaphore, #tpu.memory_space<semaphore_mem>>) src(%dma_wait3A_167 : memref<100000x64xf32, #tpu.memory_space<hbm>>) dst(%arg13 : memref<64x64xf32, #tpu.memory_space<vmem>>)
      %dma_wait3A_168 = arith.constant 0 : i32
      %dma_wait3A_169 = arith.constant 0 : i32
      %dma_wait3A_170 = tpu.memref_slice %arg14[%dma_wait3A_168, %dma_wait3A_169] : memref<1280x64xf32, #tpu.memory_space<vmem>> -> memref<128x64xf32, #tpu.memory_space<vmem>>
      %dma_wait3A_171 = arith.constant 0 : i32
      %dma_wait3A_172 = tpu.memref_slice %arg11[%dma_wait3A_171] : memref<1280xi32, #tpu.memory_space<vmem>> -> memref<128xi32, #tpu.memory_space<vmem>>
      %dma_wait3A_173 = arith.constant 0 : i32
      %dma_wait3A_174 = arith.constant 0 : i32
      %dma_wait3A_175 = tpu.memref_slice %arg6[%dma_wait3A_173, %dma_wait3A_174] : memref<100000x64xf32, #tpu.memory_space<hbm>> -> memref<100000x64xf32, #tpu.memory_space<hbm>>
      tpu.wait_indirect_dma semaphore(%arg17 : memref<!tpu.dma_semaphore, #tpu.memory_space<semaphore_mem>>) src(%dma_wait3A_175 : memref<100000x64xf32, #tpu.memory_space<hbm>>) dst(%dma_wait3A_170 : memref<128x64xf32, #tpu.memory_space<vmem>>)
      %dma_wait3A_176 = arith.constant 128 : i32
      %dma_wait3A_177 = arith.constant 0 : i32
      %dma_wait3A_178 = tpu.memref_slice %arg14[%dma_wait3A_176, %dma_wait3A_177] : memref<1280x64xf32, #tpu.memory_space<vmem>> -> memref<128x64xf32, #tpu.memory_space<vmem>>
      %dma_wait3A_179 = arith.constant 128 : i32
      %dma_wait3A_180 = tpu.memref_slice %arg11[%dma_wait3A_179] : memref<1280xi32, #tpu.memory_space<vmem>> -> memref<128xi32, #tpu.memory_space<vmem>>
      %dma_wait3A_181 = arith.constant 0 : i32
      %dma_wait3A_182 = arith.constant 0 : i32
      %dma_wait3A_183 = tpu.memref_slice %arg6[%dma_wait3A_181, %dma_wait3A_182] : memref<100000x64xf32, #tpu.memory_space<hbm>> -> memref<100000x64xf32, #tpu.memory_space<hbm>>
      tpu.wait_indirect_dma semaphore(%arg17 : memref<!tpu.dma_semaphore, #tpu.memory_space<semaphore_mem>>) src(%dma_wait3A_183 : memref<100000x64xf32, #tpu.memory_space<hbm>>) dst(%dma_wait3A_178 : memref<128x64xf32, #tpu.memory_space<vmem>>)
      %dma_wait3A_184 = arith.constant 256 : i32
      %dma_wait3A_185 = arith.constant 0 : i32
      %dma_wait3A_186 = tpu.memref_slice %arg14[%dma_wait3A_184, %dma_wait3A_185] : memref<1280x64xf32, #tpu.memory_space<vmem>> -> memref<128x64xf32, #tpu.memory_space<vmem>>
      %dma_wait3A_187 = arith.constant 256 : i32
      %dma_wait3A_188 = tpu.memref_slice %arg11[%dma_wait3A_187] : memref<1280xi32, #tpu.memory_space<vmem>> -> memref<128xi32, #tpu.memory_space<vmem>>
      %dma_wait3A_189 = arith.constant 0 : i32
      %dma_wait3A_190 = arith.constant 0 : i32
      %dma_wait3A_191 = tpu.memref_slice %arg6[%dma_wait3A_189, %dma_wait3A_190] : memref<100000x64xf32, #tpu.memory_space<hbm>> -> memref<100000x64xf32, #tpu.memory_space<hbm>>
      tpu.wait_indirect_dma semaphore(%arg17 : memref<!tpu.dma_semaphore, #tpu.memory_space<semaphore_mem>>) src(%dma_wait3A_191 : memref<100000x64xf32, #tpu.memory_space<hbm>>) dst(%dma_wait3A_186 : memref<128x64xf32, #tpu.memory_space<vmem>>)
      %dma_wait3A_192 = arith.constant 384 : i32
      %dma_wait3A_193 = arith.constant 0 : i32
      %dma_wait3A_194 = tpu.memref_slice %arg14[%dma_wait3A_192, %dma_wait3A_193] : memref<1280x64xf32, #tpu.memory_space<vmem>> -> memref<128x64xf32, #tpu.memory_space<vmem>>
      %dma_wait3A_195 = arith.constant 384 : i32
      %dma_wait3A_196 = tpu.memref_slice %arg11[%dma_wait3A_195] : memref<1280xi32, #tpu.memory_space<vmem>> -> memref<128xi32, #tpu.memory_space<vmem>>
      %dma_wait3A_197 = arith.constant 0 : i32
      %dma_wait3A_198 = arith.constant 0 : i32
      %dma_wait3A_199 = tpu.memref_slice %arg6[%dma_wait3A_197, %dma_wait3A_198] : memref<100000x64xf32, #tpu.memory_space<hbm>> -> memref<100000x64xf32, #tpu.memory_space<hbm>>
      tpu.wait_indirect_dma semaphore(%arg17 : memref<!tpu.dma_semaphore, #tpu.memory_space<semaphore_mem>>) src(%dma_wait3A_199 : memref<100000x64xf32, #tpu.memory_space<hbm>>) dst(%dma_wait3A_194 : memref<128x64xf32, #tpu.memory_space<vmem>>)
      %dma_wait3A_200 = arith.constant 512 : i32
      %dma_wait3A_201 = arith.constant 0 : i32
      %dma_wait3A_202 = tpu.memref_slice %arg14[%dma_wait3A_200, %dma_wait3A_201] : memref<1280x64xf32, #tpu.memory_space<vmem>> -> memref<128x64xf32, #tpu.memory_space<vmem>>
      %dma_wait3A_203 = arith.constant 512 : i32
      %dma_wait3A_204 = tpu.memref_slice %arg11[%dma_wait3A_203] : memref<1280xi32, #tpu.memory_space<vmem>> -> memref<128xi32, #tpu.memory_space<vmem>>
      %dma_wait3A_205 = arith.constant 0 : i32
      %dma_wait3A_206 = arith.constant 0 : i32
      %dma_wait3A_207 = tpu.memref_slice %arg6[%dma_wait3A_205, %dma_wait3A_206] : memref<100000x64xf32, #tpu.memory_space<hbm>> -> memref<100000x64xf32, #tpu.memory_space<hbm>>
      tpu.wait_indirect_dma semaphore(%arg17 : memref<!tpu.dma_semaphore, #tpu.memory_space<semaphore_mem>>) src(%dma_wait3A_207 : memref<100000x64xf32, #tpu.memory_space<hbm>>) dst(%dma_wait3A_202 : memref<128x64xf32, #tpu.memory_space<vmem>>)
      %dma_wait3A_208 = arith.constant 640 : i32
      %dma_wait3A_209 = arith.constant 0 : i32
      %dma_wait3A_210 = tpu.memref_slice %arg14[%dma_wait3A_208, %dma_wait3A_209] : memref<1280x64xf32, #tpu.memory_space<vmem>> -> memref<128x64xf32, #tpu.memory_space<vmem>>
      %dma_wait3A_211 = arith.constant 640 : i32
      %dma_wait3A_212 = tpu.memref_slice %arg11[%dma_wait3A_211] : memref<1280xi32, #tpu.memory_space<vmem>> -> memref<128xi32, #tpu.memory_space<vmem>>
      %dma_wait3A_213 = arith.constant 0 : i32
      %dma_wait3A_214 = arith.constant 0 : i32
      %dma_wait3A_215 = tpu.memref_slice %arg6[%dma_wait3A_213, %dma_wait3A_214] : memref<100000x64xf32, #tpu.memory_space<hbm>> -> memref<100000x64xf32, #tpu.memory_space<hbm>>
      tpu.wait_indirect_dma semaphore(%arg17 : memref<!tpu.dma_semaphore, #tpu.memory_space<semaphore_mem>>) src(%dma_wait3A_215 : memref<100000x64xf32, #tpu.memory_space<hbm>>) dst(%dma_wait3A_210 : memref<128x64xf32, #tpu.memory_space<vmem>>)
      %dma_wait3A_216 = arith.constant 768 : i32
      %dma_wait3A_217 = arith.constant 0 : i32
      %dma_wait3A_218 = tpu.memref_slice %arg14[%dma_wait3A_216, %dma_wait3A_217] : memref<1280x64xf32, #tpu.memory_space<vmem>> -> memref<128x64xf32, #tpu.memory_space<vmem>>
      %dma_wait3A_219 = arith.constant 768 : i32
      %dma_wait3A_220 = tpu.memref_slice %arg11[%dma_wait3A_219] : memref<1280xi32, #tpu.memory_space<vmem>> -> memref<128xi32, #tpu.memory_space<vmem>>
      %dma_wait3A_221 = arith.constant 0 : i32
      %dma_wait3A_222 = arith.constant 0 : i32
      %dma_wait3A_223 = tpu.memref_slice %arg6[%dma_wait3A_221, %dma_wait3A_222] : memref<100000x64xf32, #tpu.memory_space<hbm>> -> memref<100000x64xf32, #tpu.memory_space<hbm>>
      tpu.wait_indirect_dma semaphore(%arg17 : memref<!tpu.dma_semaphore, #tpu.memory_space<semaphore_mem>>) src(%dma_wait3A_223 : memref<100000x64xf32, #tpu.memory_space<hbm>>) dst(%dma_wait3A_218 : memref<128x64xf32, #tpu.memory_space<vmem>>)
      %dma_wait3A_224 = arith.constant 896 : i32
      %dma_wait3A_225 = arith.constant 0 : i32
      %dma_wait3A_226 = tpu.memref_slice %arg14[%dma_wait3A_224, %dma_wait3A_225] : memref<1280x64xf32, #tpu.memory_space<vmem>> -> memref<128x64xf32, #tpu.memory_space<vmem>>
      %dma_wait3A_227 = arith.constant 896 : i32
      %dma_wait3A_228 = tpu.memref_slice %arg11[%dma_wait3A_227] : memref<1280xi32, #tpu.memory_space<vmem>> -> memref<128xi32, #tpu.memory_space<vmem>>
      %dma_wait3A_229 = arith.constant 0 : i32
      %dma_wait3A_230 = arith.constant 0 : i32
      %dma_wait3A_231 = tpu.memref_slice %arg6[%dma_wait3A_229, %dma_wait3A_230] : memref<100000x64xf32, #tpu.memory_space<hbm>> -> memref<100000x64xf32, #tpu.memory_space<hbm>>
      tpu.wait_indirect_dma semaphore(%arg17 : memref<!tpu.dma_semaphore, #tpu.memory_space<semaphore_mem>>) src(%dma_wait3A_231 : memref<100000x64xf32, #tpu.memory_space<hbm>>) dst(%dma_wait3A_226 : memref<128x64xf32, #tpu.memory_space<vmem>>)
      %dma_wait3A_232 = arith.constant 1024 : i32
      %dma_wait3A_233 = arith.constant 0 : i32
      %dma_wait3A_234 = tpu.memref_slice %arg14[%dma_wait3A_232, %dma_wait3A_233] : memref<1280x64xf32, #tpu.memory_space<vmem>> -> memref<128x64xf32, #tpu.memory_space<vmem>>
      %dma_wait3A_235 = arith.constant 1024 : i32
      %dma_wait3A_236 = tpu.memref_slice %arg11[%dma_wait3A_235] : memref<1280xi32, #tpu.memory_space<vmem>> -> memref<128xi32, #tpu.memory_space<vmem>>
      %dma_wait3A_237 = arith.constant 0 : i32
      %dma_wait3A_238 = arith.constant 0 : i32
      %dma_wait3A_239 = tpu.memref_slice %arg6[%dma_wait3A_237, %dma_wait3A_238] : memref<100000x64xf32, #tpu.memory_space<hbm>> -> memref<100000x64xf32, #tpu.memory_space<hbm>>
      tpu.wait_indirect_dma semaphore(%arg17 : memref<!tpu.dma_semaphore, #tpu.memory_space<semaphore_mem>>) src(%dma_wait3A_239 : memref<100000x64xf32, #tpu.memory_space<hbm>>) dst(%dma_wait3A_234 : memref<128x64xf32, #tpu.memory_space<vmem>>)
      %dma_wait3A_240 = arith.constant 1152 : i32
      %dma_wait3A_241 = arith.constant 0 : i32
      %dma_wait3A_242 = tpu.memref_slice %arg14[%dma_wait3A_240, %dma_wait3A_241] : memref<1280x64xf32, #tpu.memory_space<vmem>> -> memref<128x64xf32, #tpu.memory_space<vmem>>
      %dma_wait3A_243 = arith.constant 1152 : i32
      %dma_wait3A_244 = tpu.memref_slice %arg11[%dma_wait3A_243] : memref<1280xi32, #tpu.memory_space<vmem>> -> memref<128xi32, #tpu.memory_space<vmem>>
      %dma_wait3A_245 = arith.constant 0 : i32
      %dma_wait3A_246 = arith.constant 0 : i32
      %dma_wait3A_247 = tpu.memref_slice %arg6[%dma_wait3A_245, %dma_wait3A_246] : memref<100000x64xf32, #tpu.memory_space<hbm>> -> memref<100000x64xf32, #tpu.memory_space<hbm>>
      tpu.wait_indirect_dma semaphore(%arg17 : memref<!tpu.dma_semaphore, #tpu.memory_space<semaphore_mem>>) src(%dma_wait3A_247 : memref<100000x64xf32, #tpu.memory_space<hbm>>) dst(%dma_wait3A_242 : memref<128x64xf32, #tpu.memory_space<vmem>>)
      %parallel_loop3A = arith.constant 0 : i32
      %parallel_loop3A_248 = arith.constant 64 : i32
      %parallel_loop3A_249 = arith.constant 1 : i32
      scf.for %parallel_loop3A_253 = %parallel_loop3A to %parallel_loop3A_248 step %parallel_loop3A_249  : i32 {
        %parallel_loop3A_254 = arith.index_cast %parallel_loop3A_253 : i32 to index
        %parallel_loop3A_255 = arith.constant 0 : index
        %parallel_loop3A_256 = tpu.vector_load %arg12[%parallel_loop3A_254, %parallel_loop3A_255] {strides = array<i32>} : memref<64x64xf32, #tpu.memory_space<vmem>>, vector<16xf32>,
        %parallel_loop3A_257 = arith.index_cast %parallel_loop3A_253 : i32 to index
        %parallel_loop3A_258 = arith.constant 16 : index
        %parallel_loop3A_259 = tpu.vector_load %arg12[%parallel_loop3A_257, %parallel_loop3A_258] {strides = array<i32>} : memref<64x64xf32, #tpu.memory_space<vmem>>, vector<16xf32>,
        %parallel_loop3A_260 = arith.index_cast %parallel_loop3A_253 : i32 to index
        %parallel_loop3A_261 = arith.constant 32 : index
        %parallel_loop3A_262 = tpu.vector_load %arg12[%parallel_loop3A_260, %parallel_loop3A_261] {strides = array<i32>} : memref<64x64xf32, #tpu.memory_space<vmem>>, vector<16xf32>,
        %parallel_loop3A_263 = arith.index_cast %parallel_loop3A_253 : i32 to index
        %parallel_loop3A_264 = arith.constant 48 : index
        %parallel_loop3A_265 = tpu.vector_load %arg12[%parallel_loop3A_263, %parallel_loop3A_264] {strides = array<i32>} : memref<64x64xf32, #tpu.memory_space<vmem>>, vector<16xf32>,
        %parallel_loop3A_266 = arith.constant 3 : i32
        %parallel_loop3A_267 = vector.broadcast %parallel_loop3A_266 : i32 to vector<16xi32>
        %parallel_loop3A_268 = arith.shrsi %iota3A, %parallel_loop3A_267 : vector<16xi32>
        %parallel_loop3A_269 = arith.constant 1 : i32
        %parallel_loop3A_270 = vector.broadcast %parallel_loop3A_269 : i32 to vector<16xi32>
        %parallel_loop3A_271 = arith.andi %parallel_loop3A_268, %parallel_loop3A_270 : vector<16xi32>
        %parallel_loop3A_272 = arith.constant 20 : i32
        %parallel_loop3A_273 = arith.muli %parallel_loop3A_253, %parallel_loop3A_272 : i32
        %parallel_loop3A_274 = vector.broadcast %parallel_loop3A_273 : i32 to vector<16xi32>
        %parallel_loop3A_275 = arith.addi %parallel_loop3A_274, %parallel_loop3A_271 : vector<16xi32>
        %parallel_loop3A_276 = vector.broadcast %parallel_loop3A_253 : i32 to vector<16xi32>
        %parallel_loop3A_277 = arith.index_cast %parallel_loop3A_253 : i32 to index
        %parallel_loop3A_278 = arith.constant 0 : index
        %parallel_loop3A_279 = tpu.vector_load %arg13[%parallel_loop3A_277, %parallel_loop3A_278] {strides = array<i32>} : memref<64x64xf32, #tpu.memory_space<vmem>>, vector<16xf32>,
        %parallel_loop3A_280 = arith.mulf %parallel_loop3A_256, %parallel_loop3A_279 : vector<16xf32>
        %parallel_loop3A_281 = arith.index_cast %parallel_loop3A_253 : i32 to index
        %parallel_loop3A_282 = arith.constant 16 : index
        %parallel_loop3A_283 = tpu.vector_load %arg13[%parallel_loop3A_281, %parallel_loop3A_282] {strides = array<i32>} : memref<64x64xf32, #tpu.memory_space<vmem>>, vector<16xf32>,
        %parallel_loop3A_284 = arith.mulf %parallel_loop3A_259, %parallel_loop3A_283 : vector<16xf32>
        %parallel_loop3A_285 = arith.addf %parallel_loop3A_280, %parallel_loop3A_284 : vector<16xf32>
        %parallel_loop3A_286 = arith.index_cast %parallel_loop3A_253 : i32 to index
        %parallel_loop3A_287 = arith.constant 32 : index
        %parallel_loop3A_288 = tpu.vector_load %arg13[%parallel_loop3A_286, %parallel_loop3A_287] {strides = array<i32>} : memref<64x64xf32, #tpu.memory_space<vmem>>, vector<16xf32>,
        %parallel_loop3A_289 = arith.mulf %parallel_loop3A_262, %parallel_loop3A_288 : vector<16xf32>
        %parallel_loop3A_290 = arith.addf %parallel_loop3A_285, %parallel_loop3A_289 : vector<16xf32>
        %parallel_loop3A_291 = arith.index_cast %parallel_loop3A_253 : i32 to index
        %parallel_loop3A_292 = arith.constant 48 : index
        %parallel_loop3A_293 = tpu.vector_load %arg13[%parallel_loop3A_291, %parallel_loop3A_292] {strides = array<i32>} : memref<64x64xf32, #tpu.memory_space<vmem>>, vector<16xf32>,
        %parallel_loop3A_294 = arith.mulf %parallel_loop3A_265, %parallel_loop3A_293 : vector<16xf32>
        %parallel_loop3A_295 = arith.addf %parallel_loop3A_290, %parallel_loop3A_294 : vector<16xf32>
        %parallel_loop3A_296 = arith.constant 0 : i32
        %parallel_loop3A_297 = vector.broadcast %parallel_loop3A_296 : i32 to vector<16xi32>
        %parallel_loop3A_298 = arith.cmpi slt, %and3A, %parallel_loop3A_297 : vector<16xi32>
        %parallel_loop3A_299 = arith.constant 16 : i32
        %parallel_loop3A_300 = vector.broadcast %parallel_loop3A_299 : i32 to vector<16xi32>
        %parallel_loop3A_301 = arith.addi %and3A, %parallel_loop3A_300 : vector<16xi32>
        %parallel_loop3A_302 = arith.select %parallel_loop3A_298, %parallel_loop3A_301, %and3A : vector<16xi1>, vector<16xi32>
        %parallel_loop3A_303 = vector.shape_cast %parallel_loop3A_302 : vector<16xi32> to vector<16x1xi32>
        %parallel_loop3A_304 = vector.shape_cast %parallel_loop3A_303 : vector<16x1xi32> to vector<16xi32>
        %parallel_loop3A_305 = tpu.dynamic_gather %parallel_loop3A_295[%parallel_loop3A_304] in [0] : vector<16xf32>, vector<16xi32> -> vector<16xf32>
        %parallel_loop3A_306 = arith.addf %parallel_loop3A_295, %parallel_loop3A_305 : vector<16xf32>
        %parallel_loop3A_307 = arith.constant 0 : i32
        %parallel_loop3A_308 = vector.broadcast %parallel_loop3A_307 : i32 to vector<16xi32>
        %parallel_loop3A_309 = arith.cmpi slt, %and3A_18, %parallel_loop3A_308 : vector<16xi32>
        %parallel_loop3A_310 = arith.constant 16 : i32
        %parallel_loop3A_311 = vector.broadcast %parallel_loop3A_310 : i32 to vector<16xi32>
        %parallel_loop3A_312 = arith.addi %and3A_18, %parallel_loop3A_311 : vector<16xi32>
        %parallel_loop3A_313 = arith.select %parallel_loop3A_309, %parallel_loop3A_312, %and3A_18 : vector<16xi1>, vector<16xi32>
        %parallel_loop3A_314 = vector.shape_cast %parallel_loop3A_313 : vector<16xi32> to vector<16x1xi32>
        %parallel_loop3A_315 = vector.shape_cast %parallel_loop3A_314 : vector<16x1xi32> to vector<16xi32>
        %parallel_loop3A_316 = tpu.dynamic_gather %parallel_loop3A_306[%parallel_loop3A_315] in [0] : vector<16xf32>, vector<16xi32> -> vector<16xf32>
        %parallel_loop3A_317 = arith.addf %parallel_loop3A_306, %parallel_loop3A_316 : vector<16xf32>
        %parallel_loop3A_318 = arith.constant 0 : i32
        %parallel_loop3A_319 = vector.broadcast %parallel_loop3A_318 : i32 to vector<16xi32>
        %parallel_loop3A_320 = arith.cmpi slt, %and3A_24, %parallel_loop3A_319 : vector<16xi32>
        %parallel_loop3A_321 = arith.constant 16 : i32
        %parallel_loop3A_322 = vector.broadcast %parallel_loop3A_321 : i32 to vector<16xi32>
        %parallel_loop3A_323 = arith.addi %and3A_24, %parallel_loop3A_322 : vector<16xi32>
        %parallel_loop3A_324 = arith.select %parallel_loop3A_320, %parallel_loop3A_323, %and3A_24 : vector<16xi1>, vector<16xi32>
        %parallel_loop3A_325 = vector.shape_cast %parallel_loop3A_324 : vector<16xi32> to vector<16x1xi32>
        %parallel_loop3A_326 = vector.shape_cast %parallel_loop3A_325 : vector<16x1xi32> to vector<16xi32>
        %parallel_loop3A_327 = tpu.dynamic_gather %parallel_loop3A_317[%parallel_loop3A_326] in [0] : vector<16xf32>, vector<16xi32> -> vector<16xf32>
        %parallel_loop3A_328 = arith.addf %parallel_loop3A_317, %parallel_loop3A_327 : vector<16xf32>
        %parallel_loop3A_329 = arith.constant 0 : i32
        %parallel_loop3A_330 = vector.broadcast %parallel_loop3A_329 : i32 to vector<16xi32>
        %parallel_loop3A_331 = arith.cmpi slt, %and3A_30, %parallel_loop3A_330 : vector<16xi32>
        %parallel_loop3A_332 = arith.constant 16 : i32
        %parallel_loop3A_333 = vector.broadcast %parallel_loop3A_332 : i32 to vector<16xi32>
        %parallel_loop3A_334 = arith.addi %and3A_30, %parallel_loop3A_333 : vector<16xi32>
        %parallel_loop3A_335 = arith.select %parallel_loop3A_331, %parallel_loop3A_334, %and3A_30 : vector<16xi1>, vector<16xi32>
        %parallel_loop3A_336 = vector.shape_cast %parallel_loop3A_335 : vector<16xi32> to vector<16x1xi32>
        %parallel_loop3A_337 = vector.shape_cast %parallel_loop3A_336 : vector<16x1xi32> to vector<16xi32>
        %parallel_loop3A_338 = tpu.dynamic_gather %parallel_loop3A_328[%parallel_loop3A_337] in [0] : vector<16xf32>, vector<16xi32> -> vector<16xf32>
        %parallel_loop3A_339 = arith.addf %parallel_loop3A_328, %parallel_loop3A_338 : vector<16xf32>
        tpu.vector_store_idx %arg15[%parallel_loop3A_276], %parallel_loop3A_339 masked %eq3A : memref<64xf32, #tpu.memory_space<vmem>>[vector<16xi32>], vector<16xf32>, vector<16xi1>
        %parallel_loop3A_340 = arith.constant 20 : i32
        %parallel_loop3A_341 = arith.muli %parallel_loop3A_253, %parallel_loop3A_340 : i32
        %parallel_loop3A_342 = arith.constant 0 : i32
        %parallel_loop3A_343 = arith.addi %parallel_loop3A_341, %parallel_loop3A_342 : i32
        %parallel_loop3A_344 = arith.index_cast %parallel_loop3A_343 : i32 to index
        %parallel_loop3A_345 = arith.constant 0 : index
        %parallel_loop3A_346 = tpu.vector_load %arg14[%parallel_loop3A_344, %parallel_loop3A_345] {strides = array<i32>} : memref<1280x64xf32, #tpu.memory_space<vmem>>, vector<16xf32>,
        %parallel_loop3A_347 = arith.mulf %parallel_loop3A_256, %parallel_loop3A_346 : vector<16xf32>
        %parallel_loop3A_348 = arith.constant 20 : i32
        %parallel_loop3A_349 = arith.muli %parallel_loop3A_253, %parallel_loop3A_348 : i32
        %parallel_loop3A_350 = arith.constant 0 : i32
        %parallel_loop3A_351 = arith.addi %parallel_loop3A_349, %parallel_loop3A_350 : i32
        %parallel_loop3A_352 = arith.index_cast %parallel_loop3A_351 : i32 to index
        %parallel_loop3A_353 = arith.constant 16 : index
        %parallel_loop3A_354 = tpu.vector_load %arg14[%parallel_loop3A_352, %parallel_loop3A_353] {strides = array<i32>} : memref<1280x64xf32, #tpu.memory_space<vmem>>, vector<16xf32>,
        %parallel_loop3A_355 = arith.mulf %parallel_loop3A_259, %parallel_loop3A_354 : vector<16xf32>
        %parallel_loop3A_356 = arith.addf %parallel_loop3A_347, %parallel_loop3A_355 : vector<16xf32>
        %parallel_loop3A_357 = arith.constant 20 : i32
        %parallel_loop3A_358 = arith.muli %parallel_loop3A_253, %parallel_loop3A_357 : i32
        %parallel_loop3A_359 = arith.constant 0 : i32
        %parallel_loop3A_360 = arith.addi %parallel_loop3A_358, %parallel_loop3A_359 : i32
        %parallel_loop3A_361 = arith.index_cast %parallel_loop3A_360 : i32 to index
        %parallel_loop3A_362 = arith.constant 32 : index
        %parallel_loop3A_363 = tpu.vector_load %arg14[%parallel_loop3A_361, %parallel_loop3A_362] {strides = array<i32>} : memref<1280x64xf32, #tpu.memory_space<vmem>>, vector<16xf32>,
        %parallel_loop3A_364 = arith.mulf %parallel_loop3A_262, %parallel_loop3A_363 : vector<16xf32>
        %parallel_loop3A_365 = arith.addf %parallel_loop3A_356, %parallel_loop3A_364 : vector<16xf32>
        %parallel_loop3A_366 = arith.constant 20 : i32
        %parallel_loop3A_367 = arith.muli %parallel_loop3A_253, %parallel_loop3A_366 : i32
        %parallel_loop3A_368 = arith.constant 0 : i32
        %parallel_loop3A_369 = arith.addi %parallel_loop3A_367, %parallel_loop3A_368 : i32
        %parallel_loop3A_370 = arith.index_cast %parallel_loop3A_369 : i32 to index
        %parallel_loop3A_371 = arith.constant 48 : index
        %parallel_loop3A_372 = tpu.vector_load %arg14[%parallel_loop3A_370, %parallel_loop3A_371] {strides = array<i32>} : memref<1280x64xf32, #tpu.memory_space<vmem>>, vector<16xf32>,
        %parallel_loop3A_373 = arith.mulf %parallel_loop3A_265, %parallel_loop3A_372 : vector<16xf32>
        %parallel_loop3A_374 = arith.addf %parallel_loop3A_365, %parallel_loop3A_373 : vector<16xf32>
        %parallel_loop3A_375 = arith.constant 20 : i32
        %parallel_loop3A_376 = arith.muli %parallel_loop3A_253, %parallel_loop3A_375 : i32
        %parallel_loop3A_377 = arith.constant 1 : i32
        %parallel_loop3A_378 = arith.addi %parallel_loop3A_376, %parallel_loop3A_377 : i32
        %parallel_loop3A_379 = arith.index_cast %parallel_loop3A_378 : i32 to index
        %parallel_loop3A_380 = arith.constant 0 : index
        %parallel_loop3A_381 = tpu.vector_load %arg14[%parallel_loop3A_379, %parallel_loop3A_380] {strides = array<i32>} : memref<1280x64xf32, #tpu.memory_space<vmem>>, vector<16xf32>,
        %parallel_loop3A_382 = arith.mulf %parallel_loop3A_256, %parallel_loop3A_381 : vector<16xf32>
        %parallel_loop3A_383 = arith.constant 20 : i32
        %parallel_loop3A_384 = arith.muli %parallel_loop3A_253, %parallel_loop3A_383 : i32
        %parallel_loop3A_385 = arith.constant 1 : i32
        %parallel_loop3A_386 = arith.addi %parallel_loop3A_384, %parallel_loop3A_385 : i32
        %parallel_loop3A_387 = arith.index_cast %parallel_loop3A_386 : i32 to index
        %parallel_loop3A_388 = arith.constant 16 : index
        %parallel_loop3A_389 = tpu.vector_load %arg14[%parallel_loop3A_387, %parallel_loop3A_388] {strides = array<i32>} : memref<1280x64xf32, #tpu.memory_space<vmem>>, vector<16xf32>,
        %parallel_loop3A_390 = arith.mulf %parallel_loop3A_259, %parallel_loop3A_389 : vector<16xf32>
        %parallel_loop3A_391 = arith.addf %parallel_loop3A_382, %parallel_loop3A_390 : vector<16xf32>
        %parallel_loop3A_392 = arith.constant 20 : i32
        %parallel_loop3A_393 = arith.muli %parallel_loop3A_253, %parallel_loop3A_392 : i32
        %parallel_loop3A_394 = arith.constant 1 : i32
        %parallel_loop3A_395 = arith.addi %parallel_loop3A_393, %parallel_loop3A_394 : i32
        %parallel_loop3A_396 = arith.index_cast %parallel_loop3A_395 : i32 to index
        %parallel_loop3A_397 = arith.constant 32 : index
        %parallel_loop3A_398 = tpu.vector_load %arg14[%parallel_loop3A_396, %parallel_loop3A_397] {strides = array<i32>} : memref<1280x64xf32, #tpu.memory_space<vmem>>, vector<16xf32>,
        %parallel_loop3A_399 = arith.mulf %parallel_loop3A_262, %parallel_loop3A_398 : vector<16xf32>
        %parallel_loop3A_400 = arith.addf %parallel_loop3A_391, %parallel_loop3A_399 : vector<16xf32>
        %parallel_loop3A_401 = arith.constant 20 : i32
        %parallel_loop3A_402 = arith.muli %parallel_loop3A_253, %parallel_loop3A_401 : i32
        %parallel_loop3A_403 = arith.constant 1 : i32
        %parallel_loop3A_404 = arith.addi %parallel_loop3A_402, %parallel_loop3A_403 : i32
        %parallel_loop3A_405 = arith.index_cast %parallel_loop3A_404 : i32 to index
        %parallel_loop3A_406 = arith.constant 48 : index
        %parallel_loop3A_407 = tpu.vector_load %arg14[%parallel_loop3A_405, %parallel_loop3A_406] {strides = array<i32>} : memref<1280x64xf32, #tpu.memory_space<vmem>>, vector<16xf32>,
        %parallel_loop3A_408 = arith.mulf %parallel_loop3A_265, %parallel_loop3A_407 : vector<16xf32>
        %parallel_loop3A_409 = arith.addf %parallel_loop3A_400, %parallel_loop3A_408 : vector<16xf32>
        %parallel_loop3A_410 = arith.constant 0 : i32
        %parallel_loop3A_411 = vector.broadcast %parallel_loop3A_410 : i32 to vector<16xi32>
        %parallel_loop3A_412 = arith.cmpi slt, %and3A, %parallel_loop3A_411 : vector<16xi32>
        %parallel_loop3A_413 = arith.constant 16 : i32
        %parallel_loop3A_414 = vector.broadcast %parallel_loop3A_413 : i32 to vector<16xi32>
        %parallel_loop3A_415 = arith.addi %and3A, %parallel_loop3A_414 : vector<16xi32>
        %parallel_loop3A_416 = arith.select %parallel_loop3A_412, %parallel_loop3A_415, %and3A : vector<16xi1>, vector<16xi32>
        %parallel_loop3A_417 = vector.shape_cast %parallel_loop3A_416 : vector<16xi32> to vector<16x1xi32>
        %parallel_loop3A_418 = vector.shape_cast %parallel_loop3A_417 : vector<16x1xi32> to vector<16xi32>
        %parallel_loop3A_419 = tpu.dynamic_gather %parallel_loop3A_374[%parallel_loop3A_418] in [0] : vector<16xf32>, vector<16xi32> -> vector<16xf32>
        %parallel_loop3A_420 = arith.addf %parallel_loop3A_374, %parallel_loop3A_419 : vector<16xf32>
        %parallel_loop3A_421 = arith.constant 0 : i32
        %parallel_loop3A_422 = vector.broadcast %parallel_loop3A_421 : i32 to vector<16xi32>
        %parallel_loop3A_423 = arith.cmpi slt, %and3A, %parallel_loop3A_422 : vector<16xi32>
        %parallel_loop3A_424 = arith.constant 16 : i32
        %parallel_loop3A_425 = vector.broadcast %parallel_loop3A_424 : i32 to vector<16xi32>
        %parallel_loop3A_426 = arith.addi %and3A, %parallel_loop3A_425 : vector<16xi32>
        %parallel_loop3A_427 = arith.select %parallel_loop3A_423, %parallel_loop3A_426, %and3A : vector<16xi1>, vector<16xi32>
        %parallel_loop3A_428 = vector.shape_cast %parallel_loop3A_427 : vector<16xi32> to vector<16x1xi32>
        %parallel_loop3A_429 = vector.shape_cast %parallel_loop3A_428 : vector<16x1xi32> to vector<16xi32>
        %parallel_loop3A_430 = tpu.dynamic_gather %parallel_loop3A_409[%parallel_loop3A_429] in [0] : vector<16xf32>, vector<16xi32> -> vector<16xf32>
        %parallel_loop3A_431 = arith.addf %parallel_loop3A_409, %parallel_loop3A_430 : vector<16xf32>
        %parallel_loop3A_432 = arith.select %lt3A, %parallel_loop3A_420, %parallel_loop3A_431 : vector<16xi1>, vector<16xf32>
        %parallel_loop3A_433 = arith.constant 0 : i32
        %parallel_loop3A_434 = vector.broadcast %parallel_loop3A_433 : i32 to vector<16xi32>
        %parallel_loop3A_435 = arith.cmpi slt, %or3A_42, %parallel_loop3A_434 : vector<16xi32>
        %parallel_loop3A_436 = arith.constant 16 : i32
        %parallel_loop3A_437 = vector.broadcast %parallel_loop3A_436 : i32 to vector<16xi32>
        %parallel_loop3A_438 = arith.addi %or3A_42, %parallel_loop3A_437 : vector<16xi32>
        %parallel_loop3A_439 = arith.select %parallel_loop3A_435, %parallel_loop3A_438, %or3A_42 : vector<16xi1>, vector<16xi32>
        %parallel_loop3A_440 = vector.shape_cast %parallel_loop3A_439 : vector<16xi32> to vector<16x1xi32>
        %parallel_loop3A_441 = vector.shape_cast %parallel_loop3A_440 : vector<16x1xi32> to vector<16xi32>
        %parallel_loop3A_442 = tpu.dynamic_gather %parallel_loop3A_432[%parallel_loop3A_441] in [0] : vector<16xf32>, vector<16xi32> -> vector<16xf32>
        %parallel_loop3A_443 = arith.addf %parallel_loop3A_432, %parallel_loop3A_442 : vector<16xf32>
        %parallel_loop3A_444 = arith.constant 0 : i32
        %parallel_loop3A_445 = vector.broadcast %parallel_loop3A_444 : i32 to vector<16xi32>
        %parallel_loop3A_446 = arith.cmpi slt, %or3A_52, %parallel_loop3A_445 : vector<16xi32>
        %parallel_loop3A_447 = arith.constant 16 : i32
        %parallel_loop3A_448 = vector.broadcast %parallel_loop3A_447 : i32 to vector<16xi32>
        %parallel_loop3A_449 = arith.addi %or3A_52, %parallel_loop3A_448 : vector<16xi32>
        %parallel_loop3A_450 = arith.select %parallel_loop3A_446, %parallel_loop3A_449, %or3A_52 : vector<16xi1>, vector<16xi32>
        %parallel_loop3A_451 = vector.shape_cast %parallel_loop3A_450 : vector<16xi32> to vector<16x1xi32>
        %parallel_loop3A_452 = vector.shape_cast %parallel_loop3A_451 : vector<16x1xi32> to vector<16xi32>
        %parallel_loop3A_453 = tpu.dynamic_gather %parallel_loop3A_443[%parallel_loop3A_452] in [0] : vector<16xf32>, vector<16xi32> -> vector<16xf32>
        %parallel_loop3A_454 = arith.addf %parallel_loop3A_443, %parallel_loop3A_453 : vector<16xf32>
        %parallel_loop3A_455 = arith.constant 0 : i32
        %parallel_loop3A_456 = vector.broadcast %parallel_loop3A_455 : i32 to vector<16xi32>
        %parallel_loop3A_457 = arith.cmpi slt, %or3A_62, %parallel_loop3A_456 : vector<16xi32>
        %parallel_loop3A_458 = arith.constant 16 : i32
        %parallel_loop3A_459 = vector.broadcast %parallel_loop3A_458 : i32 to vector<16xi32>
        %parallel_loop3A_460 = arith.addi %or3A_62, %parallel_loop3A_459 : vector<16xi32>
        %parallel_loop3A_461 = arith.select %parallel_loop3A_457, %parallel_loop3A_460, %or3A_62 : vector<16xi1>, vector<16xi32>
        %parallel_loop3A_462 = vector.shape_cast %parallel_loop3A_461 : vector<16xi32> to vector<16x1xi32>
        %parallel_loop3A_463 = vector.shape_cast %parallel_loop3A_462 : vector<16x1xi32> to vector<16xi32>
        %parallel_loop3A_464 = tpu.dynamic_gather %parallel_loop3A_454[%parallel_loop3A_463] in [0] : vector<16xf32>, vector<16xi32> -> vector<16xf32>
        %parallel_loop3A_465 = arith.addf %parallel_loop3A_454, %parallel_loop3A_464 : vector<16xf32>
        %parallel_loop3A_466 = arith.constant 0 : i32
        %parallel_loop3A_467 = vector.broadcast %parallel_loop3A_466 : i32 to vector<16xi32>
        %parallel_loop3A_468 = arith.addi %parallel_loop3A_275, %parallel_loop3A_467 : vector<16xi32>
        tpu.vector_store_idx %arg16[%parallel_loop3A_468], %parallel_loop3A_465 masked %or3A : memref<1280xf32, #tpu.memory_space<vmem>>[vector<16xi32>], vector<16xf32>, vector<16xi1>
        %parallel_loop3A_469 = arith.constant 20 : i32
        %parallel_loop3A_470 = arith.muli %parallel_loop3A_253, %parallel_loop3A_469 : i32
        %parallel_loop3A_471 = arith.constant 2 : i32
        %parallel_loop3A_472 = arith.addi %parallel_loop3A_470, %parallel_loop3A_471 : i32
        %parallel_loop3A_473 = arith.index_cast %parallel_loop3A_472 : i32 to index
        %parallel_loop3A_474 = arith.constant 0 : index
        %parallel_loop3A_475 = tpu.vector_load %arg14[%parallel_loop3A_473, %parallel_loop3A_474] {strides = array<i32>} : memref<1280x64xf32, #tpu.memory_space<vmem>>, vector<16xf32>,
        %parallel_loop3A_476 = arith.mulf %parallel_loop3A_256, %parallel_loop3A_475 : vector<16xf32>
        %parallel_loop3A_477 = arith.constant 20 : i32
        %parallel_loop3A_478 = arith.muli %parallel_loop3A_253, %parallel_loop3A_477 : i32
        %parallel_loop3A_479 = arith.constant 2 : i32
        %parallel_loop3A_480 = arith.addi %parallel_loop3A_478, %parallel_loop3A_479 : i32
        %parallel_loop3A_481 = arith.index_cast %parallel_loop3A_480 : i32 to index
        %parallel_loop3A_482 = arith.constant 16 : index
        %parallel_loop3A_483 = tpu.vector_load %arg14[%parallel_loop3A_481, %parallel_loop3A_482] {strides = array<i32>} : memref<1280x64xf32, #tpu.memory_space<vmem>>, vector<16xf32>,
        %parallel_loop3A_484 = arith.mulf %parallel_loop3A_259, %parallel_loop3A_483 : vector<16xf32>
        %parallel_loop3A_485 = arith.addf %parallel_loop3A_476, %parallel_loop3A_484 : vector<16xf32>
        %parallel_loop3A_486 = arith.constant 20 : i32
        %parallel_loop3A_487 = arith.muli %parallel_loop3A_253, %parallel_loop3A_486 : i32
        %parallel_loop3A_488 = arith.constant 2 : i32
        %parallel_loop3A_489 = arith.addi %parallel_loop3A_487, %parallel_loop3A_488 : i32
        %parallel_loop3A_490 = arith.index_cast %parallel_loop3A_489 : i32 to index
        %parallel_loop3A_491 = arith.constant 32 : index
        %parallel_loop3A_492 = tpu.vector_load %arg14[%parallel_loop3A_490, %parallel_loop3A_491] {strides = array<i32>} : memref<1280x64xf32, #tpu.memory_space<vmem>>, vector<16xf32>,
        %parallel_loop3A_493 = arith.mulf %parallel_loop3A_262, %parallel_loop3A_492 : vector<16xf32>
        %parallel_loop3A_494 = arith.addf %parallel_loop3A_485, %parallel_loop3A_493 : vector<16xf32>
        %parallel_loop3A_495 = arith.constant 20 : i32
        %parallel_loop3A_496 = arith.muli %parallel_loop3A_253, %parallel_loop3A_495 : i32
        %parallel_loop3A_497 = arith.constant 2 : i32
        %parallel_loop3A_498 = arith.addi %parallel_loop3A_496, %parallel_loop3A_497 : i32
        %parallel_loop3A_499 = arith.index_cast %parallel_loop3A_498 : i32 to index
        %parallel_loop3A_500 = arith.constant 48 : index
        %parallel_loop3A_501 = tpu.vector_load %arg14[%parallel_loop3A_499, %parallel_loop3A_500] {strides = array<i32>} : memref<1280x64xf32, #tpu.memory_space<vmem>>, vector<16xf32>,
        %parallel_loop3A_502 = arith.mulf %parallel_loop3A_265, %parallel_loop3A_501 : vector<16xf32>
        %parallel_loop3A_503 = arith.addf %parallel_loop3A_494, %parallel_loop3A_502 : vector<16xf32>
        %parallel_loop3A_504 = arith.constant 20 : i32
        %parallel_loop3A_505 = arith.muli %parallel_loop3A_253, %parallel_loop3A_504 : i32
        %parallel_loop3A_506 = arith.constant 3 : i32
        %parallel_loop3A_507 = arith.addi %parallel_loop3A_505, %parallel_loop3A_506 : i32
        %parallel_loop3A_508 = arith.index_cast %parallel_loop3A_507 : i32 to index
        %parallel_loop3A_509 = arith.constant 0 : index
        %parallel_loop3A_510 = tpu.vector_load %arg14[%parallel_loop3A_508, %parallel_loop3A_509] {strides = array<i32>} : memref<1280x64xf32, #tpu.memory_space<vmem>>, vector<16xf32>,
        %parallel_loop3A_511 = arith.mulf %parallel_loop3A_256, %parallel_loop3A_510 : vector<16xf32>
        %parallel_loop3A_512 = arith.constant 20 : i32
        %parallel_loop3A_513 = arith.muli %parallel_loop3A_253, %parallel_loop3A_512 : i32
        %parallel_loop3A_514 = arith.constant 3 : i32
        %parallel_loop3A_515 = arith.addi %parallel_loop3A_513, %parallel_loop3A_514 : i32
        %parallel_loop3A_516 = arith.index_cast %parallel_loop3A_515 : i32 to index
        %parallel_loop3A_517 = arith.constant 16 : index
        %parallel_loop3A_518 = tpu.vector_load %arg14[%parallel_loop3A_516, %parallel_loop3A_517] {strides = array<i32>} : memref<1280x64xf32, #tpu.memory_space<vmem>>, vector<16xf32>,
        %parallel_loop3A_519 = arith.mulf %parallel_loop3A_259, %parallel_loop3A_518 : vector<16xf32>
        %parallel_loop3A_520 = arith.addf %parallel_loop3A_511, %parallel_loop3A_519 : vector<16xf32>
        %parallel_loop3A_521 = arith.constant 20 : i32
        %parallel_loop3A_522 = arith.muli %parallel_loop3A_253, %parallel_loop3A_521 : i32
        %parallel_loop3A_523 = arith.constant 3 : i32
        %parallel_loop3A_524 = arith.addi %parallel_loop3A_522, %parallel_loop3A_523 : i32
        %parallel_loop3A_525 = arith.index_cast %parallel_loop3A_524 : i32 to index
        %parallel_loop3A_526 = arith.constant 32 : index
        %parallel_loop3A_527 = tpu.vector_load %arg14[%parallel_loop3A_525, %parallel_loop3A_526] {strides = array<i32>} : memref<1280x64xf32, #tpu.memory_space<vmem>>, vector<16xf32>,
        %parallel_loop3A_528 = arith.mulf %parallel_loop3A_262, %parallel_loop3A_527 : vector<16xf32>
        %parallel_loop3A_529 = arith.addf %parallel_loop3A_520, %parallel_loop3A_528 : vector<16xf32>
        %parallel_loop3A_530 = arith.constant 20 : i32
        %parallel_loop3A_531 = arith.muli %parallel_loop3A_253, %parallel_loop3A_530 : i32
        %parallel_loop3A_532 = arith.constant 3 : i32
        %parallel_loop3A_533 = arith.addi %parallel_loop3A_531, %parallel_loop3A_532 : i32
        %parallel_loop3A_534 = arith.index_cast %parallel_loop3A_533 : i32 to index
        %parallel_loop3A_535 = arith.constant 48 : index
        %parallel_loop3A_536 = tpu.vector_load %arg14[%parallel_loop3A_534, %parallel_loop3A_535] {strides = array<i32>} : memref<1280x64xf32, #tpu.memory_space<vmem>>, vector<16xf32>,
        %parallel_loop3A_537 = arith.mulf %parallel_loop3A_265, %parallel_loop3A_536 : vector<16xf32>
        %parallel_loop3A_538 = arith.addf %parallel_loop3A_529, %parallel_loop3A_537 : vector<16xf32>
        %parallel_loop3A_539 = arith.constant 0 : i32
        %parallel_loop3A_540 = vector.broadcast %parallel_loop3A_539 : i32 to vector<16xi32>
        %parallel_loop3A_541 = arith.cmpi slt, %and3A, %parallel_loop3A_540 : vector<16xi32>
        %parallel_loop3A_542 = arith.constant 16 : i32
        %parallel_loop3A_543 = vector.broadcast %parallel_loop3A_542 : i32 to vector<16xi32>
        %parallel_loop3A_544 = arith.addi %and3A, %parallel_loop3A_543 : vector<16xi32>
        %parallel_loop3A_545 = arith.select %parallel_loop3A_541, %parallel_loop3A_544, %and3A : vector<16xi1>, vector<16xi32>
        %parallel_loop3A_546 = vector.shape_cast %parallel_loop3A_545 : vector<16xi32> to vector<16x1xi32>
        %parallel_loop3A_547 = vector.shape_cast %parallel_loop3A_546 : vector<16x1xi32> to vector<16xi32>
        %parallel_loop3A_548 = tpu.dynamic_gather %parallel_loop3A_503[%parallel_loop3A_547] in [0] : vector<16xf32>, vector<16xi32> -> vector<16xf32>
        %parallel_loop3A_549 = arith.addf %parallel_loop3A_503, %parallel_loop3A_548 : vector<16xf32>
        %parallel_loop3A_550 = arith.constant 0 : i32
        %parallel_loop3A_551 = vector.broadcast %parallel_loop3A_550 : i32 to vector<16xi32>
        %parallel_loop3A_552 = arith.cmpi slt, %and3A, %parallel_loop3A_551 : vector<16xi32>
        %parallel_loop3A_553 = arith.constant 16 : i32
        %parallel_loop3A_554 = vector.broadcast %parallel_loop3A_553 : i32 to vector<16xi32>
        %parallel_loop3A_555 = arith.addi %and3A, %parallel_loop3A_554 : vector<16xi32>
        %parallel_loop3A_556 = arith.select %parallel_loop3A_552, %parallel_loop3A_555, %and3A : vector<16xi1>, vector<16xi32>
        %parallel_loop3A_557 = vector.shape_cast %parallel_loop3A_556 : vector<16xi32> to vector<16x1xi32>
        %parallel_loop3A_558 = vector.shape_cast %parallel_loop3A_557 : vector<16x1xi32> to vector<16xi32>
        %parallel_loop3A_559 = tpu.dynamic_gather %parallel_loop3A_538[%parallel_loop3A_558] in [0] : vector<16xf32>, vector<16xi32> -> vector<16xf32>
        %parallel_loop3A_560 = arith.addf %parallel_loop3A_538, %parallel_loop3A_559 : vector<16xf32>
        %parallel_loop3A_561 = arith.select %lt3A, %parallel_loop3A_549, %parallel_loop3A_560 : vector<16xi1>, vector<16xf32>
        %parallel_loop3A_562 = arith.constant 0 : i32
        %parallel_loop3A_563 = vector.broadcast %parallel_loop3A_562 : i32 to vector<16xi32>
        %parallel_loop3A_564 = arith.cmpi slt, %or3A_42, %parallel_loop3A_563 : vector<16xi32>
        %parallel_loop3A_565 = arith.constant 16 : i32
        %parallel_loop3A_566 = vector.broadcast %parallel_loop3A_565 : i32 to vector<16xi32>
        %parallel_loop3A_567 = arith.addi %or3A_42, %parallel_loop3A_566 : vector<16xi32>
        %parallel_loop3A_568 = arith.select %parallel_loop3A_564, %parallel_loop3A_567, %or3A_42 : vector<16xi1>, vector<16xi32>
        %parallel_loop3A_569 = vector.shape_cast %parallel_loop3A_568 : vector<16xi32> to vector<16x1xi32>
        %parallel_loop3A_570 = vector.shape_cast %parallel_loop3A_569 : vector<16x1xi32> to vector<16xi32>
        %parallel_loop3A_571 = tpu.dynamic_gather %parallel_loop3A_561[%parallel_loop3A_570] in [0] : vector<16xf32>, vector<16xi32> -> vector<16xf32>
        %parallel_loop3A_572 = arith.addf %parallel_loop3A_561, %parallel_loop3A_571 : vector<16xf32>
        %parallel_loop3A_573 = arith.constant 0 : i32
        %parallel_loop3A_574 = vector.broadcast %parallel_loop3A_573 : i32 to vector<16xi32>
        %parallel_loop3A_575 = arith.cmpi slt, %or3A_52, %parallel_loop3A_574 : vector<16xi32>
        %parallel_loop3A_576 = arith.constant 16 : i32
        %parallel_loop3A_577 = vector.broadcast %parallel_loop3A_576 : i32 to vector<16xi32>
        %parallel_loop3A_578 = arith.addi %or3A_52, %parallel_loop3A_577 : vector<16xi32>
        %parallel_loop3A_579 = arith.select %parallel_loop3A_575, %parallel_loop3A_578, %or3A_52 : vector<16xi1>, vector<16xi32>
        %parallel_loop3A_580 = vector.shape_cast %parallel_loop3A_579 : vector<16xi32> to vector<16x1xi32>
        %parallel_loop3A_581 = vector.shape_cast %parallel_loop3A_580 : vector<16x1xi32> to vector<16xi32>
        %parallel_loop3A_582 = tpu.dynamic_gather %parallel_loop3A_572[%parallel_loop3A_581] in [0] : vector<16xf32>, vector<16xi32> -> vector<16xf32>
        %parallel_loop3A_583 = arith.addf %parallel_loop3A_572, %parallel_loop3A_582 : vector<16xf32>
        %parallel_loop3A_584 = arith.constant 0 : i32
        %parallel_loop3A_585 = vector.broadcast %parallel_loop3A_584 : i32 to vector<16xi32>
        %parallel_loop3A_586 = arith.cmpi slt, %or3A_62, %parallel_loop3A_585 : vector<16xi32>
        %parallel_loop3A_587 = arith.constant 16 : i32
        %parallel_loop3A_588 = vector.broadcast %parallel_loop3A_587 : i32 to vector<16xi32>
        %parallel_loop3A_589 = arith.addi %or3A_62, %parallel_loop3A_588 : vector<16xi32>
        %parallel_loop3A_590 = arith.select %parallel_loop3A_586, %parallel_loop3A_589, %or3A_62 : vector<16xi1>, vector<16xi32>
        %parallel_loop3A_591 = vector.shape_cast %parallel_loop3A_590 : vector<16xi32> to vector<16x1xi32>
        %parallel_loop3A_592 = vector.shape_cast %parallel_loop3A_591 : vector<16x1xi32> to vector<16xi32>
        %parallel_loop3A_593 = tpu.dynamic_gather %parallel_loop3A_583[%parallel_loop3A_592] in [0] : vector<16xf32>, vector<16xi32> -> vector<16xf32>
        %parallel_loop3A_594 = arith.addf %parallel_loop3A_583, %parallel_loop3A_593 : vector<16xf32>
        %parallel_loop3A_595 = arith.constant 2 : i32
        %parallel_loop3A_596 = vector.broadcast %parallel_loop3A_595 : i32 to vector<16xi32>
        %parallel_loop3A_597 = arith.addi %parallel_loop3A_275, %parallel_loop3A_596 : vector<16xi32>
        tpu.vector_store_idx %arg16[%parallel_loop3A_597], %parallel_loop3A_594 masked %or3A : memref<1280xf32, #tpu.memory_space<vmem>>[vector<16xi32>], vector<16xf32>, vector<16xi1>
        %parallel_loop3A_598 = arith.constant 20 : i32
        %parallel_loop3A_599 = arith.muli %parallel_loop3A_253, %parallel_loop3A_598 : i32
        %parallel_loop3A_600 = arith.constant 4 : i32
        %parallel_loop3A_601 = arith.addi %parallel_loop3A_599, %parallel_loop3A_600 : i32
        %parallel_loop3A_602 = arith.index_cast %parallel_loop3A_601 : i32 to index
        %parallel_loop3A_603 = arith.constant 0 : index
        %parallel_loop3A_604 = tpu.vector_load %arg14[%parallel_loop3A_602, %parallel_loop3A_603] {strides = array<i32>} : memref<1280x64xf32, #tpu.memory_space<vmem>>, vector<16xf32>,
        %parallel_loop3A_605 = arith.mulf %parallel_loop3A_256, %parallel_loop3A_604 : vector<16xf32>
        %parallel_loop3A_606 = arith.constant 20 : i32
        %parallel_loop3A_607 = arith.muli %parallel_loop3A_253, %parallel_loop3A_606 : i32
        %parallel_loop3A_608 = arith.constant 4 : i32
        %parallel_loop3A_609 = arith.addi %parallel_loop3A_607, %parallel_loop3A_608 : i32
        %parallel_loop3A_610 = arith.index_cast %parallel_loop3A_609 : i32 to index
        %parallel_loop3A_611 = arith.constant 16 : index
        %parallel_loop3A_612 = tpu.vector_load %arg14[%parallel_loop3A_610, %parallel_loop3A_611] {strides = array<i32>} : memref<1280x64xf32, #tpu.memory_space<vmem>>, vector<16xf32>,
        %parallel_loop3A_613 = arith.mulf %parallel_loop3A_259, %parallel_loop3A_612 : vector<16xf32>
        %parallel_loop3A_614 = arith.addf %parallel_loop3A_605, %parallel_loop3A_613 : vector<16xf32>
        %parallel_loop3A_615 = arith.constant 20 : i32
        %parallel_loop3A_616 = arith.muli %parallel_loop3A_253, %parallel_loop3A_615 : i32
        %parallel_loop3A_617 = arith.constant 4 : i32
        %parallel_loop3A_618 = arith.addi %parallel_loop3A_616, %parallel_loop3A_617 : i32
        %parallel_loop3A_619 = arith.index_cast %parallel_loop3A_618 : i32 to index
        %parallel_loop3A_620 = arith.constant 32 : index
        %parallel_loop3A_621 = tpu.vector_load %arg14[%parallel_loop3A_619, %parallel_loop3A_620] {strides = array<i32>} : memref<1280x64xf32, #tpu.memory_space<vmem>>, vector<16xf32>,
        %parallel_loop3A_622 = arith.mulf %parallel_loop3A_262, %parallel_loop3A_621 : vector<16xf32>
        %parallel_loop3A_623 = arith.addf %parallel_loop3A_614, %parallel_loop3A_622 : vector<16xf32>
        %parallel_loop3A_624 = arith.constant 20 : i32
        %parallel_loop3A_625 = arith.muli %parallel_loop3A_253, %parallel_loop3A_624 : i32
        %parallel_loop3A_626 = arith.constant 4 : i32
        %parallel_loop3A_627 = arith.addi %parallel_loop3A_625, %parallel_loop3A_626 : i32
        %parallel_loop3A_628 = arith.index_cast %parallel_loop3A_627 : i32 to index
        %parallel_loop3A_629 = arith.constant 48 : index
        %parallel_loop3A_630 = tpu.vector_load %arg14[%parallel_loop3A_628, %parallel_loop3A_629] {strides = array<i32>} : memref<1280x64xf32, #tpu.memory_space<vmem>>, vector<16xf32>,
        %parallel_loop3A_631 = arith.mulf %parallel_loop3A_265, %parallel_loop3A_630 : vector<16xf32>
        %parallel_loop3A_632 = arith.addf %parallel_loop3A_623, %parallel_loop3A_631 : vector<16xf32>
        %parallel_loop3A_633 = arith.constant 20 : i32
        %parallel_loop3A_634 = arith.muli %parallel_loop3A_253, %parallel_loop3A_633 : i32
        %parallel_loop3A_635 = arith.constant 5 : i32
        %parallel_loop3A_636 = arith.addi %parallel_loop3A_634, %parallel_loop3A_635 : i32
        %parallel_loop3A_637 = arith.index_cast %parallel_loop3A_636 : i32 to index
        %parallel_loop3A_638 = arith.constant 0 : index
        %parallel_loop3A_639 = tpu.vector_load %arg14[%parallel_loop3A_637, %parallel_loop3A_638] {strides = array<i32>} : memref<1280x64xf32, #tpu.memory_space<vmem>>, vector<16xf32>,
        %parallel_loop3A_640 = arith.mulf %parallel_loop3A_256, %parallel_loop3A_639 : vector<16xf32>
        %parallel_loop3A_641 = arith.constant 20 : i32
        %parallel_loop3A_642 = arith.muli %parallel_loop3A_253, %parallel_loop3A_641 : i32
        %parallel_loop3A_643 = arith.constant 5 : i32
        %parallel_loop3A_644 = arith.addi %parallel_loop3A_642, %parallel_loop3A_643 : i32
        %parallel_loop3A_645 = arith.index_cast %parallel_loop3A_644 : i32 to index
        %parallel_loop3A_646 = arith.constant 16 : index
        %parallel_loop3A_647 = tpu.vector_load %arg14[%parallel_loop3A_645, %parallel_loop3A_646] {strides = array<i32>} : memref<1280x64xf32, #tpu.memory_space<vmem>>, vector<16xf32>,
        %parallel_loop3A_648 = arith.mulf %parallel_loop3A_259, %parallel_loop3A_647 : vector<16xf32>
        %parallel_loop3A_649 = arith.addf %parallel_loop3A_640, %parallel_loop3A_648 : vector<16xf32>
        %parallel_loop3A_650 = arith.constant 20 : i32
        %parallel_loop3A_651 = arith.muli %parallel_loop3A_253, %parallel_loop3A_650 : i32
        %parallel_loop3A_652 = arith.constant 5 : i32
        %parallel_loop3A_653 = arith.addi %parallel_loop3A_651, %parallel_loop3A_652 : i32
        %parallel_loop3A_654 = arith.index_cast %parallel_loop3A_653 : i32 to index
        %parallel_loop3A_655 = arith.constant 32 : index
        %parallel_loop3A_656 = tpu.vector_load %arg14[%parallel_loop3A_654, %parallel_loop3A_655] {strides = array<i32>} : memref<1280x64xf32, #tpu.memory_space<vmem>>, vector<16xf32>,
        %parallel_loop3A_657 = arith.mulf %parallel_loop3A_262, %parallel_loop3A_656 : vector<16xf32>
        %parallel_loop3A_658 = arith.addf %parallel_loop3A_649, %parallel_loop3A_657 : vector<16xf32>
        %parallel_loop3A_659 = arith.constant 20 : i32
        %parallel_loop3A_660 = arith.muli %parallel_loop3A_253, %parallel_loop3A_659 : i32
        %parallel_loop3A_661 = arith.constant 5 : i32
        %parallel_loop3A_662 = arith.addi %parallel_loop3A_660, %parallel_loop3A_661 : i32
        %parallel_loop3A_663 = arith.index_cast %parallel_loop3A_662 : i32 to index
        %parallel_loop3A_664 = arith.constant 48 : index
        %parallel_loop3A_665 = tpu.vector_load %arg14[%parallel_loop3A_663, %parallel_loop3A_664] {strides = array<i32>} : memref<1280x64xf32, #tpu.memory_space<vmem>>, vector<16xf32>,
        %parallel_loop3A_666 = arith.mulf %parallel_loop3A_265, %parallel_loop3A_665 : vector<16xf32>
        %parallel_loop3A_667 = arith.addf %parallel_loop3A_658, %parallel_loop3A_666 : vector<16xf32>
        %parallel_loop3A_668 = arith.constant 0 : i32
        %parallel_loop3A_669 = vector.broadcast %parallel_loop3A_668 : i32 to vector<16xi32>
        %parallel_loop3A_670 = arith.cmpi slt, %and3A, %parallel_loop3A_669 : vector<16xi32>
        %parallel_loop3A_671 = arith.constant 16 : i32
        %parallel_loop3A_672 = vector.broadcast %parallel_loop3A_671 : i32 to vector<16xi32>
        %parallel_loop3A_673 = arith.addi %and3A, %parallel_loop3A_672 : vector<16xi32>
        %parallel_loop3A_674 = arith.select %parallel_loop3A_670, %parallel_loop3A_673, %and3A : vector<16xi1>, vector<16xi32>
        %parallel_loop3A_675 = vector.shape_cast %parallel_loop3A_674 : vector<16xi32> to vector<16x1xi32>
        %parallel_loop3A_676 = vector.shape_cast %parallel_loop3A_675 : vector<16x1xi32> to vector<16xi32>
        %parallel_loop3A_677 = tpu.dynamic_gather %parallel_loop3A_632[%parallel_loop3A_676] in [0] : vector<16xf32>, vector<16xi32> -> vector<16xf32>
        %parallel_loop3A_678 = arith.addf %parallel_loop3A_632, %parallel_loop3A_677 : vector<16xf32>
        %parallel_loop3A_679 = arith.constant 0 : i32
        %parallel_loop3A_680 = vector.broadcast %parallel_loop3A_679 : i32 to vector<16xi32>
        %parallel_loop3A_681 = arith.cmpi slt, %and3A, %parallel_loop3A_680 : vector<16xi32>
        %parallel_loop3A_682 = arith.constant 16 : i32
        %parallel_loop3A_683 = vector.broadcast %parallel_loop3A_682 : i32 to vector<16xi32>
        %parallel_loop3A_684 = arith.addi %and3A, %parallel_loop3A_683 : vector<16xi32>
        %parallel_loop3A_685 = arith.select %parallel_loop3A_681, %parallel_loop3A_684, %and3A : vector<16xi1>, vector<16xi32>
        %parallel_loop3A_686 = vector.shape_cast %parallel_loop3A_685 : vector<16xi32> to vector<16x1xi32>
        %parallel_loop3A_687 = vector.shape_cast %parallel_loop3A_686 : vector<16x1xi32> to vector<16xi32>
        %parallel_loop3A_688 = tpu.dynamic_gather %parallel_loop3A_667[%parallel_loop3A_687] in [0] : vector<16xf32>, vector<16xi32> -> vector<16xf32>
        %parallel_loop3A_689 = arith.addf %parallel_loop3A_667, %parallel_loop3A_688 : vector<16xf32>
        %parallel_loop3A_690 = arith.select %lt3A, %parallel_loop3A_678, %parallel_loop3A_689 : vector<16xi1>, vector<16xf32>
        %parallel_loop3A_691 = arith.constant 0 : i32
        %parallel_loop3A_692 = vector.broadcast %parallel_loop3A_691 : i32 to vector<16xi32>
        %parallel_loop3A_693 = arith.cmpi slt, %or3A_42, %parallel_loop3A_692 : vector<16xi32>
        %parallel_loop3A_694 = arith.constant 16 : i32
        %parallel_loop3A_695 = vector.broadcast %parallel_loop3A_694 : i32 to vector<16xi32>
        %parallel_loop3A_696 = arith.addi %or3A_42, %parallel_loop3A_695 : vector<16xi32>
        %parallel_loop3A_697 = arith.select %parallel_loop3A_693, %parallel_loop3A_696, %or3A_42 : vector<16xi1>, vector<16xi32>
        %parallel_loop3A_698 = vector.shape_cast %parallel_loop3A_697 : vector<16xi32> to vector<16x1xi32>
        %parallel_loop3A_699 = vector.shape_cast %parallel_loop3A_698 : vector<16x1xi32> to vector<16xi32>
        %parallel_loop3A_700 = tpu.dynamic_gather %parallel_loop3A_690[%parallel_loop3A_699] in [0] : vector<16xf32>, vector<16xi32> -> vector<16xf32>
        %parallel_loop3A_701 = arith.addf %parallel_loop3A_690, %parallel_loop3A_700 : vector<16xf32>
        %parallel_loop3A_702 = arith.constant 0 : i32
        %parallel_loop3A_703 = vector.broadcast %parallel_loop3A_702 : i32 to vector<16xi32>
        %parallel_loop3A_704 = arith.cmpi slt, %or3A_52, %parallel_loop3A_703 : vector<16xi32>
        %parallel_loop3A_705 = arith.constant 16 : i32
        %parallel_loop3A_706 = vector.broadcast %parallel_loop3A_705 : i32 to vector<16xi32>
        %parallel_loop3A_707 = arith.addi %or3A_52, %parallel_loop3A_706 : vector<16xi32>
        %parallel_loop3A_708 = arith.select %parallel_loop3A_704, %parallel_loop3A_707, %or3A_52 : vector<16xi1>, vector<16xi32>
        %parallel_loop3A_709 = vector.shape_cast %parallel_loop3A_708 : vector<16xi32> to vector<16x1xi32>
        %parallel_loop3A_710 = vector.shape_cast %parallel_loop3A_709 : vector<16x1xi32> to vector<16xi32>
        %parallel_loop3A_711 = tpu.dynamic_gather %parallel_loop3A_701[%parallel_loop3A_710] in [0] : vector<16xf32>, vector<16xi32> -> vector<16xf32>
        %parallel_loop3A_712 = arith.addf %parallel_loop3A_701, %parallel_loop3A_711 : vector<16xf32>
        %parallel_loop3A_713 = arith.constant 0 : i32
        %parallel_loop3A_714 = vector.broadcast %parallel_loop3A_713 : i32 to vector<16xi32>
        %parallel_loop3A_715 = arith.cmpi slt, %or3A_62, %parallel_loop3A_714 : vector<16xi32>
        %parallel_loop3A_716 = arith.constant 16 : i32
        %parallel_loop3A_717 = vector.broadcast %parallel_loop3A_716 : i32 to vector<16xi32>
        %parallel_loop3A_718 = arith.addi %or3A_62, %parallel_loop3A_717 : vector<16xi32>
        %parallel_loop3A_719 = arith.select %parallel_loop3A_715, %parallel_loop3A_718, %or3A_62 : vector<16xi1>, vector<16xi32>
        %parallel_loop3A_720 = vector.shape_cast %parallel_loop3A_719 : vector<16xi32> to vector<16x1xi32>
        %parallel_loop3A_721 = vector.shape_cast %parallel_loop3A_720 : vector<16x1xi32> to vector<16xi32>
        %parallel_loop3A_722 = tpu.dynamic_gather %parallel_loop3A_712[%parallel_loop3A_721] in [0] : vector<16xf32>, vector<16xi32> -> vector<16xf32>
        %parallel_loop3A_723 = arith.addf %parallel_loop3A_712, %parallel_loop3A_722 : vector<16xf32>
        %parallel_loop3A_724 = arith.constant 4 : i32
        %parallel_loop3A_725 = vector.broadcast %parallel_loop3A_724 : i32 to vector<16xi32>
        %parallel_loop3A_726 = arith.addi %parallel_loop3A_275, %parallel_loop3A_725 : vector<16xi32>
        tpu.vector_store_idx %arg16[%parallel_loop3A_726], %parallel_loop3A_723 masked %or3A : memref<1280xf32, #tpu.memory_space<vmem>>[vector<16xi32>], vector<16xf32>, vector<16xi1>
        %parallel_loop3A_727 = arith.constant 20 : i32
        %parallel_loop3A_728 = arith.muli %parallel_loop3A_253, %parallel_loop3A_727 : i32
        %parallel_loop3A_729 = arith.constant 6 : i32
        %parallel_loop3A_730 = arith.addi %parallel_loop3A_728, %parallel_loop3A_729 : i32
        %parallel_loop3A_731 = arith.index_cast %parallel_loop3A_730 : i32 to index
        %parallel_loop3A_732 = arith.constant 0 : index
        %parallel_loop3A_733 = tpu.vector_load %arg14[%parallel_loop3A_731, %parallel_loop3A_732] {strides = array<i32>} : memref<1280x64xf32, #tpu.memory_space<vmem>>, vector<16xf32>,
        %parallel_loop3A_734 = arith.mulf %parallel_loop3A_256, %parallel_loop3A_733 : vector<16xf32>
        %parallel_loop3A_735 = arith.constant 20 : i32
        %parallel_loop3A_736 = arith.muli %parallel_loop3A_253, %parallel_loop3A_735 : i32
        %parallel_loop3A_737 = arith.constant 6 : i32
        %parallel_loop3A_738 = arith.addi %parallel_loop3A_736, %parallel_loop3A_737 : i32
        %parallel_loop3A_739 = arith.index_cast %parallel_loop3A_738 : i32 to index
        %parallel_loop3A_740 = arith.constant 16 : index
        %parallel_loop3A_741 = tpu.vector_load %arg14[%parallel_loop3A_739, %parallel_loop3A_740] {strides = array<i32>} : memref<1280x64xf32, #tpu.memory_space<vmem>>, vector<16xf32>,
        %parallel_loop3A_742 = arith.mulf %parallel_loop3A_259, %parallel_loop3A_741 : vector<16xf32>
        %parallel_loop3A_743 = arith.addf %parallel_loop3A_734, %parallel_loop3A_742 : vector<16xf32>
        %parallel_loop3A_744 = arith.constant 20 : i32
        %parallel_loop3A_745 = arith.muli %parallel_loop3A_253, %parallel_loop3A_744 : i32
        %parallel_loop3A_746 = arith.constant 6 : i32
        %parallel_loop3A_747 = arith.addi %parallel_loop3A_745, %parallel_loop3A_746 : i32
        %parallel_loop3A_748 = arith.index_cast %parallel_loop3A_747 : i32 to index
        %parallel_loop3A_749 = arith.constant 32 : index
        %parallel_loop3A_750 = tpu.vector_load %arg14[%parallel_loop3A_748, %parallel_loop3A_749] {strides = array<i32>} : memref<1280x64xf32, #tpu.memory_space<vmem>>, vector<16xf32>,
        %parallel_loop3A_751 = arith.mulf %parallel_loop3A_262, %parallel_loop3A_750 : vector<16xf32>
        %parallel_loop3A_752 = arith.addf %parallel_loop3A_743, %parallel_loop3A_751 : vector<16xf32>
        %parallel_loop3A_753 = arith.constant 20 : i32
        %parallel_loop3A_754 = arith.muli %parallel_loop3A_253, %parallel_loop3A_753 : i32
        %parallel_loop3A_755 = arith.constant 6 : i32
        %parallel_loop3A_756 = arith.addi %parallel_loop3A_754, %parallel_loop3A_755 : i32
        %parallel_loop3A_757 = arith.index_cast %parallel_loop3A_756 : i32 to index
        %parallel_loop3A_758 = arith.constant 48 : index
        %parallel_loop3A_759 = tpu.vector_load %arg14[%parallel_loop3A_757, %parallel_loop3A_758] {strides = array<i32>} : memref<1280x64xf32, #tpu.memory_space<vmem>>, vector<16xf32>,
        %parallel_loop3A_760 = arith.mulf %parallel_loop3A_265, %parallel_loop3A_759 : vector<16xf32>
        %parallel_loop3A_761 = arith.addf %parallel_loop3A_752, %parallel_loop3A_760 : vector<16xf32>
        %parallel_loop3A_762 = arith.constant 20 : i32
        %parallel_loop3A_763 = arith.muli %parallel_loop3A_253, %parallel_loop3A_762 : i32
        %parallel_loop3A_764 = arith.constant 7 : i32
        %parallel_loop3A_765 = arith.addi %parallel_loop3A_763, %parallel_loop3A_764 : i32
        %parallel_loop3A_766 = arith.index_cast %parallel_loop3A_765 : i32 to index
        %parallel_loop3A_767 = arith.constant 0 : index
        %parallel_loop3A_768 = tpu.vector_load %arg14[%parallel_loop3A_766, %parallel_loop3A_767] {strides = array<i32>} : memref<1280x64xf32, #tpu.memory_space<vmem>>, vector<16xf32>,
        %parallel_loop3A_769 = arith.mulf %parallel_loop3A_256, %parallel_loop3A_768 : vector<16xf32>
        %parallel_loop3A_770 = arith.constant 20 : i32
        %parallel_loop3A_771 = arith.muli %parallel_loop3A_253, %parallel_loop3A_770 : i32
        %parallel_loop3A_772 = arith.constant 7 : i32
        %parallel_loop3A_773 = arith.addi %parallel_loop3A_771, %parallel_loop3A_772 : i32
        %parallel_loop3A_774 = arith.index_cast %parallel_loop3A_773 : i32 to index
        %parallel_loop3A_775 = arith.constant 16 : index
        %parallel_loop3A_776 = tpu.vector_load %arg14[%parallel_loop3A_774, %parallel_loop3A_775] {strides = array<i32>} : memref<1280x64xf32, #tpu.memory_space<vmem>>, vector<16xf32>,
        %parallel_loop3A_777 = arith.mulf %parallel_loop3A_259, %parallel_loop3A_776 : vector<16xf32>
        %parallel_loop3A_778 = arith.addf %parallel_loop3A_769, %parallel_loop3A_777 : vector<16xf32>
        %parallel_loop3A_779 = arith.constant 20 : i32
        %parallel_loop3A_780 = arith.muli %parallel_loop3A_253, %parallel_loop3A_779 : i32
        %parallel_loop3A_781 = arith.constant 7 : i32
        %parallel_loop3A_782 = arith.addi %parallel_loop3A_780, %parallel_loop3A_781 : i32
        %parallel_loop3A_783 = arith.index_cast %parallel_loop3A_782 : i32 to index
        %parallel_loop3A_784 = arith.constant 32 : index
        %parallel_loop3A_785 = tpu.vector_load %arg14[%parallel_loop3A_783, %parallel_loop3A_784] {strides = array<i32>} : memref<1280x64xf32, #tpu.memory_space<vmem>>, vector<16xf32>,
        %parallel_loop3A_786 = arith.mulf %parallel_loop3A_262, %parallel_loop3A_785 : vector<16xf32>
        %parallel_loop3A_787 = arith.addf %parallel_loop3A_778, %parallel_loop3A_786 : vector<16xf32>
        %parallel_loop3A_788 = arith.constant 20 : i32
        %parallel_loop3A_789 = arith.muli %parallel_loop3A_253, %parallel_loop3A_788 : i32
        %parallel_loop3A_790 = arith.constant 7 : i32
        %parallel_loop3A_791 = arith.addi %parallel_loop3A_789, %parallel_loop3A_790 : i32
        %parallel_loop3A_792 = arith.index_cast %parallel_loop3A_791 : i32 to index
        %parallel_loop3A_793 = arith.constant 48 : index
        %parallel_loop3A_794 = tpu.vector_load %arg14[%parallel_loop3A_792, %parallel_loop3A_793] {strides = array<i32>} : memref<1280x64xf32, #tpu.memory_space<vmem>>, vector<16xf32>,
        %parallel_loop3A_795 = arith.mulf %parallel_loop3A_265, %parallel_loop3A_794 : vector<16xf32>
        %parallel_loop3A_796 = arith.addf %parallel_loop3A_787, %parallel_loop3A_795 : vector<16xf32>
        %parallel_loop3A_797 = arith.constant 0 : i32
        %parallel_loop3A_798 = vector.broadcast %parallel_loop3A_797 : i32 to vector<16xi32>
        %parallel_loop3A_799 = arith.cmpi slt, %and3A, %parallel_loop3A_798 : vector<16xi32>
        %parallel_loop3A_800 = arith.constant 16 : i32
        %parallel_loop3A_801 = vector.broadcast %parallel_loop3A_800 : i32 to vector<16xi32>
        %parallel_loop3A_802 = arith.addi %and3A, %parallel_loop3A_801 : vector<16xi32>
        %parallel_loop3A_803 = arith.select %parallel_loop3A_799, %parallel_loop3A_802, %and3A : vector<16xi1>, vector<16xi32>
        %parallel_loop3A_804 = vector.shape_cast %parallel_loop3A_803 : vector<16xi32> to vector<16x1xi32>
        %parallel_loop3A_805 = vector.shape_cast %parallel_loop3A_804 : vector<16x1xi32> to vector<16xi32>
        %parallel_loop3A_806 = tpu.dynamic_gather %parallel_loop3A_761[%parallel_loop3A_805] in [0] : vector<16xf32>, vector<16xi32> -> vector<16xf32>
        %parallel_loop3A_807 = arith.addf %parallel_loop3A_761, %parallel_loop3A_806 : vector<16xf32>
        %parallel_loop3A_808 = arith.constant 0 : i32
        %parallel_loop3A_809 = vector.broadcast %parallel_loop3A_808 : i32 to vector<16xi32>
        %parallel_loop3A_810 = arith.cmpi slt, %and3A, %parallel_loop3A_809 : vector<16xi32>
        %parallel_loop3A_811 = arith.constant 16 : i32
        %parallel_loop3A_812 = vector.broadcast %parallel_loop3A_811 : i32 to vector<16xi32>
        %parallel_loop3A_813 = arith.addi %and3A, %parallel_loop3A_812 : vector<16xi32>
        %parallel_loop3A_814 = arith.select %parallel_loop3A_810, %parallel_loop3A_813, %and3A : vector<16xi1>, vector<16xi32>
        %parallel_loop3A_815 = vector.shape_cast %parallel_loop3A_814 : vector<16xi32> to vector<16x1xi32>
        %parallel_loop3A_816 = vector.shape_cast %parallel_loop3A_815 : vector<16x1xi32> to vector<16xi32>
        %parallel_loop3A_817 = tpu.dynamic_gather %parallel_loop3A_796[%parallel_loop3A_816] in [0] : vector<16xf32>, vector<16xi32> -> vector<16xf32>
        %parallel_loop3A_818 = arith.addf %parallel_loop3A_796, %parallel_loop3A_817 : vector<16xf32>
        %parallel_loop3A_819 = arith.select %lt3A, %parallel_loop3A_807, %parallel_loop3A_818 : vector<16xi1>, vector<16xf32>
        %parallel_loop3A_820 = arith.constant 0 : i32
        %parallel_loop3A_821 = vector.broadcast %parallel_loop3A_820 : i32 to vector<16xi32>
        %parallel_loop3A_822 = arith.cmpi slt, %or3A_42, %parallel_loop3A_821 : vector<16xi32>
        %parallel_loop3A_823 = arith.constant 16 : i32
        %parallel_loop3A_824 = vector.broadcast %parallel_loop3A_823 : i32 to vector<16xi32>
        %parallel_loop3A_825 = arith.addi %or3A_42, %parallel_loop3A_824 : vector<16xi32>
        %parallel_loop3A_826 = arith.select %parallel_loop3A_822, %parallel_loop3A_825, %or3A_42 : vector<16xi1>, vector<16xi32>
        %parallel_loop3A_827 = vector.shape_cast %parallel_loop3A_826 : vector<16xi32> to vector<16x1xi32>
        %parallel_loop3A_828 = vector.shape_cast %parallel_loop3A_827 : vector<16x1xi32> to vector<16xi32>
        %parallel_loop3A_829 = tpu.dynamic_gather %parallel_loop3A_819[%parallel_loop3A_828] in [0] : vector<16xf32>, vector<16xi32> -> vector<16xf32>
        %parallel_loop3A_830 = arith.addf %parallel_loop3A_819, %parallel_loop3A_829 : vector<16xf32>
        %parallel_loop3A_831 = arith.constant 0 : i32
        %parallel_loop3A_832 = vector.broadcast %parallel_loop3A_831 : i32 to vector<16xi32>
        %parallel_loop3A_833 = arith.cmpi slt, %or3A_52, %parallel_loop3A_832 : vector<16xi32>
        %parallel_loop3A_834 = arith.constant 16 : i32
        %parallel_loop3A_835 = vector.broadcast %parallel_loop3A_834 : i32 to vector<16xi32>
        %parallel_loop3A_836 = arith.addi %or3A_52, %parallel_loop3A_835 : vector<16xi32>
        %parallel_loop3A_837 = arith.select %parallel_loop3A_833, %parallel_loop3A_836, %or3A_52 : vector<16xi1>, vector<16xi32>
        %parallel_loop3A_838 = vector.shape_cast %parallel_loop3A_837 : vector<16xi32> to vector<16x1xi32>
        %parallel_loop3A_839 = vector.shape_cast %parallel_loop3A_838 : vector<16x1xi32> to vector<16xi32>
        %parallel_loop3A_840 = tpu.dynamic_gather %parallel_loop3A_830[%parallel_loop3A_839] in [0] : vector<16xf32>, vector<16xi32> -> vector<16xf32>
        %parallel_loop3A_841 = arith.addf %parallel_loop3A_830, %parallel_loop3A_840 : vector<16xf32>
        %parallel_loop3A_842 = arith.constant 0 : i32
        %parallel_loop3A_843 = vector.broadcast %parallel_loop3A_842 : i32 to vector<16xi32>
        %parallel_loop3A_844 = arith.cmpi slt, %or3A_62, %parallel_loop3A_843 : vector<16xi32>
        %parallel_loop3A_845 = arith.constant 16 : i32
        %parallel_loop3A_846 = vector.broadcast %parallel_loop3A_845 : i32 to vector<16xi32>
        %parallel_loop3A_847 = arith.addi %or3A_62, %parallel_loop3A_846 : vector<16xi32>
        %parallel_loop3A_848 = arith.select %parallel_loop3A_844, %parallel_loop3A_847, %or3A_62 : vector<16xi1>, vector<16xi32>
        %parallel_loop3A_849 = vector.shape_cast %parallel_loop3A_848 : vector<16xi32> to vector<16x1xi32>
        %parallel_loop3A_850 = vector.shape_cast %parallel_loop3A_849 : vector<16x1xi32> to vector<16xi32>
        %parallel_loop3A_851 = tpu.dynamic_gather %parallel_loop3A_841[%parallel_loop3A_850] in [0] : vector<16xf32>, vector<16xi32> -> vector<16xf32>
        %parallel_loop3A_852 = arith.addf %parallel_loop3A_841, %parallel_loop3A_851 : vector<16xf32>
        %parallel_loop3A_853 = arith.constant 6 : i32
        %parallel_loop3A_854 = vector.broadcast %parallel_loop3A_853 : i32 to vector<16xi32>
        %parallel_loop3A_855 = arith.addi %parallel_loop3A_275, %parallel_loop3A_854 : vector<16xi32>
        tpu.vector_store_idx %arg16[%parallel_loop3A_855], %parallel_loop3A_852 masked %or3A : memref<1280xf32, #tpu.memory_space<vmem>>[vector<16xi32>], vector<16xf32>, vector<16xi1>
        %parallel_loop3A_856 = arith.constant 20 : i32
        %parallel_loop3A_857 = arith.muli %parallel_loop3A_253, %parallel_loop3A_856 : i32
        %parallel_loop3A_858 = arith.constant 8 : i32
        %parallel_loop3A_859 = arith.addi %parallel_loop3A_857, %parallel_loop3A_858 : i32
        %parallel_loop3A_860 = arith.index_cast %parallel_loop3A_859 : i32 to index
        %parallel_loop3A_861 = arith.constant 0 : index
        %parallel_loop3A_862 = tpu.vector_load %arg14[%parallel_loop3A_860, %parallel_loop3A_861] {strides = array<i32>} : memref<1280x64xf32, #tpu.memory_space<vmem>>, vector<16xf32>,
        %parallel_loop3A_863 = arith.mulf %parallel_loop3A_256, %parallel_loop3A_862 : vector<16xf32>
        %parallel_loop3A_864 = arith.constant 20 : i32
        %parallel_loop3A_865 = arith.muli %parallel_loop3A_253, %parallel_loop3A_864 : i32
        %parallel_loop3A_866 = arith.constant 8 : i32
        %parallel_loop3A_867 = arith.addi %parallel_loop3A_865, %parallel_loop3A_866 : i32
        %parallel_loop3A_868 = arith.index_cast %parallel_loop3A_867 : i32 to index
        %parallel_loop3A_869 = arith.constant 16 : index
        %parallel_loop3A_870 = tpu.vector_load %arg14[%parallel_loop3A_868, %parallel_loop3A_869] {strides = array<i32>} : memref<1280x64xf32, #tpu.memory_space<vmem>>, vector<16xf32>,
        %parallel_loop3A_871 = arith.mulf %parallel_loop3A_259, %parallel_loop3A_870 : vector<16xf32>
        %parallel_loop3A_872 = arith.addf %parallel_loop3A_863, %parallel_loop3A_871 : vector<16xf32>
        %parallel_loop3A_873 = arith.constant 20 : i32
        %parallel_loop3A_874 = arith.muli %parallel_loop3A_253, %parallel_loop3A_873 : i32
        %parallel_loop3A_875 = arith.constant 8 : i32
        %parallel_loop3A_876 = arith.addi %parallel_loop3A_874, %parallel_loop3A_875 : i32
        %parallel_loop3A_877 = arith.index_cast %parallel_loop3A_876 : i32 to index
        %parallel_loop3A_878 = arith.constant 32 : index
        %parallel_loop3A_879 = tpu.vector_load %arg14[%parallel_loop3A_877, %parallel_loop3A_878] {strides = array<i32>} : memref<1280x64xf32, #tpu.memory_space<vmem>>, vector<16xf32>,
        %parallel_loop3A_880 = arith.mulf %parallel_loop3A_262, %parallel_loop3A_879 : vector<16xf32>
        %parallel_loop3A_881 = arith.addf %parallel_loop3A_872, %parallel_loop3A_880 : vector<16xf32>
        %parallel_loop3A_882 = arith.constant 20 : i32
        %parallel_loop3A_883 = arith.muli %parallel_loop3A_253, %parallel_loop3A_882 : i32
        %parallel_loop3A_884 = arith.constant 8 : i32
        %parallel_loop3A_885 = arith.addi %parallel_loop3A_883, %parallel_loop3A_884 : i32
        %parallel_loop3A_886 = arith.index_cast %parallel_loop3A_885 : i32 to index
        %parallel_loop3A_887 = arith.constant 48 : index
        %parallel_loop3A_888 = tpu.vector_load %arg14[%parallel_loop3A_886, %parallel_loop3A_887] {strides = array<i32>} : memref<1280x64xf32, #tpu.memory_space<vmem>>, vector<16xf32>,
        %parallel_loop3A_889 = arith.mulf %parallel_loop3A_265, %parallel_loop3A_888 : vector<16xf32>
        %parallel_loop3A_890 = arith.addf %parallel_loop3A_881, %parallel_loop3A_889 : vector<16xf32>
        %parallel_loop3A_891 = arith.constant 20 : i32
        %parallel_loop3A_892 = arith.muli %parallel_loop3A_253, %parallel_loop3A_891 : i32
        %parallel_loop3A_893 = arith.constant 9 : i32
        %parallel_loop3A_894 = arith.addi %parallel_loop3A_892, %parallel_loop3A_893 : i32
        %parallel_loop3A_895 = arith.index_cast %parallel_loop3A_894 : i32 to index
        %parallel_loop3A_896 = arith.constant 0 : index
        %parallel_loop3A_897 = tpu.vector_load %arg14[%parallel_loop3A_895, %parallel_loop3A_896] {strides = array<i32>} : memref<1280x64xf32, #tpu.memory_space<vmem>>, vector<16xf32>,
        %parallel_loop3A_898 = arith.mulf %parallel_loop3A_256, %parallel_loop3A_897 : vector<16xf32>
        %parallel_loop3A_899 = arith.constant 20 : i32
        %parallel_loop3A_900 = arith.muli %parallel_loop3A_253, %parallel_loop3A_899 : i32
        %parallel_loop3A_901 = arith.constant 9 : i32
        %parallel_loop3A_902 = arith.addi %parallel_loop3A_900, %parallel_loop3A_901 : i32
        %parallel_loop3A_903 = arith.index_cast %parallel_loop3A_902 : i32 to index
        %parallel_loop3A_904 = arith.constant 16 : index
        %parallel_loop3A_905 = tpu.vector_load %arg14[%parallel_loop3A_903, %parallel_loop3A_904] {strides = array<i32>} : memref<1280x64xf32, #tpu.memory_space<vmem>>, vector<16xf32>,
        %parallel_loop3A_906 = arith.mulf %parallel_loop3A_259, %parallel_loop3A_905 : vector<16xf32>
        %parallel_loop3A_907 = arith.addf %parallel_loop3A_898, %parallel_loop3A_906 : vector<16xf32>
        %parallel_loop3A_908 = arith.constant 20 : i32
        %parallel_loop3A_909 = arith.muli %parallel_loop3A_253, %parallel_loop3A_908 : i32
        %parallel_loop3A_910 = arith.constant 9 : i32
        %parallel_loop3A_911 = arith.addi %parallel_loop3A_909, %parallel_loop3A_910 : i32
        %parallel_loop3A_912 = arith.index_cast %parallel_loop3A_911 : i32 to index
        %parallel_loop3A_913 = arith.constant 32 : index
        %parallel_loop3A_914 = tpu.vector_load %arg14[%parallel_loop3A_912, %parallel_loop3A_913] {strides = array<i32>} : memref<1280x64xf32, #tpu.memory_space<vmem>>, vector<16xf32>,
        %parallel_loop3A_915 = arith.mulf %parallel_loop3A_262, %parallel_loop3A_914 : vector<16xf32>
        %parallel_loop3A_916 = arith.addf %parallel_loop3A_907, %parallel_loop3A_915 : vector<16xf32>
        %parallel_loop3A_917 = arith.constant 20 : i32
        %parallel_loop3A_918 = arith.muli %parallel_loop3A_253, %parallel_loop3A_917 : i32
        %parallel_loop3A_919 = arith.constant 9 : i32
        %parallel_loop3A_920 = arith.addi %parallel_loop3A_918, %parallel_loop3A_919 : i32
        %parallel_loop3A_921 = arith.index_cast %parallel_loop3A_920 : i32 to index
        %parallel_loop3A_922 = arith.constant 48 : index
        %parallel_loop3A_923 = tpu.vector_load %arg14[%parallel_loop3A_921, %parallel_loop3A_922] {strides = array<i32>} : memref<1280x64xf32, #tpu.memory_space<vmem>>, vector<16xf32>,
        %parallel_loop3A_924 = arith.mulf %parallel_loop3A_265, %parallel_loop3A_923 : vector<16xf32>
        %parallel_loop3A_925 = arith.addf %parallel_loop3A_916, %parallel_loop3A_924 : vector<16xf32>
        %parallel_loop3A_926 = arith.constant 0 : i32
        %parallel_loop3A_927 = vector.broadcast %parallel_loop3A_926 : i32 to vector<16xi32>
        %parallel_loop3A_928 = arith.cmpi slt, %and3A, %parallel_loop3A_927 : vector<16xi32>
        %parallel_loop3A_929 = arith.constant 16 : i32
        %parallel_loop3A_930 = vector.broadcast %parallel_loop3A_929 : i32 to vector<16xi32>
        %parallel_loop3A_931 = arith.addi %and3A, %parallel_loop3A_930 : vector<16xi32>
        %parallel_loop3A_932 = arith.select %parallel_loop3A_928, %parallel_loop3A_931, %and3A : vector<16xi1>, vector<16xi32>
        %parallel_loop3A_933 = vector.shape_cast %parallel_loop3A_932 : vector<16xi32> to vector<16x1xi32>
        %parallel_loop3A_934 = vector.shape_cast %parallel_loop3A_933 : vector<16x1xi32> to vector<16xi32>
        %parallel_loop3A_935 = tpu.dynamic_gather %parallel_loop3A_890[%parallel_loop3A_934] in [0] : vector<16xf32>, vector<16xi32> -> vector<16xf32>
        %parallel_loop3A_936 = arith.addf %parallel_loop3A_890, %parallel_loop3A_935 : vector<16xf32>
        %parallel_loop3A_937 = arith.constant 0 : i32
        %parallel_loop3A_938 = vector.broadcast %parallel_loop3A_937 : i32 to vector<16xi32>
        %parallel_loop3A_939 = arith.cmpi slt, %and3A, %parallel_loop3A_938 : vector<16xi32>
        %parallel_loop3A_940 = arith.constant 16 : i32
        %parallel_loop3A_941 = vector.broadcast %parallel_loop3A_940 : i32 to vector<16xi32>
        %parallel_loop3A_942 = arith.addi %and3A, %parallel_loop3A_941 : vector<16xi32>
        %parallel_loop3A_943 = arith.select %parallel_loop3A_939, %parallel_loop3A_942, %and3A : vector<16xi1>, vector<16xi32>
        %parallel_loop3A_944 = vector.shape_cast %parallel_loop3A_943 : vector<16xi32> to vector<16x1xi32>
        %parallel_loop3A_945 = vector.shape_cast %parallel_loop3A_944 : vector<16x1xi32> to vector<16xi32>
        %parallel_loop3A_946 = tpu.dynamic_gather %parallel_loop3A_925[%parallel_loop3A_945] in [0] : vector<16xf32>, vector<16xi32> -> vector<16xf32>
        %parallel_loop3A_947 = arith.addf %parallel_loop3A_925, %parallel_loop3A_946 : vector<16xf32>
        %parallel_loop3A_948 = arith.select %lt3A, %parallel_loop3A_936, %parallel_loop3A_947 : vector<16xi1>, vector<16xf32>
        %parallel_loop3A_949 = arith.constant 0 : i32
        %parallel_loop3A_950 = vector.broadcast %parallel_loop3A_949 : i32 to vector<16xi32>
        %parallel_loop3A_951 = arith.cmpi slt, %or3A_42, %parallel_loop3A_950 : vector<16xi32>
        %parallel_loop3A_952 = arith.constant 16 : i32
        %parallel_loop3A_953 = vector.broadcast %parallel_loop3A_952 : i32 to vector<16xi32>
        %parallel_loop3A_954 = arith.addi %or3A_42, %parallel_loop3A_953 : vector<16xi32>
        %parallel_loop3A_955 = arith.select %parallel_loop3A_951, %parallel_loop3A_954, %or3A_42 : vector<16xi1>, vector<16xi32>
        %parallel_loop3A_956 = vector.shape_cast %parallel_loop3A_955 : vector<16xi32> to vector<16x1xi32>
        %parallel_loop3A_957 = vector.shape_cast %parallel_loop3A_956 : vector<16x1xi32> to vector<16xi32>
        %parallel_loop3A_958 = tpu.dynamic_gather %parallel_loop3A_948[%parallel_loop3A_957] in [0] : vector<16xf32>, vector<16xi32> -> vector<16xf32>
        %parallel_loop3A_959 = arith.addf %parallel_loop3A_948, %parallel_loop3A_958 : vector<16xf32>
        %parallel_loop3A_960 = arith.constant 0 : i32
        %parallel_loop3A_961 = vector.broadcast %parallel_loop3A_960 : i32 to vector<16xi32>
        %parallel_loop3A_962 = arith.cmpi slt, %or3A_52, %parallel_loop3A_961 : vector<16xi32>
        %parallel_loop3A_963 = arith.constant 16 : i32
        %parallel_loop3A_964 = vector.broadcast %parallel_loop3A_963 : i32 to vector<16xi32>
        %parallel_loop3A_965 = arith.addi %or3A_52, %parallel_loop3A_964 : vector<16xi32>
        %parallel_loop3A_966 = arith.select %parallel_loop3A_962, %parallel_loop3A_965, %or3A_52 : vector<16xi1>, vector<16xi32>
        %parallel_loop3A_967 = vector.shape_cast %parallel_loop3A_966 : vector<16xi32> to vector<16x1xi32>
        %parallel_loop3A_968 = vector.shape_cast %parallel_loop3A_967 : vector<16x1xi32> to vector<16xi32>
        %parallel_loop3A_969 = tpu.dynamic_gather %parallel_loop3A_959[%parallel_loop3A_968] in [0] : vector<16xf32>, vector<16xi32> -> vector<16xf32>
        %parallel_loop3A_970 = arith.addf %parallel_loop3A_959, %parallel_loop3A_969 : vector<16xf32>
        %parallel_loop3A_971 = arith.constant 0 : i32
        %parallel_loop3A_972 = vector.broadcast %parallel_loop3A_971 : i32 to vector<16xi32>
        %parallel_loop3A_973 = arith.cmpi slt, %or3A_62, %parallel_loop3A_972 : vector<16xi32>
        %parallel_loop3A_974 = arith.constant 16 : i32
        %parallel_loop3A_975 = vector.broadcast %parallel_loop3A_974 : i32 to vector<16xi32>
        %parallel_loop3A_976 = arith.addi %or3A_62, %parallel_loop3A_975 : vector<16xi32>
        %parallel_loop3A_977 = arith.select %parallel_loop3A_973, %parallel_loop3A_976, %or3A_62 : vector<16xi1>, vector<16xi32>
        %parallel_loop3A_978 = vector.shape_cast %parallel_loop3A_977 : vector<16xi32> to vector<16x1xi32>
        %parallel_loop3A_979 = vector.shape_cast %parallel_loop3A_978 : vector<16x1xi32> to vector<16xi32>
        %parallel_loop3A_980 = tpu.dynamic_gather %parallel_loop3A_970[%parallel_loop3A_979] in [0] : vector<16xf32>, vector<16xi32> -> vector<16xf32>
        %parallel_loop3A_981 = arith.addf %parallel_loop3A_970, %parallel_loop3A_980 : vector<16xf32>
        %parallel_loop3A_982 = arith.constant 8 : i32
        %parallel_loop3A_983 = vector.broadcast %parallel_loop3A_982 : i32 to vector<16xi32>
        %parallel_loop3A_984 = arith.addi %parallel_loop3A_275, %parallel_loop3A_983 : vector<16xi32>
        tpu.vector_store_idx %arg16[%parallel_loop3A_984], %parallel_loop3A_981 masked %or3A : memref<1280xf32, #tpu.memory_space<vmem>>[vector<16xi32>], vector<16xf32>, vector<16xi1>
        %parallel_loop3A_985 = arith.constant 20 : i32
        %parallel_loop3A_986 = arith.muli %parallel_loop3A_253, %parallel_loop3A_985 : i32
        %parallel_loop3A_987 = arith.constant 10 : i32
        %parallel_loop3A_988 = arith.addi %parallel_loop3A_986, %parallel_loop3A_987 : i32
        %parallel_loop3A_989 = arith.index_cast %parallel_loop3A_988 : i32 to index
        %parallel_loop3A_990 = arith.constant 0 : index
        %parallel_loop3A_991 = tpu.vector_load %arg14[%parallel_loop3A_989, %parallel_loop3A_990] {strides = array<i32>} : memref<1280x64xf32, #tpu.memory_space<vmem>>, vector<16xf32>,
        %parallel_loop3A_992 = arith.mulf %parallel_loop3A_256, %parallel_loop3A_991 : vector<16xf32>
        %parallel_loop3A_993 = arith.constant 20 : i32
        %parallel_loop3A_994 = arith.muli %parallel_loop3A_253, %parallel_loop3A_993 : i32
        %parallel_loop3A_995 = arith.constant 10 : i32
        %parallel_loop3A_996 = arith.addi %parallel_loop3A_994, %parallel_loop3A_995 : i32
        %parallel_loop3A_997 = arith.index_cast %parallel_loop3A_996 : i32 to index
        %parallel_loop3A_998 = arith.constant 16 : index
        %parallel_loop3A_999 = tpu.vector_load %arg14[%parallel_loop3A_997, %parallel_loop3A_998] {strides = array<i32>} : memref<1280x64xf32, #tpu.memory_space<vmem>>, vector<16xf32>,
        %parallel_loop3A_1000 = arith.mulf %parallel_loop3A_259, %parallel_loop3A_999 : vector<16xf32>
        %parallel_loop3A_1001 = arith.addf %parallel_loop3A_992, %parallel_loop3A_1000 : vector<16xf32>
        %parallel_loop3A_1002 = arith.constant 20 : i32
        %parallel_loop3A_1003 = arith.muli %parallel_loop3A_253, %parallel_loop3A_1002 : i32
        %parallel_loop3A_1004 = arith.constant 10 : i32
        %parallel_loop3A_1005 = arith.addi %parallel_loop3A_1003, %parallel_loop3A_1004 : i32
        %parallel_loop3A_1006 = arith.index_cast %parallel_loop3A_1005 : i32 to index
        %parallel_loop3A_1007 = arith.constant 32 : index
        %parallel_loop3A_1008 = tpu.vector_load %arg14[%parallel_loop3A_1006, %parallel_loop3A_1007] {strides = array<i32>} : memref<1280x64xf32, #tpu.memory_space<vmem>>, vector<16xf32>,
        %parallel_loop3A_1009 = arith.mulf %parallel_loop3A_262, %parallel_loop3A_1008 : vector<16xf32>
        %parallel_loop3A_1010 = arith.addf %parallel_loop3A_1001, %parallel_loop3A_1009 : vector<16xf32>
        %parallel_loop3A_1011 = arith.constant 20 : i32
        %parallel_loop3A_1012 = arith.muli %parallel_loop3A_253, %parallel_loop3A_1011 : i32
        %parallel_loop3A_1013 = arith.constant 10 : i32
        %parallel_loop3A_1014 = arith.addi %parallel_loop3A_1012, %parallel_loop3A_1013 : i32
        %parallel_loop3A_1015 = arith.index_cast %parallel_loop3A_1014 : i32 to index
        %parallel_loop3A_1016 = arith.constant 48 : index
        %parallel_loop3A_1017 = tpu.vector_load %arg14[%parallel_loop3A_1015, %parallel_loop3A_1016] {strides = array<i32>} : memref<1280x64xf32, #tpu.memory_space<vmem>>, vector<16xf32>,
        %parallel_loop3A_1018 = arith.mulf %parallel_loop3A_265, %parallel_loop3A_1017 : vector<16xf32>
        %parallel_loop3A_1019 = arith.addf %parallel_loop3A_1010, %parallel_loop3A_1018 : vector<16xf32>
        %parallel_loop3A_1020 = arith.constant 20 : i32
        %parallel_loop3A_1021 = arith.muli %parallel_loop3A_253, %parallel_loop3A_1020 : i32
        %parallel_loop3A_1022 = arith.constant 11 : i32
        %parallel_loop3A_1023 = arith.addi %parallel_loop3A_1021, %parallel_loop3A_1022 : i32
        %parallel_loop3A_1024 = arith.index_cast %parallel_loop3A_1023 : i32 to index
        %parallel_loop3A_1025 = arith.constant 0 : index
        %parallel_loop3A_1026 = tpu.vector_load %arg14[%parallel_loop3A_1024, %parallel_loop3A_1025] {strides = array<i32>} : memref<1280x64xf32, #tpu.memory_space<vmem>>, vector<16xf32>,
        %parallel_loop3A_1027 = arith.mulf %parallel_loop3A_256, %parallel_loop3A_1026 : vector<16xf32>
        %parallel_loop3A_1028 = arith.constant 20 : i32
        %parallel_loop3A_1029 = arith.muli %parallel_loop3A_253, %parallel_loop3A_1028 : i32
        %parallel_loop3A_1030 = arith.constant 11 : i32
        %parallel_loop3A_1031 = arith.addi %parallel_loop3A_1029, %parallel_loop3A_1030 : i32
        %parallel_loop3A_1032 = arith.index_cast %parallel_loop3A_1031 : i32 to index
        %parallel_loop3A_1033 = arith.constant 16 : index
        %parallel_loop3A_1034 = tpu.vector_load %arg14[%parallel_loop3A_1032, %parallel_loop3A_1033] {strides = array<i32>} : memref<1280x64xf32, #tpu.memory_space<vmem>>, vector<16xf32>,
        %parallel_loop3A_1035 = arith.mulf %parallel_loop3A_259, %parallel_loop3A_1034 : vector<16xf32>
        %parallel_loop3A_1036 = arith.addf %parallel_loop3A_1027, %parallel_loop3A_1035 : vector<16xf32>
        %parallel_loop3A_1037 = arith.constant 20 : i32
        %parallel_loop3A_1038 = arith.muli %parallel_loop3A_253, %parallel_loop3A_1037 : i32
        %parallel_loop3A_1039 = arith.constant 11 : i32
        %parallel_loop3A_1040 = arith.addi %parallel_loop3A_1038, %parallel_loop3A_1039 : i32
        %parallel_loop3A_1041 = arith.index_cast %parallel_loop3A_1040 : i32 to index
        %parallel_loop3A_1042 = arith.constant 32 : index
        %parallel_loop3A_1043 = tpu.vector_load %arg14[%parallel_loop3A_1041, %parallel_loop3A_1042] {strides = array<i32>} : memref<1280x64xf32, #tpu.memory_space<vmem>>, vector<16xf32>,
        %parallel_loop3A_1044 = arith.mulf %parallel_loop3A_262, %parallel_loop3A_1043 : vector<16xf32>
        %parallel_loop3A_1045 = arith.addf %parallel_loop3A_1036, %parallel_loop3A_1044 : vector<16xf32>
        %parallel_loop3A_1046 = arith.constant 20 : i32
        %parallel_loop3A_1047 = arith.muli %parallel_loop3A_253, %parallel_loop3A_1046 : i32
        %parallel_loop3A_1048 = arith.constant 11 : i32
        %parallel_loop3A_1049 = arith.addi %parallel_loop3A_1047, %parallel_loop3A_1048 : i32
        %parallel_loop3A_1050 = arith.index_cast %parallel_loop3A_1049 : i32 to index
        %parallel_loop3A_1051 = arith.constant 48 : index
        %parallel_loop3A_1052 = tpu.vector_load %arg14[%parallel_loop3A_1050, %parallel_loop3A_1051] {strides = array<i32>} : memref<1280x64xf32, #tpu.memory_space<vmem>>, vector<16xf32>,
        %parallel_loop3A_1053 = arith.mulf %parallel_loop3A_265, %parallel_loop3A_1052 : vector<16xf32>
        %parallel_loop3A_1054 = arith.addf %parallel_loop3A_1045, %parallel_loop3A_1053 : vector<16xf32>
        %parallel_loop3A_1055 = arith.constant 0 : i32
        %parallel_loop3A_1056 = vector.broadcast %parallel_loop3A_1055 : i32 to vector<16xi32>
        %parallel_loop3A_1057 = arith.cmpi slt, %and3A, %parallel_loop3A_1056 : vector<16xi32>
        %parallel_loop3A_1058 = arith.constant 16 : i32
        %parallel_loop3A_1059 = vector.broadcast %parallel_loop3A_1058 : i32 to vector<16xi32>
        %parallel_loop3A_1060 = arith.addi %and3A, %parallel_loop3A_1059 : vector<16xi32>
        %parallel_loop3A_1061 = arith.select %parallel_loop3A_1057, %parallel_loop3A_1060, %and3A : vector<16xi1>, vector<16xi32>
        %parallel_loop3A_1062 = vector.shape_cast %parallel_loop3A_1061 : vector<16xi32> to vector<16x1xi32>
        %parallel_loop3A_1063 = vector.shape_cast %parallel_loop3A_1062 : vector<16x1xi32> to vector<16xi32>
        %parallel_loop3A_1064 = tpu.dynamic_gather %parallel_loop3A_1019[%parallel_loop3A_1063] in [0] : vector<16xf32>, vector<16xi32> -> vector<16xf32>
        %parallel_loop3A_1065 = arith.addf %parallel_loop3A_1019, %parallel_loop3A_1064 : vector<16xf32>
        %parallel_loop3A_1066 = arith.constant 0 : i32
        %parallel_loop3A_1067 = vector.broadcast %parallel_loop3A_1066 : i32 to vector<16xi32>
        %parallel_loop3A_1068 = arith.cmpi slt, %and3A, %parallel_loop3A_1067 : vector<16xi32>
        %parallel_loop3A_1069 = arith.constant 16 : i32
        %parallel_loop3A_1070 = vector.broadcast %parallel_loop3A_1069 : i32 to vector<16xi32>
        %parallel_loop3A_1071 = arith.addi %and3A, %parallel_loop3A_1070 : vector<16xi32>
        %parallel_loop3A_1072 = arith.select %parallel_loop3A_1068, %parallel_loop3A_1071, %and3A : vector<16xi1>, vector<16xi32>
        %parallel_loop3A_1073 = vector.shape_cast %parallel_loop3A_1072 : vector<16xi32> to vector<16x1xi32>
        %parallel_loop3A_1074 = vector.shape_cast %parallel_loop3A_1073 : vector<16x1xi32> to vector<16xi32>
        %parallel_loop3A_1075 = tpu.dynamic_gather %parallel_loop3A_1054[%parallel_loop3A_1074] in [0] : vector<16xf32>, vector<16xi32> -> vector<16xf32>
        %parallel_loop3A_1076 = arith.addf %parallel_loop3A_1054, %parallel_loop3A_1075 : vector<16xf32>
        %parallel_loop3A_1077 = arith.select %lt3A, %parallel_loop3A_1065, %parallel_loop3A_1076 : vector<16xi1>, vector<16xf32>
        %parallel_loop3A_1078 = arith.constant 0 : i32
        %parallel_loop3A_1079 = vector.broadcast %parallel_loop3A_1078 : i32 to vector<16xi32>
        %parallel_loop3A_1080 = arith.cmpi slt, %or3A_42, %parallel_loop3A_1079 : vector<16xi32>
        %parallel_loop3A_1081 = arith.constant 16 : i32
        %parallel_loop3A_1082 = vector.broadcast %parallel_loop3A_1081 : i32 to vector<16xi32>
        %parallel_loop3A_1083 = arith.addi %or3A_42, %parallel_loop3A_1082 : vector<16xi32>
        %parallel_loop3A_1084 = arith.select %parallel_loop3A_1080, %parallel_loop3A_1083, %or3A_42 : vector<16xi1>, vector<16xi32>
        %parallel_loop3A_1085 = vector.shape_cast %parallel_loop3A_1084 : vector<16xi32> to vector<16x1xi32>
        %parallel_loop3A_1086 = vector.shape_cast %parallel_loop3A_1085 : vector<16x1xi32> to vector<16xi32>
        %parallel_loop3A_1087 = tpu.dynamic_gather %parallel_loop3A_1077[%parallel_loop3A_1086] in [0] : vector<16xf32>, vector<16xi32> -> vector<16xf32>
        %parallel_loop3A_1088 = arith.addf %parallel_loop3A_1077, %parallel_loop3A_1087 : vector<16xf32>
        %parallel_loop3A_1089 = arith.constant 0 : i32
        %parallel_loop3A_1090 = vector.broadcast %parallel_loop3A_1089 : i32 to vector<16xi32>
        %parallel_loop3A_1091 = arith.cmpi slt, %or3A_52, %parallel_loop3A_1090 : vector<16xi32>
        %parallel_loop3A_1092 = arith.constant 16 : i32
        %parallel_loop3A_1093 = vector.broadcast %parallel_loop3A_1092 : i32 to vector<16xi32>
        %parallel_loop3A_1094 = arith.addi %or3A_52, %parallel_loop3A_1093 : vector<16xi32>
        %parallel_loop3A_1095 = arith.select %parallel_loop3A_1091, %parallel_loop3A_1094, %or3A_52 : vector<16xi1>, vector<16xi32>
        %parallel_loop3A_1096 = vector.shape_cast %parallel_loop3A_1095 : vector<16xi32> to vector<16x1xi32>
        %parallel_loop3A_1097 = vector.shape_cast %parallel_loop3A_1096 : vector<16x1xi32> to vector<16xi32>
        %parallel_loop3A_1098 = tpu.dynamic_gather %parallel_loop3A_1088[%parallel_loop3A_1097] in [0] : vector<16xf32>, vector<16xi32> -> vector<16xf32>
        %parallel_loop3A_1099 = arith.addf %parallel_loop3A_1088, %parallel_loop3A_1098 : vector<16xf32>
        %parallel_loop3A_1100 = arith.constant 0 : i32
        %parallel_loop3A_1101 = vector.broadcast %parallel_loop3A_1100 : i32 to vector<16xi32>
        %parallel_loop3A_1102 = arith.cmpi slt, %or3A_62, %parallel_loop3A_1101 : vector<16xi32>
        %parallel_loop3A_1103 = arith.constant 16 : i32
        %parallel_loop3A_1104 = vector.broadcast %parallel_loop3A_1103 : i32 to vector<16xi32>
        %parallel_loop3A_1105 = arith.addi %or3A_62, %parallel_loop3A_1104 : vector<16xi32>
        %parallel_loop3A_1106 = arith.select %parallel_loop3A_1102, %parallel_loop3A_1105, %or3A_62 : vector<16xi1>, vector<16xi32>
        %parallel_loop3A_1107 = vector.shape_cast %parallel_loop3A_1106 : vector<16xi32> to vector<16x1xi32>
        %parallel_loop3A_1108 = vector.shape_cast %parallel_loop3A_1107 : vector<16x1xi32> to vector<16xi32>
        %parallel_loop3A_1109 = tpu.dynamic_gather %parallel_loop3A_1099[%parallel_loop3A_1108] in [0] : vector<16xf32>, vector<16xi32> -> vector<16xf32>
        %parallel_loop3A_1110 = arith.addf %parallel_loop3A_1099, %parallel_loop3A_1109 : vector<16xf32>
        %parallel_loop3A_1111 = arith.constant 10 : i32
        %parallel_loop3A_1112 = vector.broadcast %parallel_loop3A_1111 : i32 to vector<16xi32>
        %parallel_loop3A_1113 = arith.addi %parallel_loop3A_275, %parallel_loop3A_1112 : vector<16xi32>
        tpu.vector_store_idx %arg16[%parallel_loop3A_1113], %parallel_loop3A_1110 masked %or3A : memref<1280xf32, #tpu.memory_space<vmem>>[vector<16xi32>], vector<16xf32>, vector<16xi1>
        %parallel_loop3A_1114 = arith.constant 20 : i32
        %parallel_loop3A_1115 = arith.muli %parallel_loop3A_253, %parallel_loop3A_1114 : i32
        %parallel_loop3A_1116 = arith.constant 12 : i32
        %parallel_loop3A_1117 = arith.addi %parallel_loop3A_1115, %parallel_loop3A_1116 : i32
        %parallel_loop3A_1118 = arith.index_cast %parallel_loop3A_1117 : i32 to index
        %parallel_loop3A_1119 = arith.constant 0 : index
        %parallel_loop3A_1120 = tpu.vector_load %arg14[%parallel_loop3A_1118, %parallel_loop3A_1119] {strides = array<i32>} : memref<1280x64xf32, #tpu.memory_space<vmem>>, vector<16xf32>,
        %parallel_loop3A_1121 = arith.mulf %parallel_loop3A_256, %parallel_loop3A_1120 : vector<16xf32>
        %parallel_loop3A_1122 = arith.constant 20 : i32
        %parallel_loop3A_1123 = arith.muli %parallel_loop3A_253, %parallel_loop3A_1122 : i32
        %parallel_loop3A_1124 = arith.constant 12 : i32
        %parallel_loop3A_1125 = arith.addi %parallel_loop3A_1123, %parallel_loop3A_1124 : i32
        %parallel_loop3A_1126 = arith.index_cast %parallel_loop3A_1125 : i32 to index
        %parallel_loop3A_1127 = arith.constant 16 : index
        %parallel_loop3A_1128 = tpu.vector_load %arg14[%parallel_loop3A_1126, %parallel_loop3A_1127] {strides = array<i32>} : memref<1280x64xf32, #tpu.memory_space<vmem>>, vector<16xf32>,
        %parallel_loop3A_1129 = arith.mulf %parallel_loop3A_259, %parallel_loop3A_1128 : vector<16xf32>
        %parallel_loop3A_1130 = arith.addf %parallel_loop3A_1121, %parallel_loop3A_1129 : vector<16xf32>
        %parallel_loop3A_1131 = arith.constant 20 : i32
        %parallel_loop3A_1132 = arith.muli %parallel_loop3A_253, %parallel_loop3A_1131 : i32
        %parallel_loop3A_1133 = arith.constant 12 : i32
        %parallel_loop3A_1134 = arith.addi %parallel_loop3A_1132, %parallel_loop3A_1133 : i32
        %parallel_loop3A_1135 = arith.index_cast %parallel_loop3A_1134 : i32 to index
        %parallel_loop3A_1136 = arith.constant 32 : index
        %parallel_loop3A_1137 = tpu.vector_load %arg14[%parallel_loop3A_1135, %parallel_loop3A_1136] {strides = array<i32>} : memref<1280x64xf32, #tpu.memory_space<vmem>>, vector<16xf32>,
        %parallel_loop3A_1138 = arith.mulf %parallel_loop3A_262, %parallel_loop3A_1137 : vector<16xf32>
        %parallel_loop3A_1139 = arith.addf %parallel_loop3A_1130, %parallel_loop3A_1138 : vector<16xf32>
        %parallel_loop3A_1140 = arith.constant 20 : i32
        %parallel_loop3A_1141 = arith.muli %parallel_loop3A_253, %parallel_loop3A_1140 : i32
        %parallel_loop3A_1142 = arith.constant 12 : i32
        %parallel_loop3A_1143 = arith.addi %parallel_loop3A_1141, %parallel_loop3A_1142 : i32
        %parallel_loop3A_1144 = arith.index_cast %parallel_loop3A_1143 : i32 to index
        %parallel_loop3A_1145 = arith.constant 48 : index
        %parallel_loop3A_1146 = tpu.vector_load %arg14[%parallel_loop3A_1144, %parallel_loop3A_1145] {strides = array<i32>} : memref<1280x64xf32, #tpu.memory_space<vmem>>, vector<16xf32>,
        %parallel_loop3A_1147 = arith.mulf %parallel_loop3A_265, %parallel_loop3A_1146 : vector<16xf32>
        %parallel_loop3A_1148 = arith.addf %parallel_loop3A_1139, %parallel_loop3A_1147 : vector<16xf32>
        %parallel_loop3A_1149 = arith.constant 20 : i32
        %parallel_loop3A_1150 = arith.muli %parallel_loop3A_253, %parallel_loop3A_1149 : i32
        %parallel_loop3A_1151 = arith.constant 13 : i32
        %parallel_loop3A_1152 = arith.addi %parallel_loop3A_1150, %parallel_loop3A_1151 : i32
        %parallel_loop3A_1153 = arith.index_cast %parallel_loop3A_1152 : i32 to index
        %parallel_loop3A_1154 = arith.constant 0 : index
        %parallel_loop3A_1155 = tpu.vector_load %arg14[%parallel_loop3A_1153, %parallel_loop3A_1154] {strides = array<i32>} : memref<1280x64xf32, #tpu.memory_space<vmem>>, vector<16xf32>,
        %parallel_loop3A_1156 = arith.mulf %parallel_loop3A_256, %parallel_loop3A_1155 : vector<16xf32>
        %parallel_loop3A_1157 = arith.constant 20 : i32
        %parallel_loop3A_1158 = arith.muli %parallel_loop3A_253, %parallel_loop3A_1157 : i32
        %parallel_loop3A_1159 = arith.constant 13 : i32
        %parallel_loop3A_1160 = arith.addi %parallel_loop3A_1158, %parallel_loop3A_1159 : i32
        %parallel_loop3A_1161 = arith.index_cast %parallel_loop3A_1160 : i32 to index
        %parallel_loop3A_1162 = arith.constant 16 : index
        %parallel_loop3A_1163 = tpu.vector_load %arg14[%parallel_loop3A_1161, %parallel_loop3A_1162] {strides = array<i32>} : memref<1280x64xf32, #tpu.memory_space<vmem>>, vector<16xf32>,
        %parallel_loop3A_1164 = arith.mulf %parallel_loop3A_259, %parallel_loop3A_1163 : vector<16xf32>
        %parallel_loop3A_1165 = arith.addf %parallel_loop3A_1156, %parallel_loop3A_1164 : vector<16xf32>
        %parallel_loop3A_1166 = arith.constant 20 : i32
        %parallel_loop3A_1167 = arith.muli %parallel_loop3A_253, %parallel_loop3A_1166 : i32
        %parallel_loop3A_1168 = arith.constant 13 : i32
        %parallel_loop3A_1169 = arith.addi %parallel_loop3A_1167, %parallel_loop3A_1168 : i32
        %parallel_loop3A_1170 = arith.index_cast %parallel_loop3A_1169 : i32 to index
        %parallel_loop3A_1171 = arith.constant 32 : index
        %parallel_loop3A_1172 = tpu.vector_load %arg14[%parallel_loop3A_1170, %parallel_loop3A_1171] {strides = array<i32>} : memref<1280x64xf32, #tpu.memory_space<vmem>>, vector<16xf32>,
        %parallel_loop3A_1173 = arith.mulf %parallel_loop3A_262, %parallel_loop3A_1172 : vector<16xf32>
        %parallel_loop3A_1174 = arith.addf %parallel_loop3A_1165, %parallel_loop3A_1173 : vector<16xf32>
        %parallel_loop3A_1175 = arith.constant 20 : i32
        %parallel_loop3A_1176 = arith.muli %parallel_loop3A_253, %parallel_loop3A_1175 : i32
        %parallel_loop3A_1177 = arith.constant 13 : i32
        %parallel_loop3A_1178 = arith.addi %parallel_loop3A_1176, %parallel_loop3A_1177 : i32
        %parallel_loop3A_1179 = arith.index_cast %parallel_loop3A_1178 : i32 to index
        %parallel_loop3A_1180 = arith.constant 48 : index
        %parallel_loop3A_1181 = tpu.vector_load %arg14[%parallel_loop3A_1179, %parallel_loop3A_1180] {strides = array<i32>} : memref<1280x64xf32, #tpu.memory_space<vmem>>, vector<16xf32>,
        %parallel_loop3A_1182 = arith.mulf %parallel_loop3A_265, %parallel_loop3A_1181 : vector<16xf32>
        %parallel_loop3A_1183 = arith.addf %parallel_loop3A_1174, %parallel_loop3A_1182 : vector<16xf32>
        %parallel_loop3A_1184 = arith.constant 0 : i32
        %parallel_loop3A_1185 = vector.broadcast %parallel_loop3A_1184 : i32 to vector<16xi32>
        %parallel_loop3A_1186 = arith.cmpi slt, %and3A, %parallel_loop3A_1185 : vector<16xi32>
        %parallel_loop3A_1187 = arith.constant 16 : i32
        %parallel_loop3A_1188 = vector.broadcast %parallel_loop3A_1187 : i32 to vector<16xi32>
        %parallel_loop3A_1189 = arith.addi %and3A, %parallel_loop3A_1188 : vector<16xi32>
        %parallel_loop3A_1190 = arith.select %parallel_loop3A_1186, %parallel_loop3A_1189, %and3A : vector<16xi1>, vector<16xi32>
        %parallel_loop3A_1191 = vector.shape_cast %parallel_loop3A_1190 : vector<16xi32> to vector<16x1xi32>
        %parallel_loop3A_1192 = vector.shape_cast %parallel_loop3A_1191 : vector<16x1xi32> to vector<16xi32>
        %parallel_loop3A_1193 = tpu.dynamic_gather %parallel_loop3A_1148[%parallel_loop3A_1192] in [0] : vector<16xf32>, vector<16xi32> -> vector<16xf32>
        %parallel_loop3A_1194 = arith.addf %parallel_loop3A_1148, %parallel_loop3A_1193 : vector<16xf32>
        %parallel_loop3A_1195 = arith.constant 0 : i32
        %parallel_loop3A_1196 = vector.broadcast %parallel_loop3A_1195 : i32 to vector<16xi32>
        %parallel_loop3A_1197 = arith.cmpi slt, %and3A, %parallel_loop3A_1196 : vector<16xi32>
        %parallel_loop3A_1198 = arith.constant 16 : i32
        %parallel_loop3A_1199 = vector.broadcast %parallel_loop3A_1198 : i32 to vector<16xi32>
        %parallel_loop3A_1200 = arith.addi %and3A, %parallel_loop3A_1199 : vector<16xi32>
        %parallel_loop3A_1201 = arith.select %parallel_loop3A_1197, %parallel_loop3A_1200, %and3A : vector<16xi1>, vector<16xi32>
        %parallel_loop3A_1202 = vector.shape_cast %parallel_loop3A_1201 : vector<16xi32> to vector<16x1xi32>
        %parallel_loop3A_1203 = vector.shape_cast %parallel_loop3A_1202 : vector<16x1xi32> to vector<16xi32>
        %parallel_loop3A_1204 = tpu.dynamic_gather %parallel_loop3A_1183[%parallel_loop3A_1203] in [0] : vector<16xf32>, vector<16xi32> -> vector<16xf32>
        %parallel_loop3A_1205 = arith.addf %parallel_loop3A_1183, %parallel_loop3A_1204 : vector<16xf32>
        %parallel_loop3A_1206 = arith.select %lt3A, %parallel_loop3A_1194, %parallel_loop3A_1205 : vector<16xi1>, vector<16xf32>
        %parallel_loop3A_1207 = arith.constant 0 : i32
        %parallel_loop3A_1208 = vector.broadcast %parallel_loop3A_1207 : i32 to vector<16xi32>
        %parallel_loop3A_1209 = arith.cmpi slt, %or3A_42, %parallel_loop3A_1208 : vector<16xi32>
        %parallel_loop3A_1210 = arith.constant 16 : i32
        %parallel_loop3A_1211 = vector.broadcast %parallel_loop3A_1210 : i32 to vector<16xi32>
        %parallel_loop3A_1212 = arith.addi %or3A_42, %parallel_loop3A_1211 : vector<16xi32>
        %parallel_loop3A_1213 = arith.select %parallel_loop3A_1209, %parallel_loop3A_1212, %or3A_42 : vector<16xi1>, vector<16xi32>
        %parallel_loop3A_1214 = vector.shape_cast %parallel_loop3A_1213 : vector<16xi32> to vector<16x1xi32>
        %parallel_loop3A_1215 = vector.shape_cast %parallel_loop3A_1214 : vector<16x1xi32> to vector<16xi32>
        %parallel_loop3A_1216 = tpu.dynamic_gather %parallel_loop3A_1206[%parallel_loop3A_1215] in [0] : vector<16xf32>, vector<16xi32> -> vector<16xf32>
        %parallel_loop3A_1217 = arith.addf %parallel_loop3A_1206, %parallel_loop3A_1216 : vector<16xf32>
        %parallel_loop3A_1218 = arith.constant 0 : i32
        %parallel_loop3A_1219 = vector.broadcast %parallel_loop3A_1218 : i32 to vector<16xi32>
        %parallel_loop3A_1220 = arith.cmpi slt, %or3A_52, %parallel_loop3A_1219 : vector<16xi32>
        %parallel_loop3A_1221 = arith.constant 16 : i32
        %parallel_loop3A_1222 = vector.broadcast %parallel_loop3A_1221 : i32 to vector<16xi32>
        %parallel_loop3A_1223 = arith.addi %or3A_52, %parallel_loop3A_1222 : vector<16xi32>
        %parallel_loop3A_1224 = arith.select %parallel_loop3A_1220, %parallel_loop3A_1223, %or3A_52 : vector<16xi1>, vector<16xi32>
        %parallel_loop3A_1225 = vector.shape_cast %parallel_loop3A_1224 : vector<16xi32> to vector<16x1xi32>
        %parallel_loop3A_1226 = vector.shape_cast %parallel_loop3A_1225 : vector<16x1xi32> to vector<16xi32>
        %parallel_loop3A_1227 = tpu.dynamic_gather %parallel_loop3A_1217[%parallel_loop3A_1226] in [0] : vector<16xf32>, vector<16xi32> -> vector<16xf32>
        %parallel_loop3A_1228 = arith.addf %parallel_loop3A_1217, %parallel_loop3A_1227 : vector<16xf32>
        %parallel_loop3A_1229 = arith.constant 0 : i32
        %parallel_loop3A_1230 = vector.broadcast %parallel_loop3A_1229 : i32 to vector<16xi32>
        %parallel_loop3A_1231 = arith.cmpi slt, %or3A_62, %parallel_loop3A_1230 : vector<16xi32>
        %parallel_loop3A_1232 = arith.constant 16 : i32
        %parallel_loop3A_1233 = vector.broadcast %parallel_loop3A_1232 : i32 to vector<16xi32>
        %parallel_loop3A_1234 = arith.addi %or3A_62, %parallel_loop3A_1233 : vector<16xi32>
        %parallel_loop3A_1235 = arith.select %parallel_loop3A_1231, %parallel_loop3A_1234, %or3A_62 : vector<16xi1>, vector<16xi32>
        %parallel_loop3A_1236 = vector.shape_cast %parallel_loop3A_1235 : vector<16xi32> to vector<16x1xi32>
        %parallel_loop3A_1237 = vector.shape_cast %parallel_loop3A_1236 : vector<16x1xi32> to vector<16xi32>
        %parallel_loop3A_1238 = tpu.dynamic_gather %parallel_loop3A_1228[%parallel_loop3A_1237] in [0] : vector<16xf32>, vector<16xi32> -> vector<16xf32>
        %parallel_loop3A_1239 = arith.addf %parallel_loop3A_1228, %parallel_loop3A_1238 : vector<16xf32>
        %parallel_loop3A_1240 = arith.constant 12 : i32
        %parallel_loop3A_1241 = vector.broadcast %parallel_loop3A_1240 : i32 to vector<16xi32>
        %parallel_loop3A_1242 = arith.addi %parallel_loop3A_275, %parallel_loop3A_1241 : vector<16xi32>
        tpu.vector_store_idx %arg16[%parallel_loop3A_1242], %parallel_loop3A_1239 masked %or3A : memref<1280xf32, #tpu.memory_space<vmem>>[vector<16xi32>], vector<16xf32>, vector<16xi1>
        %parallel_loop3A_1243 = arith.constant 20 : i32
        %parallel_loop3A_1244 = arith.muli %parallel_loop3A_253, %parallel_loop3A_1243 : i32
        %parallel_loop3A_1245 = arith.constant 14 : i32
        %parallel_loop3A_1246 = arith.addi %parallel_loop3A_1244, %parallel_loop3A_1245 : i32
        %parallel_loop3A_1247 = arith.index_cast %parallel_loop3A_1246 : i32 to index
        %parallel_loop3A_1248 = arith.constant 0 : index
        %parallel_loop3A_1249 = tpu.vector_load %arg14[%parallel_loop3A_1247, %parallel_loop3A_1248] {strides = array<i32>} : memref<1280x64xf32, #tpu.memory_space<vmem>>, vector<16xf32>,
        %parallel_loop3A_1250 = arith.mulf %parallel_loop3A_256, %parallel_loop3A_1249 : vector<16xf32>
        %parallel_loop3A_1251 = arith.constant 20 : i32
        %parallel_loop3A_1252 = arith.muli %parallel_loop3A_253, %parallel_loop3A_1251 : i32
        %parallel_loop3A_1253 = arith.constant 14 : i32
        %parallel_loop3A_1254 = arith.addi %parallel_loop3A_1252, %parallel_loop3A_1253 : i32
        %parallel_loop3A_1255 = arith.index_cast %parallel_loop3A_1254 : i32 to index
        %parallel_loop3A_1256 = arith.constant 16 : index
        %parallel_loop3A_1257 = tpu.vector_load %arg14[%parallel_loop3A_1255, %parallel_loop3A_1256] {strides = array<i32>} : memref<1280x64xf32, #tpu.memory_space<vmem>>, vector<16xf32>,
        %parallel_loop3A_1258 = arith.mulf %parallel_loop3A_259, %parallel_loop3A_1257 : vector<16xf32>
        %parallel_loop3A_1259 = arith.addf %parallel_loop3A_1250, %parallel_loop3A_1258 : vector<16xf32>
        %parallel_loop3A_1260 = arith.constant 20 : i32
        %parallel_loop3A_1261 = arith.muli %parallel_loop3A_253, %parallel_loop3A_1260 : i32
        %parallel_loop3A_1262 = arith.constant 14 : i32
        %parallel_loop3A_1263 = arith.addi %parallel_loop3A_1261, %parallel_loop3A_1262 : i32
        %parallel_loop3A_1264 = arith.index_cast %parallel_loop3A_1263 : i32 to index
        %parallel_loop3A_1265 = arith.constant 32 : index
        %parallel_loop3A_1266 = tpu.vector_load %arg14[%parallel_loop3A_1264, %parallel_loop3A_1265] {strides = array<i32>} : memref<1280x64xf32, #tpu.memory_space<vmem>>, vector<16xf32>,
        %parallel_loop3A_1267 = arith.mulf %parallel_loop3A_262, %parallel_loop3A_1266 : vector<16xf32>
        %parallel_loop3A_1268 = arith.addf %parallel_loop3A_1259, %parallel_loop3A_1267 : vector<16xf32>
        %parallel_loop3A_1269 = arith.constant 20 : i32
        %parallel_loop3A_1270 = arith.muli %parallel_loop3A_253, %parallel_loop3A_1269 : i32
        %parallel_loop3A_1271 = arith.constant 14 : i32
        %parallel_loop3A_1272 = arith.addi %parallel_loop3A_1270, %parallel_loop3A_1271 : i32
        %parallel_loop3A_1273 = arith.index_cast %parallel_loop3A_1272 : i32 to index
        %parallel_loop3A_1274 = arith.constant 48 : index
        %parallel_loop3A_1275 = tpu.vector_load %arg14[%parallel_loop3A_1273, %parallel_loop3A_1274] {strides = array<i32>} : memref<1280x64xf32, #tpu.memory_space<vmem>>, vector<16xf32>,
        %parallel_loop3A_1276 = arith.mulf %parallel_loop3A_265, %parallel_loop3A_1275 : vector<16xf32>
        %parallel_loop3A_1277 = arith.addf %parallel_loop3A_1268, %parallel_loop3A_1276 : vector<16xf32>
        %parallel_loop3A_1278 = arith.constant 20 : i32
        %parallel_loop3A_1279 = arith.muli %parallel_loop3A_253, %parallel_loop3A_1278 : i32
        %parallel_loop3A_1280 = arith.constant 15 : i32
        %parallel_loop3A_1281 = arith.addi %parallel_loop3A_1279, %parallel_loop3A_1280 : i32
        %parallel_loop3A_1282 = arith.index_cast %parallel_loop3A_1281 : i32 to index
        %parallel_loop3A_1283 = arith.constant 0 : index
        %parallel_loop3A_1284 = tpu.vector_load %arg14[%parallel_loop3A_1282, %parallel_loop3A_1283] {strides = array<i32>} : memref<1280x64xf32, #tpu.memory_space<vmem>>, vector<16xf32>,
        %parallel_loop3A_1285 = arith.mulf %parallel_loop3A_256, %parallel_loop3A_1284 : vector<16xf32>
        %parallel_loop3A_1286 = arith.constant 20 : i32
        %parallel_loop3A_1287 = arith.muli %parallel_loop3A_253, %parallel_loop3A_1286 : i32
        %parallel_loop3A_1288 = arith.constant 15 : i32
        %parallel_loop3A_1289 = arith.addi %parallel_loop3A_1287, %parallel_loop3A_1288 : i32
        %parallel_loop3A_1290 = arith.index_cast %parallel_loop3A_1289 : i32 to index
        %parallel_loop3A_1291 = arith.constant 16 : index
        %parallel_loop3A_1292 = tpu.vector_load %arg14[%parallel_loop3A_1290, %parallel_loop3A_1291] {strides = array<i32>} : memref<1280x64xf32, #tpu.memory_space<vmem>>, vector<16xf32>,
        %parallel_loop3A_1293 = arith.mulf %parallel_loop3A_259, %parallel_loop3A_1292 : vector<16xf32>
        %parallel_loop3A_1294 = arith.addf %parallel_loop3A_1285, %parallel_loop3A_1293 : vector<16xf32>
        %parallel_loop3A_1295 = arith.constant 20 : i32
        %parallel_loop3A_1296 = arith.muli %parallel_loop3A_253, %parallel_loop3A_1295 : i32
        %parallel_loop3A_1297 = arith.constant 15 : i32
        %parallel_loop3A_1298 = arith.addi %parallel_loop3A_1296, %parallel_loop3A_1297 : i32
        %parallel_loop3A_1299 = arith.index_cast %parallel_loop3A_1298 : i32 to index
        %parallel_loop3A_1300 = arith.constant 32 : index
        %parallel_loop3A_1301 = tpu.vector_load %arg14[%parallel_loop3A_1299, %parallel_loop3A_1300] {strides = array<i32>} : memref<1280x64xf32, #tpu.memory_space<vmem>>, vector<16xf32>,
        %parallel_loop3A_1302 = arith.mulf %parallel_loop3A_262, %parallel_loop3A_1301 : vector<16xf32>
        %parallel_loop3A_1303 = arith.addf %parallel_loop3A_1294, %parallel_loop3A_1302 : vector<16xf32>
        %parallel_loop3A_1304 = arith.constant 20 : i32
        %parallel_loop3A_1305 = arith.muli %parallel_loop3A_253, %parallel_loop3A_1304 : i32
        %parallel_loop3A_1306 = arith.constant 15 : i32
        %parallel_loop3A_1307 = arith.addi %parallel_loop3A_1305, %parallel_loop3A_1306 : i32
        %parallel_loop3A_1308 = arith.index_cast %parallel_loop3A_1307 : i32 to index
        %parallel_loop3A_1309 = arith.constant 48 : index
        %parallel_loop3A_1310 = tpu.vector_load %arg14[%parallel_loop3A_1308, %parallel_loop3A_1309] {strides = array<i32>} : memref<1280x64xf32, #tpu.memory_space<vmem>>, vector<16xf32>,
        %parallel_loop3A_1311 = arith.mulf %parallel_loop3A_265, %parallel_loop3A_1310 : vector<16xf32>
        %parallel_loop3A_1312 = arith.addf %parallel_loop3A_1303, %parallel_loop3A_1311 : vector<16xf32>
        %parallel_loop3A_1313 = arith.constant 0 : i32
        %parallel_loop3A_1314 = vector.broadcast %parallel_loop3A_1313 : i32 to vector<16xi32>
        %parallel_loop3A_1315 = arith.cmpi slt, %and3A, %parallel_loop3A_1314 : vector<16xi32>
        %parallel_loop3A_1316 = arith.constant 16 : i32
        %parallel_loop3A_1317 = vector.broadcast %parallel_loop3A_1316 : i32 to vector<16xi32>
        %parallel_loop3A_1318 = arith.addi %and3A, %parallel_loop3A_1317 : vector<16xi32>
        %parallel_loop3A_1319 = arith.select %parallel_loop3A_1315, %parallel_loop3A_1318, %and3A : vector<16xi1>, vector<16xi32>
        %parallel_loop3A_1320 = vector.shape_cast %parallel_loop3A_1319 : vector<16xi32> to vector<16x1xi32>
        %parallel_loop3A_1321 = vector.shape_cast %parallel_loop3A_1320 : vector<16x1xi32> to vector<16xi32>
        %parallel_loop3A_1322 = tpu.dynamic_gather %parallel_loop3A_1277[%parallel_loop3A_1321] in [0] : vector<16xf32>, vector<16xi32> -> vector<16xf32>
        %parallel_loop3A_1323 = arith.addf %parallel_loop3A_1277, %parallel_loop3A_1322 : vector<16xf32>
        %parallel_loop3A_1324 = arith.constant 0 : i32
        %parallel_loop3A_1325 = vector.broadcast %parallel_loop3A_1324 : i32 to vector<16xi32>
        %parallel_loop3A_1326 = arith.cmpi slt, %and3A, %parallel_loop3A_1325 : vector<16xi32>
        %parallel_loop3A_1327 = arith.constant 16 : i32
        %parallel_loop3A_1328 = vector.broadcast %parallel_loop3A_1327 : i32 to vector<16xi32>
        %parallel_loop3A_1329 = arith.addi %and3A, %parallel_loop3A_1328 : vector<16xi32>
        %parallel_loop3A_1330 = arith.select %parallel_loop3A_1326, %parallel_loop3A_1329, %and3A : vector<16xi1>, vector<16xi32>
        %parallel_loop3A_1331 = vector.shape_cast %parallel_loop3A_1330 : vector<16xi32> to vector<16x1xi32>
        %parallel_loop3A_1332 = vector.shape_cast %parallel_loop3A_1331 : vector<16x1xi32> to vector<16xi32>
        %parallel_loop3A_1333 = tpu.dynamic_gather %parallel_loop3A_1312[%parallel_loop3A_1332] in [0] : vector<16xf32>, vector<16xi32> -> vector<16xf32>
        %parallel_loop3A_1334 = arith.addf %parallel_loop3A_1312, %parallel_loop3A_1333 : vector<16xf32>
        %parallel_loop3A_1335 = arith.select %lt3A, %parallel_loop3A_1323, %parallel_loop3A_1334 : vector<16xi1>, vector<16xf32>
        %parallel_loop3A_1336 = arith.constant 0 : i32
        %parallel_loop3A_1337 = vector.broadcast %parallel_loop3A_1336 : i32 to vector<16xi32>
        %parallel_loop3A_1338 = arith.cmpi slt, %or3A_42, %parallel_loop3A_1337 : vector<16xi32>
        %parallel_loop3A_1339 = arith.constant 16 : i32
        %parallel_loop3A_1340 = vector.broadcast %parallel_loop3A_1339 : i32 to vector<16xi32>
        %parallel_loop3A_1341 = arith.addi %or3A_42, %parallel_loop3A_1340 : vector<16xi32>
        %parallel_loop3A_1342 = arith.select %parallel_loop3A_1338, %parallel_loop3A_1341, %or3A_42 : vector<16xi1>, vector<16xi32>
        %parallel_loop3A_1343 = vector.shape_cast %parallel_loop3A_1342 : vector<16xi32> to vector<16x1xi32>
        %parallel_loop3A_1344 = vector.shape_cast %parallel_loop3A_1343 : vector<16x1xi32> to vector<16xi32>
        %parallel_loop3A_1345 = tpu.dynamic_gather %parallel_loop3A_1335[%parallel_loop3A_1344] in [0] : vector<16xf32>, vector<16xi32> -> vector<16xf32>
        %parallel_loop3A_1346 = arith.addf %parallel_loop3A_1335, %parallel_loop3A_1345 : vector<16xf32>
        %parallel_loop3A_1347 = arith.constant 0 : i32
        %parallel_loop3A_1348 = vector.broadcast %parallel_loop3A_1347 : i32 to vector<16xi32>
        %parallel_loop3A_1349 = arith.cmpi slt, %or3A_52, %parallel_loop3A_1348 : vector<16xi32>
        %parallel_loop3A_1350 = arith.constant 16 : i32
        %parallel_loop3A_1351 = vector.broadcast %parallel_loop3A_1350 : i32 to vector<16xi32>
        %parallel_loop3A_1352 = arith.addi %or3A_52, %parallel_loop3A_1351 : vector<16xi32>
        %parallel_loop3A_1353 = arith.select %parallel_loop3A_1349, %parallel_loop3A_1352, %or3A_52 : vector<16xi1>, vector<16xi32>
        %parallel_loop3A_1354 = vector.shape_cast %parallel_loop3A_1353 : vector<16xi32> to vector<16x1xi32>
        %parallel_loop3A_1355 = vector.shape_cast %parallel_loop3A_1354 : vector<16x1xi32> to vector<16xi32>
        %parallel_loop3A_1356 = tpu.dynamic_gather %parallel_loop3A_1346[%parallel_loop3A_1355] in [0] : vector<16xf32>, vector<16xi32> -> vector<16xf32>
        %parallel_loop3A_1357 = arith.addf %parallel_loop3A_1346, %parallel_loop3A_1356 : vector<16xf32>
        %parallel_loop3A_1358 = arith.constant 0 : i32
        %parallel_loop3A_1359 = vector.broadcast %parallel_loop3A_1358 : i32 to vector<16xi32>
        %parallel_loop3A_1360 = arith.cmpi slt, %or3A_62, %parallel_loop3A_1359 : vector<16xi32>
        %parallel_loop3A_1361 = arith.constant 16 : i32
        %parallel_loop3A_1362 = vector.broadcast %parallel_loop3A_1361 : i32 to vector<16xi32>
        %parallel_loop3A_1363 = arith.addi %or3A_62, %parallel_loop3A_1362 : vector<16xi32>
        %parallel_loop3A_1364 = arith.select %parallel_loop3A_1360, %parallel_loop3A_1363, %or3A_62 : vector<16xi1>, vector<16xi32>
        %parallel_loop3A_1365 = vector.shape_cast %parallel_loop3A_1364 : vector<16xi32> to vector<16x1xi32>
        %parallel_loop3A_1366 = vector.shape_cast %parallel_loop3A_1365 : vector<16x1xi32> to vector<16xi32>
        %parallel_loop3A_1367 = tpu.dynamic_gather %parallel_loop3A_1357[%parallel_loop3A_1366] in [0] : vector<16xf32>, vector<16xi32> -> vector<16xf32>
        %parallel_loop3A_1368 = arith.addf %parallel_loop3A_1357, %parallel_loop3A_1367 : vector<16xf32>
        %parallel_loop3A_1369 = arith.constant 14 : i32
        %parallel_loop3A_1370 = vector.broadcast %parallel_loop3A_1369 : i32 to vector<16xi32>
        %parallel_loop3A_1371 = arith.addi %parallel_loop3A_275, %parallel_loop3A_1370 : vector<16xi32>
        tpu.vector_store_idx %arg16[%parallel_loop3A_1371], %parallel_loop3A_1368 masked %or3A : memref<1280xf32, #tpu.memory_space<vmem>>[vector<16xi32>], vector<16xf32>, vector<16xi1>
        %parallel_loop3A_1372 = arith.constant 20 : i32
        %parallel_loop3A_1373 = arith.muli %parallel_loop3A_253, %parallel_loop3A_1372 : i32
        %parallel_loop3A_1374 = arith.constant 16 : i32
        %parallel_loop3A_1375 = arith.addi %parallel_loop3A_1373, %parallel_loop3A_1374 : i32
        %parallel_loop3A_1376 = arith.index_cast %parallel_loop3A_1375 : i32 to index
        %parallel_loop3A_1377 = arith.constant 0 : index
        %parallel_loop3A_1378 = tpu.vector_load %arg14[%parallel_loop3A_1376, %parallel_loop3A_1377] {strides = array<i32>} : memref<1280x64xf32, #tpu.memory_space<vmem>>, vector<16xf32>,
        %parallel_loop3A_1379 = arith.mulf %parallel_loop3A_256, %parallel_loop3A_1378 : vector<16xf32>
        %parallel_loop3A_1380 = arith.constant 20 : i32
        %parallel_loop3A_1381 = arith.muli %parallel_loop3A_253, %parallel_loop3A_1380 : i32
        %parallel_loop3A_1382 = arith.constant 16 : i32
        %parallel_loop3A_1383 = arith.addi %parallel_loop3A_1381, %parallel_loop3A_1382 : i32
        %parallel_loop3A_1384 = arith.index_cast %parallel_loop3A_1383 : i32 to index
        %parallel_loop3A_1385 = arith.constant 16 : index
        %parallel_loop3A_1386 = tpu.vector_load %arg14[%parallel_loop3A_1384, %parallel_loop3A_1385] {strides = array<i32>} : memref<1280x64xf32, #tpu.memory_space<vmem>>, vector<16xf32>,
        %parallel_loop3A_1387 = arith.mulf %parallel_loop3A_259, %parallel_loop3A_1386 : vector<16xf32>
        %parallel_loop3A_1388 = arith.addf %parallel_loop3A_1379, %parallel_loop3A_1387 : vector<16xf32>
        %parallel_loop3A_1389 = arith.constant 20 : i32
        %parallel_loop3A_1390 = arith.muli %parallel_loop3A_253, %parallel_loop3A_1389 : i32
        %parallel_loop3A_1391 = arith.constant 16 : i32
        %parallel_loop3A_1392 = arith.addi %parallel_loop3A_1390, %parallel_loop3A_1391 : i32
        %parallel_loop3A_1393 = arith.index_cast %parallel_loop3A_1392 : i32 to index
        %parallel_loop3A_1394 = arith.constant 32 : index
        %parallel_loop3A_1395 = tpu.vector_load %arg14[%parallel_loop3A_1393, %parallel_loop3A_1394] {strides = array<i32>} : memref<1280x64xf32, #tpu.memory_space<vmem>>, vector<16xf32>,
        %parallel_loop3A_1396 = arith.mulf %parallel_loop3A_262, %parallel_loop3A_1395 : vector<16xf32>
        %parallel_loop3A_1397 = arith.addf %parallel_loop3A_1388, %parallel_loop3A_1396 : vector<16xf32>
        %parallel_loop3A_1398 = arith.constant 20 : i32
        %parallel_loop3A_1399 = arith.muli %parallel_loop3A_253, %parallel_loop3A_1398 : i32
        %parallel_loop3A_1400 = arith.constant 16 : i32
        %parallel_loop3A_1401 = arith.addi %parallel_loop3A_1399, %parallel_loop3A_1400 : i32
        %parallel_loop3A_1402 = arith.index_cast %parallel_loop3A_1401 : i32 to index
        %parallel_loop3A_1403 = arith.constant 48 : index
        %parallel_loop3A_1404 = tpu.vector_load %arg14[%parallel_loop3A_1402, %parallel_loop3A_1403] {strides = array<i32>} : memref<1280x64xf32, #tpu.memory_space<vmem>>, vector<16xf32>,
        %parallel_loop3A_1405 = arith.mulf %parallel_loop3A_265, %parallel_loop3A_1404 : vector<16xf32>
        %parallel_loop3A_1406 = arith.addf %parallel_loop3A_1397, %parallel_loop3A_1405 : vector<16xf32>
        %parallel_loop3A_1407 = arith.constant 20 : i32
        %parallel_loop3A_1408 = arith.muli %parallel_loop3A_253, %parallel_loop3A_1407 : i32
        %parallel_loop3A_1409 = arith.constant 17 : i32
        %parallel_loop3A_1410 = arith.addi %parallel_loop3A_1408, %parallel_loop3A_1409 : i32
        %parallel_loop3A_1411 = arith.index_cast %parallel_loop3A_1410 : i32 to index
        %parallel_loop3A_1412 = arith.constant 0 : index
        %parallel_loop3A_1413 = tpu.vector_load %arg14[%parallel_loop3A_1411, %parallel_loop3A_1412] {strides = array<i32>} : memref<1280x64xf32, #tpu.memory_space<vmem>>, vector<16xf32>,
        %parallel_loop3A_1414 = arith.mulf %parallel_loop3A_256, %parallel_loop3A_1413 : vector<16xf32>
        %parallel_loop3A_1415 = arith.constant 20 : i32
        %parallel_loop3A_1416 = arith.muli %parallel_loop3A_253, %parallel_loop3A_1415 : i32
        %parallel_loop3A_1417 = arith.constant 17 : i32
        %parallel_loop3A_1418 = arith.addi %parallel_loop3A_1416, %parallel_loop3A_1417 : i32
        %parallel_loop3A_1419 = arith.index_cast %parallel_loop3A_1418 : i32 to index
        %parallel_loop3A_1420 = arith.constant 16 : index
        %parallel_loop3A_1421 = tpu.vector_load %arg14[%parallel_loop3A_1419, %parallel_loop3A_1420] {strides = array<i32>} : memref<1280x64xf32, #tpu.memory_space<vmem>>, vector<16xf32>,
        %parallel_loop3A_1422 = arith.mulf %parallel_loop3A_259, %parallel_loop3A_1421 : vector<16xf32>
        %parallel_loop3A_1423 = arith.addf %parallel_loop3A_1414, %parallel_loop3A_1422 : vector<16xf32>
        %parallel_loop3A_1424 = arith.constant 20 : i32
        %parallel_loop3A_1425 = arith.muli %parallel_loop3A_253, %parallel_loop3A_1424 : i32
        %parallel_loop3A_1426 = arith.constant 17 : i32
        %parallel_loop3A_1427 = arith.addi %parallel_loop3A_1425, %parallel_loop3A_1426 : i32
        %parallel_loop3A_1428 = arith.index_cast %parallel_loop3A_1427 : i32 to index
        %parallel_loop3A_1429 = arith.constant 32 : index
        %parallel_loop3A_1430 = tpu.vector_load %arg14[%parallel_loop3A_1428, %parallel_loop3A_1429] {strides = array<i32>} : memref<1280x64xf32, #tpu.memory_space<vmem>>, vector<16xf32>,
        %parallel_loop3A_1431 = arith.mulf %parallel_loop3A_262, %parallel_loop3A_1430 : vector<16xf32>
        %parallel_loop3A_1432 = arith.addf %parallel_loop3A_1423, %parallel_loop3A_1431 : vector<16xf32>
        %parallel_loop3A_1433 = arith.constant 20 : i32
        %parallel_loop3A_1434 = arith.muli %parallel_loop3A_253, %parallel_loop3A_1433 : i32
        %parallel_loop3A_1435 = arith.constant 17 : i32
        %parallel_loop3A_1436 = arith.addi %parallel_loop3A_1434, %parallel_loop3A_1435 : i32
        %parallel_loop3A_1437 = arith.index_cast %parallel_loop3A_1436 : i32 to index
        %parallel_loop3A_1438 = arith.constant 48 : index
        %parallel_loop3A_1439 = tpu.vector_load %arg14[%parallel_loop3A_1437, %parallel_loop3A_1438] {strides = array<i32>} : memref<1280x64xf32, #tpu.memory_space<vmem>>, vector<16xf32>,
        %parallel_loop3A_1440 = arith.mulf %parallel_loop3A_265, %parallel_loop3A_1439 : vector<16xf32>
        %parallel_loop3A_1441 = arith.addf %parallel_loop3A_1432, %parallel_loop3A_1440 : vector<16xf32>
        %parallel_loop3A_1442 = arith.constant 0 : i32
        %parallel_loop3A_1443 = vector.broadcast %parallel_loop3A_1442 : i32 to vector<16xi32>
        %parallel_loop3A_1444 = arith.cmpi slt, %and3A, %parallel_loop3A_1443 : vector<16xi32>
        %parallel_loop3A_1445 = arith.constant 16 : i32
        %parallel_loop3A_1446 = vector.broadcast %parallel_loop3A_1445 : i32 to vector<16xi32>
        %parallel_loop3A_1447 = arith.addi %and3A, %parallel_loop3A_1446 : vector<16xi32>
        %parallel_loop3A_1448 = arith.select %parallel_loop3A_1444, %parallel_loop3A_1447, %and3A : vector<16xi1>, vector<16xi32>
        %parallel_loop3A_1449 = vector.shape_cast %parallel_loop3A_1448 : vector<16xi32> to vector<16x1xi32>
        %parallel_loop3A_1450 = vector.shape_cast %parallel_loop3A_1449 : vector<16x1xi32> to vector<16xi32>
        %parallel_loop3A_1451 = tpu.dynamic_gather %parallel_loop3A_1406[%parallel_loop3A_1450] in [0] : vector<16xf32>, vector<16xi32> -> vector<16xf32>
        %parallel_loop3A_1452 = arith.addf %parallel_loop3A_1406, %parallel_loop3A_1451 : vector<16xf32>
        %parallel_loop3A_1453 = arith.constant 0 : i32
        %parallel_loop3A_1454 = vector.broadcast %parallel_loop3A_1453 : i32 to vector<16xi32>
        %parallel_loop3A_1455 = arith.cmpi slt, %and3A, %parallel_loop3A_1454 : vector<16xi32>
        %parallel_loop3A_1456 = arith.constant 16 : i32
        %parallel_loop3A_1457 = vector.broadcast %parallel_loop3A_1456 : i32 to vector<16xi32>
        %parallel_loop3A_1458 = arith.addi %and3A, %parallel_loop3A_1457 : vector<16xi32>
        %parallel_loop3A_1459 = arith.select %parallel_loop3A_1455, %parallel_loop3A_1458, %and3A : vector<16xi1>, vector<16xi32>
        %parallel_loop3A_1460 = vector.shape_cast %parallel_loop3A_1459 : vector<16xi32> to vector<16x1xi32>
        %parallel_loop3A_1461 = vector.shape_cast %parallel_loop3A_1460 : vector<16x1xi32> to vector<16xi32>
        %parallel_loop3A_1462 = tpu.dynamic_gather %parallel_loop3A_1441[%parallel_loop3A_1461] in [0] : vector<16xf32>, vector<16xi32> -> vector<16xf32>
        %parallel_loop3A_1463 = arith.addf %parallel_loop3A_1441, %parallel_loop3A_1462 : vector<16xf32>
        %parallel_loop3A_1464 = arith.select %lt3A, %parallel_loop3A_1452, %parallel_loop3A_1463 : vector<16xi1>, vector<16xf32>
        %parallel_loop3A_1465 = arith.constant 0 : i32
        %parallel_loop3A_1466 = vector.broadcast %parallel_loop3A_1465 : i32 to vector<16xi32>
        %parallel_loop3A_1467 = arith.cmpi slt, %or3A_42, %parallel_loop3A_1466 : vector<16xi32>
        %parallel_loop3A_1468 = arith.constant 16 : i32
        %parallel_loop3A_1469 = vector.broadcast %parallel_loop3A_1468 : i32 to vector<16xi32>
        %parallel_loop3A_1470 = arith.addi %or3A_42, %parallel_loop3A_1469 : vector<16xi32>
        %parallel_loop3A_1471 = arith.select %parallel_loop3A_1467, %parallel_loop3A_1470, %or3A_42 : vector<16xi1>, vector<16xi32>
        %parallel_loop3A_1472 = vector.shape_cast %parallel_loop3A_1471 : vector<16xi32> to vector<16x1xi32>
        %parallel_loop3A_1473 = vector.shape_cast %parallel_loop3A_1472 : vector<16x1xi32> to vector<16xi32>
        %parallel_loop3A_1474 = tpu.dynamic_gather %parallel_loop3A_1464[%parallel_loop3A_1473] in [0] : vector<16xf32>, vector<16xi32> -> vector<16xf32>
        %parallel_loop3A_1475 = arith.addf %parallel_loop3A_1464, %parallel_loop3A_1474 : vector<16xf32>
        %parallel_loop3A_1476 = arith.constant 0 : i32
        %parallel_loop3A_1477 = vector.broadcast %parallel_loop3A_1476 : i32 to vector<16xi32>
        %parallel_loop3A_1478 = arith.cmpi slt, %or3A_52, %parallel_loop3A_1477 : vector<16xi32>
        %parallel_loop3A_1479 = arith.constant 16 : i32
        %parallel_loop3A_1480 = vector.broadcast %parallel_loop3A_1479 : i32 to vector<16xi32>
        %parallel_loop3A_1481 = arith.addi %or3A_52, %parallel_loop3A_1480 : vector<16xi32>
        %parallel_loop3A_1482 = arith.select %parallel_loop3A_1478, %parallel_loop3A_1481, %or3A_52 : vector<16xi1>, vector<16xi32>
        %parallel_loop3A_1483 = vector.shape_cast %parallel_loop3A_1482 : vector<16xi32> to vector<16x1xi32>
        %parallel_loop3A_1484 = vector.shape_cast %parallel_loop3A_1483 : vector<16x1xi32> to vector<16xi32>
        %parallel_loop3A_1485 = tpu.dynamic_gather %parallel_loop3A_1475[%parallel_loop3A_1484] in [0] : vector<16xf32>, vector<16xi32> -> vector<16xf32>
        %parallel_loop3A_1486 = arith.addf %parallel_loop3A_1475, %parallel_loop3A_1485 : vector<16xf32>
        %parallel_loop3A_1487 = arith.constant 0 : i32
        %parallel_loop3A_1488 = vector.broadcast %parallel_loop3A_1487 : i32 to vector<16xi32>
        %parallel_loop3A_1489 = arith.cmpi slt, %or3A_62, %parallel_loop3A_1488 : vector<16xi32>
        %parallel_loop3A_1490 = arith.constant 16 : i32
        %parallel_loop3A_1491 = vector.broadcast %parallel_loop3A_1490 : i32 to vector<16xi32>
        %parallel_loop3A_1492 = arith.addi %or3A_62, %parallel_loop3A_1491 : vector<16xi32>
        %parallel_loop3A_1493 = arith.select %parallel_loop3A_1489, %parallel_loop3A_1492, %or3A_62 : vector<16xi1>, vector<16xi32>
        %parallel_loop3A_1494 = vector.shape_cast %parallel_loop3A_1493 : vector<16xi32> to vector<16x1xi32>
        %parallel_loop3A_1495 = vector.shape_cast %parallel_loop3A_1494 : vector<16x1xi32> to vector<16xi32>
        %parallel_loop3A_1496 = tpu.dynamic_gather %parallel_loop3A_1486[%parallel_loop3A_1495] in [0] : vector<16xf32>, vector<16xi32> -> vector<16xf32>
        %parallel_loop3A_1497 = arith.addf %parallel_loop3A_1486, %parallel_loop3A_1496 : vector<16xf32>
        %parallel_loop3A_1498 = arith.constant 16 : i32
        %parallel_loop3A_1499 = vector.broadcast %parallel_loop3A_1498 : i32 to vector<16xi32>
        %parallel_loop3A_1500 = arith.addi %parallel_loop3A_275, %parallel_loop3A_1499 : vector<16xi32>
        tpu.vector_store_idx %arg16[%parallel_loop3A_1500], %parallel_loop3A_1497 masked %or3A : memref<1280xf32, #tpu.memory_space<vmem>>[vector<16xi32>], vector<16xf32>, vector<16xi1>
        %parallel_loop3A_1501 = arith.constant 20 : i32
        %parallel_loop3A_1502 = arith.muli %parallel_loop3A_253, %parallel_loop3A_1501 : i32
        %parallel_loop3A_1503 = arith.constant 18 : i32
        %parallel_loop3A_1504 = arith.addi %parallel_loop3A_1502, %parallel_loop3A_1503 : i32
        %parallel_loop3A_1505 = arith.index_cast %parallel_loop3A_1504 : i32 to index
        %parallel_loop3A_1506 = arith.constant 0 : index
        %parallel_loop3A_1507 = tpu.vector_load %arg14[%parallel_loop3A_1505, %parallel_loop3A_1506] {strides = array<i32>} : memref<1280x64xf32, #tpu.memory_space<vmem>>, vector<16xf32>,
        %parallel_loop3A_1508 = arith.mulf %parallel_loop3A_256, %parallel_loop3A_1507 : vector<16xf32>
        %parallel_loop3A_1509 = arith.constant 20 : i32
        %parallel_loop3A_1510 = arith.muli %parallel_loop3A_253, %parallel_loop3A_1509 : i32
        %parallel_loop3A_1511 = arith.constant 18 : i32
        %parallel_loop3A_1512 = arith.addi %parallel_loop3A_1510, %parallel_loop3A_1511 : i32
        %parallel_loop3A_1513 = arith.index_cast %parallel_loop3A_1512 : i32 to index
        %parallel_loop3A_1514 = arith.constant 16 : index
        %parallel_loop3A_1515 = tpu.vector_load %arg14[%parallel_loop3A_1513, %parallel_loop3A_1514] {strides = array<i32>} : memref<1280x64xf32, #tpu.memory_space<vmem>>, vector<16xf32>,
        %parallel_loop3A_1516 = arith.mulf %parallel_loop3A_259, %parallel_loop3A_1515 : vector<16xf32>
        %parallel_loop3A_1517 = arith.addf %parallel_loop3A_1508, %parallel_loop3A_1516 : vector<16xf32>
        %parallel_loop3A_1518 = arith.constant 20 : i32
        %parallel_loop3A_1519 = arith.muli %parallel_loop3A_253, %parallel_loop3A_1518 : i32
        %parallel_loop3A_1520 = arith.constant 18 : i32
        %parallel_loop3A_1521 = arith.addi %parallel_loop3A_1519, %parallel_loop3A_1520 : i32
        %parallel_loop3A_1522 = arith.index_cast %parallel_loop3A_1521 : i32 to index
        %parallel_loop3A_1523 = arith.constant 32 : index
        %parallel_loop3A_1524 = tpu.vector_load %arg14[%parallel_loop3A_1522, %parallel_loop3A_1523] {strides = array<i32>} : memref<1280x64xf32, #tpu.memory_space<vmem>>, vector<16xf32>,
        %parallel_loop3A_1525 = arith.mulf %parallel_loop3A_262, %parallel_loop3A_1524 : vector<16xf32>
        %parallel_loop3A_1526 = arith.addf %parallel_loop3A_1517, %parallel_loop3A_1525 : vector<16xf32>
        %parallel_loop3A_1527 = arith.constant 20 : i32
        %parallel_loop3A_1528 = arith.muli %parallel_loop3A_253, %parallel_loop3A_1527 : i32
        %parallel_loop3A_1529 = arith.constant 18 : i32
        %parallel_loop3A_1530 = arith.addi %parallel_loop3A_1528, %parallel_loop3A_1529 : i32
        %parallel_loop3A_1531 = arith.index_cast %parallel_loop3A_1530 : i32 to index
        %parallel_loop3A_1532 = arith.constant 48 : index
        %parallel_loop3A_1533 = tpu.vector_load %arg14[%parallel_loop3A_1531, %parallel_loop3A_1532] {strides = array<i32>} : memref<1280x64xf32, #tpu.memory_space<vmem>>, vector<16xf32>,
        %parallel_loop3A_1534 = arith.mulf %parallel_loop3A_265, %parallel_loop3A_1533 : vector<16xf32>
        %parallel_loop3A_1535 = arith.addf %parallel_loop3A_1526, %parallel_loop3A_1534 : vector<16xf32>
        %parallel_loop3A_1536 = arith.constant 20 : i32
        %parallel_loop3A_1537 = arith.muli %parallel_loop3A_253, %parallel_loop3A_1536 : i32
        %parallel_loop3A_1538 = arith.constant 19 : i32
        %parallel_loop3A_1539 = arith.addi %parallel_loop3A_1537, %parallel_loop3A_1538 : i32
        %parallel_loop3A_1540 = arith.index_cast %parallel_loop3A_1539 : i32 to index
        %parallel_loop3A_1541 = arith.constant 0 : index
        %parallel_loop3A_1542 = tpu.vector_load %arg14[%parallel_loop3A_1540, %parallel_loop3A_1541] {strides = array<i32>} : memref<1280x64xf32, #tpu.memory_space<vmem>>, vector<16xf32>,
        %parallel_loop3A_1543 = arith.mulf %parallel_loop3A_256, %parallel_loop3A_1542 : vector<16xf32>
        %parallel_loop3A_1544 = arith.constant 20 : i32
        %parallel_loop3A_1545 = arith.muli %parallel_loop3A_253, %parallel_loop3A_1544 : i32
        %parallel_loop3A_1546 = arith.constant 19 : i32
        %parallel_loop3A_1547 = arith.addi %parallel_loop3A_1545, %parallel_loop3A_1546 : i32
        %parallel_loop3A_1548 = arith.index_cast %parallel_loop3A_1547 : i32 to index
        %parallel_loop3A_1549 = arith.constant 16 : index
        %parallel_loop3A_1550 = tpu.vector_load %arg14[%parallel_loop3A_1548, %parallel_loop3A_1549] {strides = array<i32>} : memref<1280x64xf32, #tpu.memory_space<vmem>>, vector<16xf32>,
        %parallel_loop3A_1551 = arith.mulf %parallel_loop3A_259, %parallel_loop3A_1550 : vector<16xf32>
        %parallel_loop3A_1552 = arith.addf %parallel_loop3A_1543, %parallel_loop3A_1551 : vector<16xf32>
        %parallel_loop3A_1553 = arith.constant 20 : i32
        %parallel_loop3A_1554 = arith.muli %parallel_loop3A_253, %parallel_loop3A_1553 : i32
        %parallel_loop3A_1555 = arith.constant 19 : i32
        %parallel_loop3A_1556 = arith.addi %parallel_loop3A_1554, %parallel_loop3A_1555 : i32
        %parallel_loop3A_1557 = arith.index_cast %parallel_loop3A_1556 : i32 to index
        %parallel_loop3A_1558 = arith.constant 32 : index
        %parallel_loop3A_1559 = tpu.vector_load %arg14[%parallel_loop3A_1557, %parallel_loop3A_1558] {strides = array<i32>} : memref<1280x64xf32, #tpu.memory_space<vmem>>, vector<16xf32>,
        %parallel_loop3A_1560 = arith.mulf %parallel_loop3A_262, %parallel_loop3A_1559 : vector<16xf32>
        %parallel_loop3A_1561 = arith.addf %parallel_loop3A_1552, %parallel_loop3A_1560 : vector<16xf32>
        %parallel_loop3A_1562 = arith.constant 20 : i32
        %parallel_loop3A_1563 = arith.muli %parallel_loop3A_253, %parallel_loop3A_1562 : i32
        %parallel_loop3A_1564 = arith.constant 19 : i32
        %parallel_loop3A_1565 = arith.addi %parallel_loop3A_1563, %parallel_loop3A_1564 : i32
        %parallel_loop3A_1566 = arith.index_cast %parallel_loop3A_1565 : i32 to index
        %parallel_loop3A_1567 = arith.constant 48 : index
        %parallel_loop3A_1568 = tpu.vector_load %arg14[%parallel_loop3A_1566, %parallel_loop3A_1567] {strides = array<i32>} : memref<1280x64xf32, #tpu.memory_space<vmem>>, vector<16xf32>,
        %parallel_loop3A_1569 = arith.mulf %parallel_loop3A_265, %parallel_loop3A_1568 : vector<16xf32>
        %parallel_loop3A_1570 = arith.addf %parallel_loop3A_1561, %parallel_loop3A_1569 : vector<16xf32>
        %parallel_loop3A_1571 = arith.constant 0 : i32
        %parallel_loop3A_1572 = vector.broadcast %parallel_loop3A_1571 : i32 to vector<16xi32>
        %parallel_loop3A_1573 = arith.cmpi slt, %and3A, %parallel_loop3A_1572 : vector<16xi32>
        %parallel_loop3A_1574 = arith.constant 16 : i32
        %parallel_loop3A_1575 = vector.broadcast %parallel_loop3A_1574 : i32 to vector<16xi32>
        %parallel_loop3A_1576 = arith.addi %and3A, %parallel_loop3A_1575 : vector<16xi32>
        %parallel_loop3A_1577 = arith.select %parallel_loop3A_1573, %parallel_loop3A_1576, %and3A : vector<16xi1>, vector<16xi32>
        %parallel_loop3A_1578 = vector.shape_cast %parallel_loop3A_1577 : vector<16xi32> to vector<16x1xi32>
        %parallel_loop3A_1579 = vector.shape_cast %parallel_loop3A_1578 : vector<16x1xi32> to vector<16xi32>
        %parallel_loop3A_1580 = tpu.dynamic_gather %parallel_loop3A_1535[%parallel_loop3A_1579] in [0] : vector<16xf32>, vector<16xi32> -> vector<16xf32>
        %parallel_loop3A_1581 = arith.addf %parallel_loop3A_1535, %parallel_loop3A_1580 : vector<16xf32>
        %parallel_loop3A_1582 = arith.constant 0 : i32
        %parallel_loop3A_1583 = vector.broadcast %parallel_loop3A_1582 : i32 to vector<16xi32>
        %parallel_loop3A_1584 = arith.cmpi slt, %and3A, %parallel_loop3A_1583 : vector<16xi32>
        %parallel_loop3A_1585 = arith.constant 16 : i32
        %parallel_loop3A_1586 = vector.broadcast %parallel_loop3A_1585 : i32 to vector<16xi32>
        %parallel_loop3A_1587 = arith.addi %and3A, %parallel_loop3A_1586 : vector<16xi32>
        %parallel_loop3A_1588 = arith.select %parallel_loop3A_1584, %parallel_loop3A_1587, %and3A : vector<16xi1>, vector<16xi32>
        %parallel_loop3A_1589 = vector.shape_cast %parallel_loop3A_1588 : vector<16xi32> to vector<16x1xi32>
        %parallel_loop3A_1590 = vector.shape_cast %parallel_loop3A_1589 : vector<16x1xi32> to vector<16xi32>
        %parallel_loop3A_1591 = tpu.dynamic_gather %parallel_loop3A_1570[%parallel_loop3A_1590] in [0] : vector<16xf32>, vector<16xi32> -> vector<16xf32>
        %parallel_loop3A_1592 = arith.addf %parallel_loop3A_1570, %parallel_loop3A_1591 : vector<16xf32>
        %parallel_loop3A_1593 = arith.select %lt3A, %parallel_loop3A_1581, %parallel_loop3A_1592 : vector<16xi1>, vector<16xf32>
        %parallel_loop3A_1594 = arith.constant 0 : i32
        %parallel_loop3A_1595 = vector.broadcast %parallel_loop3A_1594 : i32 to vector<16xi32>
        %parallel_loop3A_1596 = arith.cmpi slt, %or3A_42, %parallel_loop3A_1595 : vector<16xi32>
        %parallel_loop3A_1597 = arith.constant 16 : i32
        %parallel_loop3A_1598 = vector.broadcast %parallel_loop3A_1597 : i32 to vector<16xi32>
        %parallel_loop3A_1599 = arith.addi %or3A_42, %parallel_loop3A_1598 : vector<16xi32>
        %parallel_loop3A_1600 = arith.select %parallel_loop3A_1596, %parallel_loop3A_1599, %or3A_42 : vector<16xi1>, vector<16xi32>
        %parallel_loop3A_1601 = vector.shape_cast %parallel_loop3A_1600 : vector<16xi32> to vector<16x1xi32>
        %parallel_loop3A_1602 = vector.shape_cast %parallel_loop3A_1601 : vector<16x1xi32> to vector<16xi32>
        %parallel_loop3A_1603 = tpu.dynamic_gather %parallel_loop3A_1593[%parallel_loop3A_1602] in [0] : vector<16xf32>, vector<16xi32> -> vector<16xf32>
        %parallel_loop3A_1604 = arith.addf %parallel_loop3A_1593, %parallel_loop3A_1603 : vector<16xf32>
        %parallel_loop3A_1605 = arith.constant 0 : i32
        %parallel_loop3A_1606 = vector.broadcast %parallel_loop3A_1605 : i32 to vector<16xi32>
        %parallel_loop3A_1607 = arith.cmpi slt, %or3A_52, %parallel_loop3A_1606 : vector<16xi32>
        %parallel_loop3A_1608 = arith.constant 16 : i32
        %parallel_loop3A_1609 = vector.broadcast %parallel_loop3A_1608 : i32 to vector<16xi32>
        %parallel_loop3A_1610 = arith.addi %or3A_52, %parallel_loop3A_1609 : vector<16xi32>
        %parallel_loop3A_1611 = arith.select %parallel_loop3A_1607, %parallel_loop3A_1610, %or3A_52 : vector<16xi1>, vector<16xi32>
        %parallel_loop3A_1612 = vector.shape_cast %parallel_loop3A_1611 : vector<16xi32> to vector<16x1xi32>
        %parallel_loop3A_1613 = vector.shape_cast %parallel_loop3A_1612 : vector<16x1xi32> to vector<16xi32>
        %parallel_loop3A_1614 = tpu.dynamic_gather %parallel_loop3A_1604[%parallel_loop3A_1613] in [0] : vector<16xf32>, vector<16xi32> -> vector<16xf32>
        %parallel_loop3A_1615 = arith.addf %parallel_loop3A_1604, %parallel_loop3A_1614 : vector<16xf32>
        %parallel_loop3A_1616 = arith.constant 0 : i32
        %parallel_loop3A_1617 = vector.broadcast %parallel_loop3A_1616 : i32 to vector<16xi32>
        %parallel_loop3A_1618 = arith.cmpi slt, %or3A_62, %parallel_loop3A_1617 : vector<16xi32>
        %parallel_loop3A_1619 = arith.constant 16 : i32
        %parallel_loop3A_1620 = vector.broadcast %parallel_loop3A_1619 : i32 to vector<16xi32>
        %parallel_loop3A_1621 = arith.addi %or3A_62, %parallel_loop3A_1620 : vector<16xi32>
        %parallel_loop3A_1622 = arith.select %parallel_loop3A_1618, %parallel_loop3A_1621, %or3A_62 : vector<16xi1>, vector<16xi32>
        %parallel_loop3A_1623 = vector.shape_cast %parallel_loop3A_1622 : vector<16xi32> to vector<16x1xi32>
        %parallel_loop3A_1624 = vector.shape_cast %parallel_loop3A_1623 : vector<16x1xi32> to vector<16xi32>
        %parallel_loop3A_1625 = tpu.dynamic_gather %parallel_loop3A_1615[%parallel_loop3A_1624] in [0] : vector<16xf32>, vector<16xi32> -> vector<16xf32>
        %parallel_loop3A_1626 = arith.addf %parallel_loop3A_1615, %parallel_loop3A_1625 : vector<16xf32>
        %parallel_loop3A_1627 = arith.constant 18 : i32
        %parallel_loop3A_1628 = vector.broadcast %parallel_loop3A_1627 : i32 to vector<16xi32>
        %parallel_loop3A_1629 = arith.addi %parallel_loop3A_275, %parallel_loop3A_1628 : vector<16xi32>
        tpu.vector_store_idx %arg16[%parallel_loop3A_1629], %parallel_loop3A_1626 masked %or3A : memref<1280xf32, #tpu.memory_space<vmem>>[vector<16xi32>], vector<16xf32>, vector<16xi1>
      } {sc.loop_unroll_factor = 2 : i64, sc.parallel_access}
      "tpu.region"() ({
        %run_scoped3A = tpu.sem_alloc : memref<!tpu.dma_semaphore, #tpu.memory_space<semaphore_mem>>
        %dma_start3A_253 = tpu.memref_slice %arg7[%add3A_75] : memref<16384xf32, #tpu.memory_space<hbm>> -> memref<64xf32, #tpu.memory_space<hbm>>
        %dma_start3A_254 = tpu.memref_slice %arg7[%add3A_75] : memref<16384xf32, #tpu.memory_space<hbm>> -> memref<64xf32, #tpu.memory_space<hbm>>
        tpu.enqueue_dma source(%arg15 : memref<64xf32, #tpu.memory_space<vmem>>) target(%dma_start3A_254 : memref<64xf32, #tpu.memory_space<hbm>>) target_semaphore(%run_scoped3A : memref<!tpu.dma_semaphore, #tpu.memory_space<semaphore_mem>>)
        %dma_wait3A_255 = tpu.memref_slice %arg7[%add3A_75] : memref<16384xf32, #tpu.memory_space<hbm>> -> memref<64xf32, #tpu.memory_space<hbm>>
        %dma_wait3A_256 = tpu.memref_slice %arg7[%add3A_75] : memref<16384xf32, #tpu.memory_space<hbm>> -> memref<64xf32, #tpu.memory_space<hbm>>
        tpu.wait_dma2 semaphore(%run_scoped3A : memref<!tpu.dma_semaphore, #tpu.memory_space<semaphore_mem>>) src(%arg15 : memref<64xf32, #tpu.memory_space<vmem>>) dst(%dma_wait3A_256 : memref<64xf32, #tpu.memory_space<hbm>>)
        tpu.yield
      }) : () -> ()
      %mul3A_250 = arith.constant 20 : i32
      %mul3A_251 = arith.muli %add3A_75, %mul3A_250 : i32
      "tpu.region"() ({
        %run_scoped3A = tpu.sem_alloc : memref<!tpu.dma_semaphore, #tpu.memory_space<semaphore_mem>>
        %dma_start3A_253 = tpu.memref_slice %arg8[%mul3A_251] : memref<327680xf32, #tpu.memory_space<hbm>> -> memref<1280xf32, #tpu.memory_space<hbm>>
        %dma_start3A_254 = tpu.memref_slice %arg8[%mul3A_251] : memref<327680xf32, #tpu.memory_space<hbm>> -> memref<1280xf32, #tpu.memory_space<hbm>>
        tpu.enqueue_dma source(%arg16 : memref<1280xf32, #tpu.memory_space<vmem>>) target(%dma_start3A_254 : memref<1280xf32, #tpu.memory_space<hbm>>) target_semaphore(%run_scoped3A : memref<!tpu.dma_semaphore, #tpu.memory_space<semaphore_mem>>)
        %dma_wait3A_255 = tpu.memref_slice %arg8[%mul3A_251] : memref<327680xf32, #tpu.memory_space<hbm>> -> memref<1280xf32, #tpu.memory_space<hbm>>
        %dma_wait3A_256 = tpu.memref_slice %arg8[%mul3A_251] : memref<327680xf32, #tpu.memory_space<hbm>> -> memref<1280xf32, #tpu.memory_space<hbm>>
        tpu.wait_dma2 semaphore(%run_scoped3A : memref<!tpu.dma_semaphore, #tpu.memory_space<semaphore_mem>>) src(%arg16 : memref<1280xf32, #tpu.memory_space<vmem>>) dst(%dma_wait3A_256 : memref<1280xf32, #tpu.memory_space<hbm>>)
        tpu.yield
      }) : () -> ()
      %scan3A_252 = arith.constant 0 : i32
      scf.yield %scan3A_252 : i32
    }
    %scan3A_68 = arith.constant 8 : i32
    return
  }
}

module attributes {stable_mosaic.version = 14 : i64} {
  func.func @_tc_body(%arg0: memref<128x128xf32, #tpu.memory_space<vmem>>, %arg1: memref<2560x128xf32, #tpu.memory_space<vmem>>, %arg2: memref<1x1xf32, #tpu.memory_space<vmem>>, %arg3: memref<128x128xf32, #tpu.memory_space<vmem>>, %arg4: memref<2560x128xf32, #tpu.memory_space<vmem>>) attributes {dimension_semantics = [], scalar_prefetch = 0 : i64, scratch_operands = 0 : i64, tpu.core_type = #tpu.core_type<tc>} {
    %get3A = arith.constant 0 : index
    %get3A_0 = arith.constant 0 : index
    %get3A_1 = vector.load %arg0[%get3A, %get3A_0] : memref<128x128xf32, #tpu.memory_space<vmem>>, vector<128x128xf32>
    %get3A_2 = arith.constant 0 : index
    %get3A_3 = arith.constant 0 : index
    %get3A_4 = vector.load %arg1[%get3A_2, %get3A_3] : memref<2560x128xf32, #tpu.memory_space<vmem>>, vector<2560x128xf32>
    %neg3A = arith.constant 0.000000e+00 : f32
    %neg3A_5 = vector.broadcast %neg3A : f32 to vector<128x128xf32>
    %neg3A_6 = arith.subf %neg3A_5, %get3A_1 : vector<128x128xf32>
    %exp3A = math.exp %neg3A_6 : vector<128x128xf32>
    %add3A = arith.constant 1.000000e+00 : f32
    %add3A_7 = vector.broadcast %add3A : f32 to vector<128x128xf32>
    %add3A_8 = arith.addf %add3A_7, %exp3A : vector<128x128xf32>
    %div3A = arith.constant 1.000000e+00 : f32
    %div3A_9 = vector.broadcast %div3A : f32 to vector<128x128xf32>
    %div3A_10 = arith.divf %div3A_9, %add3A_8 : vector<128x128xf32>
    %swap3A = arith.constant 0 : index
    %swap3A_11 = arith.constant 0 : index
    %swap3A_12 = vector.load %arg3[%swap3A, %swap3A_11] : memref<128x128xf32, #tpu.memory_space<vmem>>, vector<128x128xf32>
    tpu.vector_store %arg3[%swap3A, %swap3A_11], %div3A_10 {strides = array<i32>} : memref<128x128xf32, #tpu.memory_space<vmem>>, vector<128x128xf32>,
    %exp3A_13 = math.exp %get3A_4 : vector<2560x128xf32>
    %add3A_14 = arith.constant 1.000000e+00 : f32
    %add3A_15 = vector.broadcast %add3A_14 : f32 to vector<2560x128xf32>
    %add3A_16 = arith.addf %add3A_15, %exp3A_13 : vector<2560x128xf32>
    %div3A_17 = arith.constant 1.000000e+00 : f32
    %div3A_18 = vector.broadcast %div3A_17 : f32 to vector<2560x128xf32>
    %div3A_19 = arith.divf %div3A_18, %add3A_16 : vector<2560x128xf32>
    %swap3A_20 = arith.constant 0 : index
    %swap3A_21 = arith.constant 0 : index
    %swap3A_22 = vector.load %arg4[%swap3A_20, %swap3A_21] : memref<2560x128xf32, #tpu.memory_space<vmem>>, vector<2560x128xf32>
    tpu.vector_store %arg4[%swap3A_20, %swap3A_21], %div3A_19 {strides = array<i32>} : memref<2560x128xf32, #tpu.memory_space<vmem>>, vector<2560x128xf32>,
    %min3A = arith.constant 0.000000e+00 : f32
    %min3A_23 = vector.broadcast %min3A : f32 to vector<128x128xf32>
    %min3A_24 = arith.minimumf %get3A_1, %min3A_23 : vector<128x128xf32>
    %abs3A = math.absf %get3A_1 : vector<128x128xf32>
    %neg3A_25 = arith.constant 0.000000e+00 : f32
    %neg3A_26 = vector.broadcast %neg3A_25 : f32 to vector<128x128xf32>
    %neg3A_27 = arith.subf %neg3A_26, %abs3A : vector<128x128xf32>
    %exp3A_28 = math.exp %neg3A_27 : vector<128x128xf32>
    %add3A_29 = arith.constant 1.000000e+00 : f32
    %add3A_30 = vector.broadcast %add3A_29 : f32 to vector<128x128xf32>
    %add3A_31 = arith.addf %add3A_30, %exp3A_28 : vector<128x128xf32>
    %log3A = math.log %add3A_31 : vector<128x128xf32>
    %sub3A = arith.subf %min3A_24, %log3A : vector<128x128xf32>
    %neg3A_32 = arith.constant 0.000000e+00 : f32
    %neg3A_33 = vector.broadcast %neg3A_32 : f32 to vector<2560x128xf32>
    %neg3A_34 = arith.subf %neg3A_33, %get3A_4 : vector<2560x128xf32>
    %min3A_35 = arith.constant 0.000000e+00 : f32
    %min3A_36 = vector.broadcast %min3A_35 : f32 to vector<2560x128xf32>
    %min3A_37 = arith.minimumf %neg3A_34, %min3A_36 : vector<2560x128xf32>
    %abs3A_38 = math.absf %get3A_4 : vector<2560x128xf32>
    %neg3A_39 = arith.constant 0.000000e+00 : f32
    %neg3A_40 = vector.broadcast %neg3A_39 : f32 to vector<2560x128xf32>
    %neg3A_41 = arith.subf %neg3A_40, %abs3A_38 : vector<2560x128xf32>
    %exp3A_42 = math.exp %neg3A_41 : vector<2560x128xf32>
    %add3A_43 = arith.constant 1.000000e+00 : f32
    %add3A_44 = vector.broadcast %add3A_43 : f32 to vector<2560x128xf32>
    %add3A_45 = arith.addf %add3A_44, %exp3A_42 : vector<2560x128xf32>
    %log3A_46 = math.log %add3A_45 : vector<2560x128xf32>
    %sub3A_47 = arith.subf %min3A_37, %log3A_46 : vector<2560x128xf32>
    %reduce_sum3A = vector.shape_cast %sub3A : vector<128x128xf32> to vector<1x128x128xf32>
    %reduce_sum3A_48 = arith.constant dense<0.000000e+00> : vector<1xf32>
    %reduce_sum3A_49 = vector.multi_reduction <add>, %reduce_sum3A, %reduce_sum3A_48 [1, 2] : vector<1x128x128xf32> to vector<1xf32>
    %reduce_sum3A_50 = vector.shape_cast %reduce_sum3A_49 : vector<1xf32> to vector<1x1x1xf32>
    %reduce_sum3A_51 = vector.extract %reduce_sum3A_50[0, 0, 0] : f32 from vector<1x1x1xf32>
    %reduce_sum3A_52 = vector.shape_cast %sub3A_47 : vector<2560x128xf32> to vector<1x2560x128xf32>
    %reduce_sum3A_53 = arith.constant dense<0.000000e+00> : vector<1xf32>
    %reduce_sum3A_54 = vector.multi_reduction <add>, %reduce_sum3A_52, %reduce_sum3A_53 [1, 2] : vector<1x2560x128xf32> to vector<1xf32>
    %reduce_sum3A_55 = vector.shape_cast %reduce_sum3A_54 : vector<1xf32> to vector<1x1x1xf32>
    %reduce_sum3A_56 = vector.extract %reduce_sum3A_55[0, 0, 0] : f32 from vector<1x1x1xf32>
    %add3A_57 = arith.addf %reduce_sum3A_51, %reduce_sum3A_56 : f32
    %neg3A_58 = arith.constant 0.000000e+00 : f32
    %neg3A_59 = arith.subf %neg3A_58, %add3A_57 : f32
    %broadcast_in_dim3A = vector.broadcast %neg3A_59 : f32 to vector<1x1xf32>
    %swap3A_60 = arith.constant 0 : index
    %swap3A_61 = arith.constant 0 : index
    %swap3A_62 = vector.load %arg2[%swap3A_60, %swap3A_61] : memref<1x1xf32, #tpu.memory_space<vmem>>, vector<1x1xf32>
    tpu.vector_store %arg2[%swap3A_60, %swap3A_61], %broadcast_in_dim3A {strides = array<i32>} : memref<1x1xf32, #tpu.memory_space<vmem>>, vector<1x1xf32>,
    return
  }
}

</mosaic_0001>

<sc_bundles>
// kernel: kernel.4.cloned.1.call-start
scs
__scs_entry_jumppad:
0x0: {  	(pc) =	sbr.rel $0x88, $3  }
0x1: {  	(tag) =	ssettag $0x0;
	lr =	simm.s32 $0x1  }
0x2: {  	[smem:$0x3F9C] =	sst lr;
	_ =	strace $0xD0000000  }
0x3: {  	_ = 	snop  }
0x4: {  	_ = 	snop  }
0x5: {  	_ = 	snop  }
0x6: {  	_ = 	snop  }
0x7: {  	_ = 	snop  }
__scs_overlays_trampoline_lowered:
0x8: {  	[smem:$0x3FAB] =	sst s0  }
0x9: {  	[smem:$0x3FAC] =	sst s1  }
0xa: {  	[smem:$0x3FAD] =	sst s2  }
0xb: {  	[smem:$0x3FAE] =	sst s3  }
0xc: {  	[smem:$0x3FAF] =	sst s4  }
0xd: {  	[smem:$0x3FB0] =	sst s5  }
0xe: {  	[smem:$0x3FB1] =	sst s6  }
0xf: {  	[smem:$0x3FB2] =	sst s7  }
0x10: {  	[smem:$0x3FB3] =	sst s8  }
0x11: {  	[smem:$0x3FB4] =	sst s9;
	s0 =	simm.s32 @!p0 $0x0  }
0x12: {  	s1 =	sld [smem:$0x3F9A];
	s0 =	simm.s32 @p0 $0x1  }
0x13: {  	[smem:$0x3FB5] =	sst s0;
	s0 =	simm.s32 @!p1 $0x0  }
0x14: {  	s2 =	sld [smem:$0x3F99];
	s0 =	simm.s32 @p1 $0x1  }
0x15: {  	[smem:$0x3FB6] =	sst s0;
	s0 =	simm.s32 @!p2 $0x0  }
0x16: {  	s3 =	sld [smem:$0x3FDB];
	s0 =	simm.s32 @p2 $0x1  }
0x17: {  	s4 =	simm.s32 $0x1BF5;
	[smem:$0x3FB8] =	sst s0  }
0x18: {  	s0 =	sld [smem:$0x3F9B];
	_ =	swait.ge [sflag:s4], $0x0  }
0x19: {  	s7 =	sld [smem:$0x3F9C]  }
0x1a: {  	s8 =	sadd.s32 $0xFFFFE003, lr  }
0x1b: {  	s9 =	sadd.s32 $0xFFFFFEF7, lr;
	s5 =	simm.s32 $0xFFFFFFFF;
	p2 =	slt.u32 s8, $0xFFFFF086  }
0x1c: {  	p1 =	slt.u32 s9, $0xF7A;
	s5 =	simm.s32 @!p2 $0x0  }
0x1d: {  	s5 =	simm.s32 @p1 $0x1;
	p0 =	seq.s32 s7, s2  }
0x1e: {  	s7 =	smul.u32 @!p0 $0xF7A, s2;
	p2 =	seq.s32 @!p0 s5, $0x0  }
0x1f: {  	s9 =	smul.u32 $0xF7A, s1;
	s8 =	simm.s32 @!p0 $0x1BF5;
	p2 =	por !p2, p0  }
0x20: {  	[sflag:s8] =	ssyncset.s32 @!p0 $0xFFFFF086;
	s6 =	sadd.s32 @!p0 s3, s7;
	s7 =	simm.s32 @!p0 $0x108  }
0x21: {  	s3 =	sadd.s32 s3, s9;
	s6 =	sadd.s32 @!p0 $0x88, s6;
	s7 =	simm.s32 @p2 $0x1082  }
0x22: {  	[simem:s7], [sflag:s8] =	dma.local @!p0 [hbm:s6], $0xF7A  }
0x23: {  	s9 =	sor.u32 $0xD0000000, s2;
	s6 =	simm.s32 $0x108;
	_ =	swait.ge @!p0 [sflag:s8], $0x0  }
0x24: {  	s3 =	sadd.s32 $0x88, s3;
	s6 =	simm.s32 @!p1 $0x1082;
	[sflag:s4] =	ssyncset.s32 $0xFFFFF086  }
0x25: {  	[simem:s6], [sflag:s4] =	dma.local [hbm:s3], $0xF7A  }
0x26: {  	[smem:$0x3F9C] =	sst s1;
	(tag) =	ssettag s2;
	_ =	strace s9  }
0x27: {  	s1 =	sld [smem:$0x3FAC]  }
0x28: {  	s2 =	sld [smem:$0x3FAD]  }
0x29: {  	s4 =	sld [smem:$0x3FAF]  }
0x2a: {  	p0 =	seq.s32 s5, $0x0;
	s5 =	sld [smem:$0x3FB0]  }
0x2b: {  	s6 =	sld [smem:$0x3FB1]  }
0x2c: {  	s7 =	sld [smem:$0x3FB2]  }
0x2d: {  	s3 =	simm.s32 $0x108;
	s8 =	sld [smem:$0x3FB3]  }
0x2e: {  	s3 =	simm.s32 @!p0 $0x1082;
	s9 =	sld [smem:$0x3FB4]  }
0x2f: {  	lr =	sadd.s32 s0, s3;
	s0 =	sld [smem:$0x3FAB]  }
0x30: {  	s3 =	sld [smem:$0x3FAE]  }
0x31: {  	[smem:$0x3FB7] =	sst s10  }
0x32: {  	s10 =	sld [smem:$0x3FB5];
	_ =	sdelay $0x3  }
0x33: {  	p0 =	seq.s32 s10, $0x1;
	s10 =	sld [smem:$0x3FB7];
	_ =	sdelay $0x3  }
0x34: {  	[smem:$0x3FB7] =	sst s10  }
0x35: {  	s10 =	sld [smem:$0x3FB6];
	_ =	sdelay $0x3  }
0x36: {  	p1 =	seq.s32 s10, $0x1;
	s10 =	sld [smem:$0x3FB7];
	_ =	sdelay $0x3  }
0x37: {  	[smem:$0x3FB7] =	sst s10  }
0x38: {  	s10 =	sld [smem:$0x3FB8]  }
0x39: {  	_ = 	snop;
	(pc) =	sbr.ind lr, $3  }
0x3a: {  	_ = 	snop  }
0x3b: {  	_ = 	snop  }
0x3c: {  	p2 =	seq.s32 s10, $0x1;
	s10 =	sld [smem:$0x3FB7]  }
0x3d: {  	_ =	shalt  }
0x3e: {  	_ =	shalt  }
0x3f: {  	_ =	shalt  }
0x40: {  	_ =	shalt  }
0x41: {  	_ =	shalt  }
0x42: {  	_ =	shalt  }
0x43: {  	_ =	shalt  }
0x44: {  	_ =	shalt  }
0x45: {  	_ =	shalt  }
0x46: {  	_ =	shalt  }
0x47: {  	_ =	shalt  }
0x48: {  	_ =	shalt  }
0x49: {  	_ =	shalt  }
0x4a: {  	_ =	shalt  }
0x4b: {  	_ =	shalt  }
0x4c: {  	_ =	shalt  }
0x4d: {  	_ =	shalt  }
0x4e: {  	_ =	shalt  }
0x4f: {  	_ =	shalt  }
0x50: {  	_ =	shalt  }
0x51: {  	_ =	shalt  }
0x52: {  	_ =	shalt  }
0x53: {  	_ =	shalt  }
0x54: {  	_ =	shalt  }
0x55: {  	_ =	shalt  }
0x56: {  	_ =	shalt  }
0x57: {  	_ =	shalt  }
0x58: {  	_ =	shalt  }
0x59: {  	_ =	shalt  }
0x5a: {  	_ =	shalt  }
0x5b: {  	_ =	shalt  }
0x5c: {  	_ =	shalt  }
0x5d: {  	_ =	shalt  }
0x5e: {  	_ =	shalt  }
0x5f: {  	_ =	shalt  }
0x60: {  	_ =	shalt  }
0x61: {  	_ =	shalt  }
0x62: {  	_ =	shalt  }
0x63: {  	_ =	shalt  }
0x64: {  	_ =	shalt  }
0x65: {  	_ =	shalt  }
0x66: {  	_ =	shalt  }
0x67: {  	_ =	shalt  }
0x68: {  	_ =	shalt  }
0x69: {  	_ =	shalt  }
0x6a: {  	_ =	shalt  }
0x6b: {  	_ =	shalt  }
0x6c: {  	_ =	shalt  }
0x6d: {  	_ =	shalt  }
0x6e: {  	_ =	shalt  }
0x6f: {  	_ =	shalt  }
0x70: {  	_ =	shalt  }
0x71: {  	_ =	shalt  }
0x72: {  	_ =	shalt  }
0x73: {  	_ =	shalt  }
0x74: {  	_ =	shalt  }
0x75: {  	_ =	shalt  }
0x76: {  	_ =	shalt  }
0x77: {  	_ =	shalt  }
0x78: {  	_ =	shalt  }
0x79: {  	_ =	shalt  }
0x7a: {  	_ =	shalt  }
0x7b: {  	_ =	shalt  }
0x7c: {  	_ =	shalt  }
0x7d: {  	_ =	shalt  }
0x7e: {  	_ =	shalt  }
0x7f: {  	_ =	shalt  }
0x80: {  	_ =	shalt  }
0x81: {  	_ =	shalt  }
0x82: {  	_ =	shalt  }
0x83: {  	_ =	shalt  }
0x84: {  	_ =	shalt  }
0x85: {  	_ =	shalt  }
0x86: {  	_ =	shalt  }
0x87: {  	_ =	shalt  }
.Lfunc_end0:
.L_simem_size_0:
called_computation_lowered:
.L_overlay_start_0:
0x88: {  	s2 =	sld [smem:$0x3FD9]  }
0x89: {  	s3 =	sld [smem:$0x3FFE];
	_ =	sdelay $0x1  }
0x8a: {  	s1 =	srdreg.scid  }
0x8b: {  	s0 =	sand.u32 $0x1, s1  }
0x8c: {  	s14 =	sshll.u32 s0, $0xA;
	s2 =	sadd.s32 s3, s2  }
0x8d: {  	s2 =	sadd.s32 s2, s14  }
0x8e: {  	[smem:$0x3FC3] =	sst s2  }
0x8f: {  	_ = 	snop  }
0x90: {  	s2 =	sld [smem:$0x3FD0];
	_ =	sdelay $0x1  }
0x91: {  	s15 =	sld [smem:$0x3FC9]  }
0x92: {  	s5 =	simm.s32 $0xA;
	s6 =	simm.s32 $0x10;
	s4 =	sld [smem:$0x3FC8]  }
0x93: {  	[smem:s6], [sflag:s5] =	dma.local [hbm:s2], $0x1  }
0x94: {  	_ =	swait.eq [sflag:s5], $0x1  }
0x95: {  	[sflag:s5] =	ssyncset.done $0x0  }
0x96: {  	s16 =	sld [smem:$0x11];
	[sflag:s5] =	ssyncadd.s32 $0xFFFFFFFF  }
0x97: {  	s17 =	sld [smem:$0x12];
	(tm) =	ssettm $0x1  }
0x98: {  	s18 =	sld [smem:$0x3FFB];
	_ =	sdelay $0x3  }
0x99: {  	_ =	strace s18  }
0x9a: {  	s6 =	sld [smem:$0x3FFC];
	_ =	sdelay $0x3  }
0x9b: {  	_ =	strace s6  }
0x9c: {  	s6 =	sld [smem:$0x3FFD];
	_ =	sdelay $0x3  }
0x9d: {  	_ =	strace s6  }
0x9e: {  	_ =	strace $0x8FFFFFFF  }
0x9f: {  	s19 =	sld [smem:$0x3FDB];
	_ =	sdelay $0x1  }
0xa0: {  	s7 =	simm.s32 $_scs_section_size  }
0xa1: {  	s8 =	simm.s32 $_size__tile_overlayer_lowered;
	s9 =	simm.s32 $_tile_overlayer_lowered  }
0xa2: {  	s22 =	simm.s32 $0x1BFF;
	s21 =	sshll.u32 s9, $0x1;
	s6 =	sadd.s32 s7, s19  }
0xa3: {  	s10 =	simm.s32 $0x0;
	s20 =	sshll.u32 s8, $0x1;
	s8 =	sadd.s32 s21, s6  }
0xa4: {  	[timem:s10], [sflag:s22] =	dma.local [hbm:s8], s20  }
0xa5: {  	_ =	swait.ge [sflag:s22], s20  }
0xa6: {  	s7 =	ssub.s32 $0x0, s20;
	[sflag:s22] =	ssyncset.done $0x0  }
0xa7: {  	[sflag:s22] =	ssyncadd.s32 s7;
	_ =	sdelay $0x1  }
0xa8: {  	s23 =	simm.s32 $0x1B8B  }
0xa9: {  	_ =	swait.ge [sflag:s23], $0x1  }
0xaa: {  	[sflag:s23] =	ssyncset.done $0x0  }
0xab: {  	s25 =	simm.s32 $0x1B8E;
	s24 =	sld [smem:$0x3FFE];
	[sflag:s23] =	ssyncadd.s32 $0xFFFFFFFF  }
0xac: {  	s26 =	simm.s32 $execute0_lowered;
	[smem:$0x3FD2] =	sst s25  }
0xad: {  	s8 =	sshll.u32 s26, $0x1;
	_ =	strace $0x80000046;
	[dreg:$0x1] =	wrdreg $0xFFFFFFFF  }
0xae: {  	s28 =	simm.s32 $_size_execute0_lowered;
	s6 =	sadd.s32 s6, s8;
	[dreg:$0x0] =	wrdreg $0x0  }
0xaf: {  	s8 =	sshll.u32 s28, $0x1;
	[dreg:$0x2] =	wrdreg s6  }
0xb0: {  	[dreg:$0x3] =	wrdreg s8  }
0xb1: {  	[dreg:$0x4] =	wrdreg $0xC0  }
0xb2: {  	_ =	task [dreg:s10], $0x5FFFF  }
0xb3: {  	[dreg:$0x1] =	wrdreg $0xFFFFFFFF  }
0xb4: {  	[dreg:$0x0] =	wrdreg $0x60  }
0xb5: {  	[dreg:$0x2] =	wrdreg s15  }
0xb6: {  	[dreg:$0x3] =	wrdreg s4  }
0xb7: {  	[dreg:$0x4] =	wrdreg s17  }
0xb8: {  	[dreg:$0x5] =	wrdreg s24  }
0xb9: {  	[dreg:$0x6] =	wrdreg s16  }
0xba: {  	[dreg:$0x7] =	wrdreg $0x9  }
0xbb: {  	_ =	task.clear_ibuf [dreg:s10], $0x8FFFF;
	_ =	strace $0x90000046  }
0xbc: {  	s29 =	simm.s32 $0x9;
	_ =	strace $0x80000048  }
0xbd: {  	_ =	swait.ge [sflag:s29], $0x1  }
0xbe: {  	[sflag:s29] =	ssyncadd.s32 $0xFFFFFFFF  }
0xbf: {  	_ =	strace $0x90000048  }
0xc0: {  	_ =	sfence  }
0xc1: {  	s30 =	sld [smem:$0x0];
	_ =	sdelay $0x2  }
0xc2: {  	s31 =	sshll.u32 s1, $0xD;
	s1 =	sshrl.u32 s1, $0x2  }
0xc3: {  	s3 =	sand.u32 $0x4000, s31;
	s1 =	sadd.s32 s1, s30  }
0xc4: {  	s0 =	sor.u32 s3, s0;
	s1 =	sshll.u32 s1, $0x11  }
0xc5: {  	s0 =	sor.u32 s1, s0  }
0xc6: {  	s0 =	sadd.s32 $0x8F2B, s0  }
0xc7: {  	[sflag:s0] =	ssyncadd.remote.s32 $0x1  }
0xc8: {  	_ =	sfence.sel $0xFFFF  }
0xc9: {  	[dreg:$0x0] =	wrdreg $0xFFFFFFFF;
	(pc) =	sbr.abs _section_cstart, $3  }
0xca: {  	[dreg:$0x1] =	wrdreg $0xFFFFFFFF  }
0xcb: {  	_ =	task.clear_ibuf [dreg:s10], $0x2FFFF;
	_ =	strace $0x9FFFFFFF  }
0xcc: {  	(tm) =	ssettm $0x7FFFFFFF  }
0xcd: {  	_ =	shalt  }
tec
execute0_lowered:
.L_overlay_start_1:
0x0: {  	(tag) =	ssettag $0x1  }
0x1: {  	v0 =	vimm.s32 $0x76543210;
	v1 =	vimm.s32 $0xFEDCBA98;
	v2 =	vimm.s32 $0x3210FEDC  }
0x2: {  	v3 =	vimm.s32 $0xBA987654;
	v4 =	vimm.s32 $0x10FEDCBA;
	v5 =	vimm.s32 $0x98765432  }
0x3: {  	v6 =	vimm.s32 $0xFEDCBA9;
	v7 =	vimm.s32 $0x98FEDCBA;
	v8 =	vimm.s32 $0x10765432  }
0x4: {  	v9 =	vimm.s32 $0x8FEDCBA9;
	v10 =	vimm.s32 $0x7654321;
	v1 =	vunpack.c.l.s4.s8 v1  }
0x5: {  	v0 =	vunpack.c.l.s4.s8 v0;
	v2 =	vunpack.c.l.s4.s8 v2;
	v3 =	vunpack.c.l.s4.s8 v3  }
0x6: {  	v4 =	vunpack.c.l.s4.s8 v4;
	v5 =	vunpack.c.l.s4.s8 v5;
	v1 =	vunpack.c.0.s8.s32 v1  }
0x7: {  	v0 =	vunpack.c.0.s8.s32 v0;
	v2 =	vunpack.c.0.s8.s32 v2;
	v3 =	vunpack.c.0.s8.s32 v3  }
0x8: {  	v4 =	vunpack.c.0.s8.s32 v4;
	v5 =	vunpack.c.0.s8.s32 v5;
	v1 =	vand.u32 $0xF, v1  }
0x9: {  	v6 =	vunpack.c.l.s4.s8 v6;
	v0 =	vcombine.low v1, v0;
	v1 =	vcombine.low v3, v2  }
0xa: {  	s5 =	simm.s32 $0x0;
	v7 =	vunpack.c.l.s4.s8 v7;
	v8 =	vunpack.c.l.s4.s8 v8;
	v2 =	vcombine.low v5, v4  }
0xb: {  	[smem:$0x7FF] =	sst s5;
	v9 =	vunpack.c.l.s4.s8 v9;
	v10 =	vunpack.c.l.s4.s8 v10;
	v27 =	vand.u32 $0xF, v1  }
0xc: {  	s0 =	rddreg [dreg:$0x3];
	_ =	strace $0x80000047;
	v3 =	vunpack.c.0.s8.s32 v6;
	v28 =	vand.u32 $0xF, v2;
	v2 =	vlaneseq.u32;
	[tilespmem:$0x1FF30] =	vst v27  }
0xd: {  	v4 =	vimm.s32 $0x87654321;
	v5 =	vimm.s32 $0xBA98FEDC;
	v42 =	vshrl.u32 v2, $0x3;
	[tilespmem:$0x1FF40] =	vst v28  }
0xe: {  	v6 =	vimm.s32 $0x32107654;
	v4 =	vunpack.c.l.s4.s8 v4;
	v49 =	vor.u32 $0x12, v42;
	[tilespmem:$0x1FF60] =	vst v42  }
0xf: {  	s1 =	srdreg.scid;
	v5 =	vunpack.c.l.s4.s8 v5;
	v6 =	vunpack.c.l.s4.s8 v6;
	v55 =	vor.u32 $0xE, v42;
	[tilespmem:$0x1FF70] =	vst v49  }
0x10: {  	s3 =	stileid.u32;
	s12 =	simm.s32 $0x2;
	s13 =	simm.s32 $0x40;
	v7 =	vunpack.c.0.s8.s32 v7;
	v4 =	vunpack.c.0.s8.s32 v4;
	v57 =	vor.u32 $0x10, v42;
	[tilespmem:$0x1FF80] =	vst v55  }
0x11: {  	s14 =	simm.s32 $0x80;
	s30 =	simm.s32 $0xE580;
	s31 =	simm.s32 $0x400;
	v5 =	vunpack.c.0.s8.s32 v5;
	v6 =	vunpack.c.0.s8.s32 v6;
	v62 =	vor.u32 $0x4, v42;
	[tilespmem:$0x1FF90] =	vst v57  }
0x12: {  	s8 =	simm.s32 $0x480;
	s11 =	simm.s32 $0x12580;
	s4 =	simm.s32 $0x16580;
	v8 =	vunpack.c.0.s8.s32 v8;
	v59 =	vor.u32 $0x8, v42;
	v60 =	vor.u32 $0xA, v42;
	[tilespmem:$0x1FFB0] =	vst v62  }
0x13: {  	s15 =	simm.s32 $0x165C0;
	s17 =	simm.s32 $0x0;
	s1 =	sand.u32 $0x1, s1;
	v61 =	vor.u32 $0xC, v42;
	v1 =	vcombine.low v4, v3;
	v3 =	vcombine.low v6, v5;
	[tilespmem:$0x1FFD0] =	vst v59  }
0x14: {  	s6 =	sadd.s32 $0x24CC00, s0;
	s7 =	sadd.s32 $0x189600, s0;
	s2 =	ssub.s32 $0x2, s1;
	v5 =	vcombine.low v8, v7;
	v6 =	vunpack.c.0.s8.s32 v9;
	v7 =	vunpack.c.0.s8.s32 v10;
	[tilespmem:$0x1FFE0] =	vst v60  }
0x15: {  	vm1 =	vcmask $0x2320;
	vm2 =	vcmask $0x300;
	s9 =	sadd.s32 $0x2C00, s0;
	s29 =	sshll.u32 s3, $0xA;
	s28 =	sshrl.u32 s2, $0x1;
	v8 =	vor.u32 $0x2, v42;
	[tilespmem:$0x1FFF0] =	vst v61  }
0x16: {  	s3 =	simm.s32 $0x10580;
	s1 =	sshll.u32 s1, $0x9;
	s0 =	ssub.s32 s2, s28;
	v10 =	vor.u32 $0x6, v42;
	[tilespmem:$0x1FFA0] =	vst v8;
	v31 =	vand.u32 $0xF, v1;
	v1 =	vcombine.low v7, v6  }
0x17: {  	vm0 =	vmmov $0xff;
	vm1 =	vmor vm2, vm1;
	s10 =	sor.u32 s1, s29;
	s1 =	simm.s32 $0x14580;
	s0 =	smax.u32 s0, $0x1;
	[tilespmem:$0x1FFC0] =	vst v10  }
0x18: {  	s2 =	simm.s32 $0x1;
	[dreg:$0x6] =	wrdreg s0;
	s0 =	simm.s32 $0x500;
	v4 =	vand.u32 $0xF, v3;
	v5 =	vand.u32 $0xF, v5;
	[tilespmem:$0x1FF50] =	vst v31;
	v6 =	vand.u32 $0xF, v1  }
.LBB2_1:
0x19: {  	[dreg:$0x7] =	wrdreg s17;
	s16 =	simm.s32 $0x0  }
.LBB2_2:
0x1a: {  	s17 =	sshll.u32 s16, $0x6  }
0x1b: {  	s18 =	sadd.s32 s10, s17  }
0x1c: {  	s19 =	rddreg [dreg:$0x0];
	s17 =	sshrl.u32 s18, $0x3  }
0x1d: {  	s20 =	sadd.s32 s19, s17;
	s19 =	simm.s32 $0x0  }
0x1e: {  	[tilespmem:s19], [sflag:$0x2] =	stream.linear.gather [hbm4b:s20+s19], $0x40, $0x38;
	[tilespmem:$0x16AC0] =	vst v63  }
0x1f: {  	_ =	swait.ge [sflag:s12], $0x40  }
0x20: {  	[sflag:s12] =	ssyncset.done $0x0  }
0x21: {  	[sflag:s12] =	ssyncadd.s32 $0xFFFFFFC0  }
0x22: {  	s25 =	rddreg [dreg:$0x1]  }
0x23: {  	s20 =	sadd.s32 s25, s17  }
0x24: {  	[tilespmem:s13], [sflag:$0x2] =	stream.linear.gather [hbm4b:s20+s19], $0x40, $0x38;
	[tilespmem:$0x16AC0] =	vst v63  }
0x25: {  	_ =	swait.ge [sflag:s12], $0x40  }
0x26: {  	s18 =	smul.u32 $0x14, s18;
	[sflag:s12] =	ssyncset.done $0x0  }
0x27: {  	[sflag:s12] =	ssyncadd.s32 $0xFFFFFFC0  }
0x28: {  	s18 =	sshrl.u32 s18, $0x3;
	s26 =	rddreg [dreg:$0x2]  }
0x29: {  	s20 =	sadd.s32 s26, s18  }
0x2a: {  	[tilespmem:s14], [sflag:$0x2] =	stream.linear.gather [hbm4b:s20+s19], $0x500, $0x38;
	[tilespmem:$0x16AC0] =	vst v63  }
0x2b: {  	_ =	swait.ge [sflag:s12], $0x500  }
0x2c: {  	[sflag:s12] =	ssyncset.done $0x0  }
0x2d: {  	s29 =	simm.s32 $0x580;
	[sflag:s12] =	ssyncadd.s32 $0xFFFFFB00  }
0x2e: {  	[tilespmem:s29], [sflag:$0x1] =	stream.indirect.gather [hbm4b:s6+s13], $0x40, s19, s13, $0xb8;
	[tilespmem:$0x16AC0] =	vst v63  }
0x2f: {  	s21 =	simm.s32 $0x1580  }
0x30: {  	[tilespmem:s21], [sflag:$0x1] =	stream.indirect.gather [hbm4b:s7+s13], $0x40, s13, s13, $0xb8;
	[tilespmem:$0x16AC0] =	vst v63  }
0x31: {  	s22 =	simm.s32 $0x2580  }
0x32: {  	[tilespmem:s22], [sflag:$0x1] =	stream.indirect.gather [hbm4b:s7+s14], $0x40, s14, s14, $0xb8;
	[tilespmem:$0x16AC0] =	vst v63  }
0x33: {  	s23 =	simm.s32 $0x100;
	s21 =	simm.s32 $0x4580  }
0x34: {  	[tilespmem:s21], [sflag:$0x1] =	stream.indirect.gather [hbm4b:s7+s14], $0x40, s23, s14, $0xb8;
	[tilespmem:$0x16AC0] =	vst v63  }
0x35: {  	s24 =	simm.s32 $0x180;
	s25 =	simm.s32 $0x6580  }
0x36: {  	[tilespmem:s25], [sflag:$0x1] =	stream.indirect.gather [hbm4b:s7+s14], $0x40, s24, s14, $0xb8;
	[tilespmem:$0x16AC0] =	vst v63  }
0x37: {  	s26 =	simm.s32 $0x200;
	s29 =	simm.s32 $0x8580  }
0x38: {  	[tilespmem:s29], [sflag:$0x1] =	stream.indirect.gather [hbm4b:s7+s14], $0x40, s26, s14, $0xb8;
	[tilespmem:$0x16AC0] =	vst v63  }
0x39: {  	s22 =	simm.s32 $0xA580;
	s21 =	simm.s32 $0x280  }
0x3a: {  	[tilespmem:s22], [sflag:$0x1] =	stream.indirect.gather [hbm4b:s7+s14], $0x40, s21, s14, $0xb8;
	[tilespmem:$0x16AC0] =	vst v63  }
0x3b: {  	s23 =	simm.s32 $0x300;
	s24 =	simm.s32 $0xC580  }
0x3c: {  	[tilespmem:s24], [sflag:$0x1] =	stream.indirect.gather [hbm4b:s7+s14], $0x40, s23, s14, $0xb8;
	[tilespmem:$0x16AC0] =	vst v63  }
0x3d: {  	s25 =	simm.s32 $0x380  }
0x3e: {  	[tilespmem:s30], [sflag:$0x1] =	stream.indirect.gather [hbm4b:s7+s14], $0x40, s25, s14, $0xb8;
	[tilespmem:$0x16AC0] =	vst v63  }
0x3f: {  	_ = 	snop  }
0x40: {  	[tilespmem:s3], [sflag:$0x1] =	stream.indirect.gather [hbm4b:s7+s14], $0x40, s31, s14, $0xb8;
	[tilespmem:$0x16AC0] =	vst v63  }
0x41: {  	_ = 	snop  }
0x42: {  	[tilespmem:s11], [sflag:$0x1] =	stream.indirect.gather [hbm4b:s7+s14], $0x40, s8, s14, $0xb8;
	[tilespmem:$0x16AC0] =	vst v63  }
0x43: {  	_ = 	snop  }
0x44: {  	[tilespmem:s1], [sflag:$0x1] =	stream.indirect.gather [hbm4b:s7+s14], $0x40, s0, s14, $0xb8;
	[tilespmem:$0x16AC0] =	vst v63  }
0x45: {  	_ =	swait.ge [sflag:s2], $0x1000  }
0x46: {  	[sflag:s2] =	ssyncset.done $0x0  }
0x47: {  	[sflag:s2] =	ssyncadd.s32 $0xFFFFF000  }
0x48: {  	_ =	swait.ge [sflag:s2], $0x1000  }
0x49: {  	[sflag:s2] =	ssyncset.done $0x0  }
0x4a: {  	[sflag:s2] =	ssyncadd.s32 $0xFFFFF000  }
0x4b: {  	_ =	swait.ge [sflag:s2], $0x2000  }
0x4c: {  	[sflag:s2] =	ssyncset.done $0x0  }
0x4d: {  	[sflag:s2] =	ssyncadd.s32 $0xFFFFE000  }
0x4e: {  	_ =	swait.ge [sflag:s2], $0x2000  }
0x4f: {  	[sflag:s2] =	ssyncset.done $0x0  }
0x50: {  	[sflag:s2] =	ssyncadd.s32 $0xFFFFE000  }
0x51: {  	_ =	swait.ge [sflag:s2], $0x2000  }
0x52: {  	[sflag:s2] =	ssyncset.done $0x0  }
0x53: {  	[sflag:s2] =	ssyncadd.s32 $0xFFFFE000  }
0x54: {  	_ =	swait.ge [sflag:s2], $0x2000  }
0x55: {  	[sflag:s2] =	ssyncset.done $0x0  }
0x56: {  	[sflag:s2] =	ssyncadd.s32 $0xFFFFE000  }
0x57: {  	_ =	swait.ge [sflag:s2], $0x2000  }
0x58: {  	[sflag:s2] =	ssyncset.done $0x0  }
0x59: {  	[sflag:s2] =	ssyncadd.s32 $0xFFFFE000  }
0x5a: {  	_ =	swait.ge [sflag:s2], $0x2000  }
0x5b: {  	[sflag:s2] =	ssyncset.done $0x0  }
0x5c: {  	[sflag:s2] =	ssyncadd.s32 $0xFFFFE000  }
0x5d: {  	_ =	swait.ge [sflag:s2], $0x2000  }
0x5e: {  	[sflag:s2] =	ssyncset.done $0x0  }
0x5f: {  	[sflag:s2] =	ssyncadd.s32 $0xFFFFE000  }
0x60: {  	_ =	swait.ge [sflag:s2], $0x2000  }
0x61: {  	[sflag:s2] =	ssyncset.done $0x0  }
0x62: {  	[sflag:s2] =	ssyncadd.s32 $0xFFFFE000  }
0x63: {  	_ =	swait.ge [sflag:s2], $0x2000  }
0x64: {  	[sflag:s2] =	ssyncset.done $0x0  }
0x65: {  	[sflag:s2] =	ssyncadd.s32 $0xFFFFE000  }
0x66: {  	_ =	swait.ge [sflag:s2], $0x2000  }
0x67: {  	[sflag:s2] =	ssyncset.done $0x0  }
0x68: {  	s26 =	simm.s32 $0x5C0;
	[sflag:s2] =	ssyncadd.s32 $0xFFFFE000  }
0x69: {  	v17 =	vld [tilespmem:s26+$0x0]  }
0x6a: {  	s29 =	simm.s32 $0x15C0;
	v30 =	vld [tilespmem:s26+$0x10]  }
0x6b: {  	v1 =	vld [tilespmem:s29+$0x0]  }
0x6c: {  	v2 =	vld [tilespmem:s29+$0x10]  }
0x6d: {  	v29 =	vld [tilespmem:s26+$0x20]  }
0x6e: {  	v3 =	vld [tilespmem:s29+$0x20]  }
0x6f: {  	v18 =	vld [tilespmem:s26+$0x30]  }
0x70: {  	v11 =	vld [tilespmem:s29+$0x30]  }
0x71: {  	v1 =	vmul.f32 v1, v17;
	v2 =	vmul.f32 v2, v30;
	_ =	sdelay $0x1  }
0x72: {  	v1 =	vadd.f32 v2, v1;
	v2 =	vmul.f32 v3, v29;
	_ =	sdelay $0x1  }
0x73: {  	v1 =	vadd.f32 v2, v1;
	v2 =	vmul.f32 v11, v18;
	_ =	sdelay $0x1  }
0x74: {  	v1 =	vadd.f32 v2, v1;
	_ =	sdelay $0x1  }
0x75: {  	v2 =	vperm.xlane v1, v0;
	_ =	sdelay $0x1  }
0x76: {  	v1 =	vadd.f32 v1, v2;
	_ =	sdelay $0x1  }
0x77: {  	v2 =	vperm.xlane v1, v27;
	_ =	sdelay $0x1  }
0x78: {  	v24 =	vld [tilespmem:s26+$0xFFFFFFD0];
	v1 =	vadd.f32 v1, v2  }
0x79: {  	v25 =	vld [tilespmem:s26+$0xFFFFFFC0]  }
0x7a: {  	v3 =	vld [tilespmem:s29+$0xFFFFFFD0];
	v11 =	vperm.xlane v1, v28  }
0x7b: {  	v2 =	vld [tilespmem:s29+$0xFFFFFFC0]  }
0x7c: {  	s22 =	simm.s32 $0x1;
	v36 =	vld [tilespmem:s26+$0xFFFFFFE0];
	v1 =	vadd.f32 v1, v11  }
0x7d: {  	v12 =	vmov s22;
	v11 =	vld [tilespmem:s29+$0xFFFFFFE0]  }
0x7e: {  	v14 =	vld [tilespmem:s29+$0xFFFFFFF0];
	v13 =	vperm.xlane v1, v31  }
0x7f: {  	v28 =	vld [tilespmem:s26+$0xFFFFFFF0]  }
0x80: {  	v3 =	vmul.f32 v3, v24;
	v2 =	vmul.f32 v2, v25;
	v1 =	vadd.f32 v1, v13;
	_ =	sdelay $0x1  }
0x81: {  	s20 =	simm.s32 $0x2A80;
	v2 =	vadd.f32 v3, v2;
	v3 =	vmul.f32 v11, v36;
	[tilespmem:v12+s4+$0x0] =	vst.idx.msk $0x1, v1  }
0x82: {  	v1 =	vld [tilespmem:s20+$0x0]  }
0x83: {  	v2 =	vadd.f32 v3, v2;
	v3 =	vmul.f32 v14, v28;
	v11 =	vld [tilespmem:s20+$0x10]  }
0x84: {  	v12 =	vld [tilespmem:s20+$0x40]  }
0x85: {  	v2 =	vadd.f32 v3, v2;
	v3 =	vld [tilespmem:s20+$0x50]  }
0x86: {  	v13 =	vld [tilespmem:s20+$0x20]  }
0x87: {  	v15 =	vld [tilespmem:s20+$0x60];
	v14 =	vperm.xlane v2, v0  }
0x88: {  	v16 =	vld [tilespmem:s20+$0x30]  }
0x89: {  	v1 =	vmul.f32 v1, v17;
	v11 =	vmul.f32 v11, v30;
	v2 =	vadd.f32 v2, v14;
	v14 =	vld [tilespmem:s20+$0x70]  }
0x8a: {  	v12 =	vmul.f32 v12, v17;
	v3 =	vmul.f32 v3, v30  }
0x8b: {  	v7 =	vld [tilespmem:$0x1FF40];
	v13 =	vmul.f32 v13, v29;
	v1 =	vadd.f32 v11, v1  }
0x8c: {  	v11 =	vmul.f32 v15, v29;
	v19 =	vperm.xlane v2, v27;
	v3 =	vadd.f32 v3, v12  }
0x8d: {  	v15 =	vmul.f32 v16, v18;
	v12 =	vmov s19;
	v1 =	vadd.f32 v13, v1  }
0x8e: {  	v2 =	vadd.f32 v2, v19;
	v3 =	vadd.f32 v11, v3;
	v11 =	vmul.f32 v14, v18  }
0x8f: {  	v12 =	vand.u32 $0xFFFFFFFE, v12  }
0x90: {  	v1 =	vadd.f32 v15, v1;
	v13 =	vperm.xlane v2, v7;
	v3 =	vadd.f32 v11, v3  }
0x91: {  	v11 =	vbroadcast v12, $0x0  }
0x92: {  	v12 =	vperm.xlane v1, v0;
	v2 =	vadd.f32 v2, v13;
	v13 =	vperm.xlane v3, v0;
	_ =	sdelay $0x1  }
0x93: {  	v1 =	vadd.f32 v12, v1;
	v14 =	vperm.xlane v2, v31;
	v3 =	vadd.f32 v13, v3;
	_ =	sdelay $0x1  }
0x94: {  	v2 =	vadd.f32 v2, v14;
	v1 =	vsel vm0, v1, v3  }
0x95: {  	v3 =	vperm.xlane v1, v4  }
0x96: {  	[tilespmem:v11+s4+$0x0] =	vst.idx.msk $0x1, v2  }
0x97: {  	v2 =	vld [tilespmem:s20+$0xFFFFFB00];
	v1 =	vadd.f32 v1, v3  }
0x98: {  	v11 =	vld [tilespmem:s20+$0xFFFFFB40]  }
0x99: {  	v3 =	vld [tilespmem:s20+$0xFFFFFB10];
	v12 =	vperm.xlane v1, v5  }
0x9a: {  	v13 =	vld [tilespmem:s20+$0xFFFFFB50]  }
0x9b: {  	s24 =	simm.s32 $0x14;
	v14 =	vld [tilespmem:s20+$0xFFFFFB20];
	v1 =	vadd.f32 v1, v12  }
0x9c: {  	v15 =	vor.u32 s24, v42;
	v12 =	vld [tilespmem:s20+$0xFFFFFB60]  }
0x9d: {  	v16 =	vld [tilespmem:s20+$0xFFFFFB30];
	v19 =	vperm.xlane v1, v6  }
0x9e: {  	v20 =	vld [tilespmem:s20+$0xFFFFFB70];
	v2 =	vmul.f32 v2, v25;
	v3 =	vmul.f32 v3, v24  }
0x9f: {  	v11 =	vmul.f32 v11, v25;
	v13 =	vmul.f32 v13, v24;
	v1 =	vadd.f32 v1, v19  }
0xa0: {  	v2 =	vadd.f32 v3, v2;
	v3 =	vmul.f32 v14, v36  }
0xa1: {  	v11 =	vadd.f32 v13, v11;
	v12 =	vmul.f32 v12, v36;
	[tilespmem:v15+s15+$0x0] =	vst.idx.msk vm1, v1  }
0xa2: {  	v1 =	vadd.f32 v3, v2;
	v2 =	vmul.f32 v16, v28;
	v3 =	vld [tilespmem:s20+$0x80]  }
0xa3: {  	v11 =	vadd.f32 v12, v11;
	v12 =	vmul.f32 v20, v28;
	v13 =	vld [tilespmem:s20+$0x90]  }
0xa4: {  	v1 =	vadd.f32 v2, v1;
	v2 =	vld [tilespmem:s20+$0xC0]  }
0xa5: {  	v11 =	vadd.f32 v12, v11;
	v12 =	vld [tilespmem:s20+$0xD0]  }
0xa6: {  	v15 =	vld [tilespmem:s20+$0xA0];
	v14 =	vperm.xlane v1, v0  }
0xa7: {  	v19 =	vld [tilespmem:s20+$0xE0];
	v16 =	vperm.xlane v11, v0  }
0xa8: {  	v1 =	vadd.f32 v14, v1;
	v14 =	vld [tilespmem:s20+$0xB0]  }
0xa9: {  	v3 =	vmul.f32 v3, v17;
	v13 =	vmul.f32 v13, v30;
	v11 =	vadd.f32 v16, v11;
	v16 =	vld [tilespmem:s20+$0xF0]  }
0xaa: {  	v2 =	vmul.f32 v2, v17;
	v12 =	vmul.f32 v12, v30  }
0xab: {  	v3 =	vadd.f32 v13, v3;
	v1 =	vsel vm0, v1, v11  }
0xac: {  	v11 =	vmul.f32 v15, v29;
	v2 =	vadd.f32 v12, v2;
	v12 =	vmul.f32 v19, v29  }
0xad: {  	v13 =	vperm.xlane v1, v4;
	v14 =	vmul.f32 v14, v18  }
0xae: {  	v3 =	vadd.f32 v11, v3;
	v2 =	vadd.f32 v12, v2;
	v11 =	vmul.f32 v16, v18  }
0xaf: {  	v1 =	vadd.f32 v1, v13  }
0xb0: {  	v3 =	vadd.f32 v14, v3;
	v2 =	vadd.f32 v11, v2  }
0xb1: {  	v11 =	vperm.xlane v1, v5  }
0xb2: {  	v12 =	vperm.xlane v3, v0;
	v13 =	vperm.xlane v2, v0  }
0xb3: {  	v1 =	vadd.f32 v1, v11  }
0xb4: {  	v11 =	vor.u32 s19, v42;
	v3 =	vadd.f32 v12, v3;
	v2 =	vadd.f32 v13, v2  }
0xb5: {  	v12 =	vperm.xlane v1, v6  }
0xb6: {  	v2 =	vsel vm0, v3, v2  }
0xb7: {  	v1 =	vadd.f32 v1, v12;
	v3 =	vperm.xlane v2, v4;
	_ =	sdelay $0x1  }
0xb8: {  	[tilespmem:v11+s15+$0x0] =	vst.idx.msk vm1, v1;
	v1 =	vadd.f32 v2, v3  }
0xb9: {  	v2 =	vld [tilespmem:s20+$0xFFFFFB80]  }
0xba: {  	v3 =	vld [tilespmem:s20+$0xFFFFFB90];
	v11 =	vperm.xlane v1, v5  }
0xbb: {  	v12 =	vld [tilespmem:s20+$0xFFFFFBC0]  }
0xbc: {  	v13 =	vld [tilespmem:s20+$0xFFFFFBD0];
	v1 =	vadd.f32 v1, v11  }
0xbd: {  	v14 =	vor.u32 s24, v10;
	v11 =	vld [tilespmem:s20+$0xFFFFFBA0]  }
0xbe: {  	v15 =	vld [tilespmem:s20+$0xFFFFFBE0];
	v16 =	vperm.xlane v1, v6  }
0xbf: {  	v19 =	vld [tilespmem:s20+$0xFFFFFBB0]  }
0xc0: {  	v37 =	vld [tilespmem:s20+$0xFFFFFBF0];
	v2 =	vmul.f32 v2, v25;
	v3 =	vmul.f32 v3, v24;
	v1 =	vadd.f32 v1, v16  }
0xc1: {  	v12 =	vmul.f32 v12, v25;
	v13 =	vmul.f32 v13, v24  }
0xc2: {  	v2 =	vadd.f32 v3, v2;
	v3 =	vmul.f32 v11, v36;
	[tilespmem:v14+s15+$0x0] =	vst.idx.msk vm1, v1  }
0xc3: {  	v11 =	vadd.f32 v13, v12;
	v1 =	vmul.f32 v15, v36;
	v12 =	vld [tilespmem:s20+$0x100]  }
0xc4: {  	v2 =	vadd.f32 v3, v2;
	v3 =	vld [tilespmem:s20+$0x110]  }
0xc5: {  	v13 =	vmul.f32 v19, v28;
	v14 =	vmul.f32 v37, v28;
	v15 =	vld [tilespmem:s20+$0x150];
	v1 =	vadd.f32 v1, v11  }
0xc6: {  	v11 =	vld [tilespmem:s20+$0x140]  }
0xc7: {  	v2 =	vadd.f32 v13, v2;
	v13 =	vld [tilespmem:s20+$0x120];
	v1 =	vadd.f32 v14, v1  }
0xc8: {  	v14 =	vld [tilespmem:s20+$0x160]  }
0xc9: {  	v38 =	vld [tilespmem:s20+$0x130];
	v16 =	vperm.xlane v2, v0;
	v19 =	vperm.xlane v1, v0  }
0xca: {  	v21 =	vld [tilespmem:s20+$0x170];
	v12 =	vmul.f32 v12, v17;
	v3 =	vmul.f32 v3, v30  }
0xcb: {  	v15 =	vmul.f32 v15, v30;
	v2 =	vadd.f32 v16, v2;
	v11 =	vmul.f32 v11, v17  }
0xcc: {  	v1 =	vadd.f32 v19, v1;
	v3 =	vadd.f32 v3, v12;
	v12 =	vmul.f32 v13, v29  }
0xcd: {  	v11 =	vadd.f32 v15, v11;
	v13 =	vmul.f32 v14, v29  }
0xce: {  	v1 =	vsel vm0, v2, v1;
	v2 =	vadd.f32 v12, v3  }
0xcf: {  	v3 =	vmul.f32 v38, v18;
	v12 =	vmul.f32 v21, v18;
	v11 =	vadd.f32 v13, v11  }
0xd0: {  	v13 =	vperm.xlane v1, v4  }
0xd1: {  	v2 =	vadd.f32 v3, v2;
	v3 =	vadd.f32 v12, v11  }
0xd2: {  	v1 =	vadd.f32 v1, v13  }
0xd3: {  	v11 =	vperm.xlane v2, v0;
	v12 =	vperm.xlane v3, v0  }
0xd4: {  	v13 =	vperm.xlane v1, v5  }
0xd5: {  	v2 =	vadd.f32 v11, v2;
	v3 =	vadd.f32 v12, v3  }
0xd6: {  	v1 =	vadd.f32 v1, v13  }
0xd7: {  	v11 =	vor.u32 s19, v8;
	v2 =	vsel vm0, v2, v3  }
0xd8: {  	v3 =	vperm.xlane v1, v6;
	v12 =	vperm.xlane v2, v4;
	_ =	sdelay $0x1  }
0xd9: {  	v1 =	vadd.f32 v1, v3;
	v2 =	vadd.f32 v2, v12;
	_ =	sdelay $0x1  }
0xda: {  	[tilespmem:v11+s15+$0x0] =	vst.idx.msk vm1, v1;
	v1 =	vperm.xlane v2, v5  }
0xdb: {  	v11 =	vadd.s32 s24, v62;
	v3 =	vld [tilespmem:s20+$0xFFFFFC00]  }
0xdc: {  	v12 =	vld [tilespmem:s20+$0xFFFFFC10];
	v1 =	vadd.f32 v2, v1;
	v2 =	vand.u32 $0xFF8, v11  }
0xdd: {  	v13 =	vld [tilespmem:s20+$0xFFFFFC20];
	v2 =	vor.u32 v42, v2  }
0xde: {  	v15 =	vld [tilespmem:s20+$0xFFFFFC50];
	v14 =	vperm.xlane v1, v6  }
0xdf: {  	v11 =	vld [tilespmem:s20+$0xFFFFFC40]  }
0xe0: {  	v16 =	vld [tilespmem:s20+$0xFFFFFC30];
	v1 =	vadd.f32 v1, v14  }
0xe1: {  	v3 =	vmul.f32 v3, v25;
	v12 =	vmul.f32 v12, v24;
	v14 =	vld [tilespmem:s20+$0xFFFFFC60]  }
0xe2: {  	v19 =	vld [tilespmem:s20+$0xFFFFFC70];
	[tilespmem:v2+s15+$0x0] =	vst.idx.msk vm1, v1  }
0xe3: {  	v1 =	vadd.f32 v12, v3;
	v2 =	vmul.f32 v13, v36;
	v3 =	vld [tilespmem:s20+$0x180]  }
0xe4: {  	v11 =	vmul.f32 v11, v25;
	v12 =	vmul.f32 v15, v24;
	v13 =	vld [tilespmem:s20+$0x190]  }
0xe5: {  	v15 =	vld [tilespmem:s20+$0x1C0];
	v1 =	vadd.f32 v2, v1;
	v2 =	vmul.f32 v16, v28  }
0xe6: {  	v11 =	vadd.f32 v12, v11;
	v12 =	vmul.f32 v14, v36;
	v14 =	vld [tilespmem:s20+$0x1D0]  }
0xe7: {  	v1 =	vadd.f32 v2, v1;
	v2 =	vld [tilespmem:s20+$0x1A0]  }
0xe8: {  	v16 =	vld [tilespmem:s20+$0x1E0];
	v11 =	vadd.f32 v12, v11;
	v12 =	vmul.f32 v19, v28  }
0xe9: {  	v39 =	vld [tilespmem:s20+$0x1B0];
	v19 =	vperm.xlane v1, v0  }
0xea: {  	v3 =	vmul.f32 v3, v17;
	v11 =	vadd.f32 v12, v11;
	v12 =	vmul.f32 v13, v30;
	v13 =	vld [tilespmem:s20+$0x1F0]  }
0xeb: {  	v15 =	vmul.f32 v15, v17;
	v14 =	vmul.f32 v14, v30  }
0xec: {  	v40 =	vperm.xlane v11, v0;
	v2 =	vmul.f32 v2, v29  }
0xed: {  	v3 =	vadd.f32 v12, v3;
	v12 =	vadd.f32 v14, v15;
	v14 =	vmul.f32 v16, v29  }
0xee: {  	v1 =	vadd.f32 v19, v1;
	v15 =	vmul.f32 v39, v18;
	v11 =	vadd.f32 v40, v11  }
0xef: {  	v2 =	vadd.f32 v2, v3;
	v3 =	vadd.f32 v14, v12;
	v12 =	vmul.f32 v13, v18;
	_ =	sdelay $0x1  }
0xf0: {  	v1 =	vsel vm0, v1, v11;
	v2 =	vadd.f32 v15, v2;
	v3 =	vadd.f32 v12, v3  }
0xf1: {  	v11 =	vperm.xlane v1, v4  }
0xf2: {  	v12 =	vperm.xlane v2, v0;
	v13 =	vperm.xlane v3, v0  }
0xf3: {  	v1 =	vadd.f32 v1, v11  }
0xf4: {  	v2 =	vadd.f32 v12, v2;
	v3 =	vadd.f32 v13, v3  }
0xf5: {  	v11 =	vperm.xlane v1, v5  }
0xf6: {  	v2 =	vsel vm0, v2, v3  }
0xf7: {  	v1 =	vadd.f32 v1, v11;
	v3 =	vperm.xlane v2, v4  }
0xf8: {  	v11 =	vor.u32 s19, v62  }
0xf9: {  	v12 =	vperm.xlane v1, v6;
	v2 =	vadd.f32 v2, v3;
	_ =	sdelay $0x1  }
0xfa: {  	v1 =	vadd.f32 v1, v12;
	v3 =	vperm.xlane v2, v5  }
0xfb: {  	v12 =	vadd.s32 s24, v10  }
0xfc: {  	[tilespmem:v11+s15+$0x0] =	vst.idx.msk vm1, v1;
	v1 =	vadd.f32 v2, v3;
	v2 =	vand.u32 $0xFF8, v12  }
0xfd: {  	v2 =	vor.u32 v8, v2  }
0xfe: {  	v12 =	vperm.xlane v1, v6;
	_ =	sdelay $0x1  }
0xff: {  	v1 =	vadd.f32 v1, v12;
	_ =	sdelay $0x1  }
0x100: {  	[tilespmem:v2+s15+$0x0] =	vst.idx.msk vm1, v1  }
0x101: {  	v1 =	vld [tilespmem:s20+$0x200]  }
0x102: {  	v2 =	vld [tilespmem:s20+$0x210]  }
0x103: {  	v16 =	vld [tilespmem:s20+$0x240]  }
0x104: {  	v19 =	vld [tilespmem:s20+$0x250]  }
0x105: {  	v41 =	vld [tilespmem:s20+$0x220]  }
0x106: {  	v43 =	vld [tilespmem:s20+$0x260]  }
0x107: {  	v22 =	vld [tilespmem:s20+$0x230]  }
0x108: {  	v23 =	vld [tilespmem:s20+$0x270];
	v1 =	vmul.f32 v1, v17;
	v2 =	vmul.f32 v2, v30  }
0x109: {  	v16 =	vmul.f32 v16, v17;
	v19 =	vmul.f32 v19, v30  }
0x10a: {  	v20 =	vmul.f32 v41, v29  }
0x10b: {  	v1 =	vadd.f32 v2, v1;
	v2 =	vadd.f32 v19, v16;
	v16 =	vmul.f32 v43, v29  }
0x10c: {  	v19 =	vmul.f32 v22, v18  }
0x10d: {  	v1 =	vadd.f32 v20, v1;
	v2 =	vadd.f32 v16, v2;
	v16 =	vmul.f32 v23, v18;
	_ =	sdelay $0x1  }
0x10e: {  	v1 =	vadd.f32 v19, v1;
	v2 =	vadd.f32 v16, v2;
	_ =	sdelay $0x1  }
0x10f: {  	v16 =	vperm.xlane v1, v0;
	v19 =	vperm.xlane v2, v0;
	_ =	sdelay $0x1  }
0x110: {  	s25 =	simm.s32 $0x1640;
	v1 =	vadd.f32 v16, v1;
	v2 =	vadd.f32 v19, v2  }
0x111: {  	s22 =	simm.s32 $0x640;
	v44 =	vld [tilespmem:s25+$0x10]  }
0x112: {  	v21 =	vld [tilespmem:s22+$0x0];
	v1 =	vsel vm0, v1, v2  }
0x113: {  	v22 =	vld [tilespmem:s22+$0x10];
	v16 =	vperm.xlane v1, v4  }
0x114: {  	v2 =	vld [tilespmem:s25+$0x0]  }
0x115: {  	v20 =	vld [tilespmem:s22+$0x20];
	v1 =	vadd.f32 v1, v16  }
0x116: {  	v16 =	vld [tilespmem:s25+$0x20]  }
0x117: {  	v27 =	vld [tilespmem:s25+$0x30];
	v26 =	vperm.xlane v1, v5  }
0x118: {  	v19 =	vld [tilespmem:s22+$0x30]  }
0x119: {  	v33 =	vld [tilespmem:s22+$0xFFFFFFD0];
	v23 =	vmul.f32 v44, v22;
	v2 =	vmul.f32 v2, v21;
	v1 =	vadd.f32 v1, v26  }
0x11a: {  	v45 =	vadd.s32 s24, v59;
	v35 =	vld [tilespmem:s22+$0xFFFFFFC0]  }
0x11b: {  	v58 =	vld [tilespmem:s22+$0xFFFFFFE0];
	v2 =	vadd.f32 v23, v2;
	v16 =	vmul.f32 v16, v20;
	v26 =	vperm.xlane v1, v6  }
0x11c: {  	v63 =	vld [tilespmem:s22+$0xFFFFFFF0]  }
0x11d: {  	v3 =	vld [tilespmem:s20+$0xFFFFFC80];
	v2 =	vadd.f32 v16, v2;
	v16 =	vmul.f32 v27, v19;
	v1 =	vadd.f32 v1, v26  }
0x11e: {  	v11 =	vld [tilespmem:s20+$0xFFFFFC90]  }
0x11f: {  	v26 =	vld [tilespmem:s25+$0xFFFFFFD0];
	v2 =	vadd.f32 v16, v2;
	[tilespmem:v45+s15+$0x0] =	vst.idx.msk vm1, v1  }
0x120: {  	v7 =	vld [tilespmem:$0x1FF30]  }
0x121: {  	v1 =	vperm.xlane v2, v0;
	v23 =	vld [tilespmem:s20+$0x280]  }
0x122: {  	v27 =	vld [tilespmem:s20+$0x290]  }
0x123: {  	v31 =	vld [tilespmem:s20+$0x2D0];
	v1 =	vadd.f32 v2, v1  }
0x124: {  	v37 =	vld [tilespmem:s20+$0x2A0]  }
0x125: {  	v32 =	vperm.xlane v1, v7;
	v7 =	vld [tilespmem:$0x1FF40]  }
0x126: {  	v2 =	vld [tilespmem:s20+$0x2C0]  }
0x127: {  	v38 =	vld [tilespmem:s20+$0x2E0]  }
0x128: {  	v46 =	vld [tilespmem:s20+$0x2B0];
	v1 =	vadd.f32 v1, v32  }
0x129: {  	v39 =	vld [tilespmem:s20+$0x2F0];
	v23 =	vmul.f32 v23, v17  }
0x12a: {  	v27 =	vmul.f32 v27, v30;
	v40 =	vperm.xlane v1, v7;
	v7 =	vld [tilespmem:$0x1FF50]  }
0x12b: {  	s23 =	simm.s32 $0x3;
	v16 =	vld [tilespmem:s25+$0xFFFFFFC0];
	v31 =	vmul.f32 v31, v30;
	v2 =	vmul.f32 v2, v17  }
0x12c: {  	v47 =	vmov s23;
	v13 =	vld [tilespmem:s20+$0xFFFFFCC0];
	v37 =	vmul.f32 v37, v29;
	v23 =	vadd.f32 v27, v23  }
0x12d: {  	v38 =	vmul.f32 v38, v29;
	v27 =	vld [tilespmem:s25+$0xFFFFFFE0];
	v2 =	vadd.f32 v31, v2;
	v1 =	vadd.f32 v1, v40  }
0x12e: {  	v50 =	vld [tilespmem:s25+$0xFFFFFFF0];
	v3 =	vmul.f32 v3, v25;
	v32 =	vmul.f32 v46, v18;
	v23 =	vadd.f32 v37, v23  }
0x12f: {  	v14 =	vld [tilespmem:s20+$0xFFFFFCD0];
	v48 =	vmul.f32 v39, v18;
	v2 =	vadd.f32 v38, v2;
	v41 =	vperm.xlane v1, v7  }
0x130: {  	v12 =	vld [tilespmem:s20+$0xFFFFFCA0];
	v26 =	vmul.f32 v26, v33;
	v16 =	vmul.f32 v16, v35;
	v23 =	vadd.f32 v32, v23  }
0x131: {  	v15 =	vld [tilespmem:s20+$0xFFFFFCE0];
	v11 =	vmul.f32 v11, v24;
	v2 =	vadd.f32 v48, v2;
	v1 =	vadd.f32 v1, v41  }
0x132: {  	v51 =	vld [tilespmem:s20+$0xFFFFFCB0];
	v13 =	vmul.f32 v13, v25;
	v16 =	vadd.f32 v26, v16;
	v26 =	vmul.f32 v27, v58  }
0x133: {  	v52 =	vld [tilespmem:s20+$0xFFFFFCF0];
	s22 =	simm.s32 $0x3480;
	v27 =	vperm.xlane v2, v0;
	[tilespmem:v47+s4+$0x0] =	vst.idx.msk $0x1, v1;
	v1 =	vperm.xlane v23, v0  }
0x134: {  	v14 =	vmul.f32 v14, v24;
	v3 =	vadd.f32 v11, v3;
	v16 =	vadd.f32 v26, v16;
	v53 =	vld [tilespmem:s22+$0x0]  }
0x135: {  	v11 =	vmul.f32 v12, v36;
	v2 =	vadd.f32 v27, v2;
	v26 =	vld [tilespmem:s22+$0x10];
	v1 =	vadd.f32 v1, v23  }
0x136: {  	v12 =	vadd.f32 v14, v13;
	v38 =	vmul.f32 v50, v63;
	v54 =	vld [tilespmem:s22+$0x40]  }
0x137: {  	v14 =	vmul.f32 v15, v36;
	v3 =	vadd.f32 v11, v3;
	v13 =	vld [tilespmem:s22+$0x50];
	v1 =	vsel vm0, v1, v2  }
0x138: {  	v11 =	vmul.f32 v51, v28;
	v15 =	vadd.f32 v38, v16;
	v27 =	vld [tilespmem:s22+$0x60];
	v16 =	vperm.xlane v1, v4  }
0x139: {  	v12 =	vadd.f32 v14, v12;
	v14 =	vmul.f32 v52, v28;
	v2 =	vld [tilespmem:s22+$0x20]  }
0x13a: {  	v3 =	vadd.f32 v11, v3;
	v7 =	vld [tilespmem:$0x1FF30];
	v1 =	vadd.f32 v1, v16  }
0x13b: {  	v12 =	vadd.f32 v14, v12;
	v56 =	vperm.xlane v15, v0;
	v34 =	vld [tilespmem:s22+$0x30];
	v26 =	vmul.f32 v26, v22  }
0x13c: {  	v43 =	vadd.s32 s24, v60;
	v40 =	vld [tilespmem:s22+$0x70];
	v16 =	vmul.f32 v53, v21;
	v41 =	vperm.xlane v1, v5  }
0x13d: {  	v15 =	vadd.f32 v15, v56;
	v11 =	vmul.f32 v54, v21;
	v13 =	vmul.f32 v13, v22  }
0x13e: {  	v2 =	vmul.f32 v2, v20;
	v16 =	vadd.f32 v26, v16;
	v1 =	vadd.f32 v1, v41  }
0x13f: {  	v14 =	vperm.xlane v15, v7;
	v7 =	vld [tilespmem:$0x1FF40];
	v11 =	vadd.f32 v13, v11;
	v13 =	vmul.f32 v27, v20  }
0x140: {  	v2 =	vadd.f32 v2, v16;
	v16 =	vperm.xlane v1, v6  }
0x141: {  	v26 =	vmul.f32 v34, v19;
	v11 =	vadd.f32 v13, v11;
	v13 =	vmul.f32 v40, v19  }
0x142: {  	v14 =	vadd.f32 v15, v14;
	v1 =	vadd.f32 v1, v16  }
0x143: {  	v11 =	vadd.f32 v13, v11;
	v2 =	vadd.f32 v26, v2  }
0x144: {  	v44 =	vperm.xlane v14, v7;
	[tilespmem:v43+s15+$0x0] =	vst.idx.msk vm1, v1  }
0x145: {  	s26 =	simm.s32 $0x2;
	v15 =	vperm.xlane v2, v0;
	v16 =	vperm.xlane v11, v0;
	v7 =	vld [tilespmem:$0x1FF50]  }
0x146: {  	v27 =	vmov s26;
	v13 =	vperm.xlane v3, v0;
	v26 =	vperm.xlane v12, v0  }
0x147: {  	v1 =	vand.u32 $0xFFFFFFFE, v27;
	v2 =	vadd.f32 v15, v2;
	v11 =	vadd.f32 v16, v11;
	v23 =	vld [tilespmem:s20+$0x300]  }
0x148: {  	v14 =	vadd.f32 v14, v44;
	v1 =	vbroadcast v1, $0x0;
	v15 =	vld [tilespmem:s20+$0x310]  }
0x149: {  	v3 =	vadd.f32 v13, v3;
	v12 =	vadd.f32 v26, v12;
	v13 =	vld [tilespmem:s20+$0x340];
	v2 =	vsel vm0, v2, v11  }
0x14a: {  	v16 =	vld [tilespmem:s20+$0x350];
	v26 =	vperm.xlane v2, v4;
	v11 =	vperm.xlane v14, v7  }
0x14b: {  	v3 =	vsel vm0, v3, v12;
	v12 =	vld [tilespmem:s20+$0x320]  }
0x14c: {  	v27 =	vperm.xlane v3, v4;
	v2 =	vadd.f32 v2, v26;
	v26 =	vld [tilespmem:s20+$0x330];
	v11 =	vadd.f32 v14, v11  }
0x14d: {  	v14 =	vld [tilespmem:s20+$0x360]  }
0x14e: {  	v3 =	vadd.f32 v3, v27;
	[tilespmem:v1+s4+$0x0] =	vst.idx.msk $0x1, v11;
	v1 =	vld [tilespmem:s20+$0x370];
	v11 =	vperm.xlane v2, v5  }
0x14f: {  	v27 =	vld [tilespmem:s22+$0xFFFFFB00]  }
0x150: {  	s26 =	simm.s32 $0x3C;
	v45 =	vperm.xlane v3, v5;
	v23 =	vmul.f32 v23, v17;
	v46 =	vld [tilespmem:s22+$0xFFFFFB10];
	v2 =	vadd.f32 v2, v11  }
0x151: {  	v47 =	vor.u32 s26, v42;
	v13 =	vmul.f32 v13, v17;
	v16 =	vmul.f32 v16, v30;
	v50 =	vld [tilespmem:s22+$0xFFFFFB50]  }
0x152: {  	v48 =	vor.u32 s19, v10;
	v52 =	vld [tilespmem:s22+$0xFFFFFB20];
	v11 =	vmul.f32 v15, v30;
	v51 =	vperm.xlane v2, v6  }
0x153: {  	v3 =	vadd.f32 v3, v45;
	v13 =	vadd.f32 v16, v13;
	v16 =	vld [tilespmem:s22+$0xFFFFFB60];
	v14 =	vmul.f32 v14, v29  }
0x154: {  	v12 =	vmul.f32 v12, v29;
	v15 =	vld [tilespmem:s22+$0xFFFFFB40];
	v11 =	vadd.f32 v11, v23;
	v2 =	vadd.f32 v2, v51  }
0x155: {  	v32 =	vperm.xlane v3, v6;
	v26 =	vmul.f32 v26, v18;
	v13 =	vadd.f32 v14, v13;
	v14 =	vld [tilespmem:s22+$0xFFFFFB70]  }
0x156: {  	v1 =	vmul.f32 v1, v18;
	v11 =	vadd.f32 v12, v11;
	v12 =	vld [tilespmem:s22+$0xFFFFFB30];
	[tilespmem:v47+s15+$0x0] =	vst.idx.msk vm1, v2  }
0x157: {  	v2 =	vadd.f32 v3, v32;
	v3 =	vld [tilespmem:s22+$0x80]  }
0x158: {  	v1 =	vadd.f32 v1, v13;
	v11 =	vadd.f32 v26, v11;
	v13 =	vld [tilespmem:s22+$0x90]  }
0x159: {  	v26 =	vmul.f32 v27, v35;
	v27 =	vmul.f32 v46, v33;
	v53 =	vld [tilespmem:s22+$0xC0]  }
0x15a: {  	v15 =	vmul.f32 v15, v35;
	v38 =	vld [tilespmem:s22+$0xD0];
	[tilespmem:v48+s15+$0x0] =	vst.idx.msk vm1, v2;
	v2 =	vperm.xlane v11, v0  }
0x15b: {  	v54 =	vperm.xlane v1, v0;
	v56 =	vld [tilespmem:s22+$0xA0];
	v26 =	vadd.f32 v27, v26;
	v27 =	vmul.f32 v50, v33  }
0x15c: {  	v23 =	vmul.f32 v52, v58;
	v16 =	vmul.f32 v16, v58;
	v2 =	vadd.f32 v2, v11;
	v11 =	vld [tilespmem:s22+$0xE0]  }
0x15d: {  	v1 =	vadd.f32 v54, v1;
	v12 =	vmul.f32 v12, v63;
	v15 =	vadd.f32 v27, v15;
	v27 =	vld [tilespmem:s22+$0xB0]  }
0x15e: {  	v23 =	vadd.f32 v23, v26;
	v26 =	vld [tilespmem:s22+$0xF0];
	v3 =	vmul.f32 v3, v21;
	v13 =	vmul.f32 v13, v22  }
0x15f: {  	v1 =	vsel vm0, v2, v1;
	v2 =	vmul.f32 v53, v21;
	v43 =	vmul.f32 v38, v22  }
0x160: {  	v15 =	vadd.f32 v16, v15;
	v44 =	vmul.f32 v56, v20;
	v16 =	vperm.xlane v1, v4  }
0x161: {  	v3 =	vadd.f32 v13, v3;
	v2 =	vadd.f32 v43, v2;
	v11 =	vmul.f32 v11, v20  }
0x162: {  	v12 =	vadd.f32 v12, v23;
	v13 =	vmul.f32 v14, v63;
	v14 =	vmul.f32 v27, v19  }
0x163: {  	v41 =	vld [tilespmem:s20+$0xFFFFFD00];
	v3 =	vadd.f32 v44, v3;
	v2 =	vadd.f32 v11, v2;
	v11 =	vmul.f32 v26, v19  }
0x164: {  	v1 =	vadd.f32 v1, v16;
	v13 =	vadd.f32 v13, v15  }
0x165: {  	v16 =	vperm.xlane v12, v0;
	v15 =	vld [tilespmem:s20+$0xFFFFFD10];
	v3 =	vadd.f32 v14, v3;
	v2 =	vadd.f32 v11, v2  }
0x166: {  	v48 =	vadd.s32 s24, v61;
	v47 =	vld [tilespmem:s20+$0xFFFFFD20];
	v14 =	vperm.xlane v1, v5;
	v26 =	vperm.xlane v13, v0  }
0x167: {  	v27 =	vld [tilespmem:s20+$0xFFFFFD50];
	v12 =	vadd.f32 v16, v12;
	v16 =	vperm.xlane v3, v0;
	v46 =	vperm.xlane v2, v0  }
0x168: {  	v45 =	vmul.f32 v41, v25;
	v11 =	vld [tilespmem:s20+$0xFFFFFD40];
	v1 =	vadd.f32 v1, v14;
	v13 =	vadd.f32 v26, v13  }
0x169: {  	v14 =	vld [tilespmem:s20+$0xFFFFFD60];
	v26 =	vand.u32 $0xFF8, v48;
	v3 =	vadd.f32 v16, v3;
	v2 =	vadd.f32 v46, v2  }
0x16a: {  	v15 =	vmul.f32 v15, v24;
	v16 =	vor.u32 v42, v26;
	v12 =	vsel vm0, v12, v13  }
0x16b: {  	v13 =	vperm.xlane v1, v6;
	v26 =	vperm.xlane v12, v4;
	v2 =	vsel vm0, v3, v2  }
0x16c: {  	v51 =	vld [tilespmem:s20+$0xFFFFFD70];
	v27 =	vmul.f32 v27, v24;
	v15 =	vadd.f32 v15, v45;
	v50 =	vperm.xlane v2, v4  }
0x16d: {  	v11 =	vmul.f32 v11, v25;
	v1 =	vadd.f32 v1, v13;
	v3 =	vld [tilespmem:s20+$0xFFFFFD30];
	v12 =	vadd.f32 v12, v26  }
0x16e: {  	v13 =	vmul.f32 v47, v36;
	v14 =	vmul.f32 v14, v36;
	v2 =	vadd.f32 v2, v50  }
0x16f: {  	v11 =	vadd.f32 v27, v11;
	[tilespmem:v16+s15+$0x0] =	vst.idx.msk vm1, v1;
	v1 =	vperm.xlane v12, v5  }
0x170: {  	s25 =	simm.s32 $0x28;
	v13 =	vadd.f32 v13, v15;
	v16 =	vperm.xlane v2, v5  }
0x171: {  	v52 =	vor.u32 s25, v42;
	v15 =	vld [tilespmem:s20+$0x380];
	v11 =	vadd.f32 v14, v11;
	v1 =	vadd.f32 v12, v1  }
0x172: {  	v14 =	vld [tilespmem:s20+$0x390];
	v12 =	vmul.f32 v51, v28;
	v3 =	vmul.f32 v3, v28;
	v2 =	vadd.f32 v2, v16  }
0x173: {  	v53 =	vor.u32 s26, v10;
	v26 =	vld [tilespmem:s20+$0x3C0];
	v27 =	vperm.xlane v1, v6  }
0x174: {  	v11 =	vadd.f32 v12, v11;
	v12 =	vld [tilespmem:s20+$0x3A0];
	v3 =	vadd.f32 v3, v13;
	v13 =	vperm.xlane v2, v6  }
0x175: {  	v16 =	vld [tilespmem:s20+$0x3D0];
	v1 =	vadd.f32 v1, v27  }
0x176: {  	v34 =	vld [tilespmem:s20+$0x3B0];
	v56 =	vperm.xlane v11, v0;
	v27 =	vperm.xlane v3, v0;
	v2 =	vadd.f32 v2, v13  }
0x177: {  	v54 =	vld [tilespmem:s20+$0x3E0];
	v14 =	vmul.f32 v14, v30;
	[tilespmem:v52+s15+$0x0] =	vst.idx.msk vm1, v1;
	v13 =	vmul.f32 v15, v17  }
0x178: {  	v15 =	vld [tilespmem:s20+$0x3F0];
	v1 =	vadd.f32 v27, v3;
	v3 =	vadd.f32 v56, v11;
	[tilespmem:v53+s15+$0x0] =	vst.idx.msk vm1, v2  }
0x179: {  	v2 =	vmul.f32 v12, v29;
	v12 =	vadd.f32 v14, v13;
	v13 =	vld [tilespmem:s22+$0x100]  }
0x17a: {  	v1 =	vsel vm0, v1, v3;
	v3 =	vmul.f32 v26, v17;
	v14 =	vmul.f32 v16, v30;
	v16 =	vld [tilespmem:s22+$0x110]  }
0x17b: {  	v26 =	vmul.f32 v34, v18;
	v43 =	vperm.xlane v1, v4;
	v27 =	vld [tilespmem:s22+$0x150];
	v2 =	vadd.f32 v2, v12  }
0x17c: {  	v12 =	vld [tilespmem:s22+$0x140];
	v3 =	vadd.f32 v14, v3;
	v14 =	vmul.f32 v54, v29  }
0x17d: {  	v44 =	vld [tilespmem:s22+$0x120];
	v1 =	vadd.f32 v1, v43;
	v2 =	vadd.f32 v26, v2  }
0x17e: {  	v3 =	vadd.f32 v14, v3;
	v14 =	vmul.f32 v15, v18;
	v15 =	vld [tilespmem:s22+$0x160]  }
0x17f: {  	v47 =	vld [tilespmem:s22+$0x130];
	v26 =	vadd.s32 s19, v59;
	v45 =	vperm.xlane v1, v5;
	v46 =	vperm.xlane v2, v0  }
0x180: {  	v3 =	vadd.f32 v14, v3;
	v13 =	vmul.f32 v13, v21;
	v14 =	vmul.f32 v16, v22;
	v16 =	vld [tilespmem:s22+$0x170]  }
0x181: {  	v11 =	vld [tilespmem:s22+$0xFFFFFB80];
	v26 =	vand.u32 $0xFF8, v26;
	v27 =	vmul.f32 v27, v22;
	v12 =	vmul.f32 v12, v21  }
0x182: {  	v1 =	vadd.f32 v1, v45;
	v50 =	vperm.xlane v3, v0;
	v13 =	vadd.f32 v14, v13  }
0x183: {  	v48 =	vld [tilespmem:s22+$0xFFFFFB90];
	v14 =	vmul.f32 v44, v20;
	v12 =	vadd.f32 v27, v12;
	v15 =	vmul.f32 v15, v20  }
0x184: {  	v51 =	vld [tilespmem:s22+$0xFFFFFBC0];
	v52 =	vmul.f32 v47, v19;
	v2 =	vadd.f32 v46, v2;
	v3 =	vadd.f32 v50, v3  }
0x185: {  	v53 =	vld [tilespmem:s22+$0xFFFFFBE0];
	v13 =	vadd.f32 v14, v13;
	v12 =	vadd.f32 v15, v12;
	v15 =	vmul.f32 v16, v19  }
0x186: {  	v11 =	vmul.f32 v11, v35;
	v27 =	vperm.xlane v1, v6;
	v14 =	vld [tilespmem:s22+$0xFFFFFBA0];
	v16 =	vor.u32 v42, v26  }
0x187: {  	v26 =	vld [tilespmem:s22+$0xFFFFFBD0];
	v2 =	vsel vm0, v2, v3;
	v3 =	vadd.f32 v52, v13;
	v12 =	vadd.f32 v15, v12  }
0x188: {  	v32 =	vmul.f32 v48, v33;
	v15 =	vperm.xlane v2, v4  }
0x189: {  	v34 =	vld [tilespmem:s22+$0xFFFFFBF0];
	v1 =	vadd.f32 v1, v27;
	v27 =	vperm.xlane v3, v0;
	v56 =	vperm.xlane v12, v0  }
0x18a: {  	v54 =	vld [tilespmem:s22+$0xFFFFFBB0];
	v11 =	vadd.f32 v32, v11;
	v13 =	vmul.f32 v51, v35;
	v2 =	vadd.f32 v2, v15  }
0x18b: {  	v14 =	vmul.f32 v14, v58;
	v3 =	vadd.f32 v27, v3;
	v12 =	vadd.f32 v56, v12  }
0x18c: {  	v15 =	vmul.f32 v26, v33;
	[tilespmem:v16+s15+$0x0] =	vst.idx.msk vm1, v1;
	v1 =	vmul.f32 v53, v58;
	v16 =	vadd.s32 s24, v55  }
0x18d: {  	v11 =	vadd.f32 v14, v11;
	v14 =	vperm.xlane v2, v5;
	v3 =	vsel vm0, v3, v12  }
0x18e: {  	v27 =	vmul.f32 v34, v63;
	v13 =	vadd.f32 v15, v13;
	v43 =	vperm.xlane v3, v4  }
0x18f: {  	v26 =	vld [tilespmem:s20+$0xFFFFFD90];
	v15 =	vmul.f32 v54, v63;
	v2 =	vadd.f32 v2, v14;
	v14 =	vand.u32 $0xFF8, v16  }
0x190: {  	v44 =	vld [tilespmem:s20+$0xFFFFFDA0];
	v1 =	vadd.f32 v1, v13;
	v13 =	vor.u32 v8, v14;
	v3 =	vadd.f32 v3, v43  }
0x191: {  	v45 =	vld [tilespmem:s20+$0xFFFFFDE0];
	v11 =	vadd.f32 v15, v11;
	v15 =	vperm.xlane v2, v6  }
0x192: {  	v47 =	vld [tilespmem:s20+$0xFFFFFDB0];
	v1 =	vadd.f32 v27, v1;
	v27 =	vperm.xlane v3, v5  }
0x193: {  	v12 =	vld [tilespmem:s20+$0xFFFFFD80];
	v2 =	vadd.f32 v2, v15;
	v15 =	vadd.s32 s26, v62  }
0x194: {  	v16 =	vld [tilespmem:s20+$0xFFFFFDC0];
	v46 =	vperm.xlane v11, v0;
	v15 =	vand.u32 $0xFF8, v15;
	v3 =	vadd.f32 v3, v27  }
0x195: {  	v14 =	vld [tilespmem:s20+$0xFFFFFDD0];
	v48 =	vperm.xlane v1, v0;
	[tilespmem:v13+s15+$0x0] =	vst.idx.msk vm1, v2;
	v2 =	vor.u32 v42, v15  }
0x196: {  	v13 =	vld [tilespmem:s20+$0x400];
	v15 =	vperm.xlane v3, v6  }
0x197: {  	v11 =	vadd.f32 v46, v11;
	v1 =	vadd.f32 v48, v1;
	v50 =	vld [tilespmem:s20+$0x410]  }
0x198: {  	v51 =	vld [tilespmem:s20+$0x450];
	v3 =	vadd.f32 v3, v15  }
0x199: {  	v40 =	vld [tilespmem:s20+$0x420];
	v1 =	vsel vm0, v11, v1  }
0x19a: {  	v11 =	vld [tilespmem:s20+$0x440];
	v15 =	vperm.xlane v1, v4;
	[tilespmem:v2+s15+$0x0] =	vst.idx.msk vm1, v3  }
0x19b: {  	v2 =	vmul.f32 v12, v25;
	v12 =	vld [tilespmem:s22+$0x180]  }
0x19c: {  	v1 =	vadd.f32 v1, v15;
	v15 =	vmul.f32 v16, v25;
	v16 =	vld [tilespmem:s22+$0x190]  }
0x19d: {  	v52 =	vld [tilespmem:s22+$0x1C0]  }
0x19e: {  	v23 =	vmul.f32 v44, v36;
	v32 =	vmul.f32 v45, v36;
	v43 =	vld [tilespmem:s22+$0x1D0]  }
0x19f: {  	v3 =	vmul.f32 v26, v24;
	v54 =	vld [tilespmem:s22+$0x1E0];
	v26 =	vperm.xlane v1, v5  }
0x1a0: {  	v53 =	vor.u32 s25, v8;
	v38 =	vmul.f32 v47, v28;
	v14 =	vmul.f32 v14, v24;
	v44 =	vld [tilespmem:s22+$0x1B0]  }
0x1a1: {  	v13 =	vmul.f32 v13, v17;
	v40 =	vmul.f32 v40, v29;
	v48 =	vld [tilespmem:s22+$0x1F0];
	v1 =	vadd.f32 v1, v26  }
0x1a2: {  	v11 =	vmul.f32 v11, v17;
	v2 =	vadd.f32 v3, v2;
	v3 =	vmul.f32 v50, v30;
	v26 =	vld [tilespmem:s22+$0x1A0]  }
0x1a3: {  	v14 =	vadd.f32 v14, v15;
	v15 =	vmul.f32 v51, v30;
	v50 =	vld [tilespmem:s20+$0x460];
	v56 =	vperm.xlane v1, v6  }
0x1a4: {  	v2 =	vadd.f32 v23, v2;
	v12 =	vmul.f32 v12, v21;
	v16 =	vmul.f32 v16, v22  }
0x1a5: {  	v45 =	vld [tilespmem:s20+$0x470];
	v3 =	vadd.f32 v3, v13;
	v41 =	vmul.f32 v52, v21;
	v43 =	vmul.f32 v43, v22  }
0x1a6: {  	v51 =	vld [tilespmem:s20+$0x430];
	v37 =	vmul.f32 v54, v20;
	v13 =	vmul.f32 v44, v19;
	v12 =	vadd.f32 v16, v12  }
0x1a7: {  	v27 =	vld [tilespmem:s20+$0xFFFFFDF0];
	v16 =	vadd.f32 v43, v41;
	v1 =	vadd.f32 v1, v56;
	v26 =	vmul.f32 v26, v20  }
0x1a8: {  	v11 =	vadd.f32 v15, v11;
	v23 =	vmul.f32 v48, v19;
	v15 =	vmul.f32 v50, v29  }
0x1a9: {  	v16 =	vadd.f32 v37, v16;
	[tilespmem:v53+s15+$0x0] =	vst.idx.msk vm1, v1;
	v12 =	vadd.f32 v26, v12  }
0x1aa: {  	v3 =	vadd.f32 v40, v3;
	v11 =	vadd.f32 v15, v11;
	v15 =	vmul.f32 v45, v18;
	v26 =	vld [tilespmem:s22+$0xFFFFFC00]  }
0x1ab: {  	v1 =	vmul.f32 v51, v18;
	v12 =	vadd.f32 v13, v12;
	v13 =	vadd.f32 v23, v16;
	v16 =	vld [tilespmem:s22+$0xFFFFFC10]  }
0x1ac: {  	v27 =	vmul.f32 v27, v28;
	v14 =	vadd.f32 v32, v14;
	v2 =	vadd.f32 v38, v2;
	v52 =	vld [tilespmem:s22+$0xFFFFFC40]  }
0x1ad: {  	v1 =	vadd.f32 v1, v3;
	v3 =	vadd.f32 v15, v11;
	v11 =	vld [tilespmem:s22+$0xFFFFFC50]  }
0x1ae: {  	v14 =	vadd.f32 v27, v14;
	v27 =	vperm.xlane v12, v0;
	v53 =	vperm.xlane v13, v0  }
0x1af: {  	v15 =	vperm.xlane v2, v0  }
0x1b0: {  	v54 =	vld [tilespmem:s22+$0xFFFFFC20];
	v12 =	vadd.f32 v27, v12;
	v13 =	vadd.f32 v53, v13  }
0x1b1: {  	v42 =	vld [tilespmem:s22+$0xFFFFFC60];
	v56 =	vperm.xlane v1, v0;
	v2 =	vadd.f32 v15, v2;
	v27 =	vperm.xlane v14, v0  }
0x1b2: {  	v15 =	vld [tilespmem:s22+$0xFFFFFC30];
	v23 =	vmul.f32 v52, v35;
	v11 =	vmul.f32 v11, v33;
	v12 =	vsel vm0, v12, v13  }
0x1b3: {  	v13 =	vmul.f32 v16, v33;
	v16 =	vperm.xlane v12, v4  }
0x1b4: {  	v26 =	vmul.f32 v26, v35;
	v1 =	vadd.f32 v56, v1;
	v14 =	vadd.f32 v27, v14;
	v27 =	vld [tilespmem:s22+$0xFFFFFC70]  }
0x1b5: {  	v43 =	vperm.xlane v3, v0;
	v11 =	vadd.f32 v11, v23;
	v12 =	vadd.f32 v12, v16  }
0x1b6: {  	v13 =	vadd.f32 v13, v26;
	v26 =	vmul.f32 v54, v58;
	v16 =	vmul.f32 v42, v58  }
0x1b7: {  	v3 =	vadd.f32 v43, v3;
	v15 =	vmul.f32 v15, v63;
	v44 =	vperm.xlane v12, v5  }
0x1b8: {  	v13 =	vadd.f32 v26, v13;
	v11 =	vadd.f32 v16, v11;
	v16 =	vadd.s32 s26, v10  }
0x1b9: {  	v26 =	vmul.f32 v27, v63;
	v16 =	vand.u32 $0xFF8, v16;
	v12 =	vadd.f32 v12, v44  }
0x1ba: {  	v1 =	vsel vm0, v1, v3;
	v2 =	vsel vm0, v2, v14;
	v3 =	vor.u32 v8, v16  }
0x1bb: {  	v13 =	vadd.f32 v15, v13;
	v11 =	vadd.f32 v26, v11;
	v14 =	vperm.xlane v12, v6  }
0x1bc: {  	v15 =	vperm.xlane v2, v4;
	v16 =	vperm.xlane v1, v4  }
0x1bd: {  	v45 =	vperm.xlane v13, v0;
	v26 =	vperm.xlane v11, v0;
	v12 =	vadd.f32 v12, v14  }
0x1be: {  	v2 =	vadd.f32 v2, v15;
	v1 =	vadd.f32 v1, v16  }
0x1bf: {  	v13 =	vadd.f32 v45, v13;
	v11 =	vadd.f32 v26, v11;
	[tilespmem:v3+s15+$0x0] =	vst.idx.msk vm1, v12  }
0x1c0: {  	v3 =	vperm.xlane v2, v5;
	v12 =	vld [tilespmem:s22+$0x200]  }
0x1c1: {  	v14 =	vadd.s32 s19, v60;
	v15 =	vperm.xlane v1, v5;
	v11 =	vsel vm0, v13, v11;
	v13 =	vld [tilespmem:s22+$0x210]  }
0x1c2: {  	v14 =	vand.u32 $0xFF8, v14;
	v16 =	vld [tilespmem:s22+$0x240];
	v2 =	vadd.f32 v2, v3;
	v3 =	vperm.xlane v11, v4  }
0x1c3: {  	v14 =	vor.u32 v8, v14;
	v1 =	vadd.f32 v1, v15;
	v15 =	vld [tilespmem:s22+$0x250]  }
0x1c4: {  	v26 =	vadd.s32 s24, v57;
	v47 =	vld [tilespmem:s22+$0x260];
	v46 =	vperm.xlane v2, v6;
	v3 =	vadd.f32 v11, v3  }
0x1c5: {  	v27 =	vperm.xlane v1, v6;
	v11 =	vld [tilespmem:s22+$0x220]  }
0x1c6: {  	v50 =	vld [tilespmem:s22+$0x230];
	v2 =	vadd.f32 v2, v46;
	v48 =	vperm.xlane v3, v5  }
0x1c7: {  	s21 =	simm.s32 $0x6C0;
	v1 =	vadd.f32 v1, v27;
	v27 =	vld [tilespmem:s22+$0x270];
	v12 =	vmul.f32 v12, v21;
	v13 =	vmul.f32 v13, v22  }
0x1c8: {  	s23 =	simm.s32 $0x16C0;
	v41 =	vld [tilespmem:s21+$0x30];
	[tilespmem:v14+s15+$0x0] =	vst.idx.msk vm1, v2;
	v2 =	vmul.f32 v16, v21;
	v14 =	vmul.f32 v15, v22  }
0x1c9: {  	v56 =	vld [tilespmem:s23+$0x0];
	[tilespmem:v26+s15+$0x0] =	vst.idx.msk vm1, v1;
	v1 =	vadd.f32 v3, v48;
	v12 =	vadd.f32 v13, v12  }
0x1ca: {  	v42 =	vld [tilespmem:s21+$0x20];
	v13 =	vmul.f32 v47, v20;
	v3 =	vmul.f32 v11, v20;
	v2 =	vadd.f32 v14, v2  }
0x1cb: {  	v26 =	vmul.f32 v50, v19;
	v50 =	vld [tilespmem:s23+$0x20];
	v15 =	vor.u32 s25, v62;
	v23 =	vperm.xlane v1, v6  }
0x1cc: {  	v32 =	vld [tilespmem:s20+$0x490];
	v3 =	vadd.f32 v3, v12;
	v12 =	vmul.f32 v27, v19;
	v2 =	vadd.f32 v13, v2  }
0x1cd: {  	v37 =	vld [tilespmem:s20+$0x4D0];
	v1 =	vadd.f32 v1, v23  }
0x1ce: {  	v48 =	vld [tilespmem:s23+$0x10];
	v3 =	vadd.f32 v26, v3;
	v2 =	vadd.f32 v12, v2  }
0x1cf: {  	v16 =	vld [tilespmem:s20+$0xFFFFFE00]  }
0x1d0: {  	v11 =	vld [tilespmem:s20+$0xFFFFFE10];
	[tilespmem:v15+s15+$0x0] =	vst.idx.msk vm1, v1;
	v1 =	vperm.xlane v3, v0;
	v51 =	vperm.xlane v2, v0  }
0x1d1: {  	v14 =	vld [tilespmem:s20+$0x480]  }
0x1d2: {  	v13 =	vld [tilespmem:s20+$0x4C0];
	v1 =	vadd.f32 v1, v3;
	v2 =	vadd.f32 v51, v2  }
0x1d3: {  	v26 =	vld [tilespmem:s21+$0x0]  }
0x1d4: {  	v12 =	vld [tilespmem:s20+$0x4A0];
	v1 =	vsel vm0, v1, v2  }
0x1d5: {  	v15 =	vld [tilespmem:s22+$0xFFFFFC80];
	v52 =	vperm.xlane v1, v4  }
0x1d6: {  	v7 =	vmov v49;
	v39 =	vld [tilespmem:s22+$0xFFFFFC90]  }
0x1d7: {  	v31 =	vmov v7;
	v7 =	vld [tilespmem:$0x1FF60];
	v23 =	vadd.f32 v1, v52  }
0x1d8: {  	v40 =	vld [tilespmem:s22+$0xFFFFFCC0]  }
0x1d9: {  	v43 =	vld [tilespmem:s22+$0xFFFFFCA0];
	v46 =	vperm.xlane v23, v5  }
0x1da: {  	v54 =	vadd.s32 s19, v57;
	v27 =	vadd.s32 s19, v61;
	v3 =	vld [tilespmem:s22+$0xFFFFFCD0]  }
0x1db: {  	v47 =	vand.u32 $0xFF8, v54;
	v1 =	vand.u32 $0xFF8, v27;
	v27 =	vld [tilespmem:s21+$0x10];
	v46 =	vadd.f32 v23, v46  }
0x1dc: {  	v34 =	vadd.s32 s19, v49;
	v51 =	vadd.s32 s26, v59;
	v2 =	vld [tilespmem:s22+$0xFFFFFCE0];
	v7 =	vor.u32 v7, v47  }
0x1dd: {  	v53 =	vadd.s32 s19, v55;
	v44 =	vld [tilespmem:s22+$0xFFFFFCB0];
	v45 =	vmul.f32 v56, v26;
	[tilespmem:$0x1FCB0] =	vst v7;
	v52 =	vperm.xlane v46, v6  }
0x1de: {  	v38 =	vand.u32 $0xFF8, v53;
	v15 =	vmul.f32 v15, v35;
	v39 =	vmul.f32 v39, v33;
	v47 =	vld [tilespmem:s23+$0x30]  }
0x1df: {  	v40 =	vmul.f32 v40, v35;
	v3 =	vmul.f32 v3, v33;
	v53 =	vld [tilespmem:s22+$0xFFFFFCF0];
	v46 =	vadd.f32 v46, v52  }
0x1e0: {  	v56 =	vmul.f32 v43, v58;
	v15 =	vadd.f32 v39, v15;
	v49 =	vld [tilespmem:s20+$0x4B0];
	v48 =	vmul.f32 v48, v27  }
0x1e1: {  	v3 =	vadd.f32 v3, v40;
	v2 =	vmul.f32 v2, v58;
	v52 =	vld [tilespmem:s20+$0x4E0];
	[tilespmem:v51+s15+$0x0] =	vst.idx.msk vm1, v46  }
0x1e2: {  	v23 =	vmul.f32 v50, v42;
	v45 =	vadd.f32 v48, v45;
	v40 =	vld [tilespmem:s22+$0x280]  }
0x1e3: {  	v15 =	vadd.f32 v56, v15;
	v2 =	vadd.f32 v2, v3;
	v46 =	vld [tilespmem:s22+$0x290]  }
0x1e4: {  	v3 =	vmul.f32 v44, v63;
	v50 =	vadd.f32 v23, v45;
	v51 =	vmul.f32 v47, v41;
	v47 =	vld [tilespmem:s22+$0x2C0]  }
0x1e5: {  	v43 =	vand.u32 $0xFF8, v34;
	v54 =	vmul.f32 v53, v63;
	v53 =	vld [tilespmem:s22+$0x2D0]  }
0x1e6: {  	v7 =	vor.u32 v8, v43;
	v3 =	vadd.f32 v3, v15;
	v15 =	vld [tilespmem:s22+$0x2A0];
	v56 =	vadd.f32 v51, v50  }
0x1e7: {  	v16 =	vmul.f32 v16, v25;
	[tilespmem:$0x1FC80] =	vst v7;
	v7 =	vld [tilespmem:$0x1FF30]  }
0x1e8: {  	v11 =	vmul.f32 v11, v24;
	v23 =	vperm.xlane v56, v0  }
0x1e9: {  	v32 =	vmul.f32 v32, v30;
	v30 =	vmul.f32 v37, v30;
	v44 =	vld [tilespmem:s22+$0x2E0]  }
0x1ea: {  	v11 =	vadd.f32 v11, v16;
	v16 =	vperm.xlane v3, v0;
	v34 =	vld [tilespmem:s22+$0x2B0];
	v37 =	vadd.f32 v56, v23  }
0x1eb: {  	v14 =	vmul.f32 v14, v17;
	v2 =	vadd.f32 v54, v2;
	v40 =	vmul.f32 v40, v21;
	v56 =	vld [tilespmem:s22+$0x2F0]  }
0x1ec: {  	v3 =	vadd.f32 v16, v3;
	v54 =	vmul.f32 v46, v22;
	v16 =	vperm.xlane v37, v7;
	v7 =	vld [tilespmem:$0x1FF40]  }
0x1ed: {  	v14 =	vadd.f32 v32, v14;
	v47 =	vmul.f32 v47, v21;
	v39 =	vmul.f32 v53, v22  }
0x1ee: {  	v45 =	vperm.xlane v2, v0;
	v15 =	vmul.f32 v15, v20;
	v40 =	vadd.f32 v54, v40  }
0x1ef: {  	v32 =	vmul.f32 v44, v20;
	v39 =	vadd.f32 v39, v47;
	v16 =	vadd.f32 v37, v16  }
0x1f0: {  	v2 =	vadd.f32 v45, v2;
	v34 =	vmul.f32 v34, v19;
	v15 =	vadd.f32 v15, v40  }
0x1f1: {  	v39 =	vadd.f32 v32, v39;
	v53 =	vmul.f32 v56, v19;
	v54 =	vperm.xlane v16, v7;
	v7 =	vld [tilespmem:$0x1FF50]  }
0x1f2: {  	v13 =	vmul.f32 v13, v17  }
0x1f3: {  	v50 =	vld [tilespmem:s20+$0x4F0];
	v2 =	vsel vm0, v3, v2;
	v3 =	vadd.f32 v34, v15;
	v15 =	vadd.f32 v53, v39  }
0x1f4: {  	s29 =	simm.s32 $0x5;
	v12 =	vmul.f32 v12, v29;
	v13 =	vadd.f32 v30, v13;
	v30 =	vld [tilespmem:s21+$0xFFFFFFC0];
	v16 =	vadd.f32 v16, v54  }
0x1f5: {  	v17 =	vld [tilespmem:s21+$0xFFFFFFF0];
	v56 =	vmov s29;
	v45 =	vperm.xlane v3, v0;
	v34 =	vperm.xlane v15, v0  }
0x1f6: {  	v12 =	vadd.f32 v12, v14;
	v29 =	vmul.f32 v52, v29;
	v52 =	vld [tilespmem:s23+$0xFFFFFFD0];
	v37 =	vperm.xlane v16, v7  }
0x1f7: {  	v14 =	vperm.xlane v2, v4;
	v23 =	vld [tilespmem:s21+$0xFFFFFFD0];
	v3 =	vadd.f32 v45, v3;
	v15 =	vadd.f32 v34, v15  }
0x1f8: {  	v44 =	vld [tilespmem:s23+$0xFFFFFFC0];
	v16 =	vadd.f32 v16, v37  }
0x1f9: {  	v2 =	vadd.f32 v2, v14;
	v32 =	vld [tilespmem:s21+$0xFFFFFFE0];
	v3 =	vsel vm0, v3, v15  }
0x1fa: {  	v43 =	vmul.f32 v49, v18;
	v39 =	vld [tilespmem:s23+$0xFFFFFFE0];
	[tilespmem:v56+s4+$0x0] =	vst.idx.msk $0x1, v16;
	v16 =	vperm.xlane v3, v4  }
0x1fb: {  	v13 =	vadd.f32 v29, v13;
	v18 =	vmul.f32 v50, v18;
	v54 =	vld [tilespmem:s20+$0xFFFFFE20];
	v56 =	vperm.xlane v2, v5  }
0x1fc: {  	v47 =	vmul.f32 v52, v23;
	v52 =	vld [tilespmem:s23+$0xFFFFFFF0];
	v16 =	vadd.f32 v3, v16  }
0x1fd: {  	v44 =	vmul.f32 v44, v30;
	v3 =	vadd.f32 v18, v13;
	v18 =	vadd.f32 v2, v56  }
0x1fe: {  	s21 =	simm.s32 $0x3E80;
	v15 =	vor.u32 s25, v10  }
0x1ff: {  	v14 =	vadd.f32 v47, v44;
	v39 =	vmul.f32 v39, v32;
	v34 =	vld [tilespmem:s21+$0x0];
	v56 =	vperm.xlane v18, v6  }
0x200: {  	v12 =	vadd.f32 v43, v12;
	v13 =	vmul.f32 v54, v36;
	v54 =	vperm.xlane v16, v5  }
0x201: {  	v51 =	vld [tilespmem:s20+$0xFFFFFE40];
	v52 =	vmul.f32 v52, v17;
	v14 =	vadd.f32 v39, v14;
	v18 =	vadd.f32 v18, v56  }
0x202: {  	v48 =	vld [tilespmem:s20+$0xFFFFFE50];
	v16 =	vadd.f32 v16, v54  }
0x203: {  	v44 =	vld [tilespmem:s20+$0xFFFFFE60];
	v47 =	vadd.s32 s26, v60;
	v14 =	vadd.f32 v52, v14;
	v2 =	vperm.xlane v12, v0;
	[tilespmem:v15+s15+$0x0] =	vst.idx.msk vm1, v18  }
0x204: {  	v45 =	vmul.f32 v34, v26;
	v34 =	vperm.xlane v16, v6;
	v7 =	vld [tilespmem:$0x1FF30]  }
0x205: {  	v53 =	vld [tilespmem:s21+$0x10];
	v2 =	vadd.f32 v2, v12;
	v12 =	vperm.xlane v14, v0  }
0x206: {  	v43 =	vld [tilespmem:s21+$0x40];
	v16 =	vadd.f32 v16, v34  }
0x207: {  	v39 =	vld [tilespmem:s21+$0x50];
	v12 =	vadd.f32 v14, v12  }
0x208: {  	v46 =	vmul.f32 v51, v25;
	v49 =	vld [tilespmem:s21+$0x20];
	[tilespmem:v47+s15+$0x0] =	vst.idx.msk vm1, v16  }
0x209: {  	v40 =	vmul.f32 v48, v24;
	v56 =	vperm.xlane v12, v7;
	v7 =	vld [tilespmem:$0x1FF40]  }
0x20a: {  	v50 =	vld [tilespmem:s21+$0x60]  }
0x20b: {  	v40 =	vadd.f32 v40, v46;
	v46 =	vld [tilespmem:s21+$0x30]  }
0x20c: {  	v48 =	vld [tilespmem:s21+$0x70];
	v12 =	vadd.f32 v12, v56  }
0x20d: {  	v14 =	vmul.f32 v53, v27;
	v18 =	vmul.f32 v39, v27;
	v39 =	vld [tilespmem:s20+$0xFFFFFE30]  }
0x20e: {  	v15 =	vmul.f32 v43, v26;
	v54 =	vperm.xlane v12, v7;
	v7 =	vld [tilespmem:$0x1FF50]  }
0x20f: {  	v44 =	vmul.f32 v44, v36;
	v49 =	vmul.f32 v49, v42;
	v14 =	vadd.f32 v14, v45;
	v34 =	vld [tilespmem:s20+$0xFFFFFE70]  }
0x210: {  	v11 =	vadd.f32 v13, v11;
	v15 =	vadd.f32 v18, v15;
	v18 =	vmul.f32 v50, v42;
	v50 =	vld [tilespmem:s22+$0xFFFFFD00]  }
0x211: {  	s23 =	simm.s32 $0x4;
	v53 =	vmul.f32 v46, v41;
	v14 =	vadd.f32 v49, v14;
	v16 =	vld [tilespmem:s22+$0xFFFFFD10];
	v12 =	vadd.f32 v12, v54  }
0x212: {  	v13 =	vmov s23;
	v15 =	vadd.f32 v18, v15;
	v18 =	vmul.f32 v48, v41;
	v47 =	vld [tilespmem:s22+$0x300]  }
0x213: {  	v13 =	vand.u32 $0xFFFFFFFE, v13;
	v14 =	vadd.f32 v53, v14;
	v37 =	vperm.xlane v12, v7;
	v7 =	vld [tilespmem:$0x1FF60]  }
0x214: {  	v40 =	vadd.f32 v44, v40;
	v13 =	vbroadcast v13, $0x0;
	v48 =	vld [tilespmem:s22+$0x310];
	v15 =	vadd.f32 v18, v15  }
0x215: {  	v52 =	vadd.s32 s25, v59;
	v18 =	vmul.f32 v39, v28;
	v39 =	vld [tilespmem:s22+$0x340];
	v44 =	vperm.xlane v14, v0  }
0x216: {  	v45 =	vand.u32 $0xFF8, v52;
	v43 =	vld [tilespmem:s22+$0x350];
	v56 =	vperm.xlane v15, v0  }
0x217: {  	v52 =	vld [tilespmem:s22+$0x320];
	v34 =	vmul.f32 v34, v28;
	v18 =	vadd.f32 v18, v11;
	v14 =	vadd.f32 v44, v14  }
0x218: {  	v15 =	vadd.f32 v56, v15;
	v12 =	vadd.f32 v12, v37;
	v11 =	vor.u32 v7, v45;
	v45 =	vld [tilespmem:s22+$0x360]  }
0x219: {  	v44 =	vld [tilespmem:s22+$0x330];
	v40 =	vadd.f32 v34, v40;
	v46 =	vmul.f32 v47, v21;
	v56 =	vmul.f32 v48, v22  }
0x21a: {  	v34 =	vld [tilespmem:s22+$0x370];
	v14 =	vsel vm0, v14, v15;
	v15 =	vmul.f32 v39, v21;
	[tilespmem:v13+s4+$0x0] =	vst.idx.msk $0x1, v12  }
0x21b: {  	v12 =	vmul.f32 v43, v22;
	v13 =	vperm.xlane v14, v4;
	v37 =	vld [tilespmem:s21+$0xFFFFFB00]  }
0x21c: {  	v46 =	vadd.f32 v56, v46;
	v54 =	vmul.f32 v52, v20;
	v56 =	vld [tilespmem:s21+$0xFFFFFB10]  }
0x21d: {  	v7 =	vld [tilespmem:$0x1FF60];
	v12 =	vadd.f32 v12, v15;
	v13 =	vadd.f32 v14, v13;
	v15 =	vmul.f32 v45, v20  }
0x21e: {  	v53 =	vld [tilespmem:s22+$0xFFFFFD20];
	v44 =	vmul.f32 v44, v19;
	v46 =	vadd.f32 v54, v46  }
0x21f: {  	v51 =	vld [tilespmem:s21+$0xFFFFFB50];
	v12 =	vadd.f32 v15, v12;
	v15 =	vmul.f32 v34, v19;
	v34 =	vperm.xlane v13, v5  }
0x220: {  	v50 =	vmul.f32 v50, v35;
	v16 =	vmul.f32 v16, v33;
	v44 =	vadd.f32 v44, v46;
	v45 =	vld [tilespmem:s21+$0xFFFFFB40]  }
0x221: {  	s23 =	simm.s32 $0x64;
	v43 =	vperm.xlane v18, v0;
	v46 =	vld [tilespmem:s21+$0xFFFFFB20];
	v49 =	vmul.f32 v37, v30;
	v13 =	vadd.f32 v13, v34  }
0x222: {  	v39 =	vld [tilespmem:s22+$0xFFFFFD40];
	v47 =	vmul.f32 v56, v23;
	v48 =	vor.u32 s23, v7;
	v12 =	vadd.f32 v15, v12  }
0x223: {  	v16 =	vadd.f32 v16, v50;
	v37 =	vperm.xlane v44, v0;
	v15 =	vld [tilespmem:s21+$0xFFFFFB60];
	v34 =	vmovc v55;
	v55 =	vperm.xlane v13, v6  }
0x224: {  	v18 =	vadd.f32 v43, v18;
	v43 =	vld [tilespmem:s21+$0xFFFFFB30];
	v51 =	vmul.f32 v51, v23;
	v54 =	vperm.xlane v12, v0  }
0x225: {  	v56 =	vld [tilespmem:s21+$0xFFFFFB70];
	v44 =	vadd.f32 v37, v44;
	v45 =	vmul.f32 v45, v30;
	v13 =	vadd.f32 v13, v55  }
0x226: {  	v52 =	vld [tilespmem:s22+$0xFFFFFD50];
	v46 =	vmul.f32 v46, v32;
	v47 =	vadd.f32 v47, v49;
	v12 =	vadd.f32 v54, v12  }
0x227: {  	v14 =	vperm.xlane v40, v0;
	v45 =	vadd.f32 v51, v45;
	v54 =	vld [tilespmem:s22+$0xFFFFFD60];
	[tilespmem:v48+s15+$0x0] =	vst.idx.msk vm1, v13  }
0x228: {  	v15 =	vmul.f32 v15, v32;
	v12 =	vsel vm0, v44, v12;
	v13 =	vadd.f32 v46, v47;
	v46 =	vld [tilespmem:s21+$0x80]  }
0x229: {  	v39 =	vmul.f32 v39, v35;
	v14 =	vadd.f32 v14, v40;
	v44 =	vperm.xlane v12, v4;
	v47 =	vld [tilespmem:s21+$0x90]  }
0x22a: {  	v43 =	vmul.f32 v43, v17;
	v37 =	vmul.f32 v56, v17;
	v15 =	vadd.f32 v15, v45;
	v45 =	vld [tilespmem:s21+$0xD0]  }
0x22b: {  	v14 =	vsel vm0, v18, v14;
	v55 =	vmul.f32 v53, v58;
	v7 =	vld [tilespmem:$0x1FF60];
	v12 =	vadd.f32 v12, v44  }
0x22c: {  	v13 =	vadd.f32 v43, v13;
	v43 =	vld [tilespmem:s21+$0xC0];
	v44 =	vmul.f32 v52, v33;
	v15 =	vadd.f32 v37, v15  }
0x22d: {  	v56 =	vadd.s32 s26, v61;
	v51 =	vld [tilespmem:s21+$0xA0];
	v49 =	vmul.f32 v54, v58;
	v50 =	vperm.xlane v12, v5  }
0x22e: {  	v56 =	vand.u32 $0xFF8, v56;
	v37 =	vld [tilespmem:s21+$0xE0];
	v40 =	vperm.xlane v13, v0;
	v48 =	vperm.xlane v15, v0  }
0x22f: {  	v46 =	vmul.f32 v46, v26;
	v47 =	vmul.f32 v47, v27;
	v12 =	vadd.f32 v12, v50;
	v50 =	vld [tilespmem:s21+$0xB0]  }
0x230: {  	v13 =	vadd.f32 v40, v13;
	v40 =	vor.u32 v7, v56;
	v15 =	vadd.f32 v48, v15;
	v48 =	vld [tilespmem:s21+$0xF0]  }
0x231: {  	v45 =	vmul.f32 v45, v27;
	v43 =	vmul.f32 v43, v26;
	v46 =	vadd.f32 v47, v46  }
0x232: {  	v52 =	vld [tilespmem:s22+$0xFFFFFD30];
	v54 =	vperm.xlane v12, v6;
	v13 =	vsel vm0, v13, v15;
	v15 =	vmul.f32 v51, v42  }
0x233: {  	v16 =	vadd.f32 v55, v16;
	v37 =	vmul.f32 v37, v42;
	v43 =	vadd.f32 v45, v43  }
0x234: {  	v51 =	vld [tilespmem:s22+$0xFFFFFD70];
	v53 =	vperm.xlane v13, v4;
	v12 =	vadd.f32 v12, v54;
	v15 =	vadd.f32 v15, v46  }
0x235: {  	v43 =	vadd.f32 v37, v43;
	v50 =	vmul.f32 v50, v41;
	v55 =	vmul.f32 v48, v41  }
0x236: {  	v39 =	vadd.f32 v44, v39;
	v13 =	vadd.f32 v13, v53;
	[tilespmem:v40+s15+$0x0] =	vst.idx.msk vm1, v12  }
0x237: {  	v56 =	vmul.f32 v52, v63;
	v12 =	vadd.f32 v50, v15;
	v15 =	vadd.f32 v55, v43;
	v43 =	vld [tilespmem:s22+$0x380]  }
0x238: {  	v39 =	vadd.f32 v49, v39;
	v52 =	vperm.xlane v14, v4;
	v7 =	vld [tilespmem:$0x1FF60]  }
0x239: {  	v16 =	vadd.f32 v56, v16;
	v48 =	vmul.f32 v51, v63;
	v49 =	vperm.xlane v13, v5;
	v45 =	vld [tilespmem:s22+$0x390]  }
0x23a: {  	v14 =	vadd.f32 v14, v52;
	v44 =	vld [tilespmem:s22+$0x3D0];
	v50 =	vperm.xlane v12, v0;
	v51 =	vperm.xlane v15, v0  }
0x23b: {  	v56 =	vld [tilespmem:s22+$0x3E0];
	v18 =	vadd.f32 v48, v39;
	v13 =	vadd.f32 v13, v49  }
0x23c: {  	s28 =	simm.s32 $0x50;
	v39 =	vld [tilespmem:s22+$0x3C0];
	v12 =	vadd.f32 v50, v12;
	v15 =	vadd.f32 v51, v15  }
0x23d: {  	v53 =	vperm.xlane v16, v0;
	v49 =	vld [tilespmem:s22+$0x3A0];
	v54 =	vperm.xlane v18, v0;
	v48 =	vor.u32 s28, v7  }
0x23e: {  	v55 =	vperm.xlane v13, v6;
	v52 =	vmul.f32 v43, v21;
	v12 =	vsel vm0, v12, v15  }
0x23f: {  	v15 =	vadd.f32 v53, v16;
	v16 =	vadd.f32 v54, v18;
	v18 =	vld [tilespmem:s22+$0x3B0];
	v51 =	vperm.xlane v12, v4  }
0x240: {  	v44 =	vmul.f32 v44, v22;
	v13 =	vadd.f32 v13, v55;
	v53 =	vmul.f32 v45, v22;
	v54 =	vld [tilespmem:s22+$0x3F0]  }
0x241: {  	v55 =	vmul.f32 v56, v20;
	v39 =	vmul.f32 v39, v21;
	v12 =	vadd.f32 v12, v51  }
0x242: {  	v47 =	vor.u32 s23, v10;
	v40 =	vadd.f32 v53, v52;
	[tilespmem:v48+s15+$0x0] =	vst.idx.msk vm1, v13;
	v13 =	vmul.f32 v49, v20  }
0x243: {  	v15 =	vsel vm0, v15, v16;
	v39 =	vadd.f32 v44, v39;
	v56 =	vperm.xlane v12, v5;
	v16 =	vld [tilespmem:s21+$0xFFFFFB80]  }
0x244: {  	v53 =	vperm.xlane v15, v4;
	v18 =	vmul.f32 v18, v19;
	v46 =	vld [tilespmem:s21+$0xFFFFFBC0];
	v13 =	vadd.f32 v13, v40  }
0x245: {  	v39 =	vadd.f32 v55, v39;
	v37 =	vmul.f32 v54, v19;
	v48 =	vld [tilespmem:s21+$0xFFFFFBD0];
	v12 =	vadd.f32 v12, v56  }
0x246: {  	v52 =	vperm.xlane v14, v5;
	v15 =	vadd.f32 v15, v53;
	v45 =	vld [tilespmem:s21+$0xFFFFFBE0];
	v13 =	vadd.f32 v18, v13  }
0x247: {  	v55 =	vperm.xlane v3, v0;
	v40 =	vld [tilespmem:s21+$0xFFFFFB90];
	v18 =	vadd.f32 v37, v39;
	v54 =	vperm.xlane v12, v6  }
0x248: {  	v14 =	vadd.f32 v14, v52;
	v37 =	vperm.xlane v15, v5;
	v49 =	vperm.xlane v13, v0  }
0x249: {  	v44 =	vld [tilespmem:s21+$0xFFFFFBA0];
	v56 =	vperm.xlane v18, v0;
	v16 =	vmul.f32 v16, v30;
	v39 =	vadd.f32 v12, v54  }
0x24a: {  	v51 =	vld [tilespmem:s21+$0xFFFFFBB0];
	v15 =	vadd.f32 v15, v37;
	v43 =	vmul.f32 v46, v30;
	v46 =	vmul.f32 v48, v23  }
0x24b: {  	v53 =	vld [tilespmem:s21+$0xFFFFFBF0];
	v13 =	vadd.f32 v49, v13;
	v18 =	vadd.f32 v56, v18;
	[tilespmem:v47+s15+$0x0] =	vst.idx.msk vm1, v39  }
0x24c: {  	v45 =	vmul.f32 v45, v32;
	v12 =	vadd.f32 v55, v3;
	v50 =	vmul.f32 v40, v23;
	v40 =	vld [tilespmem:s21+$0x100]  }
0x24d: {  	v3 =	vperm.xlane v14, v6;
	v43 =	vadd.f32 v46, v43;
	v13 =	vsel vm0, v13, v18;
	v18 =	vld [tilespmem:s21+$0x110]  }
0x24e: {  	v54 =	vmul.f32 v44, v32;
	v56 =	vperm.xlane v15, v6;
	v16 =	vadd.f32 v50, v16;
	v47 =	vld [tilespmem:s21+$0x140]  }
0x24f: {  	v14 =	vadd.f32 v14, v3;
	v46 =	vld [tilespmem:s21+$0x150];
	v43 =	vadd.f32 v45, v43;
	v55 =	vperm.xlane v13, v4  }
0x250: {  	v3 =	vmul.f32 v53, v17;
	v15 =	vadd.f32 v15, v56;
	v16 =	vadd.f32 v54, v16;
	v54 =	vld [tilespmem:s21+$0x160]  }
0x251: {  	v51 =	vmul.f32 v51, v17;
	v56 =	vld [tilespmem:s21+$0x130];
	v13 =	vadd.f32 v13, v55  }
0x252: {  	v1 =	vor.u32 v62, v1;
	v44 =	vld [tilespmem:s21+$0x120];
	v43 =	vadd.f32 v3, v43;
	[tilespmem:v11+s15+$0x0] =	vst.idx.msk vm1, v15;
	v11 =	vadd.s32 s26, v34  }
0x253: {  	v16 =	vadd.f32 v51, v16;
	v55 =	vperm.xlane v13, v5;
	v3 =	vmul.f32 v40, v26  }
0x254: {  	v50 =	vld [tilespmem:s21+$0x170];
	v11 =	vand.u32 $0xFF8, v11;
	v18 =	vmul.f32 v18, v27;
	v15 =	vmul.f32 v47, v26  }
0x255: {  	v11 =	vor.u32 v8, v11;
	v46 =	vmul.f32 v46, v27;
	v51 =	vmul.f32 v54, v42  }
0x256: {  	v39 =	vld [tilespmem:s22+$0xFFFFFD80];
	v54 =	vmul.f32 v56, v41;
	v56 =	vperm.xlane v43, v0;
	v13 =	vadd.f32 v13, v55  }
0x257: {  	v45 =	vld [tilespmem:s22+$0xFFFFFD90];
	v3 =	vadd.f32 v18, v3;
	v18 =	vmul.f32 v44, v42;
	v15 =	vadd.f32 v46, v15  }
0x258: {  	v48 =	vld [tilespmem:s22+$0xFFFFFDF0];
	v55 =	vperm.xlane v16, v0;
	v43 =	vadd.f32 v56, v43;
	v53 =	vperm.xlane v13, v6  }
0x259: {  	v40 =	vmul.f32 v50, v41;
	v44 =	vld [tilespmem:s22+$0xFFFFFDD0];
	v3 =	vadd.f32 v18, v3;
	v15 =	vadd.f32 v51, v15  }
0x25a: {  	v46 =	vld [tilespmem:s22+$0xFFFFFDB0];
	v16 =	vadd.f32 v55, v16;
	v13 =	vadd.f32 v13, v53  }
0x25b: {  	v18 =	vld [tilespmem:s22+$0xFFFFFDC0];
	v47 =	vadd.f32 v54, v3;
	v15 =	vadd.f32 v40, v15  }
0x25c: {  	v39 =	vmul.f32 v39, v35;
	v45 =	vmul.f32 v45, v33;
	v53 =	vld [tilespmem:s22+$0xFFFFFDA0];
	v16 =	vsel vm0, v16, v43  }
0x25d: {  	v52 =	vadd.s32 s25, v60;
	v40 =	vld [tilespmem:s22+$0xFFFFFDE0];
	[tilespmem:v11+s15+$0x0] =	vst.idx.msk vm1, v13;
	v11 =	vperm.xlane v47, v0;
	v13 =	vperm.xlane v15, v0  }
0x25e: {  	v52 =	vand.u32 $0xFF8, v52;
	[tilespmem:v1+s15+$0x0] =	vst.idx.msk vm1, v14;
	v48 =	vmul.f32 v48, v63;
	v54 =	vperm.xlane v16, v4;
	v43 =	vld [tilespmem:s22+$0x400]  }
0x25f: {  	v3 =	vor.u32 v8, v52;
	v49 =	vld [tilespmem:s22+$0x410];
	v11 =	vadd.f32 v11, v47;
	v13 =	vadd.f32 v13, v15  }
0x260: {  	v55 =	vmul.f32 v44, v33;
	v46 =	vmul.f32 v46, v63;
	v44 =	vld [tilespmem:s22+$0x440];
	v16 =	vadd.f32 v16, v54  }
0x261: {  	v52 =	vld [tilespmem:s22+$0x450];
	v15 =	vmul.f32 v18, v35;
	v56 =	vmul.f32 v53, v58;
	v11 =	vsel vm0, v11, v13  }
0x262: {  	v1 =	vld [tilespmem:s22+$0x470];
	v18 =	vadd.f32 v45, v39;
	v40 =	vmul.f32 v40, v58;
	v54 =	vperm.xlane v11, v4  }
0x263: {  	v29 =	vmovc v58;
	v53 =	vld [tilespmem:s22+$0x420];
	v58 =	vadd.s32 s23, v62;
	v15 =	vadd.f32 v55, v15;
	v55 =	vperm.xlane v16, v5  }
0x264: {  	v7 =	vld [tilespmem:$0x1FF60];
	v18 =	vadd.f32 v56, v18;
	v43 =	vmul.f32 v43, v21;
	v11 =	vadd.f32 v11, v54  }
0x265: {  	v50 =	vld [tilespmem:s22+$0x460];
	v16 =	vadd.f32 v16, v55;
	v45 =	vmul.f32 v49, v22;
	v44 =	vmul.f32 v44, v21  }
0x266: {  	v15 =	vadd.f32 v40, v15;
	v40 =	vld [tilespmem:s22+$0x430];
	v47 =	vmul.f32 v52, v22;
	v56 =	vperm.xlane v11, v5  }
0x267: {  	v13 =	vor.u32 s28, v8;
	v1 =	vmul.f32 v1, v19;
	v14 =	vperm.xlane v16, v6  }
0x268: {  	v39 =	vmul.f32 v53, v20;
	v11 =	vadd.f32 v11, v56;
	v56 =	vand.u32 $0xFF8, v58  }
0x269: {  	v51 =	vld [tilespmem:s20+$0xFFFFFED0];
	v43 =	vadd.f32 v45, v43;
	v44 =	vadd.f32 v47, v44;
	v45 =	vor.u32 v7, v56  }
0x26a: {  	v52 =	vld [tilespmem:s20+$0xFFFFFE80];
	v14 =	vadd.f32 v16, v14;
	v58 =	vmul.f32 v50, v20;
	v16 =	vperm.xlane v11, v6  }
0x26b: {  	v49 =	vld [tilespmem:s20+$0xFFFFFE90];
	v15 =	vadd.f32 v48, v15;
	v39 =	vadd.f32 v39, v43;
	v40 =	vmul.f32 v40, v19  }
0x26c: {  	v54 =	vld [tilespmem:s20+$0xFFFFFEA0];
	[tilespmem:v13+s15+$0x0] =	vst.idx.msk vm1, v14;
	v13 =	vadd.s32 s25, v61;
	v53 =	vadd.f32 v58, v44;
	v11 =	vadd.f32 v11, v16  }
0x26d: {  	v50 =	vld [tilespmem:s20+$0xFFFFFEC0];
	v14 =	vadd.f32 v46, v18;
	v13 =	vand.u32 $0xFF8, v13;
	v18 =	vadd.f32 v40, v39  }
0x26e: {  	v40 =	vld [tilespmem:s21+$0xFFFFFC10];
	v55 =	vadd.f32 v1, v53;
	v1 =	vor.u32 v62, v13;
	[tilespmem:v45+s15+$0x0] =	vst.idx.msk vm1, v11  }
0x26f: {  	v58 =	vmul.f32 v52, v25;
	v16 =	vld [tilespmem:s21+$0xFFFFFC00];
	[tilespmem:$0x1FCA0] =	vst v1  }
0x270: {  	v13 =	vperm.xlane v15, v0;
	v11 =	vperm.xlane v14, v0;
	v43 =	vld [tilespmem:s21+$0x180]  }
0x271: {  	v2 =	vsel vm0, v2, v12;
	v12 =	vperm.xlane v18, v0;
	v56 =	vperm.xlane v55, v0;
	v46 =	vld [tilespmem:s21+$0x190]  }
0x272: {  	v13 =	vadd.f32 v13, v15;
	v15 =	vmul.f32 v49, v24;
	v11 =	vadd.f32 v11, v14;
	v14 =	vld [tilespmem:s21+$0x1C0]  }
0x273: {  	v44 =	vmul.f32 v54, v36;
	v12 =	vadd.f32 v12, v18;
	v52 =	vld [tilespmem:s21+$0x1D0]  }
0x274: {  	v54 =	vmul.f32 v51, v24;
	v18 =	vadd.f32 v56, v55;
	v15 =	vadd.f32 v15, v58;
	v58 =	vld [tilespmem:s21+$0x1B0]  }
0x275: {  	v53 =	vmul.f32 v50, v25;
	v40 =	vmul.f32 v40, v23;
	v11 =	vsel vm0, v11, v13;
	v13 =	vld [tilespmem:s21+$0x1A0]  }
0x276: {  	v16 =	vmul.f32 v16, v30;
	v12 =	vsel vm0, v12, v18;
	v18 =	vld [tilespmem:s21+$0x1E0];
	v55 =	vperm.xlane v11, v4  }
0x277: {  	v56 =	vperm.xlane v12, v4;
	v43 =	vmul.f32 v43, v26  }
0x278: {  	v49 =	vld [tilespmem:s21+$0x1F0];
	v11 =	vadd.f32 v11, v55;
	v46 =	vmul.f32 v46, v27;
	v14 =	vmul.f32 v14, v26  }
0x279: {  	v48 =	vld [tilespmem:s21+$0xFFFFFC40];
	v39 =	vmul.f32 v52, v27;
	v12 =	vadd.f32 v12, v56;
	v56 =	vmul.f32 v58, v41  }
0x27a: {  	v45 =	vadd.f32 v54, v53;
	v54 =	vperm.xlane v11, v5;
	v13 =	vmul.f32 v13, v42  }
0x27b: {  	v58 =	vld [tilespmem:s21+$0xFFFFFC20];
	v43 =	vadd.f32 v46, v43;
	v14 =	vadd.f32 v39, v14;
	v18 =	vmul.f32 v18, v42  }
0x27c: {  	v16 =	vadd.f32 v40, v16;
	v55 =	vperm.xlane v12, v5;
	v11 =	vadd.f32 v11, v54  }
0x27d: {  	v39 =	vld [tilespmem:s21+$0xFFFFFC50];
	v13 =	vadd.f32 v13, v43;
	v14 =	vadd.f32 v18, v14;
	v18 =	vmul.f32 v49, v41  }
0x27e: {  	v51 =	vld [tilespmem:s21+$0xFFFFFC70];
	v40 =	vadd.s32 s26, v57;
	v48 =	vmul.f32 v48, v30;
	v12 =	vadd.f32 v12, v55  }
0x27f: {  	v46 =	vld [tilespmem:s21+$0xFFFFFC60];
	v55 =	vperm.xlane v11, v6;
	v13 =	vadd.f32 v56, v13;
	v14 =	vadd.f32 v18, v14  }
0x280: {  	v50 =	vmul.f32 v58, v32;
	v18 =	vld [tilespmem:s21+$0xFFFFFC30];
	v56 =	vperm.xlane v12, v6  }
0x281: {  	v43 =	vld [tilespmem:s20+$0xFFFFFEE0];
	v11 =	vadd.f32 v11, v55;
	v49 =	vperm.xlane v13, v0;
	v52 =	vperm.xlane v14, v0  }
0x282: {  	v53 =	vld [tilespmem:s20+$0xFFFFFEB0];
	v39 =	vmul.f32 v39, v23;
	v16 =	vadd.f32 v50, v16;
	v12 =	vadd.f32 v12, v56  }
0x283: {  	v47 =	vadd.s32 s25, v34;
	v58 =	vld [tilespmem:s20+$0xFFFFFEF0];
	[tilespmem:v3+s15+$0x0] =	vst.idx.msk vm1, v11;
	v3 =	vadd.f32 v49, v13;
	v11 =	vadd.f32 v52, v14  }
0x284: {  	v13 =	vadd.f32 v39, v48;
	v14 =	vmul.f32 v46, v32;
	v46 =	vand.u32 $0xFF8, v47;
	[tilespmem:v40+s15+$0x0] =	vst.idx.msk vm1, v12;
	v39 =	vld [tilespmem:s22+$0xFFFFFE00]  }
0x285: {  	v12 =	vmul.f32 v51, v17;
	v18 =	vmul.f32 v18, v17;
	v47 =	vld [tilespmem:s22+$0xFFFFFE10];
	v3 =	vsel vm0, v3, v11  }
0x286: {  	v52 =	vmul.f32 v43, v36;
	v43 =	vld [tilespmem:s22+$0x490];
	v11 =	vadd.f32 v14, v13;
	v14 =	vperm.xlane v3, v4  }
0x287: {  	v15 =	vadd.f32 v44, v15;
	v48 =	vld [tilespmem:s22+$0x4D0];
	v16 =	vadd.f32 v18, v16  }
0x288: {  	v49 =	vld [tilespmem:s22+$0x4A0];
	v18 =	vmul.f32 v53, v28;
	v11 =	vadd.f32 v12, v11;
	v3 =	vadd.f32 v3, v14  }
0x289: {  	v40 =	vld [tilespmem:s22+$0x4E0];
	v53 =	vmul.f32 v58, v28;
	v14 =	vadd.f32 v52, v45;
	v54 =	vperm.xlane v16, v0  }
0x28a: {  	v50 =	vld [tilespmem:s22+$0x4B0];
	v15 =	vadd.f32 v18, v15;
	v18 =	vperm.xlane v11, v0;
	v55 =	vperm.xlane v3, v5  }
0x28b: {  	v56 =	vadd.s32 s23, v10;
	v51 =	vld [tilespmem:s22+$0x4F0];
	v14 =	vadd.f32 v53, v14;
	v16 =	vadd.f32 v54, v16  }
0x28c: {  	v13 =	vld [tilespmem:s22+$0x480];
	v11 =	vadd.f32 v18, v11;
	v18 =	vand.u32 $0xFF8, v56;
	v3 =	vadd.f32 v3, v55  }
0x28d: {  	v12 =	vld [tilespmem:s22+$0x4C0];
	v56 =	vperm.xlane v15, v0;
	v18 =	vor.u32 v8, v18  }
0x28e: {  	v54 =	vld [tilespmem:s22+$0xFFFFFE50];
	v52 =	vperm.xlane v14, v0;
	v11 =	vsel vm0, v16, v11;
	v53 =	vperm.xlane v3, v6  }
0x28f: {  	v16 =	vld [tilespmem:s22+$0xFFFFFE40];
	v15 =	vadd.f32 v56, v15;
	v44 =	vperm.xlane v11, v4  }
0x290: {  	v14 =	vadd.f32 v52, v14;
	v52 =	vld [tilespmem:s22+$0xFFFFFE20];
	v3 =	vadd.f32 v3, v53  }
0x291: {  	v58 =	vperm.xlane v2, v4;
	v11 =	vadd.f32 v11, v44;
	v44 =	vld [tilespmem:s22+$0xFFFFFE60]  }
0x292: {  	v14 =	vsel vm0, v15, v14;
	v15 =	vld [tilespmem:s22+$0xFFFFFE30];
	[tilespmem:v18+s15+$0x0] =	vst.idx.msk vm1, v3  }
0x293: {  	v1 =	vor.u32 v10, v46;
	v2 =	vadd.f32 v2, v58;
	v58 =	vadd.s32 s25, v57;
	v57 =	vld [tilespmem:s21+$0x200]  }
0x294: {  	[tilespmem:$0x1FCD0] =	vst v1;
	v1 =	vld [tilespmem:$0x1FF60];
	_ =	sdelay $0x3  }
0x295: {  	v56 =	vand.u32 $0xFF8, v58;
	v53 =	vadd.s32 s25, v31  }
0x296: {  	v39 =	vmul.f32 v39, v35;
	v53 =	vand.u32 $0xFF8, v53;
	v1 =	vor.u32 v1, v56  }
0x297: {  	v43 =	vmul.f32 v43, v22;
	v55 =	vperm.xlane v2, v5;
	[tilespmem:$0x1FD70] =	vst v1;
	v1 =	vor.u32 v8, v53  }
0x298: {  	v3 =	vperm.xlane v14, v4;
	v45 =	vperm.xlane v11, v5;
	[tilespmem:$0x1FC90] =	vst v1  }
0x299: {  	v49 =	vmul.f32 v49, v20;
	v20 =	vmul.f32 v40, v20;
	v2 =	vadd.f32 v2, v55;
	v53 =	vld [tilespmem:s21+$0x210]  }
0x29a: {  	v13 =	vmul.f32 v13, v21;
	v3 =	vadd.f32 v14, v3;
	v11 =	vadd.f32 v11, v45;
	v14 =	vld [tilespmem:s21+$0x240]  }
0x29b: {  	v58 =	vmul.f32 v47, v33;
	v55 =	vor.u32 s28, v62;
	v56 =	vperm.xlane v2, v6;
	v1 =	vmovc v59;
	v59 =	vld [tilespmem:s21+$0x250]  }
0x29c: {  	v9 =	vmovc v60;
	v38 =	vor.u32 v10, v38;
	v12 =	vmul.f32 v12, v21;
	v45 =	vperm.xlane v11, v6;
	v60 =	vld [tilespmem:s21+$0x220]  }
0x29d: {  	v39 =	vadd.f32 v58, v39;
	v47 =	vadd.f32 v2, v56;
	v2 =	vperm.xlane v3, v5;
	v58 =	vld [tilespmem:s21+$0x260]  }
0x29e: {  	v21 =	vmul.f32 v48, v22;
	v13 =	vadd.f32 v43, v13;
	v11 =	vadd.f32 v11, v45;
	v22 =	vld [tilespmem:s21+$0x230]  }
0x29f: {  	v2 =	vadd.f32 v3, v2;
	v3 =	vmul.f32 v57, v26;
	v45 =	vmul.f32 v53, v27;
	v53 =	vld [tilespmem:s21+$0x270]  }
0x2a0: {  	[tilespmem:v55+s15+$0x0] =	vst.idx.msk vm1, v11;
	v11 =	vmul.f32 v14, v26;
	v14 =	vmul.f32 v59, v27  }
0x2a1: {  	v46 =	vmovc v62;
	v12 =	vadd.f32 v21, v12;
	v13 =	vadd.f32 v49, v13;
	v56 =	vld [tilespmem:s22+$0xFFFFFE70];
	v62 =	vmul.f32 v60, v42  }
0x2a2: {  	v43 =	vld [tilespmem:s21+$0xFFFFFC80];
	v3 =	vadd.f32 v45, v3;
	v11 =	vadd.f32 v14, v11;
	v14 =	vmul.f32 v58, v42  }
0x2a3: {  	v12 =	vadd.f32 v20, v12;
	v57 =	vld [tilespmem:s21+$0xFFFFFC90];
	v22 =	vmul.f32 v22, v41;
	v45 =	vperm.xlane v2, v6  }
0x2a4: {  	v21 =	vld [tilespmem:s21+$0xFFFFFCC0];
	v3 =	vadd.f32 v62, v3;
	v11 =	vadd.f32 v14, v11;
	v14 =	vmul.f32 v53, v41  }
0x2a5: {  	v16 =	vmul.f32 v16, v35;
	v40 =	vld [tilespmem:s21+$0xFFFFFCA0];
	v60 =	vmul.f32 v54, v33;
	v2 =	vadd.f32 v2, v45  }
0x2a6: {  	v49 =	vld [tilespmem:s21+$0xFFFFFCE0];
	v3 =	vadd.f32 v22, v3;
	v11 =	vadd.f32 v14, v11  }
0x2a7: {  	v15 =	vmul.f32 v15, v63;
	v16 =	vadd.f32 v60, v16;
	v58 =	vld [tilespmem:s21+$0xFFFFFCD0];
	v53 =	vmul.f32 v50, v19  }
0x2a8: {  	[tilespmem:v38+s15+$0x0] =	vst.idx.msk vm1, v2;
	v2 =	vld [tilespmem:s21+$0xFFFFFCF0];
	v55 =	vperm.xlane v3, v0;
	v59 =	vperm.xlane v11, v0  }
0x2a9: {  	v62 =	vmul.f32 v52, v29;
	v14 =	vmul.f32 v51, v19;
	v19 =	vld [tilespmem:s21+$0xFFFFFCB0];
	v13 =	vadd.f32 v53, v13  }
0x2aa: {  	v56 =	vmul.f32 v56, v63;
	v50 =	vld [tilespmem:s20+$0xFFFFFF10];
	v3 =	vadd.f32 v55, v3;
	v11 =	vadd.f32 v59, v11  }
0x2ab: {  	v54 =	vadd.f32 v62, v39;
	v53 =	vmul.f32 v44, v29;
	v44 =	vld [tilespmem:s20+$0xFFFFFF40];
	v12 =	vadd.f32 v14, v12  }
0x2ac: {  	s25 =	simm.s32 $0x740;
	v45 =	vmul.f32 v58, v23;
	v14 =	vld [tilespmem:s20+$0xFFFFFF00];
	v52 =	vperm.xlane v13, v0;
	[tilespmem:$0x1FDC0] =	vst v63;
	v3 =	vsel vm0, v3, v11  }
0x2ad: {  	v15 =	vadd.f32 v15, v54;
	v38 =	vld [tilespmem:s25+$0x0];
	v11 =	vperm.xlane v12, v0;
	v55 =	vperm.xlane v3, v4  }
0x2ae: {  	v58 =	vmul.f32 v40, v32;
	v16 =	vadd.f32 v53, v16;
	v39 =	vld [tilespmem:s25+$0x10];
	v13 =	vadd.f32 v52, v13  }
0x2af: {  	s29 =	simm.s32 $0x1740;
	v60 =	vperm.xlane v15, v0;
	v40 =	vld [tilespmem:s25+$0x20];
	v11 =	vadd.f32 v11, v12;
	v3 =	vadd.f32 v3, v55  }
0x2b0: {  	v16 =	vadd.f32 v56, v16;
	v59 =	vmul.f32 v57, v23;
	v57 =	vld [tilespmem:s29+$0x10];
	v12 =	vmul.f32 v43, v30  }
0x2b1: {  	v11 =	vsel vm0, v13, v11;
	v13 =	vmul.f32 v21, v30;
	v21 =	vld [tilespmem:s29+$0x0];
	v62 =	vperm.xlane v3, v5  }
0x2b2: {  	v15 =	vadd.f32 v60, v15;
	v63 =	vperm.xlane v16, v0;
	v43 =	vld [tilespmem:s25+$0x30]  }
0x2b3: {  	v12 =	vadd.f32 v59, v12;
	v59 =	vmul.f32 v49, v32;
	v49 =	vld [tilespmem:s29+$0x20];
	v3 =	vadd.f32 v3, v62  }
0x2b4: {  	v60 =	vadd.s32 s23, v1;
	v16 =	vadd.f32 v63, v16;
	v63 =	vld [tilespmem:s29+$0x30];
	v13 =	vadd.f32 v45, v13  }
0x2b5: {  	v48 =	vld [tilespmem:s20+$0xFFFFFF50];
	v2 =	vmul.f32 v2, v17;
	v62 =	vperm.xlane v3, v6  }
0x2b6: {  	v20 =	vld [tilespmem:s20+$0xFFFFFF20];
	v54 =	vmul.f32 v57, v39;
	v13 =	vadd.f32 v59, v13;
	v21 =	vmul.f32 v21, v38  }
0x2b7: {  	v51 =	vld [tilespmem:s20+$0xFFFFFF60];
	v19 =	vmul.f32 v19, v17;
	v3 =	vadd.f32 v3, v62  }
0x2b8: {  	v18 =	vmovc v8;
	v8 =	vld [tilespmem:s25+$0xFFFFFFE0];
	v49 =	vmul.f32 v49, v40;
	v13 =	vadd.f32 v2, v13;
	v21 =	vadd.f32 v54, v21  }
0x2b9: {  	v56 =	vld [tilespmem:s20+$0xFFFFFF70];
	v12 =	vadd.f32 v58, v12;
	v22 =	vmul.f32 v63, v43;
	[tilespmem:v60+s15+$0x0] =	vst.idx.msk vm1, v3  }
0x2ba: {  	v55 =	vld [tilespmem:s20+$0xFFFFFF30];
	v3 =	vsel vm0, v15, v16;
	v16 =	vperm.xlane v13, v0;
	v21 =	vadd.f32 v49, v21  }
0x2bb: {  	v12 =	vadd.f32 v19, v12;
	v19 =	vld [tilespmem:s25+$0xFFFFFFD0]  }
0x2bc: {  	v63 =	vld [tilespmem:s21+$0x2D0];
	v13 =	vadd.f32 v16, v13;
	v16 =	vadd.f32 v22, v21  }
0x2bd: {  	v7 =	vmov v1;
	v45 =	vperm.xlane v11, v4;
	v1 =	vld [tilespmem:$0x1FF30]  }
0x2be: {  	v15 =	vld [tilespmem:s21+$0x280];
	v59 =	vperm.xlane v16, v0  }
0x2bf: {  	v37 =	vmovc v23;
	v23 =	vadd.f32 v11, v45;
	v11 =	vperm.xlane v12, v0;
	v60 =	vld [tilespmem:s21+$0x290];
	v62 =	vperm.xlane v3, v4  }
0x2c0: {  	v50 =	vmul.f32 v50, v24;
	v14 =	vmul.f32 v14, v25;
	v53 =	vld [tilespmem:s21+$0x2C0];
	v16 =	vadd.f32 v16, v59  }
0x2c1: {  	v12 =	vadd.f32 v11, v12;
	v11 =	vadd.f32 v3, v62;
	v3 =	vmul.f32 v44, v25;
	v44 =	vld [tilespmem:s21+$0x2A0]  }
0x2c2: {  	v21 =	vmul.f32 v63, v27;
	v63 =	vperm.xlane v16, v1;
	v1 =	vld [tilespmem:$0x1FF40]  }
0x2c3: {  	v58 =	vmul.f32 v48, v24;
	v48 =	vld [tilespmem:s21+$0x2E0]  }
0x2c4: {  	v51 =	vmul.f32 v51, v36;
	v14 =	vadd.f32 v50, v14;
	v52 =	vmul.f32 v55, v28;
	v54 =	vld [tilespmem:s21+$0x2B0]  }
0x2c5: {  	v62 =	vld [tilespmem:s21+$0x2F0];
	v15 =	vmul.f32 v15, v26;
	v60 =	vmul.f32 v60, v27;
	v16 =	vadd.f32 v16, v63  }
0x2c6: {  	v55 =	vld [tilespmem:s29+$0xFFFFFFC0];
	v12 =	vsel vm0, v12, v13;
	v13 =	vmul.f32 v20, v36;
	v53 =	vmul.f32 v53, v26  }
0x2c7: {  	v44 =	vmul.f32 v44, v42;
	v15 =	vadd.f32 v60, v15;
	v63 =	vperm.xlane v16, v1;
	v1 =	vld [tilespmem:$0x1FF50]  }
0x2c8: {  	v22 =	vld [tilespmem:s25+$0xFFFFFFC0];
	v50 =	vperm.xlane v12, v4;
	v48 =	vmul.f32 v48, v42;
	v21 =	vadd.f32 v21, v53  }
0x2c9: {  	v13 =	vadd.f32 v13, v14;
	v14 =	vld [tilespmem:s29+$0xFFFFFFD0];
	v59 =	vmul.f32 v54, v41;
	v15 =	vadd.f32 v44, v15  }
0x2ca: {  	v62 =	vmul.f32 v62, v41;
	v60 =	vadd.f32 v48, v21;
	v21 =	vld [tilespmem:s25+$0xFFFFFFF0];
	s25 =	simm.s32 $0x7;
	v16 =	vadd.f32 v16, v63  }
0x2cb: {  	v3 =	vadd.f32 v58, v3;
	v12 =	vadd.f32 v12, v50;
	v58 =	vmov s25  }
0x2cc: {  	v49 =	vld [tilespmem:s29+$0xFFFFFFE0];
	v15 =	vadd.f32 v59, v15;
	v44 =	vadd.f32 v62, v60;
	v62 =	vperm.xlane v16, v1  }
0x2cd: {  	v45 =	vmul.f32 v55, v22;
	v13 =	vadd.f32 v52, v13;
	v52 =	vmul.f32 v56, v28  }
0x2ce: {  	v20 =	vld [tilespmem:s29+$0xFFFFFFF0];
	v59 =	vperm.xlane v15, v0;
	v60 =	vperm.xlane v44, v0;
	v16 =	vadd.f32 v16, v62  }
0x2cf: {  	v3 =	vadd.f32 v51, v3;
	v56 =	vperm.xlane v12, v5;
	v14 =	vmul.f32 v14, v19  }
0x2d0: {  	v57 =	vor.u32 s28, v10;
	v15 =	vadd.f32 v59, v15;
	v44 =	vadd.f32 v60, v44;
	[tilespmem:v58+s4+$0x0] =	vst.idx.msk $0x1, v16  }
0x2d1: {  	s19 =	simm.s32 $0x4880;
	v49 =	vmul.f32 v49, v8;
	v3 =	vadd.f32 v52, v3;
	v14 =	vadd.f32 v14, v45;
	v1 =	vld [tilespmem:$0x1FF60]  }
0x2d2: {  	v12 =	vadd.f32 v12, v56;
	v63 =	vadd.s32 s28, v7;
	v15 =	vsel vm0, v15, v44;
	v59 =	vld [tilespmem:s19+$0x0]  }
0x2d3: {  	v14 =	vadd.f32 v49, v14;
	v48 =	vmul.f32 v20, v21;
	v16 =	vperm.xlane v15, v4;
	v51 =	vld [tilespmem:s19+$0x10]  }
0x2d4: {  	v52 =	vperm.xlane v3, v0;
	v20 =	vand.u32 $0xFF8, v63;
	v58 =	vperm.xlane v13, v0;
	v53 =	vld [tilespmem:s19+$0x50]  }
0x2d5: {  	v14 =	vadd.f32 v48, v14;
	v62 =	vperm.xlane v12, v6;
	v50 =	vld [tilespmem:s19+$0x60];
	v15 =	vadd.f32 v15, v16  }
0x2d6: {  	v13 =	vadd.f32 v58, v13;
	v16 =	vadd.f32 v52, v3;
	v45 =	vor.u32 v1, v20;
	v1 =	vld [tilespmem:$0x1FF30]  }
0x2d7: {  	v60 =	vperm.xlane v14, v0;
	v52 =	vld [tilespmem:s19+$0x40];
	v63 =	vperm.xlane v15, v5  }
0x2d8: {  	v12 =	vadd.f32 v12, v62;
	v13 =	vsel vm0, v13, v16;
	v16 =	vld [tilespmem:s19+$0x20]  }
0x2d9: {  	v14 =	vadd.f32 v14, v60;
	v56 =	vld [tilespmem:s19+$0x30];
	v20 =	vperm.xlane v13, v4;
	v15 =	vadd.f32 v15, v63  }
0x2da: {  	v58 =	vadd.s32 s23, v9;
	v48 =	vmul.f32 v59, v38;
	[tilespmem:v57+s15+$0x0] =	vst.idx.msk vm1, v12;
	v12 =	vmul.f32 v51, v39;
	v51 =	vld [tilespmem:s19+$0x70]  }
0x2db: {  	v62 =	vperm.xlane v15, v6;
	v60 =	vperm.xlane v14, v1;
	v1 =	vld [tilespmem:$0x1FF40]  }
0x2dc: {  	v63 =	vmul.f32 v52, v38;
	v13 =	vadd.f32 v13, v20;
	v20 =	vmul.f32 v53, v39  }
0x2dd: {  	v54 =	vld [tilespmem:s21+$0xFFFFFD10];
	v12 =	vadd.f32 v12, v48;
	v16 =	vmul.f32 v16, v40;
	v15 =	vadd.f32 v15, v62  }
0x2de: {  	v53 =	vld [tilespmem:s21+$0xFFFFFD00];
	v62 =	vmul.f32 v50, v40;
	v14 =	vadd.f32 v14, v60;
	v60 =	vadd.f32 v20, v63  }
0x2df: {  	v56 =	vmul.f32 v56, v43;
	v50 =	vld [tilespmem:s21+$0xFFFFFD40];
	v12 =	vadd.f32 v16, v12;
	[tilespmem:v58+s15+$0x0] =	vst.idx.msk vm1, v15  }
0x2e0: {  	s29 =	simm.s32 $0x6;
	v16 =	vadd.f32 v62, v60;
	v60 =	vmul.f32 v51, v43;
	v20 =	vperm.xlane v14, v1;
	v1 =	vld [tilespmem:$0x1FF50]  }
0x2e1: {  	v15 =	vld [tilespmem:s21+$0xFFFFFD20];
	v63 =	vmov s29  }
0x2e2: {  	v52 =	vld [tilespmem:s21+$0x300];
	v12 =	vadd.f32 v56, v12;
	v63 =	vand.u32 $0xFFFFFFFE, v63;
	v16 =	vadd.f32 v60, v16  }
0x2e3: {  	v55 =	vperm.xlane v11, v5;
	v57 =	vld [tilespmem:s21+$0x310];
	v51 =	vbroadcast v63, $0x0;
	v14 =	vadd.f32 v14, v20  }
0x2e4: {  	v49 =	vld [tilespmem:s21+$0x340];
	v58 =	vperm.xlane v12, v0;
	v20 =	vperm.xlane v16, v0  }
0x2e5: {  	v11 =	vadd.f32 v11, v55;
	v56 =	vld [tilespmem:s21+$0x350];
	v62 =	vperm.xlane v13, v5;
	v48 =	vperm.xlane v14, v1  }
0x2e6: {  	v63 =	vld [tilespmem:s21+$0x360];
	v12 =	vadd.f32 v58, v12;
	v16 =	vadd.f32 v20, v16  }
0x2e7: {  	v59 =	vadd.s32 s28, v9;
	v13 =	vadd.f32 v13, v62;
	v62 =	vld [tilespmem:s21+$0x320];
	v1 =	vmovc v61;
	v14 =	vadd.f32 v14, v48  }
0x2e8: {  	v55 =	vand.u32 $0xFF8, v59;
	v58 =	vld [tilespmem:s21+$0x330];
	v59 =	vadd.s32 s28, v1;
	v12 =	vsel vm0, v12, v16  }
0x2e9: {  	v16 =	vand.u32 $0xFF8, v59;
	v59 =	vperm.xlane v12, v4;
	[tilespmem:v51+s4+$0x0] =	vst.idx.msk $0x1, v14;
	v51 =	vld [tilespmem:s21+$0x370]  }
0x2ea: {  	v3 =	vmovc v1;
	v1 =	vor.u32 v46, v16;
	v14 =	vmul.f32 v52, v26;
	v52 =	vmul.f32 v57, v27;
	v57 =	vld [tilespmem:s19+$0xFFFFFB00]  }
0x2eb: {  	v60 =	vperm.xlane v11, v6;
	[tilespmem:$0x1FD20] =	vst v1;
	v12 =	vadd.f32 v12, v59;
	v1 =	vld [tilespmem:$0x1FF60];
	_ =	sdelay $0x1  }
0x2ec: {  	v11 =	vadd.f32 v11, v60;
	v60 =	vperm.xlane v12, v5;
	_ =	sdelay $0x1  }
0x2ed: {  	s25 =	simm.s32 $0x8C;
	v12 =	vadd.f32 v12, v60  }
0x2ee: {  	v16 =	vmul.f32 v49, v26;
	v49 =	vor.u32 s25, v1  }
0x2ef: {  	v48 =	vor.u32 v18, v55;
	v55 =	vmul.f32 v50, v30;
	v50 =	vperm.xlane v12, v6;
	_ =	sdelay $0x1  }
0x2f0: {  	v20 =	vmul.f32 v56, v27;
	v56 =	vld [tilespmem:s19+$0xFFFFFB10];
	v12 =	vadd.f32 v12, v50  }
0x2f1: {  	v62 =	vmul.f32 v62, v42;
	v59 =	vld [tilespmem:s19+$0xFFFFFB40];
	v14 =	vadd.f32 v52, v14  }
0x2f2: {  	v16 =	vadd.f32 v20, v16;
	v20 =	vmul.f32 v63, v42;
	v63 =	vld [tilespmem:s19+$0xFFFFFB50];
	[tilespmem:v49+s15+$0x0] =	vst.idx.msk vm1, v12  }
0x2f3: {  	v58 =	vmul.f32 v58, v41;
	v14 =	vadd.f32 v62, v14;
	v7 =	vld [tilespmem:$0x1FCA0]  }
0x2f4: {  	v54 =	vmul.f32 v54, v37;
	v16 =	vadd.f32 v20, v16;
	v20 =	vmul.f32 v51, v41;
	v51 =	vld [tilespmem:s19+$0xFFFFFB20]  }
0x2f5: {  	v53 =	vmul.f32 v53, v30;
	v61 =	vperm.xlane v13, v6;
	v60 =	vld [tilespmem:s19+$0xFFFFFB60];
	v14 =	vadd.f32 v58, v14  }
0x2f6: {  	v57 =	vmul.f32 v57, v22;
	v58 =	vld [tilespmem:s19+$0xFFFFFB30];
	v56 =	vmul.f32 v56, v19;
	v16 =	vadd.f32 v20, v16  }
0x2f7: {  	v53 =	vadd.f32 v54, v53;
	v52 =	vld [tilespmem:s21+$0xFFFFFD50];
	v59 =	vmul.f32 v59, v22;
	v54 =	vperm.xlane v14, v0  }
0x2f8: {  	v13 =	vadd.f32 v13, v61;
	v2 =	vld [tilespmem:s19+$0xFFFFFB70];
	v20 =	vmul.f32 v63, v19;
	v1 =	vperm.xlane v16, v0  }
0x2f9: {  	v15 =	vmul.f32 v15, v32;
	v61 =	vld [tilespmem:s21+$0xFFFFFD30];
	v56 =	vadd.f32 v56, v57;
	v14 =	vadd.f32 v54, v14  }
0x2fa: {  	v62 =	vld [tilespmem:s21+$0xFFFFFD60];
	v51 =	vmul.f32 v51, v8;
	v54 =	vadd.f32 v20, v59;
	v1 =	vadd.f32 v1, v16  }
0x2fb: {  	v20 =	vmul.f32 v60, v8;
	v16 =	vld [tilespmem:s21+$0xFFFFFD70];
	v60 =	vmul.f32 v58, v21;
	[tilespmem:v7+s15+$0x0] =	vst.idx.msk vm1, v11  }
0x2fc: {  	v49 =	vadd.f32 v51, v56;
	v1 =	vsel vm0, v14, v1;
	v11 =	vadd.s32 s23, v3;
	v3 =	vld [tilespmem:$0x1FCB0]  }
0x2fd: {  	v15 =	vadd.f32 v15, v53;
	v51 =	vld [tilespmem:s19+$0xC0];
	v14 =	vadd.f32 v20, v54;
	v20 =	vperm.xlane v1, v4  }
0x2fe: {  	v2 =	vmul.f32 v2, v21;
	v50 =	vmul.f32 v61, v17;
	v49 =	vadd.f32 v60, v49;
	v60 =	vld [tilespmem:s19+$0xD0]  }
0x2ff: {  	v12 =	vmul.f32 v52, v37;
	v52 =	vld [tilespmem:s19+$0x80];
	v1 =	vadd.f32 v1, v20  }
0x300: {  	v53 =	vadd.f32 v50, v15;
	v2 =	vadd.f32 v2, v14;
	v15 =	vmul.f32 v16, v17;
	v16 =	vld [tilespmem:s19+$0xE0]  }
0x301: {  	v63 =	vmul.f32 v62, v32;
	v57 =	vld [tilespmem:s19+$0xA0];
	v61 =	vperm.xlane v1, v5  }
0x302: {  	v12 =	vadd.f32 v12, v55;
	v14 =	vperm.xlane v49, v0;
	v20 =	vld [tilespmem:s19+$0xF0];
	v62 =	vperm.xlane v2, v0  }
0x303: {  	v54 =	vld [tilespmem:s19+$0x90];
	v60 =	vmul.f32 v60, v39;
	v56 =	vadd.f32 v1, v61;
	v1 =	vmul.f32 v51, v38  }
0x304: {  	v12 =	vadd.f32 v63, v12;
	v63 =	vld [tilespmem:s19+$0xB0];
	v14 =	vadd.f32 v14, v49;
	[tilespmem:v3+s15+$0x0] =	vst.idx.msk vm1, v13  }
0x305: {  	v2 =	vadd.f32 v62, v2;
	v16 =	vmul.f32 v16, v40;
	v1 =	vadd.f32 v60, v1;
	v3 =	vld [tilespmem:$0x1FF60]  }
0x306: {  	v55 =	vld [tilespmem:s22+$0xFFFFFE80]  }
0x307: {  	v49 =	vld [tilespmem:s22+$0xFFFFFE90];
	v2 =	vsel vm0, v14, v2;
	v14 =	vmul.f32 v20, v43;
	v1 =	vadd.f32 v16, v1  }
0x308: {  	v51 =	vld [tilespmem:s22+$0xFFFFFEC0]  }
0x309: {  	v11 =	vand.u32 $0xFF8, v11;
	v14 =	vadd.f32 v14, v1;
	v1 =	vld [tilespmem:s20+$0xFFFFFF80]  }
0x30a: {  	v52 =	vmul.f32 v52, v38;
	v58 =	vld [tilespmem:s22+$0xFFFFFEA0];
	v61 =	vor.u32 v3, v11  }
0x30b: {  	v54 =	vmul.f32 v54, v39;
	v9 =	vld [tilespmem:s22+$0xFFFFFEB0];
	v16 =	vadd.f32 v15, v12;
	v12 =	vperm.xlane v56, v6  }
0x30c: {  	v31 =	vmov v29;
	v29 =	vld [tilespmem:s22+$0xFFFFFEF0]  }
0x30d: {  	v52 =	vadd.f32 v54, v52;
	v15 =	vld [tilespmem:s22+$0xFFFFFEE0];
	v56 =	vadd.f32 v56, v12;
	v13 =	vmul.f32 v57, v40  }
0x30e: {  	v62 =	vperm.xlane v2, v4;
	v57 =	vld [tilespmem:s22+$0xFFFFFED0];
	[tilespmem:$0x1FCE0] =	vst v1  }
0x30f: {  	v13 =	vadd.f32 v13, v52;
	v11 =	vmul.f32 v63, v43;
	[tilespmem:v61+s15+$0x0] =	vst.idx.msk vm1, v56  }
0x310: {  	v44 =	vperm.xlane v23, v5;
	v2 =	vadd.f32 v2, v62;
	v1 =	vld [tilespmem:$0x1FF60]  }
0x311: {  	v63 =	vperm.xlane v53, v0;
	v13 =	vadd.f32 v11, v13;
	v11 =	vperm.xlane v16, v0  }
0x312: {  	v23 =	vadd.f32 v23, v44;
	v54 =	vperm.xlane v2, v5;
	v20 =	vperm.xlane v14, v0  }
0x313: {  	v52 =	vadd.f32 v63, v53;
	v53 =	vperm.xlane v13, v0;
	v16 =	vadd.f32 v11, v16;
	v60 =	vld [tilespmem:s21+$0x380]  }
0x314: {  	s29 =	simm.s32 $0x78;
	v2 =	vadd.f32 v2, v54;
	v14 =	vadd.f32 v20, v14;
	v44 =	vld [tilespmem:s21+$0x390]  }
0x315: {  	v13 =	vadd.f32 v53, v13;
	v16 =	vsel vm0, v52, v16;
	v54 =	vld [tilespmem:s21+$0x3C0];
	v53 =	vor.u32 s29, v1  }
0x316: {  	v50 =	vadd.s32 s28, v34;
	v59 =	vperm.xlane v2, v6;
	v56 =	vld [tilespmem:s21+$0x3D0];
	v52 =	vperm.xlane v16, v4  }
0x317: {  	v20 =	vld [tilespmem:$0x1FF90];
	v13 =	vsel vm0, v13, v14;
	v14 =	vand.u32 $0xFF8, v50  }
0x318: {  	v2 =	vadd.f32 v2, v59;
	v16 =	vadd.f32 v16, v52;
	v52 =	vld [tilespmem:s21+$0x3A0];
	v3 =	vor.u32 v10, v14  }
0x319: {  	v1 =	vld [tilespmem:s21+$0x3E0];
	[tilespmem:$0x1FD90] =	vst v3  }
0x31a: {  	[tilespmem:v53+s15+$0x0] =	vst.idx.msk vm1, v2  }
0x31b: {  	v3 =	vld [tilespmem:$0x1FF60];
	_ =	sdelay $0x1  }
0x31c: {  	v61 =	vperm.xlane v13, v4  }
0x31d: {  	v50 =	vadd.s32 s28, v20  }
0x31e: {  	v55 =	vmul.f32 v55, v35;
	v13 =	vadd.f32 v13, v61;
	v62 =	vand.u32 $0xFF8, v50  }
0x31f: {  	v63 =	vperm.xlane v23, v6;
	v60 =	vmul.f32 v60, v26;
	v14 =	vld [tilespmem:s21+$0x3B0];
	v3 =	vor.u32 v3, v62  }
0x320: {  	v44 =	vmul.f32 v44, v27;
	v11 =	vld [tilespmem:s21+$0x3F0];
	v2 =	vperm.xlane v13, v5;
	[tilespmem:$0x1FE60] =	vst v3  }
0x321: {  	v49 =	vmul.f32 v49, v33;
	v23 =	vadd.f32 v23, v63;
	v50 =	vmul.f32 v56, v27;
	v56 =	vld [tilespmem:s19+$0xFFFFFB80]  }
0x322: {  	v44 =	vadd.f32 v44, v60;
	v53 =	vmul.f32 v54, v26;
	v2 =	vadd.f32 v13, v2;
	v60 =	vld [tilespmem:s19+$0xFFFFFB90]  }
0x323: {  	v61 =	vperm.xlane v16, v5;
	v52 =	vmul.f32 v52, v42;
	v3 =	vor.u32 s25, v10;
	v54 =	vld [tilespmem:s19+$0xFFFFFBC0]  }
0x324: {  	v59 =	vmul.f32 v1, v42;
	v13 =	vadd.f32 v50, v53;
	v1 =	vperm.xlane v2, v6;
	v63 =	vld [tilespmem:s19+$0xFFFFFBD0]  }
0x325: {  	v16 =	vadd.f32 v16, v61;
	v44 =	vadd.f32 v52, v44;
	v14 =	vmul.f32 v14, v41;
	v52 =	vld [tilespmem:s19+$0xFFFFFBA0]  }
0x326: {  	v11 =	vmul.f32 v11, v41;
	v13 =	vadd.f32 v59, v13;
	v1 =	vadd.f32 v2, v1;
	v53 =	vld [tilespmem:s19+$0xFFFFFBE0]  }
0x327: {  	v61 =	vperm.xlane v16, v6;
	v14 =	vadd.f32 v14, v44;
	v2 =	vmul.f32 v51, v35;
	v44 =	vld [tilespmem:s19+$0xFFFFFBB0]  }
0x328: {  	v11 =	vadd.f32 v11, v13;
	v13 =	vmul.f32 v57, v33;
	v57 =	vld [tilespmem:s19+$0xFFFFFBF0];
	[tilespmem:v3+s15+$0x0] =	vst.idx.msk vm1, v1  }
0x329: {  	v1 =	vadd.f32 v49, v55;
	v55 =	vld [tilespmem:s19+$0x100]  }
0x32a: {  	v62 =	vperm.xlane v11, v0;
	v13 =	vadd.f32 v13, v2;
	v2 =	vadd.f32 v16, v61;
	v16 =	vld [tilespmem:s19+$0x110]  }
0x32b: {  	v3 =	vperm.xlane v14, v0;
	v59 =	vld [tilespmem:$0x1FF70]  }
0x32c: {  	v11 =	vadd.f32 v62, v11;
	[tilespmem:v45+s15+$0x0] =	vst.idx.msk vm1, v2;
	v45 =	vmul.f32 v54, v22;
	v54 =	vld [tilespmem:s19+$0x150]  }
0x32d: {  	v51 =	vmul.f32 v56, v22;
	v2 =	vmul.f32 v60, v19;
	v3 =	vadd.f32 v3, v14;
	v14 =	vld [tilespmem:s19+$0x140]  }
0x32e: {  	v49 =	vmul.f32 v52, v8;
	v56 =	vmul.f32 v63, v19;
	v60 =	vld [tilespmem:s19+$0x160]  }
0x32f: {  	v44 =	vmul.f32 v44, v21;
	v2 =	vadd.f32 v2, v51;
	v3 =	vsel vm0, v3, v11;
	v11 =	vld [tilespmem:s19+$0x120]  }
0x330: {  	v52 =	vmul.f32 v57, v21;
	v63 =	vld [tilespmem:s19+$0x170];
	v51 =	vmul.f32 v53, v8;
	v45 =	vadd.f32 v56, v45  }
0x331: {  	v57 =	vld [tilespmem:s19+$0x130];
	v2 =	vadd.f32 v49, v2;
	v55 =	vmul.f32 v55, v38;
	v16 =	vmul.f32 v16, v39  }
0x332: {  	v45 =	vadd.f32 v51, v45;
	v62 =	vmul.f32 v54, v39;
	v14 =	vmul.f32 v14, v38  }
0x333: {  	v44 =	vadd.f32 v44, v2;
	v16 =	vadd.f32 v16, v55  }
0x334: {  	v2 =	vld [tilespmem:s20+$0xFFFFFFE0];
	v11 =	vmul.f32 v11, v40;
	v14 =	vadd.f32 v62, v14;
	v62 =	vmul.f32 v60, v40  }
0x335: {  	v53 =	vperm.xlane v3, v4;
	v51 =	vmul.f32 v63, v43;
	v45 =	vadd.f32 v52, v45  }
0x336: {  	v56 =	vld [tilespmem:s20+$0xFFFFFFC0];
	v11 =	vadd.f32 v11, v16;
	v16 =	vmul.f32 v57, v43;
	v14 =	vadd.f32 v62, v14  }
0x337: {  	v49 =	vld [tilespmem:s20+$0xFFFFFF90];
	v3 =	vadd.f32 v3, v53;
	v60 =	vperm.xlane v45, v0  }
0x338: {  	v54 =	vld [tilespmem:s20+$0xFFFFFFA0];
	v63 =	vadd.s32 s23, v34;
	v11 =	vadd.f32 v16, v11;
	v14 =	vadd.f32 v51, v14  }
0x339: {  	v55 =	vld [tilespmem:s20+$0xFFFFFFD0];
	v52 =	vperm.xlane v3, v5;
	v45 =	vadd.f32 v60, v45;
	[tilespmem:$0x1FCF0] =	vst v2;
	v16 =	vand.u32 $0xFF8, v63  }
0x33a: {  	v53 =	vld [tilespmem:s21+$0xFFFFFD80];
	v62 =	vmovc v34;
	v60 =	vor.u32 v18, v16;
	v16 =	vperm.xlane v11, v0;
	v34 =	vperm.xlane v14, v0  }
0x33b: {  	v58 =	vmul.f32 v58, v31;
	v3 =	vadd.f32 v3, v52;
	v7 =	vld [tilespmem:s20+$0xFFFFFFB0]  }
0x33c: {  	v57 =	vperm.xlane v44, v0;
	v52 =	vld [tilespmem:s21+$0xFFFFFD90];
	v11 =	vadd.f32 v16, v11;
	v14 =	vadd.f32 v34, v14  }
0x33d: {  	v12 =	vadd.f32 v58, v1;
	v61 =	vadd.s32 s24, v59;
	v51 =	vld [tilespmem:s21+$0xFFFFFDC0];
	v1 =	vperm.xlane v3, v6  }
0x33e: {  	v44 =	vadd.f32 v57, v44;
	v57 =	vld [tilespmem:s21+$0xFFFFFDD0];
	v11 =	vsel vm0, v11, v14;
	v14 =	vadd.s32 s26, v59  }
0x33f: {  	v58 =	vld [tilespmem:s21+$0xFFFFFDA0];
	v1 =	vadd.f32 v3, v1  }
0x340: {  	v44 =	vsel vm0, v44, v45;
	v45 =	vld [tilespmem:s21+$0xFFFFFDE0];
	[tilespmem:$0x1FD00] =	vst v7  }
0x341: {  	v2 =	vperm.xlane v44, v4;
	[tilespmem:v60+s15+$0x0] =	vst.idx.msk vm1, v1  }
0x342: {  	v53 =	vmul.f32 v53, v30;
	v52 =	vmul.f32 v52, v37;
	v3 =	vld [tilespmem:s21+$0xFFFFFDB0];
	[tilespmem:v61+s15+$0x0] =	vst.idx.msk vm1, v47  }
0x343: {  	v2 =	vadd.f32 v44, v2;
	v44 =	vmul.f32 v57, v37;
	v57 =	vld [tilespmem:s21+$0xFFFFFDF0];
	[tilespmem:v14+s15+$0x0] =	vst.idx.msk vm1, v23  }
0x344: {  	v51 =	vmul.f32 v51, v30;
	v1 =	vperm.xlane v11, v4;
	v7 =	vld [tilespmem:$0x1FF60]  }
0x345: {  	v16 =	vmovc v37;
	v52 =	vadd.f32 v52, v53;
	v53 =	vmul.f32 v58, v32;
	v58 =	vld [tilespmem:s21+$0x400];
	v37 =	vperm.xlane v2, v5  }
0x346: {  	v44 =	vadd.f32 v44, v51;
	v45 =	vmul.f32 v45, v32;
	v51 =	vld [tilespmem:s21+$0x410];
	v1 =	vadd.f32 v11, v1  }
0x347: {  	v52 =	vadd.f32 v53, v52;
	v53 =	vld [tilespmem:s21+$0x440];
	v2 =	vadd.f32 v2, v37;
	v37 =	vadd.s32 s25, v46  }
0x348: {  	v44 =	vadd.f32 v45, v44;
	v45 =	vld [tilespmem:s21+$0x450];
	v63 =	vand.u32 $0xFF8, v37  }
0x349: {  	v60 =	vperm.xlane v1, v5;
	v23 =	vor.u32 v7, v63;
	v7 =	vld [tilespmem:s20+$0xFFFFFFF0]  }
0x34a: {  	v11 =	vor.u32 s29, v18;
	v61 =	vperm.xlane v2, v6  }
0x34b: {  	v47 =	vmul.f32 v57, v17;
	v14 =	vld [tilespmem:s21+$0x460];
	v1 =	vadd.f32 v1, v60  }
0x34c: {  	v3 =	vmul.f32 v3, v17;
	v57 =	vld [tilespmem:s21+$0x420];
	v58 =	vmul.f32 v58, v26;
	v2 =	vadd.f32 v2, v61  }
0x34d: {  	v44 =	vadd.f32 v47, v44;
	v47 =	vmul.f32 v51, v27;
	v60 =	vld [tilespmem:s21+$0x470];
	v61 =	vperm.xlane v1, v6  }
0x34e: {  	v3 =	vadd.f32 v3, v52;
	v52 =	vld [tilespmem:s21+$0x430];
	v53 =	vmul.f32 v53, v26;
	v45 =	vmul.f32 v45, v27;
	[tilespmem:$0x1FD10] =	vst v7  }
0x34f: {  	v1 =	vadd.f32 v1, v61;
	[tilespmem:v11+s15+$0x0] =	vst.idx.msk vm1, v2  }
0x350: {  	v45 =	vadd.f32 v45, v53;
	v14 =	vmul.f32 v14, v42;
	v11 =	vadd.f32 v47, v58;
	v47 =	vld [tilespmem:s19+$0xFFFFFC00]  }
0x351: {  	v37 =	vadd.s32 s28, v59;
	v2 =	vmul.f32 v57, v42;
	v57 =	vperm.xlane v3, v0;
	[tilespmem:v23+s15+$0x0] =	vst.idx.msk vm1, v1;
	v53 =	vld [tilespmem:s19+$0xFFFFFC10]  }
0x352: {  	v58 =	vand.u32 $0xFF8, v37;
	v1 =	vperm.xlane v44, v0;
	v37 =	vmul.f32 v60, v41;
	v60 =	vld [tilespmem:s19+$0x180]  }
0x353: {  	v52 =	vmul.f32 v52, v41;
	v14 =	vadd.f32 v14, v45;
	v51 =	vld [tilespmem:$0x1FDC0];
	v2 =	vadd.f32 v2, v11  }
0x354: {  	v63 =	vld [tilespmem:s19+$0x190];
	v7 =	vor.u32 v18, v58;
	v3 =	vadd.f32 v57, v3;
	v1 =	vadd.f32 v1, v44  }
0x355: {  	v11 =	vld [tilespmem:s19+$0xFFFFFC40];
	[tilespmem:$0x1FCC0] =	vst v7;
	v14 =	vadd.f32 v37, v14;
	v2 =	vadd.f32 v52, v2  }
0x356: {  	v15 =	vmul.f32 v15, v31;
	v37 =	vld [tilespmem:s19+$0x1D0]  }
0x357: {  	v34 =	vmovc v30;
	v44 =	vld [tilespmem:s19+$0x1C0];
	v1 =	vsel vm0, v3, v1;
	v3 =	vperm.xlane v14, v0;
	v30 =	vperm.xlane v2, v0  }
0x358: {  	v13 =	vadd.f32 v15, v13;
	v57 =	vld [tilespmem:s19+$0x1A0];
	v15 =	vmul.f32 v9, v51  }
0x359: {  	v58 =	vperm.xlane v1, v4;
	v3 =	vadd.f32 v3, v14;
	v2 =	vadd.f32 v30, v2  }
0x35a: {  	v23 =	vld [tilespmem:s19+$0x1E0];
	v14 =	vmul.f32 v53, v19;
	v52 =	vmul.f32 v63, v39;
	v12 =	vadd.f32 v15, v12  }
0x35b: {  	v53 =	vld [tilespmem:s19+$0x1B0];
	v15 =	vmul.f32 v60, v38;
	v37 =	vmul.f32 v37, v39;
	v2 =	vsel vm0, v2, v3  }
0x35c: {  	v1 =	vadd.f32 v1, v58;
	v60 =	vld [tilespmem:s19+$0x1F0];
	v3 =	vmul.f32 v44, v38;
	v58 =	vperm.xlane v2, v4  }
0x35d: {  	v30 =	vmul.f32 v47, v22;
	v57 =	vmul.f32 v57, v40;
	v15 =	vadd.f32 v52, v15  }
0x35e: {  	v3 =	vadd.f32 v37, v3;
	v37 =	vperm.xlane v1, v5;
	v2 =	vadd.f32 v2, v58  }
0x35f: {  	v23 =	vmul.f32 v23, v40;
	v14 =	vadd.f32 v14, v30  }
0x360: {  	v15 =	vadd.f32 v57, v15;
	v1 =	vadd.f32 v1, v37;
	v30 =	vperm.xlane v2, v5  }
0x361: {  	v58 =	vmul.f32 v53, v43;
	v63 =	vmul.f32 v60, v43;
	v3 =	vadd.f32 v23, v3  }
0x362: {  	v23 =	vperm.xlane v1, v6;
	v2 =	vadd.f32 v2, v30  }
0x363: {  	v45 =	vld [tilespmem:s19+$0xFFFFFC50];
	v57 =	vadd.s32 s23, v20;
	v15 =	vadd.f32 v58, v15;
	v3 =	vadd.f32 v63, v3  }
0x364: {  	v61 =	vld [tilespmem:s19+$0xFFFFFC20];
	v1 =	vadd.f32 v1, v23;
	v23 =	vperm.xlane v2, v6  }
0x365: {  	v53 =	vld [tilespmem:s19+$0xFFFFFC60];
	v37 =	vmov v20;
	v58 =	vperm.xlane v15, v0;
	v20 =	vperm.xlane v3, v0  }
0x366: {  	v44 =	vld [tilespmem:s19+$0xFFFFFC30];
	[tilespmem:v48+s15+$0x0] =	vst.idx.msk vm1, v1;
	v1 =	vadd.f32 v2, v23  }
0x367: {  	v30 =	vld [tilespmem:s19+$0xFFFFFC70];
	v15 =	vadd.f32 v58, v15;
	v3 =	vadd.f32 v20, v3  }
0x368: {  	v11 =	vmul.f32 v11, v22;
	v45 =	vmul.f32 v45, v19;
	[tilespmem:v57+s15+$0x0] =	vst.idx.msk vm1, v1  }
0x369: {  	v47 =	vmul.f32 v61, v8;
	v3 =	vsel vm0, v15, v3;
	v7 =	vld [tilespmem:$0x1FFD0]  }
0x36a: {  	v11 =	vadd.f32 v45, v11;
	v61 =	vmul.f32 v53, v8;
	v1 =	vperm.xlane v3, v4  }
0x36b: {  	v29 =	vmul.f32 v29, v51;
	v14 =	vadd.f32 v47, v14;
	v2 =	vmul.f32 v44, v21  }
0x36c: {  	v11 =	vadd.f32 v61, v11;
	v44 =	vld [tilespmem:s21+$0xFFFFFE00];
	v30 =	vmul.f32 v30, v21;
	v1 =	vadd.f32 v3, v1  }
0x36d: {  	v13 =	vadd.f32 v29, v13;
	v45 =	vld [tilespmem:s21+$0xFFFFFE10];
	v2 =	vadd.f32 v2, v14  }
0x36e: {  	v14 =	vld [tilespmem:s21+$0x480];
	v11 =	vadd.f32 v30, v11;
	v61 =	vperm.xlane v1, v5;
	v63 =	vadd.s32 s29, v7  }
0x36f: {  	v30 =	vld [tilespmem:s21+$0x490];
	v60 =	vperm.xlane v2, v0;
	v3 =	vand.u32 $0xFF8, v63;
	v63 =	vadd.s32 s25, v10  }
0x370: {  	v29 =	vperm.xlane v12, v0;
	v9 =	vld [tilespmem:$0x1FFE0];
	v57 =	vadd.f32 v1, v61;
	v1 =	vand.u32 $0xFF8, v63  }
0x371: {  	v20 =	vperm.xlane v13, v0;
	v2 =	vadd.f32 v60, v2;
	v60 =	vor.u32 v18, v1;
	v1 =	vld [tilespmem:$0x1FF60]  }
0x372: {  	v52 =	vld [tilespmem:s21+$0x4C0]  }
0x373: {  	v12 =	vadd.f32 v29, v12;
	v13 =	vadd.f32 v20, v13;
	v58 =	vld [tilespmem:s21+$0x4D0];
	v29 =	vperm.xlane v11, v0  }
0x374: {  	v15 =	vor.u32 s29, v46;
	v47 =	vld [tilespmem:s21+$0x4A0]  }
0x375: {  	v12 =	vsel vm0, v12, v13;
	v13 =	vld [tilespmem:s21+$0x4B0];
	v11 =	vadd.f32 v29, v11;
	v20 =	vadd.s32 s29, v9  }
0x376: {  	v23 =	vmovc v46;
	v46 =	vperm.xlane v12, v4;
	v29 =	vld [tilespmem:s21+$0x4E0];
	v1 =	vor.u32 v1, v3;
	v3 =	vand.u32 $0xFF8, v20  }
0x377: {  	v2 =	vsel vm0, v2, v11;
	v11 =	vld [tilespmem:s21+$0x4F0];
	v53 =	vperm.xlane v57, v6;
	[tilespmem:$0x1FD60] =	vst v1;
	v3 =	vor.u32 v18, v3  }
0x378: {  	v1 =	vld [tilespmem:s21+$0xFFFFFE40];
	[tilespmem:$0x1FD80] =	vst v3  }
0x379: {  	v14 =	vmul.f32 v14, v26;
	v3 =	vadd.f32 v12, v46;
	v46 =	vadd.f32 v57, v53;
	v12 =	vld [tilespmem:s21+$0xFFFFFE50]  }
0x37a: {  	v30 =	vmul.f32 v30, v27;
	v20 =	vperm.xlane v2, v4;
	v48 =	vld [tilespmem:s21+$0xFFFFFE20]  }
0x37b: {  	v26 =	vmul.f32 v52, v26;
	v27 =	vmul.f32 v58, v27;
	v52 =	vld [tilespmem:s21+$0xFFFFFE60];
	[tilespmem:v60+s15+$0x0] =	vst.idx.msk vm1, v46  }
0x37c: {  	v14 =	vadd.f32 v30, v14;
	v2 =	vadd.f32 v2, v20;
	v30 =	vld [tilespmem:s19+$0x200]  }
0x37d: {  	v47 =	vmul.f32 v47, v42;
	v26 =	vadd.f32 v27, v26;
	v27 =	vmul.f32 v29, v42;
	v42 =	vld [tilespmem:s19+$0x210]  }
0x37e: {  	v29 =	vperm.xlane v2, v5;
	[tilespmem:$0x1FD40] =	vst v16;
	v18 =	vld [tilespmem:$0x1FFF0]  }
0x37f: {  	v44 =	vmul.f32 v44, v34;
	v13 =	vmul.f32 v13, v41;
	v14 =	vadd.f32 v47, v14;
	v60 =	vld [tilespmem:s19+$0x240]  }
0x380: {  	v45 =	vmul.f32 v45, v16;
	v26 =	vadd.f32 v27, v26;
	v2 =	vadd.f32 v2, v29;
	v27 =	vld [tilespmem:s19+$0x250]  }
0x381: {  	v11 =	vmul.f32 v11, v41;
	v13 =	vadd.f32 v13, v14;
	v14 =	vld [tilespmem:s19+$0x220]  }
0x382: {  	v61 =	vperm.xlane v3, v5;
	v29 =	vadd.f32 v45, v44;
	v44 =	vld [tilespmem:s19+$0x260];
	[tilespmem:$0x1FD50] =	vst v32;
	v63 =	vperm.xlane v2, v6  }
0x383: {  	v11 =	vadd.f32 v11, v26;
	v58 =	vld [tilespmem:s21+$0xFFFFFE30]  }
0x384: {  	v3 =	vadd.f32 v3, v61;
	v61 =	vld [tilespmem:s21+$0xFFFFFE70];
	v2 =	vadd.f32 v2, v63  }
0x385: {  	v46 =	vperm.xlane v11, v0;
	v26 =	vmul.f32 v48, v32;
	v48 =	vld [tilespmem:s19+$0x230]  }
0x386: {  	v45 =	vperm.xlane v13, v0;
	v41 =	vmul.f32 v42, v39;
	v42 =	vld [tilespmem:s19+$0x270];
	[tilespmem:v15+s15+$0x0] =	vst.idx.msk vm1, v2  }
0x387: {  	v57 =	vor.u32 s29, v10;
	v53 =	vmovc v10;
	v11 =	vadd.f32 v46, v11;
	v30 =	vmul.f32 v30, v38;
	v10 =	vld [tilespmem:$0x1FCD0]  }
0x388: {  	v1 =	vmul.f32 v1, v34;
	v13 =	vadd.f32 v45, v13;
	v2 =	vmul.f32 v14, v40;
	v14 =	vld [tilespmem:s19+$0xFFFFFC80]  }
0x389: {  	v47 =	vmul.f32 v60, v38;
	v27 =	vmul.f32 v27, v39;
	v15 =	vadd.f32 v41, v30;
	v41 =	vld [tilespmem:s19+$0xFFFFFC90]  }
0x38a: {  	v12 =	vmul.f32 v12, v16;
	v63 =	vperm.xlane v3, v6;
	v45 =	vld [tilespmem:s19+$0xFFFFFCC0]  }
0x38b: {  	v11 =	vsel vm0, v13, v11;
	v30 =	vmul.f32 v44, v40;
	v27 =	vadd.f32 v27, v47;
	v13 =	vld [tilespmem:s19+$0xFFFFFCA0]  }
0x38c: {  	v26 =	vadd.f32 v26, v29;
	v3 =	vadd.f32 v3, v63;
	v48 =	vmul.f32 v48, v43;
	v29 =	vld [tilespmem:s19+$0xFFFFFCE0]  }
0x38d: {  	v44 =	vld [tilespmem:s19+$0xFFFFFCB0];
	v2 =	vadd.f32 v2, v15;
	v15 =	vadd.f32 v30, v27;
	v27 =	vmul.f32 v42, v43  }
0x38e: {  	v1 =	vadd.f32 v12, v1;
	v12 =	vmul.f32 v52, v32;
	v30 =	vld [tilespmem:s19+$0xFFFFFCD0];
	[tilespmem:$0x1FEE0] =	vst v17  }
0x38f: {  	v2 =	vadd.f32 v48, v2;
	v15 =	vadd.f32 v27, v15;
	[tilespmem:v10+s15+$0x0] =	vst.idx.msk vm1, v3  }
0x390: {  	v10 =	vld [tilespmem:$0x1FCE0]  }
0x391: {  	v1 =	vadd.f32 v12, v1;
	v12 =	vperm.xlane v2, v0;
	v32 =	vperm.xlane v15, v0  }
0x392: {  	v20 =	vmovc v34;
	v34 =	vadd.s32 s29, v18;
	v63 =	vmul.f32 v58, v17;
	v27 =	vperm.xlane v11, v4;
	v3 =	vld [tilespmem:s19+$0xFFFFFCF0]  }
0x393: {  	v34 =	vand.u32 $0xFF8, v34;
	v2 =	vadd.f32 v12, v2;
	v12 =	vadd.f32 v32, v15;
	v46 =	vld [tilespmem:s22+$0xFFFFFF00]  }
0x394: {  	v26 =	vadd.f32 v63, v26;
	v11 =	vadd.f32 v11, v27;
	v15 =	vmul.f32 v61, v17;
	v58 =	vld [tilespmem:s22+$0xFFFFFF10]  }
0x395: {  	v60 =	vld [tilespmem:s22+$0xFFFFFF40];
	v2 =	vsel vm0, v2, v12;
	v27 =	vmul.f32 v10, v25;
	v10 =	vor.u32 v23, v34  }
0x396: {  	v1 =	vadd.f32 v15, v1;
	v12 =	vmul.f32 v41, v19;
	v15 =	vld [tilespmem:s22+$0xFFFFFF50];
	v41 =	vperm.xlane v2, v4;
	[tilespmem:$0x1FDB0] =	vst v10  }
0x397: {  	s24 =	simm.s32 $0x7C0;
	v14 =	vmul.f32 v14, v22;
	v61 =	vmul.f32 v45, v22;
	v63 =	vld [tilespmem:s22+$0xFFFFFF20]  }
0x398: {  	v42 =	vmovc v23;
	v2 =	vadd.f32 v2, v41;
	v23 =	vperm.xlane v26, v0;
	v34 =	vperm.xlane v1, v0;
	v45 =	vld [tilespmem:s24+$0x0]  }
0x399: {  	s26 =	simm.s32 $0x17C0;
	v13 =	vmul.f32 v13, v8;
	v14 =	vadd.f32 v12, v14;
	v41 =	vmul.f32 v30, v19;
	v30 =	vld [tilespmem:s24+$0x10]  }
0x39a: {  	v26 =	vadd.f32 v23, v26;
	v1 =	vadd.f32 v34, v1;
	v47 =	vld [tilespmem:s26+$0x0];
	v23 =	vperm.xlane v2, v5  }
0x39b: {  	v52 =	vmul.f32 v49, v24;
	v24 =	vmul.f32 v55, v24;
	v34 =	vld [tilespmem:s26+$0x10]  }
0x39c: {  	v13 =	vadd.f32 v13, v14;
	v49 =	vld [tilespmem:s24+$0x20];
	v1 =	vsel vm0, v26, v1;
	v2 =	vadd.f32 v2, v23  }
0x39d: {  	v14 =	vmul.f32 v56, v25;
	v56 =	vadd.s32 s25, v7;
	v26 =	vld [tilespmem:s26+$0x20];
	v25 =	vperm.xlane v1, v4  }
0x39e: {  	v29 =	vmul.f32 v29, v8;
	v41 =	vadd.f32 v41, v61;
	v48 =	vld [tilespmem:s24+$0x30];
	v23 =	vperm.xlane v2, v6  }
0x39f: {  	v27 =	vadd.f32 v52, v27;
	v52 =	vld [tilespmem:s22+$0xFFFFFF60];
	v1 =	vadd.f32 v1, v25;
	v25 =	vmul.f32 v44, v21  }
0x3a0: {  	v44 =	vld [tilespmem:s26+$0x30];
	v47 =	vmul.f32 v47, v45;
	v55 =	vmul.f32 v34, v30;
	v2 =	vadd.f32 v2, v23  }
0x3a1: {  	v3 =	vmul.f32 v3, v21;
	v61 =	vld [tilespmem:s22+$0xFFFFFF30];
	v29 =	vadd.f32 v29, v41  }
0x3a2: {  	v23 =	vld [tilespmem:s24+$0xFFFFFFD0];
	v47 =	vadd.f32 v55, v47;
	v26 =	vmul.f32 v26, v49;
	[tilespmem:v56+s15+$0x0] =	vst.idx.msk vm1, v2  }
0x3a3: {  	v3 =	vadd.f32 v3, v29;
	v34 =	vperm.xlane v1, v5;
	v29 =	vld [tilespmem:s19+$0x280]  }
0x3a4: {  	v2 =	vmul.f32 v54, v36;
	v26 =	vadd.f32 v26, v47;
	v47 =	vld [tilespmem:s19+$0x2C0]  }
0x3a5: {  	v1 =	vadd.f32 v1, v34;
	v56 =	vld [tilespmem:s19+$0x2E0];
	v41 =	vmul.f32 v44, v48  }
0x3a6: {  	v25 =	vadd.f32 v25, v13;
	v44 =	vld [tilespmem:s19+$0x290];
	v13 =	vadd.f32 v2, v27;
	v27 =	vperm.xlane v3, v0  }
0x3a7: {  	v50 =	vmov v31;
	v34 =	vperm.xlane v1, v6;
	v26 =	vadd.f32 v41, v26;
	v41 =	vld [tilespmem:s19+$0x2D0]  }
0x3a8: {  	v3 =	vadd.f32 v27, v3;
	v27 =	vld [tilespmem:s19+$0x2A0];
	[tilespmem:$0x1FDA0] =	vst v50  }
0x3a9: {  	v12 =	vadd.f32 v1, v34;
	v1 =	vld [tilespmem:$0x1FF30]  }
0x3aa: {  	v34 =	vmul.f32 v60, v35;
	v60 =	vperm.xlane v26, v0;
	_ =	sdelay $0x1  }
0x3ab: {  	v26 =	vadd.f32 v26, v60;
	_ =	sdelay $0x1  }
0x3ac: {  	v2 =	vperm.xlane v25, v0;
	v54 =	vperm.xlane v26, v1;
	_ =	sdelay $0x1  }
0x3ad: {  	v46 =	vmul.f32 v46, v35;
	v2 =	vadd.f32 v2, v25;
	v54 =	vadd.f32 v26, v54;
	v26 =	vmovc v8;
	v8 =	vld [tilespmem:$0x1FF40]  }
0x3ae: {  	v29 =	vmul.f32 v29, v38;
	v44 =	vmul.f32 v44, v39  }
0x3af: {  	v15 =	vmul.f32 v15, v33;
	v25 =	vmul.f32 v58, v33;
	v2 =	vsel vm0, v2, v3  }
0x3b0: {  	v3 =	vmul.f32 v63, v50;
	v63 =	vmul.f32 v27, v40;
	v29 =	vadd.f32 v44, v29  }
0x3b1: {  	v46 =	vadd.f32 v25, v46;
	v25 =	vmul.f32 v47, v38;
	v41 =	vmul.f32 v41, v39  }
0x3b2: {  	v14 =	vadd.f32 v24, v14;
	v29 =	vadd.f32 v63, v29;
	v63 =	vperm.xlane v54, v8;
	v8 =	vld [tilespmem:$0x1FF50]  }
0x3b3: {  	v24 =	vld [tilespmem:s24+$0xFFFFFFE0];
	v15 =	vadd.f32 v15, v34;
	v34 =	vmovc v21;
	v21 =	vmul.f32 v56, v40;
	v41 =	vadd.f32 v41, v25  }
0x3b4: {  	v3 =	vadd.f32 v3, v46;
	v27 =	vld [tilespmem:s24+$0xFFFFFFC0]  }
0x3b5: {  	v41 =	vadd.f32 v21, v41;
	v21 =	vld [tilespmem:s24+$0xFFFFFFF0];
	s24 =	simm.s32 $0x9;
	v46 =	vadd.f32 v54, v63  }
0x3b6: {  	v54 =	vmov s24  }
0x3b7: {  	v63 =	vperm.xlane v46, v8;
	_ =	sdelay $0x1  }
0x3b8: {  	v46 =	vadd.f32 v46, v63;
	_ =	sdelay $0x1  }
0x3b9: {  	v7 =	vld [tilespmem:$0x1FF30];
	[tilespmem:v54+s4+$0x0] =	vst.idx.msk $0x1, v46  }
0x3ba: {  	v8 =	vld [tilespmem:$0x1FCF0];
	_ =	sdelay $0x1  }
0x3bb: {  	v58 =	vld [tilespmem:s19+$0x2B0]  }
0x3bc: {  	v55 =	vld [tilespmem:s19+$0x2F0]  }
0x3bd: {  	v47 =	vld [tilespmem:s26+$0xFFFFFFD0]  }
0x3be: {  	v36 =	vmul.f32 v8, v36;
	v8 =	vld [tilespmem:$0x1FD00]  }
0x3bf: {  	v60 =	vld [tilespmem:s26+$0xFFFFFFC0]  }
0x3c0: {  	v56 =	vld [tilespmem:s22+$0xFFFFFF70];
	v1 =	vperm.xlane v2, v4;
	_ =	sdelay $0x1  }
0x3c1: {  	v58 =	vmul.f32 v58, v43;
	v44 =	vmul.f32 v55, v43;
	v1 =	vadd.f32 v2, v1;
	v2 =	vld [tilespmem:s26+$0xFFFFFFE0]  }
0x3c2: {  	v55 =	vmul.f32 v61, v51;
	v16 =	vmul.f32 v8, v28;
	v8 =	vld [tilespmem:$0x1FD10]  }
0x3c3: {  	v29 =	vadd.f32 v58, v29;
	v58 =	vmul.f32 v60, v27;
	v41 =	vadd.f32 v44, v41  }
0x3c4: {  	v56 =	vmul.f32 v56, v51;
	v44 =	vmul.f32 v47, v23;
	v47 =	vld [tilespmem:s26+$0xFFFFFFF0]  }
0x3c5: {  	v60 =	vperm.xlane v29, v0;
	v61 =	vperm.xlane v41, v0  }
0x3c6: {  	v51 =	vperm.xlane v1, v5;
	v44 =	vadd.f32 v44, v58;
	v2 =	vmul.f32 v2, v24  }
0x3c7: {  	v29 =	vadd.f32 v60, v29;
	v41 =	vadd.f32 v61, v41;
	v28 =	vmul.f32 v8, v28;
	v8 =	vld [tilespmem:$0x1FD20]  }
0x3c8: {  	v52 =	vmul.f32 v52, v50;
	v1 =	vadd.f32 v1, v51  }
0x3c9: {  	v2 =	vadd.f32 v2, v44;
	v50 =	vmul.f32 v47, v21;
	v29 =	vsel vm0, v29, v41  }
0x3ca: {  	s20 =	simm.s32 $0x5280;
	v3 =	vadd.f32 v55, v3;
	v61 =	vperm.xlane v1, v6;
	v55 =	vperm.xlane v29, v4  }
0x3cb: {  	v2 =	vadd.f32 v50, v2;
	v44 =	vld [tilespmem:s20+$0x0]  }
0x3cc: {  	v1 =	vadd.f32 v1, v61;
	v29 =	vadd.f32 v29, v55;
	v41 =	vld [tilespmem:s20+$0x10]  }
0x3cd: {  	v60 =	vperm.xlane v2, v0;
	v46 =	vld [tilespmem:s20+$0x40]  }
0x3ce: {  	v15 =	vadd.f32 v52, v15;
	v63 =	vperm.xlane v29, v5;
	v50 =	vld [tilespmem:s20+$0x50];
	[tilespmem:v57+s15+$0x0] =	vst.idx.msk vm1, v1  }
0x3cf: {  	v58 =	vperm.xlane v3, v0;
	v2 =	vadd.f32 v2, v60;
	v60 =	vld [tilespmem:s20+$0x60];
	[tilespmem:v8+s15+$0x0] =	vst.idx.msk vm1, v12  }
0x3d0: {  	v15 =	vadd.f32 v56, v15;
	v29 =	vadd.f32 v29, v63;
	v8 =	vld [tilespmem:$0x1FF40]  }
0x3d1: {  	v52 =	vadd.s32 s25, v9;
	v3 =	vadd.f32 v58, v3;
	v12 =	vperm.xlane v2, v7  }
0x3d2: {  	v58 =	vperm.xlane v15, v0;
	v63 =	vperm.xlane v29, v6;
	v14 =	vadd.f32 v36, v14;
	v36 =	vld [tilespmem:s20+$0x20]  }
0x3d3: {  	v61 =	vld [tilespmem:s20+$0x30];
	v50 =	vmul.f32 v50, v30;
	v1 =	vmul.f32 v46, v45;
	v2 =	vadd.f32 v2, v12  }
0x3d4: {  	v54 =	vld [tilespmem:s20+$0x70];
	v44 =	vmul.f32 v44, v45;
	v41 =	vmul.f32 v41, v30;
	v29 =	vadd.f32 v29, v63  }
0x3d5: {  	s26 =	simm.s32 $0x8;
	v57 =	vmul.f32 v60, v49;
	v1 =	vadd.f32 v50, v1;
	v60 =	vperm.xlane v2, v8  }
0x3d6: {  	v15 =	vadd.f32 v58, v15;
	v58 =	vmov s26;
	v55 =	vadd.f32 v41, v44;
	v44 =	vld [tilespmem:s21+$0xFFFFFE80];
	[tilespmem:v52+s15+$0x0] =	vst.idx.msk vm1, v29  }
0x3d7: {  	v1 =	vadd.f32 v57, v1;
	v12 =	vmul.f32 v36, v49;
	v57 =	vadd.f32 v2, v60;
	v2 =	vld [tilespmem:$0x1FF50]  }
0x3d8: {  	v15 =	vsel vm0, v3, v15;
	v3 =	vand.u32 $0xFFFFFFFE, v58;
	v29 =	vld [tilespmem:s19+$0xFFFFFD00]  }
0x3d9: {  	v61 =	vmul.f32 v61, v48;
	v63 =	vmul.f32 v54, v48;
	v46 =	vld [tilespmem:s19+$0x300];
	v12 =	vadd.f32 v12, v55  }
0x3da: {  	v47 =	vbroadcast v3, $0x0;
	v52 =	vld [tilespmem:s19+$0x310]  }
0x3db: {  	v32 =	vperm.xlane v11, v5;
	v1 =	vadd.f32 v63, v1;
	v50 =	vld [tilespmem:s19+$0x340];
	v12 =	vadd.f32 v61, v12  }
0x3dc: {  	v3 =	vadd.f32 v16, v13;
	v13 =	vadd.f32 v28, v14;
	v28 =	vld [tilespmem:s19+$0x350];
	v58 =	vperm.xlane v57, v2  }
0x3dd: {  	v31 =	vadd.f32 v11, v32;
	v55 =	vld [tilespmem:s19+$0x360];
	v61 =	vperm.xlane v1, v0;
	v60 =	vperm.xlane v12, v0  }
0x3de: {  	v11 =	vadd.s32 s29, v62;
	v7 =	vmul.f32 v44, v20;
	v44 =	vld [tilespmem:s19+$0x320];
	v41 =	vadd.f32 v57, v58  }
0x3df: {  	v11 =	vand.u32 $0xFF8, v11;
	v1 =	vadd.f32 v61, v1;
	v12 =	vadd.f32 v60, v12;
	v57 =	vld [tilespmem:s19+$0x330]  }
0x3e0: {  	v8 =	vor.u32 v53, v11;
	[tilespmem:v47+s4+$0x0] =	vst.idx.msk $0x1, v41;
	v41 =	vmul.f32 v46, v38;
	v46 =	vld [tilespmem:s19+$0x370]  }
0x3e1: {  	v50 =	vmul.f32 v50, v38;
	v1 =	vsel vm0, v12, v1;
	[tilespmem:$0x1FE70] =	vst v8;
	v8 =	vld [tilespmem:$0x1FF60]  }
0x3e2: {  	v28 =	vmul.f32 v28, v39;
	v2 =	vmov v20;
	v20 =	vperm.xlane v1, v4  }
0x3e3: {  	v56 =	vadd.s32 s29, v37;
	v12 =	vld [tilespmem:s20+$0xFFFFFB00]  }
0x3e4: {  	v28 =	vadd.f32 v28, v50;
	v1 =	vadd.f32 v1, v20;
	v20 =	vmul.f32 v55, v40;
	v58 =	vld [tilespmem:s20+$0xFFFFFB10]  }
0x3e5: {  	v54 =	vand.u32 $0xFF8, v56;
	v11 =	vmul.f32 v52, v39;
	v60 =	vld [tilespmem:s19+$0xFFFFFD10]  }
0x3e6: {  	v28 =	vadd.f32 v20, v28;
	v47 =	vld [tilespmem:s20+$0xFFFFFB40];
	v20 =	vmul.f32 v46, v43;
	v8 =	vor.u32 v8, v54  }
0x3e7: {  	[tilespmem:$0x1FF20] =	vst v8;
	v8 =	vld [tilespmem:$0x1FF60]  }
0x3e8: {  	v11 =	vadd.f32 v11, v41;
	v41 =	vadd.f32 v20, v28;
	v20 =	vld [tilespmem:$0x1FFA0]  }
0x3e9: {  	v63 =	vadd.s32 s29, v59  }
0x3ea: {  	v52 =	vand.u32 $0xFF8, v63;
	v44 =	vmul.f32 v44, v40;
	v63 =	vperm.xlane v1, v5  }
0x3eb: {  	v32 =	vperm.xlane v31, v6;
	v54 =	vld [tilespmem:s19+$0xFFFFFD40]  }
0x3ec: {  	s26 =	simm.s32 $0xB4;
	v1 =	vadd.f32 v1, v63;
	v61 =	vmul.f32 v57, v43;
	v11 =	vadd.f32 v44, v11;
	v57 =	vld [tilespmem:s20+$0xFFFFFB50]  }
0x3ed: {  	v46 =	vmul.f32 v58, v23;
	v44 =	vld [tilespmem:s20+$0xFFFFFB20];
	v58 =	vor.u32 s26, v8;
	v8 =	vor.u32 v20, v52  }
0x3ee: {  	v55 =	vld [tilespmem:s20+$0xFFFFFB60];
	[tilespmem:$0x1FD30] =	vst v8;
	v8 =	vadd.f32 v31, v32  }
0x3ef: {  	v16 =	vperm.xlane v15, v4;
	v11 =	vadd.f32 v61, v11;
	v61 =	vperm.xlane v1, v6;
	v28 =	vld [tilespmem:$0x1FF40]  }
0x3f0: {  	v12 =	vmul.f32 v12, v27;
	v47 =	vmul.f32 v47, v27;
	v52 =	vld [tilespmem:s20+$0xFFFFFB30];
	[tilespmem:$0x1FEA0] =	vst v8  }
0x3f1: {  	v16 =	vadd.f32 v15, v16;
	v50 =	vperm.xlane v11, v0;
	v57 =	vmul.f32 v57, v23;
	v31 =	vld [tilespmem:s19+$0xFFFFFD50]  }
0x3f2: {  	v1 =	vadd.f32 v1, v61;
	v51 =	vperm.xlane v41, v0;
	v12 =	vadd.f32 v46, v12;
	v46 =	vld [tilespmem:s20+$0xFFFFFB70]  }
0x3f3: {  	v14 =	vperm.xlane v3, v0;
	v55 =	vmul.f32 v55, v24;
	v47 =	vadd.f32 v57, v47;
	v59 =	vld [tilespmem:s19+$0xFFFFFD20]  }
0x3f4: {  	v11 =	vadd.f32 v50, v11;
	v63 =	vadd.f32 v51, v41;
	v41 =	vld [tilespmem:s19+$0xFFFFFD60];
	[tilespmem:v58+s15+$0x0] =	vst.idx.msk vm1, v1  }
0x3f5: {  	v15 =	vperm.xlane v13, v0;
	v44 =	vmul.f32 v44, v24;
	v51 =	vadd.f32 v55, v47;
	v47 =	vld [tilespmem:s20+$0x90]  }
0x3f6: {  	v3 =	vadd.f32 v14, v3;
	v29 =	vmul.f32 v29, v22;
	v11 =	vsel vm0, v11, v63;
	v57 =	vld [tilespmem:s20+$0xD0]  }
0x3f7: {  	v12 =	vadd.f32 v44, v12;
	v1 =	vmul.f32 v60, v19;
	v55 =	vld [tilespmem:s20+$0xA0];
	v50 =	vmul.f32 v52, v21  }
0x3f8: {  	v13 =	vadd.f32 v15, v13;
	v54 =	vmul.f32 v54, v22;
	v60 =	vperm.xlane v11, v4;
	v61 =	vld [tilespmem:s20+$0xF0]  }
0x3f9: {  	v52 =	vld [tilespmem:s20+$0x80];
	v1 =	vadd.f32 v1, v29;
	v12 =	vadd.f32 v50, v12;
	v63 =	vmul.f32 v46, v21  }
0x3fa: {  	v8 =	vld [tilespmem:$0x1FF60];
	v11 =	vadd.f32 v11, v60;
	v29 =	vmul.f32 v59, v26;
	v31 =	vmul.f32 v31, v19  }
0x3fb: {  	v60 =	vadd.s32 s25, v18;
	v46 =	vld [tilespmem:s20+$0xC0];
	v41 =	vmul.f32 v41, v26;
	v50 =	vperm.xlane v12, v0  }
0x3fc: {  	v58 =	vld [tilespmem:s20+$0xB0];
	v1 =	vadd.f32 v29, v1;
	v29 =	vadd.f32 v31, v54;
	v54 =	vperm.xlane v11, v5  }
0x3fd: {  	v32 =	vadd.f32 v63, v51;
	v31 =	vld [tilespmem:s20+$0xE0];
	v47 =	vmul.f32 v47, v30;
	v51 =	vmul.f32 v57, v30  }
0x3fe: {  	v60 =	vand.u32 $0xFF8, v60;
	v59 =	vmul.f32 v55, v49;
	v52 =	vmul.f32 v52, v45  }
0x3ff: {  	v61 =	vmul.f32 v61, v48;
	v44 =	vperm.xlane v32, v0;
	v11 =	vadd.f32 v11, v54  }
0x400: {  	v57 =	vld [tilespmem:s19+$0xFFFFFD30];
	v46 =	vmul.f32 v46, v45;
	v47 =	vadd.f32 v47, v52;
	v52 =	vor.u32 v8, v60  }
0x401: {  	v55 =	vld [tilespmem:s19+$0xFFFFFD70];
	v12 =	vadd.f32 v50, v12;
	v32 =	vadd.f32 v44, v32;
	v63 =	vperm.xlane v11, v6  }
0x402: {  	v60 =	vmul.f32 v58, v48;
	v46 =	vadd.f32 v51, v46;
	v31 =	vmul.f32 v31, v49  }
0x403: {  	v44 =	vadd.f32 v59, v47;
	v12 =	vsel vm0, v12, v32;
	v11 =	vadd.f32 v11, v63  }
0x404: {  	v29 =	vadd.f32 v41, v29;
	v54 =	vld [tilespmem:s21+$0xFFFFFE90];
	v31 =	vadd.f32 v31, v46;
	v51 =	vperm.xlane v12, v4  }
0x405: {  	v41 =	vld [tilespmem:s21+$0xFFFFFED0];
	v57 =	vmul.f32 v57, v34;
	v32 =	vadd.f32 v60, v44;
	[tilespmem:v52+s15+$0x0] =	vst.idx.msk vm1, v11  }
0x406: {  	v59 =	vmul.f32 v55, v34;
	v31 =	vadd.f32 v61, v31;
	v12 =	vadd.f32 v12, v51;
	v8 =	vld [tilespmem:$0x1FF60]  }
0x407: {  	v36 =	vperm.xlane v16, v5;
	v46 =	vld [tilespmem:s21+$0xFFFFFEC0];
	v1 =	vadd.f32 v57, v1;
	v60 =	vperm.xlane v32, v0  }
0x408: {  	v29 =	vadd.f32 v59, v29;
	v44 =	vld [tilespmem:s21+$0xFFFFFEA0];
	v61 =	vperm.xlane v31, v0;
	v11 =	vperm.xlane v12, v5  }
0x409: {  	v16 =	vadd.f32 v16, v36;
	v63 =	vperm.xlane v1, v0;
	v57 =	vld [tilespmem:s19+$0x380];
	v32 =	vadd.f32 v60, v32  }
0x40a: {  	s28 =	simm.s32 $0xA0;
	v58 =	vperm.xlane v29, v0;
	v59 =	vld [tilespmem:s19+$0x390];
	v31 =	vadd.f32 v61, v31;
	v11 =	vadd.f32 v12, v11  }
0x40b: {  	v14 =	vperm.xlane v16, v6;
	v15 =	vld [tilespmem:s19+$0x3A0];
	v1 =	vadd.f32 v63, v1;
	v12 =	vor.u32 s28, v8  }
0x40c: {  	v60 =	vld [tilespmem:s19+$0x3C0];
	v29 =	vadd.f32 v58, v29;
	v31 =	vsel vm0, v32, v31;
	v63 =	vperm.xlane v11, v6  }
0x40d: {  	v13 =	vsel vm0, v3, v13;
	v61 =	vld [tilespmem:s19+$0x3D0];
	v51 =	vperm.xlane v31, v4  }
0x40e: {  	v3 =	vadd.f32 v16, v14;
	v16 =	vld [tilespmem:s19+$0x3B0];
	v1 =	vsel vm0, v1, v29;
	v11 =	vadd.f32 v11, v63  }
0x40f: {  	v29 =	vld [tilespmem:s19+$0x3E0];
	v14 =	vperm.xlane v1, v4;
	v31 =	vadd.f32 v31, v51  }
0x410: {  	v55 =	vld [tilespmem:s19+$0x3F0];
	v15 =	vmul.f32 v15, v40;
	[tilespmem:v12+s15+$0x0] =	vst.idx.msk vm1, v11  }
0x411: {  	v1 =	vadd.f32 v1, v14;
	v52 =	vmul.f32 v60, v38;
	v11 =	vperm.xlane v31, v5;
	v47 =	vld [tilespmem:s20+$0xFFFFFB80]  }
0x412: {  	v32 =	vmul.f32 v61, v39;
	v12 =	vmul.f32 v57, v38;
	v57 =	vld [tilespmem:s20+$0xFFFFFB90]  }
0x413: {  	v14 =	vmul.f32 v59, v39;
	v60 =	vperm.xlane v1, v5;
	v10 =	vld [tilespmem:$0x1FD40];
	v11 =	vadd.f32 v31, v11  }
0x414: {  	v29 =	vmul.f32 v29, v40;
	v32 =	vadd.f32 v32, v52;
	v52 =	vld [tilespmem:s20+$0xFFFFFBD0];
	v31 =	vor.u32 s26, v53  }
0x415: {  	v1 =	vadd.f32 v1, v60;
	v60 =	vld [tilespmem:s20+$0xFFFFFBB0];
	v12 =	vadd.f32 v14, v12;
	v58 =	vperm.xlane v11, v6  }
0x416: {  	v36 =	vperm.xlane v13, v4;
	v16 =	vmul.f32 v16, v43;
	v14 =	vld [tilespmem:s20+$0xFFFFFBC0];
	v29 =	vadd.f32 v29, v32  }
0x417: {  	v56 =	vmovc v2;
	v32 =	vmul.f32 v55, v43;
	v55 =	vld [tilespmem:s20+$0xFFFFFBE0];
	v12 =	vadd.f32 v15, v12;
	v11 =	vadd.f32 v11, v58  }
0x418: {  	v46 =	vmul.f32 v46, v2;
	v2 =	vadd.f32 v13, v36;
	v51 =	vmovc v53;
	v15 =	vld [tilespmem:s20+$0xFFFFFBA0];
	v53 =	vmul.f32 v54, v10  }
0x419: {  	v12 =	vadd.f32 v16, v12;
	v16 =	vadd.f32 v32, v29;
	v29 =	vld [tilespmem:s20+$0xFFFFFBF0];
	[tilespmem:v31+s15+$0x0] =	vst.idx.msk vm1, v11  }
0x41a: {  	[tilespmem:$0x1FDD0] =	vst v2;
	v2 =	vadd.f32 v53, v7;
	v7 =	vld [tilespmem:$0x1FD60]  }
0x41b: {  	v17 =	vld [tilespmem:$0x1FD50];
	_ =	sdelay $0x2  }
0x41c: {  	v13 =	vperm.xlane v1, v6  }
0x41d: {  	v54 =	vperm.xlane v16, v0;
	v53 =	vperm.xlane v12, v0;
	v31 =	vld [tilespmem:s20+$0x100]  }
0x41e: {  	v1 =	vadd.f32 v1, v13;
	v11 =	vmul.f32 v44, v17;
	v44 =	vld [tilespmem:s20+$0x110]  }
0x41f: {  	v36 =	vmul.f32 v52, v23;
	v16 =	vadd.f32 v54, v16;
	v12 =	vadd.f32 v53, v12  }
0x420: {  	[tilespmem:v7+s15+$0x0] =	vst.idx.msk vm1, v1;
	v1 =	vmul.f32 v14, v27;
	v14 =	vmul.f32 v15, v24;
	v15 =	vld [tilespmem:s20+$0x120]  }
0x421: {  	v13 =	vmul.f32 v47, v27;
	v57 =	vmul.f32 v57, v23;
	v12 =	vsel vm0, v12, v16  }
0x422: {  	v52 =	vmul.f32 v55, v24;
	v63 =	vld [tilespmem:s20+$0x130];
	v53 =	vperm.xlane v12, v4;
	v1 =	vadd.f32 v36, v1  }
0x423: {  	v13 =	vadd.f32 v57, v13;
	v31 =	vmul.f32 v31, v45;
	v54 =	vmul.f32 v44, v30  }
0x424: {  	v47 =	vld [tilespmem:s20+$0x140];
	v29 =	vmul.f32 v29, v21;
	v12 =	vadd.f32 v12, v53;
	v1 =	vadd.f32 v52, v1  }
0x425: {  	v61 =	vmul.f32 v60, v21;
	v32 =	vld [tilespmem:s20+$0x150];
	v31 =	vadd.f32 v54, v31;
	v15 =	vmul.f32 v15, v49  }
0x426: {  	v13 =	vadd.f32 v14, v13;
	v1 =	vadd.f32 v29, v1;
	v29 =	vperm.xlane v12, v5  }
0x427: {  	v16 =	vld [tilespmem:s20+$0x160];
	v15 =	vadd.f32 v15, v31;
	v31 =	vmul.f32 v63, v48  }
0x428: {  	v13 =	vadd.f32 v61, v13;
	v61 =	vadd.s32 s25, v62;
	v12 =	vadd.f32 v12, v29  }
0x429: {  	v58 =	vld [tilespmem:s20+$0x170];
	v29 =	vand.u32 $0xFF8, v61;
	v15 =	vadd.f32 v31, v15;
	v31 =	vperm.xlane v1, v0  }
0x42a: {  	v32 =	vmul.f32 v32, v30;
	v14 =	vmul.f32 v47, v45;
	v29 =	vor.u32 v20, v29  }
0x42b: {  	v1 =	vadd.f32 v31, v1;
	v31 =	vperm.xlane v12, v6  }
0x42c: {  	v16 =	vmul.f32 v16, v49;
	v60 =	vld [tilespmem:s19+$0xFFFFFD90];
	v14 =	vadd.f32 v32, v14  }
0x42d: {  	v12 =	vadd.f32 v12, v31  }
0x42e: {  	v32 =	vld [tilespmem:s19+$0xFFFFFD80];
	v14 =	vadd.f32 v16, v14;
	v16 =	vmul.f32 v58, v48  }
0x42f: {  	v62 =	vld [tilespmem:s19+$0xFFFFFDD0];
	[tilespmem:v29+s15+$0x0] =	vst.idx.msk vm1, v12  }
0x430: {  	v59 =	vperm.xlane v13, v0;
	v14 =	vadd.f32 v16, v14;
	v8 =	vld [tilespmem:$0x1FD70]  }
0x431: {  	v58 =	vld [tilespmem:s19+$0xFFFFFDA0];
	v44 =	vmul.f32 v60, v19  }
0x432: {  	v60 =	vld [tilespmem:s19+$0xFFFFFDF0];
	v13 =	vadd.f32 v59, v13;
	v57 =	vperm.xlane v14, v0;
	v63 =	vperm.xlane v15, v0  }
0x433: {  	v16 =	vld [tilespmem:s19+$0xFFFFFDC0]  }
0x434: {  	v59 =	vld [tilespmem:s19+$0xFFFFFDE0];
	v14 =	vadd.f32 v57, v14;
	v15 =	vadd.f32 v63, v15;
	v1 =	vsel vm0, v13, v1  }
0x435: {  	v41 =	vmul.f32 v41, v10;
	v13 =	vld [tilespmem:s19+$0xFFFFFDB0];
	v31 =	vperm.xlane v1, v4  }
0x436: {  	v2 =	vadd.f32 v11, v2;
	v14 =	vsel vm0, v15, v14;
	v15 =	vmul.f32 v62, v19;
	v62 =	vld [tilespmem:s19+$0x400]  }
0x437: {  	v32 =	vmul.f32 v32, v22;
	v12 =	vperm.xlane v14, v4;
	v1 =	vadd.f32 v1, v31;
	v31 =	vld [tilespmem:s19+$0x410]  }
0x438: {  	v36 =	vor.u32 s28, v20;
	v61 =	vmul.f32 v58, v26;
	v16 =	vmul.f32 v16, v22;
	v52 =	vld [tilespmem:s19+$0x420];
	[tilespmem:v8+s15+$0x0] =	vst.idx.msk vm1, v3  }
0x439: {  	v58 =	vadd.s32 s26, v42;
	v29 =	vadd.f32 v44, v32;
	v12 =	vadd.f32 v14, v12;
	v8 =	vld [tilespmem:$0x1FF60]  }
0x43a: {  	v47 =	vld [tilespmem:s19+$0x460];
	v15 =	vadd.f32 v15, v16;
	v16 =	vmul.f32 v59, v26;
	v63 =	vperm.xlane v1, v5  }
0x43b: {  	v29 =	vadd.f32 v61, v29;
	v14 =	vadd.f32 v41, v46;
	v41 =	vld [tilespmem:s19+$0x440];
	v57 =	vperm.xlane v12, v5  }
0x43c: {  	v59 =	vand.u32 $0xFF8, v58;
	v15 =	vadd.f32 v16, v15;
	v16 =	vld [tilespmem:s19+$0x450];
	v1 =	vadd.f32 v1, v63  }
0x43d: {  	v13 =	vmul.f32 v13, v34;
	v44 =	vmul.f32 v62, v38;
	v12 =	vadd.f32 v12, v57  }
0x43e: {  	v46 =	vld [tilespmem:s19+$0x430];
	v3 =	vmul.f32 v60, v34;
	v60 =	vperm.xlane v1, v6;
	v32 =	vor.u32 v8, v59  }
0x43f: {  	v13 =	vadd.f32 v13, v29;
	v29 =	vmul.f32 v31, v39;
	v62 =	vld [tilespmem:s21+$0xFFFFFEE0];
	v61 =	vperm.xlane v12, v6  }
0x440: {  	v31 =	vld [tilespmem:s19+$0x470];
	v52 =	vmul.f32 v52, v40;
	v58 =	vmul.f32 v47, v40;
	v1 =	vadd.f32 v1, v60  }
0x441: {  	v55 =	vld [tilespmem:s21+$0xFFFFFEF0];
	v41 =	vmul.f32 v41, v38;
	v16 =	vmul.f32 v16, v39;
	v12 =	vadd.f32 v12, v61  }
0x442: {  	v63 =	vld [tilespmem:s21+$0xFFFFFEB0];
	v11 =	vperm.xlane v13, v0;
	v29 =	vadd.f32 v29, v44;
	[tilespmem:v36+s15+$0x0] =	vst.idx.msk vm1, v1  }
0x443: {  	v16 =	vadd.f32 v16, v41;
	v1 =	vadd.f32 v3, v15;
	v15 =	vld [tilespmem:s20+$0xFFFFFC00];
	[tilespmem:v32+s15+$0x0] =	vst.idx.msk vm1, v12  }
0x444: {  	v7 =	vmovc v17;
	v61 =	vmul.f32 v62, v17;
	v3 =	vmul.f32 v46, v43;
	v12 =	vadd.f32 v52, v29;
	v17 =	vld [tilespmem:$0x1FEE0]  }
0x445: {  	v16 =	vadd.f32 v58, v16;
	v59 =	vperm.xlane v1, v0;
	v29 =	vmul.f32 v31, v43;
	v31 =	vld [tilespmem:s20+$0x180]  }
0x446: {  	v11 =	vadd.f32 v11, v13;
	v13 =	vld [tilespmem:s20+$0x1D0];
	v3 =	vadd.f32 v3, v12  }
0x447: {  	v1 =	vadd.f32 v59, v1;
	v60 =	vld [tilespmem:s20+$0x190];
	v12 =	vadd.f32 v29, v16  }
0x448: {  	v14 =	vadd.f32 v61, v14;
	v16 =	vld [tilespmem:s20+$0x1C0];
	v62 =	vperm.xlane v3, v0  }
0x449: {  	v1 =	vsel vm0, v11, v1;
	v11 =	vld [tilespmem:s20+$0x1E0];
	v29 =	vmul.f32 v63, v17;
	v63 =	vperm.xlane v12, v0  }
0x44a: {  	v15 =	vmul.f32 v15, v27;
	v52 =	vld [tilespmem:s20+$0x1A0];
	v44 =	vmul.f32 v55, v17;
	v3 =	vadd.f32 v62, v3  }
0x44b: {  	v57 =	vld [tilespmem:s20+$0xFFFFFC40];
	v13 =	vmul.f32 v13, v30;
	v2 =	vadd.f32 v29, v2;
	v12 =	vadd.f32 v63, v12  }
0x44c: {  	v53 =	vld [tilespmem:s20+$0x1B0];
	v29 =	vperm.xlane v1, v4;
	v41 =	vadd.f32 v44, v14;
	v14 =	vmul.f32 v31, v45  }
0x44d: {  	v54 =	vld [tilespmem:s20+$0x1F0];
	v31 =	vmul.f32 v60, v30;
	v3 =	vsel vm0, v3, v12;
	v12 =	vmul.f32 v16, v45  }
0x44e: {  	v55 =	vld [tilespmem:s20+$0xFFFFFC10];
	v11 =	vmul.f32 v11, v49;
	v1 =	vadd.f32 v1, v29;
	v16 =	vperm.xlane v3, v4  }
0x44f: {  	v8 =	vld [tilespmem:$0x1FD80];
	v29 =	vmul.f32 v52, v49;
	v14 =	vadd.f32 v31, v14;
	v12 =	vadd.f32 v13, v12  }
0x450: {  	v46 =	vmul.f32 v57, v27;
	v31 =	vld [tilespmem:s20+$0xFFFFFC50];
	v13 =	vperm.xlane v1, v5;
	v3 =	vadd.f32 v3, v16  }
0x451: {  	v14 =	vadd.f32 v29, v14;
	v29 =	vld [tilespmem:s20+$0xFFFFFC20];
	v16 =	vmul.f32 v53, v48;
	v11 =	vadd.f32 v11, v12  }
0x452: {  	v12 =	vmul.f32 v54, v48;
	v1 =	vadd.f32 v1, v13;
	v59 =	vperm.xlane v3, v5  }
0x453: {  	v60 =	vld [tilespmem:s20+$0xFFFFFC30];
	v63 =	vadd.s32 s25, v37;
	v58 =	vmul.f32 v55, v23;
	v16 =	vadd.f32 v16, v14  }
0x454: {  	v13 =	vld [tilespmem:s20+$0xFFFFFC60];
	v11 =	vadd.f32 v12, v11;
	v12 =	vperm.xlane v1, v6;
	v44 =	vadd.f32 v3, v59  }
0x455: {  	v36 =	vld [tilespmem:s22+$0xFFFFFF80];
	v15 =	vadd.f32 v58, v15;
	v31 =	vmul.f32 v31, v23;
	v3 =	vperm.xlane v16, v0  }
0x456: {  	v62 =	vld [tilespmem:s20+$0xFFFFFC70];
	v54 =	vmovc v37;
	v29 =	vmul.f32 v29, v24;
	v1 =	vadd.f32 v1, v12;
	v37 =	vperm.xlane v44, v6  }
0x457: {  	v14 =	vld [tilespmem:s22+$0xFFFFFF90];
	v31 =	vadd.f32 v31, v46;
	v59 =	vperm.xlane v41, v0;
	v61 =	vperm.xlane v11, v0  }
0x458: {  	v12 =	vld [tilespmem:s22+$0xFFFFFFC0];
	v16 =	vadd.f32 v3, v16;
	[tilespmem:v8+s15+$0x0] =	vst.idx.msk vm1, v1;
	v1 =	vadd.f32 v44, v37  }
0x459: {  	v13 =	vmul.f32 v13, v24;
	v3 =	vld [tilespmem:s22+$0xFFFFFFA0];
	v15 =	vadd.f32 v29, v15;
	v29 =	vmul.f32 v60, v21  }
0x45a: {  	v47 =	vadd.f32 v61, v11;
	v8 =	vld [tilespmem:$0x1FFD0];
	[tilespmem:v63+s15+$0x0] =	vst.idx.msk vm1, v1;
	v1 =	vperm.xlane v2, v0  }
0x45b: {  	v11 =	vld [tilespmem:s22+$0xFFFFFFD0];
	v13 =	vadd.f32 v13, v31;
	v31 =	vmul.f32 v62, v21;
	v15 =	vadd.f32 v29, v15  }
0x45c: {  	v32 =	vld [tilespmem:s19+$0xFFFFFE00];
	v16 =	vsel vm0, v16, v47;
	v1 =	vadd.f32 v1, v2;
	v2 =	vadd.f32 v59, v41  }
0x45d: {  	v47 =	vld [tilespmem:s19+$0xFFFFFE10];
	v57 =	vperm.xlane v16, v4;
	v13 =	vadd.f32 v31, v13;
	v63 =	vadd.s32 s26, v51  }
0x45e: {  	v61 =	vperm.xlane v15, v0;
	v53 =	vld [tilespmem:s19+$0x480];
	v2 =	vsel vm0, v1, v2;
	v1 =	vand.u32 $0xFF8, v63  }
0x45f: {  	v16 =	vadd.f32 v16, v57;
	v62 =	vperm.xlane v13, v0;
	v52 =	vor.u32 v20, v1;
	v1 =	vld [tilespmem:$0x1FF60]  }
0x460: {  	v29 =	vld [tilespmem:s19+$0x490];
	v15 =	vadd.f32 v61, v15  }
0x461: {  	v31 =	vld [tilespmem:s19+$0x4C0];
	v58 =	vadd.s32 s28, v8;
	v60 =	vperm.xlane v16, v5;
	v13 =	vadd.f32 v62, v13  }
0x462: {  	v44 =	vand.u32 $0xFF8, v58;
	v58 =	vld [tilespmem:s19+$0x4A0];
	v37 =	vperm.xlane v2, v4  }
0x463: {  	v46 =	vadd.s32 s28, v9;
	v55 =	vld [tilespmem:s19+$0x4D0];
	v16 =	vadd.f32 v16, v60;
	v13 =	vsel vm0, v15, v13  }
0x464: {  	v41 =	vld [tilespmem:s19+$0x4E0];
	v2 =	vadd.f32 v2, v37;
	v37 =	vperm.xlane v13, v4;
	v1 =	vor.u32 v1, v44  }
0x465: {  	v59 =	vld [tilespmem:s19+$0x4B0];
	v44 =	vand.u32 $0xFF8, v46;
	[tilespmem:$0x1FDE0] =	vst v1  }
0x466: {  	v60 =	vperm.xlane v16, v6;
	v13 =	vadd.f32 v13, v37;
	v1 =	vor.u32 v20, v44;
	v15 =	vld [tilespmem:s19+$0x4F0]  }
0x467: {  	v32 =	vmul.f32 v32, v22;
	v57 =	vmul.f32 v58, v40;
	v61 =	vld [tilespmem:s19+$0xFFFFFE40];
	[tilespmem:$0x1FE40] =	vst v1  }
0x468: {  	v16 =	vadd.f32 v16, v60;
	v20 =	vmul.f32 v47, v19;
	v58 =	vperm.xlane v13, v5;
	v47 =	vld [tilespmem:s19+$0xFFFFFE50]  }
0x469: {  	v37 =	vperm.xlane v2, v5;
	v63 =	vld [tilespmem:s19+$0xFFFFFE20]  }
0x46a: {  	[tilespmem:v52+s15+$0x0] =	vst.idx.msk vm1, v16;
	v16 =	vadd.f32 v20, v32;
	v32 =	vadd.f32 v13, v58;
	v58 =	vld [tilespmem:s19+$0xFFFFFE60]  }
0x46b: {  	v29 =	vmul.f32 v29, v39;
	v20 =	vmul.f32 v53, v38;
	v44 =	vld [tilespmem:s20+$0x200]  }
0x46c: {  	v52 =	vadd.f32 v2, v37;
	v2 =	vmul.f32 v31, v38;
	v31 =	vmul.f32 v55, v39;
	v38 =	vld [tilespmem:s20+$0x210]  }
0x46d: {  	v62 =	vmul.f32 v59, v43;
	v53 =	vld [tilespmem:s20+$0x240]  }
0x46e: {  	v39 =	vld [tilespmem:s20+$0x220];
	v29 =	vadd.f32 v29, v20;
	v2 =	vadd.f32 v31, v2;
	v31 =	vmul.f32 v41, v40  }
0x46f: {  	v60 =	vor.u32 s28, v42;
	v41 =	vld [tilespmem:s20+$0x250];
	v20 =	vperm.xlane v32, v6;
	v37 =	vperm.xlane v52, v6  }
0x470: {  	v55 =	vld [tilespmem:s19+$0xFFFFFE70];
	v29 =	vadd.f32 v57, v29;
	v15 =	vmul.f32 v15, v43;
	v2 =	vadd.f32 v31, v2  }
0x471: {  	v13 =	vmul.f32 v61, v22;
	v43 =	vld [tilespmem:s20+$0x260];
	v32 =	vadd.f32 v32, v20;
	v31 =	vmul.f32 v47, v19  }
0x472: {  	v61 =	vld [tilespmem:s20+$0x230];
	v40 =	vadd.f32 v52, v37;
	v47 =	vmul.f32 v63, v26;
	v44 =	vmul.f32 v44, v45  }
0x473: {  	v29 =	vadd.f32 v62, v29;
	v38 =	vmul.f32 v38, v30;
	v62 =	vld [tilespmem:s20+$0x270];
	v53 =	vmul.f32 v53, v45  }
0x474: {  	v15 =	vadd.f32 v15, v2;
	v39 =	vmul.f32 v39, v49;
	v2 =	vld [tilespmem:s22+$0xFFFFFFB0];
	v41 =	vmul.f32 v41, v30  }
0x475: {  	[tilespmem:v60+s15+$0x0] =	vst.idx.msk vm1, v32;
	v31 =	vadd.f32 v31, v13;
	v13 =	vld [tilespmem:s22+$0xFFFFFFE0];
	v59 =	vperm.xlane v29, v0  }
0x476: {  	v38 =	vadd.f32 v38, v44;
	v44 =	vld [tilespmem:s19+$0xFFFFFE30];
	v63 =	vadd.f32 v41, v53;
	v20 =	vmul.f32 v43, v49  }
0x477: {  	v16 =	vadd.f32 v47, v16;
	v1 =	vld [tilespmem:$0x1FD90];
	v46 =	vperm.xlane v15, v0;
	v60 =	vmul.f32 v61, v48  }
0x478: {  	v47 =	vld [tilespmem:s20+$0xFFFFFCB0];
	v38 =	vadd.f32 v39, v38;
	v61 =	vadd.f32 v20, v63;
	v62 =	vmul.f32 v62, v48  }
0x479: {  	v53 =	vld [tilespmem:s20+$0xFFFFFC80];
	v29 =	vadd.f32 v59, v29;
	v15 =	vadd.f32 v46, v15  }
0x47a: {  	v39 =	vld [tilespmem:s20+$0xFFFFFCC0];
	v63 =	vmul.f32 v58, v26;
	v32 =	vadd.f32 v60, v38;
	v20 =	vadd.f32 v62, v61  }
0x47b: {  	v43 =	vadd.s32 s28, v18;
	v59 =	vld [tilespmem:s20+$0xFFFFFCA0];
	v15 =	vsel vm0, v29, v15;
	v44 =	vmul.f32 v44, v34  }
0x47c: {  	v58 =	vld [tilespmem:s20+$0xFFFFFC90];
	v31 =	vadd.f32 v63, v31;
	v60 =	vperm.xlane v32, v0;
	v61 =	vperm.xlane v20, v0  }
0x47d: {  	v29 =	vld [tilespmem:s20+$0xFFFFFCD0];
	v63 =	vmul.f32 v55, v34;
	v16 =	vadd.f32 v44, v16;
	v44 =	vmul.f32 v14, v33  }
0x47e: {  	v55 =	vld [tilespmem:s20+$0xFFFFFCE0];
	v14 =	vand.u32 $0xFF8, v43;
	v32 =	vadd.f32 v60, v32;
	v38 =	vadd.f32 v61, v20  }
0x47f: {  	v41 =	vmul.f32 v53, v27;
	v53 =	vld [tilespmem:s20+$0xFFFFFCF0];
	[tilespmem:v1+s15+$0x0] =	vst.idx.msk vm1, v40;
	v1 =	vor.u32 v42, v14  }
0x480: {  	v36 =	vmul.f32 v36, v35;
	v52 =	vld [tilespmem:s21+$0xFFFFFF00];
	[tilespmem:$0x1FED0] =	vst v1;
	v32 =	vsel vm0, v32, v38  }
0x481: {  	v37 =	vmul.f32 v11, v33;
	v31 =	vadd.f32 v63, v31;
	v60 =	vld [tilespmem:s21+$0xFFFFFF10];
	v40 =	vperm.xlane v32, v4  }
0x482: {  	v62 =	vperm.xlane v15, v4;
	v39 =	vmul.f32 v39, v27;
	v63 =	vld [tilespmem:s21+$0xFFFFFF40]  }
0x483: {  	v46 =	vmovc v42;
	v42 =	vperm.xlane v16, v0;
	v57 =	vperm.xlane v31, v0;
	v1 =	vld [tilespmem:s21+$0xFFFFFF50];
	v32 =	vadd.f32 v32, v40  }
0x484: {  	s29 =	simm.s32 $0x1840;
	v15 =	vadd.f32 v15, v62;
	v59 =	vmul.f32 v59, v24;
	v20 =	vmul.f32 v58, v23;
	v58 =	vld [tilespmem:s21+$0xFFFFFF20]  }
0x485: {  	s24 =	simm.s32 $0x840;
	v11 =	vld [tilespmem:s29+$0x20];
	v16 =	vadd.f32 v42, v16;
	v31 =	vadd.f32 v57, v31;
	v62 =	vperm.xlane v32, v5  }
0x486: {  	v29 =	vmul.f32 v29, v23;
	v25 =	vld [tilespmem:s24+$0x30];
	v38 =	vperm.xlane v15, v5  }
0x487: {  	v42 =	vmul.f32 v12, v35;
	v12 =	vld [tilespmem:$0x1FDA0];
	v16 =	vsel vm0, v16, v31;
	v31 =	vadd.f32 v32, v62  }
0x488: {  	v35 =	vld [tilespmem:s29+$0x10];
	v14 =	vadd.f32 v15, v38;
	v15 =	vadd.f32 v20, v41;
	v62 =	vadd.s32 s26, v8  }
0x489: {  	v29 =	vadd.f32 v29, v39;
	v20 =	vmul.f32 v55, v24;
	v41 =	vld [tilespmem:s24+$0x10];
	v38 =	vperm.xlane v31, v6  }
0x48a: {  	v53 =	vmul.f32 v53, v21;
	v55 =	vld [tilespmem:s29+$0x0];
	v61 =	vperm.xlane v16, v4;
	v15 =	vadd.f32 v59, v15  }
0x48b: {  	v40 =	vld [tilespmem:s24+$0x0];
	v29 =	vadd.f32 v20, v29;
	v20 =	vmul.f32 v47, v21;
	v31 =	vadd.f32 v31, v38  }
0x48c: {  	v39 =	vld [tilespmem:s24+$0x20];
	[tilespmem:$0x1FE80] =	vst v56;
	v1 =	vmul.f32 v1, v10;
	v16 =	vadd.f32 v16, v61;
	v3 =	vmul.f32 v3, v12  }
0x48d: {  	v61 =	vld [tilespmem:s29+$0x30];
	v15 =	vadd.f32 v20, v15;
	v29 =	vadd.f32 v53, v29;
	[tilespmem:v62+s15+$0x0] =	vst.idx.msk vm1, v31  }
0x48e: {  	v8 =	vadd.f32 v44, v36;
	v57 =	vperm.xlane v16, v5;
	v32 =	vmul.f32 v52, v56;
	v52 =	vld [tilespmem:s20+$0x280]  }
0x48f: {  	v50 =	vmov v18;
	v35 =	vmul.f32 v35, v41;
	v31 =	vperm.xlane v15, v0;
	v53 =	vld [tilespmem:s20+$0x290]  }
0x490: {  	v18 =	vmovc v56;
	v3 =	vadd.f32 v3, v8;
	v8 =	vmul.f32 v55, v40;
	v62 =	vperm.xlane v29, v0;
	v59 =	vld [tilespmem:s20+$0x2C0]  }
0x491: {  	v56 =	vmovc v10;
	v16 =	vadd.f32 v16, v57;
	v15 =	vadd.f32 v31, v15;
	v31 =	vmul.f32 v60, v10;
	v10 =	vld [tilespmem:$0x1FDB0]  }
0x492: {  	v36 =	vmul.f32 v11, v39;
	v8 =	vadd.f32 v35, v8;
	v11 =	vld [tilespmem:s20+$0x2D0];
	v29 =	vadd.f32 v62, v29  }
0x493: {  	v20 =	vperm.xlane v16, v6;
	v55 =	vld [tilespmem:s20+$0x2A0]  }
0x494: {  	v33 =	vld [tilespmem:s24+$0xFFFFFFD0];
	v15 =	vsel vm0, v15, v29;
	v29 =	vadd.f32 v36, v8;
	v8 =	vmul.f32 v61, v25  }
0x495: {  	v16 =	vadd.f32 v16, v20;
	v35 =	vld [tilespmem:s20+$0x2E0];
	v38 =	vperm.xlane v15, v4  }
0x496: {  	v60 =	vld [tilespmem:s20+$0x2B0];
	v29 =	vadd.f32 v8, v29;
	v8 =	vmul.f32 v52, v45;
	v20 =	vmul.f32 v53, v30  }
0x497: {  	v62 =	vld [tilespmem:s21+$0xFFFFFF60];
	v36 =	vmul.f32 v59, v45;
	v11 =	vmul.f32 v11, v30;
	v15 =	vadd.f32 v15, v38  }
0x498: {  	v61 =	vld [tilespmem:s21+$0xFFFFFF30];
	v31 =	vadd.f32 v31, v32;
	v55 =	vmul.f32 v55, v49;
	v8 =	vadd.f32 v20, v8  }
0x499: {  	v53 =	vld [tilespmem:s20+$0x2F0];
	v32 =	vadd.f32 v11, v36;
	v11 =	vperm.xlane v15, v5;
	[tilespmem:v10+s15+$0x0] =	vst.idx.msk vm1, v16  }
0x49a: {  	v57 =	vmov v7;
	v38 =	vperm.xlane v29, v0;
	v16 =	vmul.f32 v58, v7;
	v7 =	vld [tilespmem:$0x1FF30]  }
0x49b: {  	v52 =	vld [tilespmem:s21+$0xFFFFFF70];
	v20 =	vmul.f32 v60, v48;
	v55 =	vadd.f32 v55, v8;
	v15 =	vadd.f32 v15, v11  }
0x49c: {  	v47 =	vor.u32 s28, v51;
	v44 =	vmul.f32 v63, v18;
	v59 =	vld [tilespmem:s22+$0xFFFFFFF0];
	v35 =	vmul.f32 v35, v49  }
0x49d: {  	v29 =	vadd.f32 v29, v38;
	v58 =	vld [tilespmem:s29+$0xFFFFFFD0];
	v55 =	vadd.f32 v20, v55;
	v20 =	vperm.xlane v15, v6  }
0x49e: {  	v1 =	vadd.f32 v1, v44;
	v32 =	vadd.f32 v35, v32;
	v10 =	vld [tilespmem:s24+$0xFFFFFFC0];
	v36 =	vmul.f32 v53, v48  }
0x49f: {  	v44 =	vmul.f32 v61, v17;
	v35 =	vld [tilespmem:s24+$0xFFFFFFE0];
	v15 =	vadd.f32 v15, v20;
	v38 =	vperm.xlane v29, v7  }
0x4a0: {  	v53 =	vld [tilespmem:s29+$0xFFFFFFC0];
	v52 =	vmul.f32 v52, v17;
	v16 =	vadd.f32 v16, v31;
	v32 =	vadd.f32 v36, v32  }
0x4a1: {  	v60 =	vld [tilespmem:s19+$0xFFFFFE80];
	v31 =	vmul.f32 v62, v57;
	[tilespmem:v47+s15+$0x0] =	vst.idx.msk vm1, v15;
	v29 =	vadd.f32 v29, v38  }
0x4a2: {  	v36 =	vperm.xlane v55, v0;
	v38 =	vperm.xlane v32, v0;
	v8 =	vld [tilespmem:$0x1FF50]  }
0x4a3: {  	v16 =	vadd.f32 v44, v16;
	v44 =	vld [tilespmem:s29+$0xFFFFFFE0];
	v1 =	vadd.f32 v31, v1;
	v20 =	vperm.xlane v29, v28  }
0x4a4: {  	v31 =	vmul.f32 v13, v12;
	v55 =	vadd.f32 v36, v55;
	v15 =	vld [tilespmem:s29+$0xFFFFFFF0];
	v32 =	vadd.f32 v38, v32  }
0x4a5: {  	v13 =	vmul.f32 v58, v33;
	v47 =	vmul.f32 v53, v10;
	v53 =	vld [tilespmem:s20+$0xFFFFFD00];
	v29 =	vadd.f32 v29, v20  }
0x4a6: {  	v1 =	vadd.f32 v52, v1;
	v38 =	vld [tilespmem:s24+$0xFFFFFFF0];
	v32 =	vsel vm0, v55, v32  }
0x4a7: {  	s29 =	simm.s32 $0xB;
	v13 =	vadd.f32 v13, v47;
	v58 =	vperm.xlane v32, v4;
	v36 =	vperm.xlane v29, v8;
	v8 =	vld [tilespmem:$0x1FDC0]  }
0x4a8: {  	v61 =	vld [tilespmem:s20+$0xFFFFFD10];
	v44 =	vmul.f32 v44, v35;
	v55 =	vmov s29;
	v20 =	vperm.xlane v16, v0  }
0x4a9: {  	v63 =	vld [tilespmem:s20+$0xFFFFFD50];
	v32 =	vadd.f32 v32, v58  }
0x4aa: {  	v17 =	vld [tilespmem:$0x1FF70];
	v13 =	vadd.f32 v44, v13;
	v16 =	vadd.f32 v20, v16;
	v20 =	vperm.xlane v1, v0  }
0x4ab: {  	v47 =	vld [tilespmem:s20+$0xFFFFFD40];
	v15 =	vmul.f32 v15, v38;
	v29 =	vadd.f32 v29, v36;
	v36 =	vperm.xlane v32, v5  }
0x4ac: {  	v43 =	vperm.xlane v14, v6;
	v44 =	vld [tilespmem:s20+$0xFFFFFD20];
	v1 =	vadd.f32 v20, v1;
	v2 =	vmul.f32 v2, v8  }
0x4ad: {  	s22 =	simm.s32 $0x5C80;
	v58 =	vld [tilespmem:s20+$0xFFFFFD60];
	v20 =	vadd.f32 v15, v13;
	[tilespmem:v55+s4+$0x0] =	vst.idx.msk $0x1, v29;
	v32 =	vadd.f32 v32, v36  }
0x4ae: {  	v29 =	vmul.f32 v60, v22;
	v60 =	vld [tilespmem:s22+$0x0];
	v12 =	vadd.f32 v2, v3;
	v3 =	vadd.f32 v14, v43  }
0x4af: {  	v62 =	vadd.s32 s26, v9;
	v11 =	vld [tilespmem:s22+$0x10]  }
0x4b0: {  	v15 =	vsel vm0, v16, v1;
	v1 =	vperm.xlane v20, v0;
	v13 =	vld [tilespmem:s22+$0x40];
	v2 =	vperm.xlane v32, v6;
	[tilespmem:$0x1FEC0] =	vst v3  }
0x4b1: {  	v53 =	vmul.f32 v53, v27;
	v3 =	vld [tilespmem:s22+$0x50]  }
0x4b2: {  	v44 =	vmul.f32 v44, v24;
	v1 =	vadd.f32 v20, v1;
	v2 =	vadd.f32 v32, v2;
	v55 =	vld [tilespmem:s22+$0x20]  }
0x4b3: {  	v20 =	vmul.f32 v61, v23;
	v32 =	vadd.f32 v37, v42;
	v42 =	vmul.f32 v47, v27;
	v47 =	vld [tilespmem:s22+$0x60]  }
0x4b4: {  	v59 =	vmul.f32 v59, v8;
	[tilespmem:v62+s15+$0x0] =	vst.idx.msk vm1, v2;
	v2 =	vperm.xlane v1, v7;
	v62 =	vld [tilespmem:s22+$0x30]  }
0x4b5: {  	v37 =	vadd.f32 v20, v53;
	v53 =	vmul.f32 v60, v40;
	v11 =	vmul.f32 v11, v41;
	v20 =	vld [tilespmem:s22+$0x70]  }
0x4b6: {  	s24 =	simm.s32 $0xA;
	v1 =	vadd.f32 v1, v2;
	v2 =	vmul.f32 v13, v40;
	v3 =	vmul.f32 v3, v41  }
0x4b7: {  	v61 =	vmov s24;
	v11 =	vadd.f32 v11, v53;
	v13 =	vld [tilespmem:s20+$0xFFFFFD30];
	v55 =	vmul.f32 v55, v39  }
0x4b8: {  	v37 =	vadd.f32 v44, v37;
	v8 =	vld [tilespmem:$0x1FF50];
	v2 =	vadd.f32 v3, v2;
	v3 =	vmul.f32 v47, v39  }
0x4b9: {  	v44 =	vld [tilespmem:s20+$0x310];
	v62 =	vmul.f32 v62, v25;
	v47 =	vperm.xlane v1, v28;
	v11 =	vadd.f32 v55, v11  }
0x4ba: {  	v55 =	vld [tilespmem:s20+$0x300];
	v2 =	vadd.f32 v3, v2;
	v3 =	vmul.f32 v20, v25;
	v20 =	vand.u32 $0xFFFFFFFE, v61  }
0x4bb: {  	v63 =	vmul.f32 v63, v23;
	v1 =	vadd.f32 v1, v47;
	v47 =	vld [tilespmem:s20+$0x340];
	v60 =	vbroadcast v20, $0x0  }
0x4bc: {  	v13 =	vmul.f32 v13, v21;
	v11 =	vadd.f32 v62, v11;
	v2 =	vadd.f32 v3, v2;
	v3 =	vld [tilespmem:s20+$0x350]  }
0x4bd: {  	v58 =	vmul.f32 v58, v24;
	v31 =	vadd.f32 v31, v32;
	v62 =	vld [tilespmem:s20+$0x320];
	v32 =	vperm.xlane v1, v8  }
0x4be: {  	v13 =	vadd.f32 v13, v37;
	v20 =	vld [tilespmem:s20+$0x360];
	v61 =	vperm.xlane v11, v0;
	v37 =	vperm.xlane v2, v0  }
0x4bf: {  	v43 =	vperm.xlane v15, v4;
	v44 =	vmul.f32 v44, v30;
	v1 =	vadd.f32 v1, v32;
	v32 =	vld [tilespmem:s20+$0x330]  }
0x4c0: {  	v55 =	vmul.f32 v55, v45;
	v11 =	vadd.f32 v61, v11;
	v61 =	vld [tilespmem:s20+$0x370];
	v37 =	vadd.f32 v37, v2  }
0x4c1: {  	v36 =	vmov v9;
	v9 =	vld [tilespmem:$0x1FF80];
	v47 =	vmul.f32 v47, v45;
	v3 =	vmul.f32 v3, v30;
	[tilespmem:v60+s4+$0x0] =	vst.idx.msk $0x1, v1  }
0x4c2: {  	v1 =	vsel vm0, v11, v37;
	v11 =	vmul.f32 v62, v49;
	v62 =	vadd.f32 v44, v55  }
0x4c3: {  	v53 =	vld [tilespmem:s20+$0xFFFFFD70];
	v20 =	vmul.f32 v20, v49;
	v3 =	vadd.f32 v3, v47;
	v60 =	vperm.xlane v1, v4  }
0x4c4: {  	v42 =	vadd.f32 v63, v42;
	v32 =	vmul.f32 v32, v48;
	v11 =	vadd.f32 v11, v62  }
0x4c5: {  	v8 =	vld [tilespmem:$0x1FF60];
	v62 =	vmul.f32 v61, v48;
	v3 =	vadd.f32 v20, v3;
	v1 =	vadd.f32 v1, v60  }
0x4c6: {  	v14 =	vperm.xlane v12, v0;
	v42 =	vadd.f32 v58, v42;
	v31 =	vadd.f32 v59, v31  }
0x4c7: {  	v58 =	vld [tilespmem:s22+$0xFFFFFB10];
	v11 =	vadd.f32 v32, v11;
	v3 =	vadd.f32 v62, v3;
	v59 =	vperm.xlane v1, v5  }
0x4c8: {  	v52 =	vadd.s32 s23, v17;
	v53 =	vmul.f32 v53, v21;
	v63 =	vperm.xlane v13, v0;
	v47 =	vld [tilespmem:s22+$0xFFFFFB00]  }
0x4c9: {  	s23 =	simm.s32 $0xDC;
	v55 =	vld [tilespmem:s22+$0xFFFFFB40];
	v60 =	vperm.xlane v11, v0;
	v20 =	vperm.xlane v3, v0;
	v1 =	vadd.f32 v1, v59  }
0x4ca: {  	v42 =	vadd.f32 v53, v42;
	v13 =	vadd.f32 v63, v13;
	v37 =	vld [tilespmem:s22+$0xFFFFFB50];
	v63 =	vor.u32 s23, v8  }
0x4cb: {  	v53 =	vld [tilespmem:s22+$0xFFFFFB20];
	v11 =	vadd.f32 v60, v11;
	v3 =	vadd.f32 v20, v3;
	v20 =	vperm.xlane v1, v6  }
0x4cc: {  	v32 =	vperm.xlane v42, v0;
	v62 =	vld [tilespmem:s22+$0xFFFFFB60];
	v58 =	vmul.f32 v58, v33  }
0x4cd: {  	v47 =	vmul.f32 v47, v10;
	v59 =	vld [tilespmem:s22+$0xFFFFFB30];
	v3 =	vsel vm0, v11, v3;
	v1 =	vadd.f32 v1, v20  }
0x4ce: {  	v32 =	vadd.f32 v32, v42;
	v42 =	vmul.f32 v55, v10;
	v55 =	vld [tilespmem:s22+$0xFFFFFB70];
	v61 =	vperm.xlane v3, v4  }
0x4cf: {  	v15 =	vadd.f32 v15, v43;
	v16 =	vld [tilespmem:$0x1FDD0];
	v37 =	vmul.f32 v37, v33;
	[tilespmem:v63+s15+$0x0] =	vst.idx.msk vm1, v1  }
0x4d0: {  	v47 =	vadd.f32 v58, v47;
	v11 =	vmul.f32 v53, v35;
	v1 =	vadd.f32 v3, v61;
	v8 =	vld [tilespmem:$0x1FF60]  }
0x4d1: {  	v13 =	vsel vm0, v13, v32;
	v58 =	vmul.f32 v62, v35;
	v20 =	vadd.f32 v37, v42  }
0x4d2: {  	v11 =	vadd.f32 v11, v47;
	v3 =	vmul.f32 v59, v38;
	v47 =	vld [tilespmem:s22+$0x80];
	v62 =	vperm.xlane v1, v5  }
0x4d3: {  	v60 =	vmul.f32 v55, v38;
	v32 =	vadd.f32 v58, v20;
	v63 =	vadd.s32 s26, v50;
	v53 =	vld [tilespmem:s22+$0x90]  }
0x4d4: {  	v43 =	vld [tilespmem:s22+$0xD0];
	v37 =	vand.u32 $0xFF8, v63;
	v3 =	vadd.f32 v3, v11;
	v1 =	vadd.f32 v1, v62  }
0x4d5: {  	v18 =	vmovc v50;
	v44 =	vperm.xlane v16, v5;
	v50 =	vld [tilespmem:s22+$0xE0];
	v11 =	vadd.f32 v60, v32;
	v37 =	vor.u32 v8, v37  }
0x4d6: {  	v14 =	vadd.f32 v14, v12;
	v32 =	vld [tilespmem:s22+$0xC0];
	v55 =	vperm.xlane v3, v0;
	v12 =	vperm.xlane v1, v6  }
0x4d7: {  	v61 =	vperm.xlane v13, v4;
	v60 =	vld [tilespmem:s22+$0xA0];
	v20 =	vperm.xlane v11, v0;
	v8 =	vadd.f32 v16, v44  }
0x4d8: {  	v3 =	vadd.f32 v55, v3;
	v55 =	vld [tilespmem:s22+$0xB0];
	v1 =	vadd.f32 v1, v12  }
0x4d9: {  	v13 =	vadd.f32 v13, v61;
	v11 =	vadd.f32 v20, v11;
	v20 =	vld [tilespmem:s22+$0xF0];
	[tilespmem:$0x1FF00] =	vst v8  }
0x4da: {  	v61 =	vperm.xlane v15, v5;
	[tilespmem:v37+s15+$0x0] =	vst.idx.msk vm1, v1  }
0x4db: {  	v63 =	vperm.xlane v13, v5;
	v47 =	vmul.f32 v47, v40;
	v8 =	vld [tilespmem:$0x1FDE0]  }
0x4dc: {  	v42 =	vadd.s32 s28, v54;
	v43 =	vmul.f32 v43, v41;
	v32 =	vmul.f32 v32, v40  }
0x4dd: {  	v53 =	vmul.f32 v53, v41;
	v13 =	vadd.f32 v13, v63;
	v12 =	vand.u32 $0xFF8, v42  }
0x4de: {  	v42 =	vld [tilespmem:s19+$0xFFFFFEC0];
	v3 =	vsel vm0, v3, v11;
	v11 =	vmul.f32 v60, v39;
	v32 =	vadd.f32 v43, v32  }
0x4df: {  	v1 =	vadd.f32 v53, v47;
	v43 =	vld [tilespmem:s20+$0x380];
	v62 =	vmul.f32 v20, v25;
	v20 =	vperm.xlane v13, v6  }
0x4e0: {  	v7 =	vmovc v54;
	v15 =	vadd.f32 v15, v61;
	v50 =	vmul.f32 v50, v39;
	v59 =	vperm.xlane v3, v4;
	v54 =	vld [tilespmem:s20+$0x390]  }
0x4e1: {  	v60 =	vmul.f32 v55, v25;
	v37 =	vld [tilespmem:s20+$0x3C0];
	v1 =	vadd.f32 v11, v1;
	v13 =	vadd.f32 v13, v20  }
0x4e2: {  	v3 =	vadd.f32 v3, v59;
	v47 =	vld [tilespmem:s20+$0x3D0];
	v11 =	vadd.f32 v50, v32  }
0x4e3: {  	v63 =	vperm.xlane v31, v0;
	v32 =	vld [tilespmem:s20+$0x3A0];
	v1 =	vadd.f32 v60, v1;
	[tilespmem:v8+s15+$0x0] =	vst.idx.msk vm1, v13  }
0x4e4: {  	v53 =	vperm.xlane v15, v6;
	v50 =	vperm.xlane v3, v5;
	v11 =	vadd.f32 v62, v11;
	v8 =	vld [tilespmem:$0x1FF60]  }
0x4e5: {  	v42 =	vmul.f32 v42, v22;
	v60 =	vld [tilespmem:s20+$0x3E0];
	v20 =	vperm.xlane v1, v0  }
0x4e6: {  	v62 =	vld [tilespmem:s20+$0x3B0];
	v3 =	vadd.f32 v3, v50;
	v61 =	vperm.xlane v11, v0;
	v43 =	vmul.f32 v43, v45  }
0x4e7: {  	v55 =	vld [tilespmem:s20+$0x3F0];
	v54 =	vmul.f32 v54, v30;
	v37 =	vmul.f32 v37, v45  }
0x4e8: {  	s24 =	simm.s32 $0xC8;
	v31 =	vadd.f32 v63, v31;
	v63 =	vld [tilespmem:s19+$0xFFFFFED0];
	v47 =	vmul.f32 v47, v30;
	v58 =	vperm.xlane v3, v6  }
0x4e9: {  	v32 =	vmul.f32 v32, v49;
	v1 =	vadd.f32 v20, v1;
	v13 =	vor.u32 s24, v8  }
0x4ea: {  	v44 =	vld [tilespmem:s19+$0xFFFFFE90];
	v43 =	vadd.f32 v54, v43;
	v37 =	vadd.f32 v47, v37;
	v20 =	vmul.f32 v60, v49  }
0x4eb: {  	v54 =	vld [tilespmem:s19+$0xFFFFFEE0];
	v11 =	vadd.f32 v61, v11;
	v3 =	vadd.f32 v3, v58;
	v58 =	vmul.f32 v62, v48  }
0x4ec: {  	v50 =	vld [tilespmem:s19+$0xFFFFFEA0];
	v32 =	vadd.f32 v32, v43;
	v37 =	vadd.f32 v20, v37;
	v20 =	vmul.f32 v55, v48  }
0x4ed: {  	v11 =	vsel vm0, v1, v11;
	v1 =	vsel vm0, v14, v31;
	v14 =	vmul.f32 v63, v19  }
0x4ee: {  	v31 =	vperm.xlane v11, v4;
	[tilespmem:v13+s15+$0x0] =	vst.idx.msk vm1, v3;
	v13 =	vadd.f32 v20, v37  }
0x4ef: {  	v44 =	vmul.f32 v44, v19;
	v60 =	vld [tilespmem:s19+$0xFFFFFEB0];
	v14 =	vadd.f32 v14, v42;
	v3 =	vadd.f32 v58, v32  }
0x4f0: {  	v11 =	vadd.f32 v11, v31;
	v63 =	vmul.f32 v54, v26;
	v58 =	vperm.xlane v13, v0  }
0x4f1: {  	v29 =	vadd.f32 v44, v29;
	v61 =	vld [tilespmem:s19+$0xFFFFFEF0];
	v50 =	vmul.f32 v50, v26;
	v20 =	vperm.xlane v3, v0  }
0x4f2: {  	v47 =	vld [tilespmem:s20+$0xFFFFFD80];
	v42 =	vadd.f32 v63, v14;
	v13 =	vadd.f32 v58, v13;
	v58 =	vperm.xlane v11, v5  }
0x4f3: {  	v62 =	vld [tilespmem:s20+$0xFFFFFD90];
	v43 =	vadd.f32 v20, v3;
	v20 =	vadd.f32 v15, v53  }
0x4f4: {  	v14 =	vmul.f32 v60, v34;
	v32 =	vld [tilespmem:s22+$0xFFFFFB80];
	v15 =	vadd.f32 v50, v29;
	v11 =	vadd.f32 v11, v58  }
0x4f5: {  	v60 =	vor.u32 s23, v51;
	v37 =	vld [tilespmem:s22+$0xFFFFFB90]  }
0x4f6: {  	v31 =	vld [tilespmem:s22+$0xFFFFFBC0];
	v14 =	vadd.f32 v14, v15;
	v15 =	vperm.xlane v11, v6  }
0x4f7: {  	v54 =	vld [tilespmem:s22+$0xFFFFFBD0]  }
0x4f8: {  	v29 =	vld [tilespmem:s22+$0xFFFFFBA0];
	v13 =	vsel vm0, v43, v13;
	v11 =	vadd.f32 v11, v15  }
0x4f9: {  	v50 =	vld [tilespmem:s22+$0xFFFFFBE0];
	v44 =	vperm.xlane v13, v4  }
0x4fa: {  	v53 =	vld [tilespmem:s22+$0xFFFFFBB0];
	[tilespmem:v60+s15+$0x0] =	vst.idx.msk vm1, v11  }
0x4fb: {  	v43 =	vmul.f32 v61, v34;
	v32 =	vmul.f32 v32, v10;
	v44 =	vadd.f32 v13, v44;
	v16 =	vld [tilespmem:$0x1FFA0]  }
0x4fc: {  	v37 =	vmul.f32 v37, v33;
	v58 =	vld [tilespmem:s22+$0xFFFFFBF0];
	v31 =	vmul.f32 v31, v10  }
0x4fd: {  	v61 =	vld [tilespmem:s20+$0xFFFFFDC0];
	v13 =	vadd.f32 v43, v42;
	v42 =	vmul.f32 v54, v33;
	v43 =	vperm.xlane v44, v5  }
0x4fe: {  	v63 =	vadd.s32 s26, v9;
	v32 =	vadd.f32 v37, v32;
	v37 =	vld [tilespmem:s20+$0xFFFFFDD0];
	v29 =	vmul.f32 v29, v35  }
0x4ff: {  	v63 =	vand.u32 $0xFF8, v63;
	v54 =	vld [tilespmem:s20+$0xFFFFFDE0];
	v11 =	vadd.f32 v42, v31;
	v31 =	vadd.f32 v44, v43  }
0x500: {  	v15 =	vld [tilespmem:s20+$0xFFFFFDA0];
	v29 =	vadd.f32 v29, v32;
	v32 =	vmul.f32 v53, v38;
	v42 =	vor.u32 v16, v63  }
0x501: {  	v2 =	vadd.s32 s28, v9;
	v53 =	vmul.f32 v58, v38;
	v60 =	vld [tilespmem:s20+$0xFFFFFDB0];
	v58 =	vperm.xlane v31, v6  }
0x502: {  	v2 =	vand.u32 $0xFF8, v2;
	v50 =	vmul.f32 v50, v35;
	v44 =	vld [tilespmem:s22+$0x100]  }
0x503: {  	v2 =	vor.u32 v51, v2;
	v29 =	vadd.f32 v32, v29;
	v32 =	vld [tilespmem:s22+$0x140];
	v31 =	vadd.f32 v31, v58  }
0x504: {  	v11 =	vadd.f32 v50, v11;
	v50 =	vld [tilespmem:s22+$0x110];
	[tilespmem:$0x1FDF0] =	vst v2  }
0x505: {  	[tilespmem:v42+s15+$0x0] =	vst.idx.msk vm1, v31  }
0x506: {  	v42 =	vld [tilespmem:$0x1FF60];
	_ =	sdelay $0x2  }
0x507: {  	v47 =	vmul.f32 v47, v27;
	v62 =	vmul.f32 v62, v23;
	v2 =	vadd.f32 v53, v11;
	v11 =	vld [tilespmem:s22+$0x120]  }
0x508: {  	v55 =	vadd.s32 s28, v17;
	v53 =	vmul.f32 v61, v27;
	v61 =	vld [tilespmem:s22+$0x150];
	v58 =	vperm.xlane v29, v0  }
0x509: {  	v55 =	vand.u32 $0xFF8, v55;
	v47 =	vadd.f32 v62, v47;
	v63 =	vld [tilespmem:s22+$0x130];
	v8 =	vor.u32 v42, v12  }
0x50a: {  	v62 =	vperm.xlane v2, v0;
	v29 =	vadd.f32 v58, v29;
	v58 =	vld [tilespmem:s22+$0x160];
	[tilespmem:$0x1FE00] =	vst v8;
	v8 =	vor.u32 v16, v55  }
0x50b: {  	v44 =	vmul.f32 v44, v40;
	v50 =	vmul.f32 v50, v41;
	[tilespmem:$0x1FE10] =	vst v8  }
0x50c: {  	v2 =	vadd.f32 v62, v2;
	v12 =	vld [tilespmem:s22+$0x170]  }
0x50d: {  	v37 =	vmul.f32 v37, v23;
	v15 =	vmul.f32 v15, v24;
	v44 =	vadd.f32 v50, v44;
	v50 =	vld [tilespmem:s20+$0x400]  }
0x50e: {  	v32 =	vmul.f32 v32, v40;
	v11 =	vmul.f32 v11, v39;
	v2 =	vsel vm0, v29, v2;
	v29 =	vld [tilespmem:s20+$0x410]  }
0x50f: {  	v37 =	vadd.f32 v37, v53;
	v53 =	vmul.f32 v61, v41;
	v55 =	vperm.xlane v2, v4;
	v61 =	vld [tilespmem:s20+$0x440]  }
0x510: {  	v11 =	vadd.f32 v11, v44;
	v44 =	vmul.f32 v63, v25;
	v62 =	vmul.f32 v58, v39;
	v58 =	vld [tilespmem:s20+$0x450]  }
0x511: {  	v54 =	vmul.f32 v54, v24;
	v32 =	vadd.f32 v53, v32;
	v2 =	vadd.f32 v2, v55;
	v55 =	vld [tilespmem:s20+$0xFFFFFDF0]  }
0x512: {  	v15 =	vadd.f32 v15, v47;
	v60 =	vmul.f32 v60, v21;
	v11 =	vadd.f32 v44, v11;
	v44 =	vld [tilespmem:s20+$0x420]  }
0x513: {  	v37 =	vadd.f32 v54, v37;
	v32 =	vadd.f32 v62, v32;
	v54 =	vld [tilespmem:s20+$0x460];
	v12 =	vmul.f32 v12, v25  }
0x514: {  	v15 =	vadd.f32 v60, v15;
	v53 =	vperm.xlane v11, v0;
	v47 =	vld [tilespmem:s20+$0x470];
	v63 =	vperm.xlane v2, v5  }
0x515: {  	v50 =	vmul.f32 v50, v45;
	v29 =	vmul.f32 v29, v30;
	v12 =	vadd.f32 v12, v32  }
0x516: {  	v11 =	vadd.f32 v53, v11;
	v61 =	vmul.f32 v61, v45;
	v58 =	vmul.f32 v58, v30;
	v32 =	vld [tilespmem:s20+$0x430]  }
0x517: {  	v44 =	vmul.f32 v44, v49;
	v29 =	vadd.f32 v29, v50;
	v50 =	vperm.xlane v12, v0  }
0x518: {  	v2 =	vadd.f32 v2, v63;
	v54 =	vmul.f32 v54, v49;
	v55 =	vmul.f32 v55, v21  }
0x519: {  	v47 =	vmul.f32 v47, v48;
	v58 =	vadd.f32 v58, v61;
	v12 =	vadd.f32 v50, v12  }
0x51a: {  	v62 =	vperm.xlane v2, v6;
	v61 =	vor.u32 s24, v16;
	v29 =	vadd.f32 v44, v29  }
0x51b: {  	v58 =	vadd.f32 v54, v58;
	v32 =	vmul.f32 v32, v48;
	v11 =	vsel vm0, v11, v12  }
0x51c: {  	v37 =	vadd.f32 v55, v37;
	v63 =	vadd.f32 v2, v62;
	v12 =	vperm.xlane v11, v4  }
0x51d: {  	v29 =	vadd.f32 v32, v29;
	v32 =	vadd.f32 v47, v58  }
0x51e: {  	v60 =	vperm.xlane v15, v0;
	v55 =	vperm.xlane v37, v0;
	v11 =	vadd.f32 v11, v12  }
0x51f: {  	v43 =	vmov v21;
	v31 =	vld [tilespmem:$0x1FF50];
	[tilespmem:v61+s15+$0x0] =	vst.idx.msk vm1, v63;
	v12 =	vperm.xlane v29, v0;
	v21 =	vperm.xlane v32, v0  }
0x520: {  	v15 =	vadd.f32 v60, v15;
	v63 =	vadd.f32 v55, v37;
	v37 =	vld [tilespmem:s22+$0xFFFFFC10];
	v62 =	vperm.xlane v11, v5  }
0x521: {  	v47 =	vld [tilespmem:s22+$0xFFFFFC00];
	v12 =	vadd.f32 v12, v29;
	v29 =	vadd.f32 v21, v32;
	v21 =	vadd.s32 s23, v46  }
0x522: {  	v53 =	vperm.xlane v1, v4;
	v60 =	vld [tilespmem:s22+$0xFFFFFC40];
	v50 =	vand.u32 $0xFF8, v21;
	v11 =	vadd.f32 v11, v62  }
0x523: {  	v55 =	vld [tilespmem:s22+$0xFFFFFC20];
	v32 =	vor.u32 v42, v50  }
0x524: {  	v1 =	vadd.f32 v1, v53;
	v58 =	vperm.xlane v11, v6  }
0x525: {  	v15 =	vsel vm0, v15, v63;
	v63 =	vperm.xlane v13, v0;
	v37 =	vmul.f32 v37, v33  }
0x526: {  	v53 =	vld [tilespmem:s22+$0xFFFFFC60];
	v47 =	vmul.f32 v47, v10;
	v12 =	vsel vm0, v12, v29;
	v11 =	vadd.f32 v11, v58  }
0x527: {  	v13 =	vadd.f32 v63, v13;
	v54 =	vmul.f32 v60, v10;
	v29 =	vld [tilespmem:s22+$0xFFFFFC50];
	v61 =	vperm.xlane v12, v4  }
0x528: {  	v60 =	vld [tilespmem:s22+$0xFFFFFC70];
	v63 =	vmul.f32 v55, v35;
	[tilespmem:v32+s15+$0x0] =	vst.idx.msk vm1, v11;
	v11 =	vadd.f32 v37, v47  }
0x529: {  	v44 =	vperm.xlane v14, v0;
	v62 =	vperm.xlane v15, v4;
	v50 =	vld [tilespmem:s22+$0xFFFFFC30];
	v12 =	vadd.f32 v12, v61  }
0x52a: {  	v11 =	vadd.f32 v63, v11;
	v63 =	vld [tilespmem:$0x1FFD0]  }
0x52b: {  	v14 =	vadd.f32 v44, v14;
	v15 =	vadd.f32 v15, v62;
	v21 =	vperm.xlane v12, v5  }
0x52c: {  	v53 =	vmul.f32 v53, v35;
	v62 =	vadd.s32 s24, v36;
	v29 =	vmul.f32 v29, v33;
	v37 =	vld [tilespmem:s22+$0x180]  }
0x52d: {  	v36 =	vmul.f32 v60, v38;
	v44 =	vperm.xlane v15, v5;
	v12 =	vadd.f32 v12, v21;
	v47 =	vld [tilespmem:s22+$0x190]  }
0x52e: {  	v32 =	vmul.f32 v50, v38;
	v29 =	vadd.f32 v29, v54;
	v54 =	vadd.s32 s26, v7;
	v50 =	vld [tilespmem:s22+$0x1C0]  }
0x52f: {  	v15 =	vadd.f32 v15, v44;
	v44 =	vld [tilespmem:s22+$0x1D0];
	v55 =	vperm.xlane v12, v6;
	v21 =	vadd.s32 s24, v63  }
0x530: {  	v29 =	vadd.f32 v53, v29;
	v11 =	vadd.f32 v32, v11;
	v32 =	vld [tilespmem:s22+$0x1A0];
	v61 =	vand.u32 $0xFF8, v21  }
0x531: {  	v3 =	vmovc v9;
	v9 =	vmovc v46;
	v58 =	vor.u32 s24, v46;
	v60 =	vld [tilespmem:s22+$0x1E0];
	v12 =	vadd.f32 v12, v55;
	v46 =	vor.u32 v42, v61  }
0x532: {  	v29 =	vadd.f32 v36, v29;
	v37 =	vmul.f32 v37, v40;
	v47 =	vmul.f32 v47, v41;
	[tilespmem:$0x1FE20] =	vst v46  }
0x533: {  	v13 =	vsel vm0, v14, v13;
	[tilespmem:v54+s15+$0x0] =	vst.idx.msk vm1, v12;
	v12 =	vperm.xlane v11, v0;
	v54 =	vld [tilespmem:s22+$0x1B0]  }
0x534: {  	v8 =	vmovc v7;
	v44 =	vmul.f32 v44, v41;
	v55 =	vperm.xlane v29, v0;
	v37 =	vadd.f32 v47, v37;
	v7 =	vld [tilespmem:$0x1FE40]  }
0x535: {  	v32 =	vmul.f32 v32, v39;
	v53 =	vld [tilespmem:s22+$0x1F0];
	v11 =	vadd.f32 v12, v11;
	v12 =	vmul.f32 v50, v40  }
0x536: {  	v47 =	vadd.s32 s24, v18;
	v21 =	vmul.f32 v60, v39;
	v29 =	vadd.f32 v55, v29  }
0x537: {  	v32 =	vadd.f32 v32, v37;
	v37 =	vld [tilespmem:s20+$0x490];
	v50 =	vperm.xlane v15, v6;
	v12 =	vadd.f32 v44, v12  }
0x538: {  	v61 =	vand.u32 $0xFF8, v62;
	v47 =	vand.u32 $0xFF8, v47;
	v60 =	vld [tilespmem:s20+$0x480];
	v54 =	vmul.f32 v54, v25  }
0x539: {  	v14 =	vadd.f32 v15, v50;
	v11 =	vsel vm0, v11, v29;
	v15 =	vld [tilespmem:s20+$0x4D0];
	v12 =	vadd.f32 v21, v12  }
0x53a: {  	v36 =	vld [tilespmem:s20+$0x4C0];
	v21 =	vmul.f32 v53, v25;
	v32 =	vadd.f32 v54, v32;
	v54 =	vor.u32 v16, v61  }
0x53b: {  	v9 =	vor.u32 v9, v47;
	v44 =	vld [tilespmem:s20+$0x4A0];
	v29 =	vperm.xlane v11, v4;
	[tilespmem:$0x1FE30] =	vst v54  }
0x53c: {  	v37 =	vmul.f32 v37, v30;
	v12 =	vadd.f32 v21, v12;
	[tilespmem:v7+s15+$0x0] =	vst.idx.msk vm1, v14;
	v50 =	vld [tilespmem:s20+$0x4E0]  }
0x53d: {  	v11 =	vadd.f32 v11, v29;
	v14 =	vperm.xlane v13, v4;
	v29 =	vperm.xlane v32, v0;
	v54 =	vld [tilespmem:s20+$0xFFFFFE00];
	[tilespmem:$0x1FE50] =	vst v9  }
0x53e: {  	v15 =	vmul.f32 v15, v30;
	v61 =	vperm.xlane v12, v0;
	v30 =	vld [tilespmem:s20+$0x4F0]  }
0x53f: {  	v55 =	vmul.f32 v60, v45;
	v45 =	vmul.f32 v36, v45;
	v9 =	vld [tilespmem:$0x1FE60];
	v29 =	vadd.f32 v29, v32  }
0x540: {  	v60 =	vld [tilespmem:s20+$0x4B0];
	v13 =	vadd.f32 v13, v14;
	v14 =	vperm.xlane v11, v5;
	v12 =	vadd.f32 v61, v12  }
0x541: {  	v37 =	vadd.f32 v37, v55;
	v21 =	vld [tilespmem:s20+$0xFFFFFE10];
	v15 =	vadd.f32 v15, v45;
	v55 =	vmul.f32 v50, v49  }
0x542: {  	v11 =	vadd.f32 v11, v14;
	v12 =	vsel vm0, v29, v12  }
0x543: {  	v45 =	vld [tilespmem:s20+$0xFFFFFE20];
	v14 =	vperm.xlane v12, v4;
	v15 =	vadd.f32 v55, v15;
	v30 =	vmul.f32 v30, v48  }
0x544: {  	v44 =	vmul.f32 v44, v49;
	v49 =	vld [tilespmem:s20+$0xFFFFFE50];
	v62 =	vmul.f32 v54, v27  }
0x545: {  	v50 =	vld [tilespmem:s20+$0xFFFFFE70];
	v12 =	vadd.f32 v12, v14;
	v15 =	vadd.f32 v30, v15;
	v30 =	vperm.xlane v11, v6  }
0x546: {  	v37 =	vadd.f32 v44, v37;
	v54 =	vld [tilespmem:s20+$0xFFFFFE60];
	v61 =	vmul.f32 v60, v48;
	v32 =	vmul.f32 v21, v23  }
0x547: {  	v48 =	vld [tilespmem:s20+$0xFFFFFE40];
	[tilespmem:v9+s15+$0x0] =	vst.idx.msk vm1, v20;
	v11 =	vadd.f32 v11, v30;
	v30 =	vperm.xlane v12, v5  }
0x548: {  	v55 =	vadd.s32 s23, v51;
	v14 =	vperm.xlane v13, v5;
	v37 =	vadd.f32 v61, v37;
	v47 =	vld [tilespmem:s21+$0xFFFFFF80]  }
0x549: {  	v29 =	vld [tilespmem:s21+$0xFFFFFF90];
	v21 =	vperm.xlane v15, v0;
	[tilespmem:v58+s15+$0x0] =	vst.idx.msk vm1, v11;
	v11 =	vadd.f32 v12, v30;
	v12 =	vand.u32 $0xFF8, v55  }
0x54a: {  	v44 =	vld [tilespmem:s21+$0xFFFFFFC0];
	v13 =	vadd.f32 v13, v14;
	v12 =	vor.u32 v16, v12  }
0x54b: {  	v14 =	vld [tilespmem:s20+$0xFFFFFE30];
	v20 =	vperm.xlane v37, v0;
	v15 =	vadd.f32 v21, v15;
	v21 =	vperm.xlane v11, v6  }
0x54c: {  	v45 =	vmul.f32 v45, v24;
	v32 =	vadd.f32 v32, v62;
	v62 =	vld [tilespmem:s21+$0xFFFFFFD0]  }
0x54d: {  	v37 =	vadd.f32 v20, v37;
	v20 =	vmul.f32 v49, v23;
	v49 =	vld [tilespmem:s22+$0xFFFFFC80];
	v11 =	vadd.f32 v11, v21  }
0x54e: {  	v32 =	vadd.f32 v45, v32;
	v45 =	vld [tilespmem:s22+$0xFFFFFCD0]  }
0x54f: {  	v30 =	vmul.f32 v48, v27;
	v15 =	vsel vm0, v37, v15;
	v37 =	vld [tilespmem:s22+$0xFFFFFC90];
	[tilespmem:v12+s15+$0x0] =	vst.idx.msk vm1, v11  }
0x550: {  	v7 =	vld [tilespmem:$0x1FE70]  }
0x551: {  	v53 =	vmovc v23;
	v23 =	vmul.f32 v54, v24;
	v30 =	vadd.f32 v20, v30;
	v20 =	vld [tilespmem:s22+$0xFFFFFCC0];
	v14 =	vmul.f32 v14, v43  }
0x552: {  	v3 =	vadd.s32 s24, v3;
	v36 =	vperm.xlane v15, v4;
	v21 =	vmul.f32 v50, v43;
	v50 =	vld [tilespmem:s22+$0xFFFFFCA0]  }
0x553: {  	v54 =	vand.u32 $0xFF8, v3;
	v3 =	vperm.xlane v13, v6;
	v14 =	vadd.f32 v14, v32;
	v32 =	vld [tilespmem:s22+$0xFFFFFCE0]  }
0x554: {  	v30 =	vadd.f32 v23, v30;
	v15 =	vadd.f32 v15, v36;
	v58 =	vld [tilespmem:s22+$0x200]  }
0x555: {  	v3 =	vadd.f32 v13, v3;
	v12 =	vmul.f32 v49, v10;
	v55 =	vperm.xlane v14, v0;
	v61 =	vld [tilespmem:s22+$0x210]  }
0x556: {  	v30 =	vadd.f32 v21, v30;
	v21 =	vmul.f32 v45, v33;
	v23 =	vperm.xlane v15, v5;
	v49 =	vld [tilespmem:s22+$0x240]  }
0x557: {  	v37 =	vmul.f32 v37, v33;
	v13 =	vmul.f32 v20, v10;
	v45 =	vld [tilespmem:s22+$0x250]  }
0x558: {  	v11 =	vadd.s32 s24, v8;
	v48 =	vld [tilespmem:s22+$0x220];
	v20 =	vperm.xlane v30, v0;
	v14 =	vadd.f32 v55, v14;
	[tilespmem:v7+s15+$0x0] =	vst.idx.msk vm1, v3  }
0x559: {  	v59 =	vmovc v17;
	v15 =	vadd.f32 v15, v23;
	v12 =	vadd.f32 v37, v12;
	v50 =	vmul.f32 v50, v35;
	v8 =	vld [tilespmem:$0x1FE80]  }
0x55a: {  	v2 =	vadd.s32 s25, v59;
	v55 =	vld [tilespmem:s22+$0x260];
	v13 =	vadd.f32 v21, v13;
	v30 =	vadd.f32 v20, v30  }
0x55b: {  	v32 =	vmul.f32 v32, v35;
	v37 =	vld [tilespmem:s22+$0x270];
	v23 =	vperm.xlane v15, v6;
	v12 =	vadd.f32 v50, v12  }
0x55c: {  	v50 =	vld [tilespmem:s22+$0x230];
	v20 =	vmul.f32 v58, v40;
	v21 =	vmul.f32 v61, v41;
	v14 =	vsel vm0, v14, v30  }
0x55d: {  	v17 =	vmovc v51;
	v30 =	vmul.f32 v49, v40;
	v45 =	vmul.f32 v45, v41;
	v49 =	vld [tilespmem:s22+$0xFFFFFCF0];
	v3 =	vadd.f32 v15, v23  }
0x55e: {  	v23 =	vld [tilespmem:s22+$0xFFFFFCB0];
	v47 =	vmul.f32 v47, v8;
	v15 =	vmul.f32 v44, v8;
	v8 =	vor.u32 v17, v54  }
0x55f: {  	v13 =	vadd.f32 v32, v13;
	v48 =	vmul.f32 v48, v39;
	v32 =	vadd.f32 v21, v20;
	v7 =	vld [tilespmem:$0x1FEA0];
	[tilespmem:$0x1FE90] =	vst v8  }
0x560: {  	v30 =	vadd.f32 v45, v30;
	v20 =	vmul.f32 v55, v39;
	v21 =	vperm.xlane v14, v4;
	v54 =	vld [tilespmem:s21+$0xFFFFFFA0]  }
0x561: {  	v37 =	vmul.f32 v37, v25;
	v50 =	vmul.f32 v50, v25;
	v32 =	vadd.f32 v48, v32;
	v58 =	vld [tilespmem:s21+$0xFFFFFFE0]  }
0x562: {  	v30 =	vadd.f32 v20, v30;
	v14 =	vadd.f32 v14, v21;
	v55 =	vmul.f32 v49, v38;
	v45 =	vld [tilespmem:s21+$0xFFFFFFB0]  }
0x563: {  	v29 =	vmul.f32 v29, v56;
	v32 =	vadd.f32 v50, v32;
	v23 =	vmul.f32 v23, v38;
	v60 =	vld [tilespmem:s19+$0xFFFFFF00]  }
0x564: {  	v30 =	vadd.f32 v37, v30;
	v20 =	vperm.xlane v14, v5;
	v13 =	vadd.f32 v55, v13;
	v37 =	vld [tilespmem:s19+$0xFFFFFF10]  }
0x565: {  	v56 =	vmul.f32 v62, v56;
	v12 =	vadd.f32 v23, v12;
	v29 =	vadd.f32 v29, v47;
	v47 =	vld [tilespmem:s19+$0xFFFFFF40]  }
0x566: {  	v21 =	vperm.xlane v32, v0;
	v14 =	vadd.f32 v14, v20;
	v23 =	vperm.xlane v30, v0;
	v61 =	vld [tilespmem:s19+$0xFFFFFF50]  }
0x567: {  	v11 =	vand.u32 $0xFF8, v11;
	v20 =	vperm.xlane v13, v0;
	[tilespmem:v52+s15+$0x0] =	vst.idx.msk vm1, v7;
	v52 =	vld [tilespmem:s19+$0xFFFFFF20];
	v36 =	vperm.xlane v12, v0  }
0x568: {  	v48 =	vadd.f32 v21, v32;
	v8 =	vor.u32 v42, v11;
	v30 =	vadd.f32 v23, v30;
	v7 =	vld [tilespmem:$0x1FEC0]  }
0x569: {  	v15 =	vadd.f32 v56, v15;
	v56 =	vld [tilespmem:s21+$0xFFFFFFF0];
	[tilespmem:$0x1FEB0] =	vst v8;
	v11 =	vadd.f32 v36, v12  }
0x56a: {  	v12 =	vadd.f32 v20, v13;
	v30 =	vsel vm0, v48, v30;
	v13 =	vmul.f32 v60, v22;
	v60 =	vld [tilespmem:s19+$0xFFFFFF60]  }
0x56b: {  	v23 =	vperm.xlane v30, v4;
	v21 =	vmul.f32 v54, v57;
	v54 =	vld [tilespmem:s19+$0xFFFFFF30]  }
0x56c: {  	v37 =	vmul.f32 v37, v19;
	v11 =	vsel vm0, v11, v12;
	v47 =	vmul.f32 v47, v22  }
0x56d: {  	v20 =	vld [tilespmem:s19+$0xFFFFFF70];
	v61 =	vmul.f32 v61, v19;
	v30 =	vadd.f32 v30, v23;
	[tilespmem:v2+s15+$0x0] =	vst.idx.msk vm1, v7  }
0x56e: {  	v12 =	vperm.xlane v14, v6;
	v52 =	vmul.f32 v52, v26;
	v13 =	vadd.f32 v37, v13;
	v7 =	vld [tilespmem:$0x1FED0]  }
0x56f: {  	s25 =	simm.s32 $0x8C0;
	v29 =	vadd.f32 v21, v29;
	v47 =	vadd.f32 v61, v47;
	v21 =	vperm.xlane v30, v5  }
0x570: {  	v46 =	vmovc v22;
	v49 =	vld [tilespmem:s25+$0x0];
	v13 =	vadd.f32 v52, v13;
	v22 =	vmul.f32 v54, v34;
	v60 =	vmul.f32 v60, v26  }
0x571: {  	s28 =	simm.s32 $0x18C0;
	v50 =	vld [tilespmem:s25+$0x10];
	v12 =	vadd.f32 v14, v12;
	v14 =	vperm.xlane v11, v4;
	v30 =	vadd.f32 v30, v21  }
0x572: {  	v48 =	vld [tilespmem:s28+$0x0];
	v2 =	vadd.f32 v22, v13;
	v13 =	vadd.f32 v60, v47;
	v47 =	vadd.s32 s23, v63  }
0x573: {  	v37 =	vmul.f32 v20, v34;
	v20 =	vld [tilespmem:s28+$0x30];
	v23 =	vperm.xlane v30, v6  }
0x574: {  	v51 =	vadd.s32 s24, v59;
	v11 =	vadd.f32 v11, v14;
	v14 =	vld [tilespmem:s28+$0x10]  }
0x575: {  	v51 =	vand.u32 $0xFF8, v51;
	v52 =	vld [tilespmem:s25+$0x20];
	v30 =	vadd.f32 v30, v23  }
0x576: {  	v54 =	vor.u32 v16, v51;
	v16 =	vld [tilespmem:s28+$0x20];
	v36 =	vperm.xlane v11, v5;
	[tilespmem:v7+s15+$0x0] =	vst.idx.msk vm1, v12  }
0x577: {  	v48 =	vmul.f32 v48, v49;
	v51 =	vld [tilespmem:s25+$0x30];
	[tilespmem:v47+s15+$0x0] =	vst.idx.msk vm1, v30  }
0x578: {  	v11 =	vadd.f32 v11, v36;
	v13 =	vadd.f32 v37, v13;
	v12 =	vmul.f32 v58, v57;
	v7 =	vld [tilespmem:$0x1FEE0]  }
0x579: {  	v22 =	vor.u32 s24, v17;
	v60 =	vld [tilespmem:s28+$0xFFFFFFD0];
	v55 =	vperm.xlane v2, v0;
	v14 =	vmul.f32 v14, v50  }
0x57a: {  	v37 =	vld [tilespmem:s25+$0xFFFFFFD0];
	v23 =	vperm.xlane v11, v6;
	v12 =	vadd.f32 v12, v15;
	v15 =	vperm.xlane v13, v0  }
0x57b: {  	v16 =	vmul.f32 v16, v52;
	v21 =	vld [tilespmem:s20+$0xFFFFFE80];
	v14 =	vadd.f32 v14, v48;
	v2 =	vadd.f32 v55, v2  }
0x57c: {  	v11 =	vadd.f32 v11, v23;
	v47 =	vld [tilespmem:s22+$0x290];
	v13 =	vadd.f32 v15, v13  }
0x57d: {  	v14 =	vadd.f32 v16, v14;
	v16 =	vmul.f32 v20, v51;
	v20 =	vld [tilespmem:s22+$0x2E0];
	v30 =	vmul.f32 v45, v7  }
0x57e: {  	v15 =	vld [tilespmem:s22+$0x280];
	[tilespmem:v22+s15+$0x0] =	vst.idx.msk vm1, v11;
	v2 =	vsel vm0, v2, v13  }
0x57f: {  	v11 =	vld [tilespmem:s22+$0x2A0];
	v14 =	vadd.f32 v16, v14;
	v13 =	vadd.f32 v30, v29;
	v29 =	vperm.xlane v2, v4  }
0x580: {  	v55 =	vperm.xlane v1, v5;
	v8 =	vld [tilespmem:$0x1FF30]  }
0x581: {  	v60 =	vmul.f32 v60, v37;
	v16 =	vld [tilespmem:s22+$0x2D0];
	v2 =	vadd.f32 v2, v29;
	v29 =	vperm.xlane v14, v0  }
0x582: {  	v1 =	vadd.f32 v1, v55;
	v57 =	vmul.f32 v21, v27;
	v21 =	vld [tilespmem:s22+$0x2B0];
	v56 =	vmul.f32 v56, v7  }
0x583: {  	v22 =	vmul.f32 v47, v41;
	v61 =	vmul.f32 v20, v39;
	v30 =	vld [tilespmem:s22+$0x2C0];
	v14 =	vadd.f32 v14, v29  }
0x584: {  	v48 =	vld [tilespmem:s28+$0xFFFFFFC0];
	v15 =	vmul.f32 v15, v40;
	v11 =	vmul.f32 v11, v39;
	[tilespmem:$0x1FEF0] =	vst v1  }
0x585: {  	v12 =	vadd.f32 v56, v12;
	v56 =	vadd.s32 s26, v59;
	v1 =	vld [tilespmem:s22+$0x2F0];
	v23 =	vperm.xlane v14, v8  }
0x586: {  	v16 =	vmul.f32 v16, v41;
	v47 =	vld [tilespmem:s25+$0xFFFFFFC0];
	v15 =	vadd.f32 v22, v15;
	v36 =	vperm.xlane v13, v0  }
0x587: {  	v45 =	vld [tilespmem:s25+$0xFFFFFFE0];
	v62 =	vmul.f32 v21, v25;
	v59 =	vperm.xlane v12, v0;
	v14 =	vadd.f32 v14, v23  }
0x588: {  	v55 =	vld [tilespmem:s28+$0xFFFFFFE0];
	v11 =	vadd.f32 v11, v15;
	v13 =	vadd.f32 v36, v13;
	v30 =	vmul.f32 v30, v40  }
0x589: {  	s26 =	simm.s32 $0xD;
	v15 =	vld [tilespmem:s28+$0xFFFFFFF0];
	v12 =	vadd.f32 v59, v12;
	v36 =	vperm.xlane v2, v5;
	v59 =	vperm.xlane v14, v28  }
0x58a: {  	v11 =	vadd.f32 v62, v11;
	v62 =	vld [tilespmem:s22+$0xFFFFFD00];
	[tilespmem:v56+s15+$0x0] =	vst.idx.msk vm1, v3;
	v56 =	vmov s26;
	v16 =	vadd.f32 v16, v30  }
0x58b: {  	v1 =	vmul.f32 v1, v25;
	v12 =	vsel vm0, v13, v12;
	v30 =	vld [tilespmem:s25+$0xFFFFFFF0];
	v14 =	vadd.f32 v14, v59  }
0x58c: {  	v3 =	vld [tilespmem:s22+$0xFFFFFD10];
	v13 =	vmul.f32 v48, v47;
	v21 =	vperm.xlane v11, v0;
	v16 =	vadd.f32 v61, v16  }
0x58d: {  	v2 =	vadd.f32 v2, v36;
	v48 =	vld [tilespmem:s22+$0xFFFFFD40];
	v36 =	vperm.xlane v12, v4;
	v22 =	vperm.xlane v14, v31  }
0x58e: {  	v9 =	vld [tilespmem:$0x1FF00];
	v13 =	vadd.f32 v60, v13;
	v1 =	vadd.f32 v1, v16;
	v16 =	vmul.f32 v55, v45  }
0x58f: {  	v20 =	vperm.xlane v2, v6;
	v60 =	vld [tilespmem:s22+$0xFFFFFD50];
	v11 =	vadd.f32 v21, v11;
	v14 =	vadd.f32 v14, v22  }
0x590: {  	v15 =	vmul.f32 v15, v30;
	v23 =	vperm.xlane v1, v0;
	v13 =	vadd.f32 v16, v13;
	v16 =	vld [tilespmem:s22+$0xFFFFFD20]  }
0x591: {  	v59 =	vadd.f32 v2, v20;
	v20 =	vld [tilespmem:s22+$0xFFFFFD30];
	v2 =	vadd.f32 v12, v36;
	[tilespmem:v56+s4+$0x0] =	vst.idx.msk $0x1, v14  }
0x592: {  	v1 =	vadd.f32 v23, v1;
	v13 =	vadd.f32 v15, v13;
	v7 =	vld [tilespmem:$0x1FF20]  }
0x593: {  	v21 =	vld [tilespmem:s22+$0xFFFFFD60];
	v3 =	vmul.f32 v3, v33;
	v15 =	vmul.f32 v62, v10  }
0x594: {  	v17 =	vperm.xlane v9, v6;
	v23 =	vld [tilespmem:s22+$0xFFFFFD70];
	v1 =	vsel vm0, v11, v1;
	v11 =	vperm.xlane v13, v0;
	[tilespmem:$0x1FF10] =	vst v2  }
0x595: {  	v32 =	vmovc v33;
	s21 =	simm.s32 $0x6680;
	v3 =	vadd.f32 v3, v15;
	v12 =	vmul.f32 v16, v35;
	v16 =	vperm.xlane v1, v4;
	v58 =	vld [tilespmem:s20+$0xFFFFFE90]  }
0x596: {  	v22 =	vmul.f32 v48, v10;
	v14 =	vadd.f32 v13, v11;
	v2 =	vmul.f32 v60, v32;
	v15 =	vld [tilespmem:s21+$0x0]  }
0x597: {  	v44 =	vmovc v19;
	v3 =	vadd.f32 v12, v3;
	v60 =	vld [tilespmem:s21+$0x10];
	v12 =	vmul.f32 v20, v38;
	v11 =	vadd.f32 v1, v16  }
0x598: {  	v29 =	vmovc v35;
	v36 =	vmul.f32 v21, v35;
	v56 =	vadd.f32 v9, v17;
	v16 =	vld [tilespmem:s21+$0x40];
	v2 =	vadd.f32 v2, v22  }
0x599: {  	s29 =	simm.s32 $0xC;
	v33 =	vmovc v10;
	v61 =	vld [tilespmem:s21+$0x20];
	v62 =	vperm.xlane v14, v8;
	v1 =	vadd.f32 v12, v3;
	v12 =	vperm.xlane v11, v5  }
0x59a: {  	s26 =	simm.s32 $0xE;
	v48 =	vmovc v27;
	v13 =	vmov s29;
	v3 =	vmul.f32 v23, v38;
	v2 =	vadd.f32 v36, v2;
	[tilespmem:v7+s15+$0x0] =	vst.idx.msk vm1, v59;
	v59 =	vld [tilespmem:s21+$0x50]  }
.LBB2_3:
0x59b: {  	v7 =	vld [tilespmem:$0x1FC80];
	_ =	sdelay $0x1  }
0x59c: {  	v22 =	vld [tilespmem:$0x1FFE0]  }
0x59d: {  	v8 =	vld [tilespmem:$0x1FC90]  }
0x59e: {  	v11 =	vadd.f32 v11, v12  }
0x59f: {  	v36 =	vld [tilespmem:s21+$0x70];
	v14 =	vadd.f32 v14, v62  }
0x5a0: {  	v62 =	vld [tilespmem:s21+$0x60];
	v2 =	vadd.f32 v3, v2;
	v63 =	vperm.xlane v11, v6  }
0x5a1: {  	v9 =	vperm.xlane v14, v28;
	v12 =	vmul.f32 v58, v53;
	v58 =	vld [tilespmem:s21+$0x30];
	v3 =	vadd.s32 s23, v22  }
0x5a2: {  	v15 =	vmul.f32 v15, v49;
	v35 =	vmul.f32 v60, v50;
	[tilespmem:v7+s15+$0x0] =	vst.idx.msk vm1, v56;
	v7 =	vmov v8;
	v8 =	vld [tilespmem:$0x1FCC0]  }
0x5a3: {  	v13 =	vand.u32 $0xFFFFFFFE, v13;
	v16 =	vmul.f32 v16, v49;
	v20 =	vmul.f32 v59, v50;
	v59 =	vld [tilespmem:s20+$0xFFFFFEC0]  }
0x5a4: {  	v11 =	vadd.f32 v11, v63;
	v9 =	vadd.f32 v14, v9;
	v14 =	vbroadcast v13, $0x0;
	v63 =	vld [tilespmem:s20+$0xFFFFFED0]  }
0x5a5: {  	v12 =	vadd.f32 v12, v57;
	v16 =	vadd.f32 v20, v16;
	v21 =	vmul.f32 v62, v52;
	v57 =	vld [tilespmem:s20+$0xFFFFFEA0]  }
0x5a6: {  	v15 =	vadd.f32 v35, v15;
	v35 =	vperm.xlane v9, v31;
	v13 =	vld [tilespmem:s20+$0xFFFFFEE0];
	[tilespmem:v3+s15+$0x0] =	vst.idx.msk vm1, v11  }
0x5a7: {  	v61 =	vmul.f32 v61, v52;
	v11 =	vadd.f32 v21, v16;
	v16 =	vld [tilespmem:s22+$0x300]  }
0x5a8: {  	v9 =	vadd.f32 v9, v35;
	v20 =	vld [tilespmem:s22+$0x310]  }
0x5a9: {  	v23 =	vmul.f32 v58, v51;
	v3 =	vadd.f32 v61, v15;
	v15 =	vmul.f32 v36, v51;
	v21 =	vld [tilespmem:s22+$0x340]  }
0x5aa: {  	[tilespmem:v14+s4+$0x0] =	vst.idx.msk $0x1, v9;
	v9 =	vld [tilespmem:s22+$0x360]  }
0x5ab: {  	v36 =	vperm.xlane v1, v0;
	v60 =	vld [tilespmem:s22+$0x370];
	v3 =	vadd.f32 v23, v3;
	v11 =	vadd.f32 v15, v11  }
0x5ac: {  	v15 =	vperm.xlane v2, v0;
	v23 =	vld [tilespmem:s22+$0x350]  }
0x5ad: {  	v1 =	vadd.f32 v36, v1;
	v58 =	vld [tilespmem:s21+$0xFFFFFB00];
	v36 =	vperm.xlane v3, v0;
	v55 =	vperm.xlane v11, v0  }
0x5ae: {  	[tilespmem:$0x1FC80] =	vst v7;
	v35 =	vmul.f32 v59, v48;
	v2 =	vadd.f32 v15, v2;
	v15 =	vld [tilespmem:s22+$0x320]  }
0x5af: {  	v7 =	vmovc v54;
	v54 =	vld [tilespmem:s21+$0xFFFFFB50];
	v14 =	vmul.f32 v63, v53;
	v3 =	vadd.f32 v36, v3;
	v11 =	vadd.f32 v55, v11  }
0x5b0: {  	v1 =	vsel vm0, v1, v2;
	v2 =	vld [tilespmem:s22+$0x330];
	v16 =	vmul.f32 v16, v40;
	v20 =	vmul.f32 v20, v41  }
0x5b1: {  	v3 =	vsel vm0, v3, v11;
	v11 =	vmul.f32 v21, v40;
	v21 =	vmul.f32 v23, v41;
	v23 =	vld [tilespmem:s21+$0xFFFFFB10]  }
0x5b2: {  	v61 =	vld [tilespmem:s21+$0xFFFFFB20];
	v16 =	vadd.f32 v20, v16;
	v20 =	vperm.xlane v1, v4  }
0x5b3: {  	v17 =	vmovc v8;
	v8 =	vld [tilespmem:$0x1FD30];
	v14 =	vadd.f32 v14, v35;
	v35 =	vperm.xlane v3, v4;
	v15 =	vmul.f32 v15, v39  }
0x5b4: {  	v36 =	vld [tilespmem:s21+$0xFFFFFB40];
	v9 =	vmul.f32 v9, v39;
	v11 =	vadd.f32 v21, v11;
	v59 =	vadd.f32 v1, v20  }
0x5b5: {  	[tilespmem:$0x1FC90] =	vst v17;
	v17 =	vld [tilespmem:s20+$0xFFFFFEB0];
	v3 =	vadd.f32 v3, v35;
	v2 =	vmul.f32 v2, v25;
	v15 =	vadd.f32 v15, v16  }
0x5b6: {  	v9 =	vadd.f32 v9, v11;
	v11 =	vmul.f32 v60, v25;
	v1 =	vmul.f32 v23, v37;
	v23 =	vld [tilespmem:s21+$0xFFFFFB30]  }
0x5b7: {  	[tilespmem:$0x1FC60] =	vst v53;
	s24 =	sadd.s32 $0x28, s24;
	v57 =	vmul.f32 v57, v24;
	v53 =	vld [tilespmem:$0x1FFC0];
	v58 =	vmul.f32 v58, v47  }
0x5b8: {  	s29 =	sadd.s32 $0x14, s24;
	v10 =	vmovc v8;
	v8 =	vld [tilespmem:$0x1FE10];
	v21 =	vperm.xlane v3, v5;
	v2 =	vadd.f32 v2, v15;
	v9 =	vadd.f32 v11, v9  }
0x5b9: {  	v61 =	vmul.f32 v61, v45;
	v60 =	vld [tilespmem:s21+$0xFFFFFB60];
	v11 =	vmul.f32 v36, v47;
	v36 =	vor.u32 s29, v42  }
0x5ba: {  	v55 =	vld [tilespmem:$0x1FFD0];
	[tilespmem:$0x1FCC0] =	vst v10;
	v62 =	vadd.f32 v3, v21;
	v3 =	vperm.xlane v2, v0;
	v10 =	vperm.xlane v9, v0  }
0x5bb: {  	v35 =	vld [tilespmem:s21+$0xFFFFFB70];
	v58 =	vadd.f32 v1, v58;
	v1 =	vmul.f32 v54, v37;
	v56 =	vmul.f32 v23, v30  }
0x5bc: {  	v15 =	vld [tilespmem:s20+$0xFFFFFEF0];
	v20 =	vperm.xlane v62, v6;
	v2 =	vadd.f32 v3, v2;
	v9 =	vadd.f32 v10, v9  }
0x5bd: {  	v8 =	vmovc v8;
	v3 =	vld [tilespmem:s19+$0xFFFFFF80];
	v58 =	vadd.f32 v61, v58;
	v61 =	vmov v48;
	v10 =	vadd.f32 v1, v11  }
0x5be: {  	v48 =	vmovc v46;
	v46 =	vld [tilespmem:$0x1FFB0];
	v11 =	vmul.f32 v60, v45;
	v54 =	vadd.f32 v62, v20;
	v9 =	vsel vm0, v2, v9  }
0x5bf: {  	[tilespmem:$0x1FD30] =	vst v8;
	v58 =	vadd.f32 v56, v58;
	v21 =	vperm.xlane v9, v4;
	v56 =	vmovc v34;
	v34 =	vmov v24;
	v24 =	vld [tilespmem:$0x1FFF0]  }
0x5c0: {  	v12 =	vadd.f32 v57, v12;
	v8 =	vperm.xlane v59, v5;
	v1 =	vld [tilespmem:s19+$0xFFFFFF90];
	[tilespmem:v36+s15+$0x0] =	vst.idx.msk vm1, v54  }
0x5c1: {  	v57 =	vmul.f32 v35, v30;
	v10 =	vadd.f32 v11, v10;
	v62 =	vld [tilespmem:s21+$0x80];
	v9 =	vadd.f32 v9, v21  }
0x5c2: {  	v8 =	vadd.f32 v59, v8;
	v63 =	vld [tilespmem:s21+$0x90];
	v23 =	vperm.xlane v58, v0  }
0x5c3: {  	v60 =	vmovc v26;
	v26 =	vmov v44;
	v44 =	vld [tilespmem:$0x1FFA0];
	v10 =	vadd.f32 v57, v10;
	v59 =	vperm.xlane v9, v5  }
0x5c4: {  	v54 =	vadd.f32 v23, v58;
	v23 =	vld [tilespmem:s21+$0xA0];
	v28 =	vadd.s32 s23, v24  }
0x5c5: {  	v2 =	vld [tilespmem:s19+$0xFFFFFFC0];
	v36 =	vperm.xlane v10, v0;
	v9 =	vadd.f32 v9, v59;
	v28 =	vand.u32 $0xFF8, v28  }
0x5c6: {  	v18 =	vld [tilespmem:s21+$0xC0];
	v58 =	vmul.f32 v62, v49;
	v28 =	vor.u32 v42, v28  }
0x5c7: {  	v57 =	vld [tilespmem:s21+$0xD0];
	v10 =	vadd.f32 v36, v10;
	v59 =	vmul.f32 v63, v50;
	v36 =	vperm.xlane v9, v6  }
0x5c8: {  	[tilespmem:$0x1FE10] =	vst v7;
	v7 =	vor.u32 s24, v53;
	v20 =	vld [tilespmem:s21+$0xE0]  }
0x5c9: {  	v31 =	vld [tilespmem:s21+$0xB0];
	v23 =	vmul.f32 v23, v52;
	v9 =	vadd.f32 v9, v36;
	v36 =	vadd.f32 v59, v58  }
0x5ca: {  	[tilespmem:$0x1FC70] =	vst v7;
	v63 =	vld [tilespmem:s21+$0xF0]  }
0x5cb: {  	v35 =	vadd.s32 s24, v55;
	[tilespmem:v28+s15+$0x0] =	vst.idx.msk vm1, v9;
	v9 =	vadd.f32 v23, v36;
	v36 =	vld [tilespmem:$0x1FE20]  }
0x5cc: {  	v7 =	vand.u32 $0xFF8, v35;
	[tilespmem:$0x1FC40] =	vst v2;
	v2 =	vld [tilespmem:s19+$0xFFFFFFD0]  }
0x5cd: {  	v18 =	vmul.f32 v18, v49;
	v35 =	vmul.f32 v57, v50;
	v62 =	vld [tilespmem:s19+$0xFFFFFFA0];
	v10 =	vsel vm0, v54, v10  }
0x5ce: {  	v21 =	vperm.xlane v8, v6;
	v57 =	vld [tilespmem:s19+$0xFFFFFFE0];
	v19 =	vperm.xlane v10, v4  }
0x5cf: {  	v16 =	vor.u32 s24, v42;
	v20 =	vmul.f32 v20, v52;
	v18 =	vadd.f32 v35, v18;
	v59 =	vld [tilespmem:s19+$0xFFFFFFB0]  }
0x5d0: {  	v7 =	vor.u32 v42, v7;
	v8 =	vadd.f32 v8, v21;
	v10 =	vadd.f32 v10, v19;
	v58 =	vld [tilespmem:s19+$0xFFFFFFF0];
	s19 =	smov.u32 s20;
	s20 =	smov.u32 s22  }
0x5d1: {  	v31 =	vmul.f32 v31, v51;
	v18 =	vadd.f32 v20, v18;
	v63 =	vmul.f32 v63, v51;
	v21 =	vld [tilespmem:s20+$0x380]  }
0x5d2: {  	v13 =	vmul.f32 v13, v34;
	v19 =	vadd.s32 s24, v22;
	v35 =	vperm.xlane v10, v5;
	[tilespmem:$0x1FE20] =	vst v7;
	v7 =	vld [tilespmem:s20+$0x390]  }
0x5d3: {  	v19 =	vand.u32 $0xFF8, v19;
	v42 =	vld [tilespmem:s20+$0x3D0];
	[tilespmem:v36+s15+$0x0] =	vst.idx.msk vm1, v8;
	v8 =	vadd.f32 v31, v9;
	v9 =	vadd.f32 v63, v18  }
0x5d4: {  	v13 =	vadd.f32 v13, v14;
	v54 =	vor.u32 v44, v19;
	v10 =	vadd.f32 v10, v35;
	v14 =	vld [tilespmem:s20+$0x3B0]  }
0x5d5: {  	v19 =	vadd.s32 s24, v24;
	v18 =	vld [tilespmem:s20+$0x3C0];
	v35 =	vperm.xlane v8, v0;
	v28 =	vperm.xlane v9, v0  }
0x5d6: {  	v19 =	vand.u32 $0xFF8, v19;
	v24 =	vperm.xlane v10, v6;
	v31 =	vld [tilespmem:s20+$0x3A0]  }
0x5d7: {  	v63 =	vor.u32 v46, v19;
	v19 =	vld [tilespmem:s20+$0x3E0];
	v8 =	vadd.f32 v35, v8;
	v9 =	vadd.f32 v28, v9  }
0x5d8: {  	v17 =	vmul.f32 v17, v43;
	v23 =	vld [tilespmem:s20+$0x3F0];
	v10 =	vadd.f32 v10, v24  }
0x5d9: {  	v21 =	vmul.f32 v21, v40;
	v7 =	vmul.f32 v7, v41;
	v8 =	vsel vm0, v8, v9;
	v9 =	vld [tilespmem:s20+$0xFFFFFD80]  }
0x5da: {  	v20 =	vmul.f32 v42, v41;
	v18 =	vmul.f32 v18, v40;
	[tilespmem:v16+s15+$0x0] =	vst.idx.msk vm1, v10;
	v35 =	vmov v43;
	v43 =	vld [tilespmem:$0x1FF80]  }
0x5db: {  	v7 =	vadd.f32 v7, v21;
	v28 =	vmul.f32 v31, v39;
	v16 =	vperm.xlane v8, v4;
	v24 =	vld [tilespmem:s20+$0xFFFFFD90]  }
0x5dc: {  	v19 =	vmul.f32 v19, v39;
	v31 =	vld [tilespmem:s21+$0xFFFFFB80];
	v18 =	vadd.f32 v20, v18  }
0x5dd: {  	v14 =	vmul.f32 v14, v25;
	v36 =	vld [tilespmem:s21+$0xFFFFFB90];
	v7 =	vadd.f32 v28, v7;
	v8 =	vadd.f32 v8, v16  }
0x5de: {  	v42 =	vld [tilespmem:s21+$0xFFFFFBC0];
	v16 =	vmul.f32 v15, v35;
	v18 =	vadd.f32 v19, v18;
	v19 =	vmul.f32 v23, v25  }
0x5df: {  	v23 =	vld [tilespmem:s21+$0xFFFFFBD0];
	v15 =	vadd.f32 v17, v12;
	v7 =	vadd.f32 v14, v7;
	v10 =	vadd.s32 s24, v43  }
0x5e0: {  	v13 =	vadd.f32 v16, v13;
	v16 =	vld [tilespmem:s21+$0xFFFFFBA0];
	v17 =	vperm.xlane v8, v5;
	v14 =	vadd.f32 v19, v18  }
0x5e1: {  	v19 =	vld [tilespmem:s21+$0xFFFFFBE0];
	v18 =	vmul.f32 v31, v47;
	v12 =	vand.u32 $0xFF8, v10;
	v10 =	vmul.f32 v24, v32  }
0x5e2: {  	v27 =	vld [tilespmem:s20+$0xFFFFFDC0];
	v8 =	vadd.f32 v8, v17;
	v17 =	vperm.xlane v7, v0;
	v28 =	vperm.xlane v14, v0  }
0x5e3: {  	v22 =	vor.u32 s29, v53;
	v24 =	vld [tilespmem:s21+$0xFFFFFBB0];
	v20 =	vmul.f32 v36, v37;
	v21 =	vmul.f32 v42, v47  }
0x5e4: {  	v31 =	vld [tilespmem:s21+$0xFFFFFBF0];
	v36 =	vperm.xlane v8, v6;
	v7 =	vadd.f32 v17, v7;
	v14 =	vadd.f32 v28, v14  }
0x5e5: {  	v17 =	vadd.f32 v20, v18;
	v18 =	vmul.f32 v23, v37;
	v20 =	vld [tilespmem:s20+$0xFFFFFDD0];
	v16 =	vmul.f32 v16, v45  }
0x5e6: {  	v9 =	vmul.f32 v9, v33;
	v23 =	vld [tilespmem:s20+$0xFFFFFDA0];
	v19 =	vmul.f32 v19, v45;
	v8 =	vadd.f32 v8, v36  }
0x5e7: {  	v7 =	vsel vm0, v7, v14;
	v14 =	vadd.f32 v16, v17;
	v16 =	vadd.f32 v18, v21;
	v17 =	vld [tilespmem:s20+$0xFFFFFDE0]  }
0x5e8: {  	v11 =	vor.u32 s24, v44;
	v18 =	vperm.xlane v7, v4;
	v36 =	vmovc v38;
	v38 =	vmov v32;
	v32 =	vld [tilespmem:$0x1FF90];
	[tilespmem:v22+s15+$0x0] =	vst.idx.msk vm1, v8  }
0x5e9: {  	v42 =	vmul.f32 v27, v33;
	v21 =	vmul.f32 v24, v30;
	v16 =	vadd.f32 v19, v16;
	v19 =	vld [tilespmem:s21+$0x100]  }
0x5ea: {  	v9 =	vadd.f32 v10, v9;
	v24 =	vmul.f32 v31, v30;
	v7 =	vadd.f32 v7, v18;
	v18 =	vld [tilespmem:s21+$0x110]  }
0x5eb: {  	v22 =	vadd.s32 s23, v43;
	v14 =	vadd.f32 v21, v14;
	v10 =	vmul.f32 v20, v38;
	v20 =	vld [tilespmem:s21+$0x140]  }
0x5ec: {  	v21 =	vmul.f32 v23, v29;
	v27 =	vld [tilespmem:s21+$0x150];
	v22 =	vand.u32 $0xFF8, v22;
	v23 =	vperm.xlane v7, v5  }
0x5ed: {  	v8 =	vld [tilespmem:s20+$0xFFFFFDB0];
	v22 =	vor.u32 v44, v22;
	v16 =	vadd.f32 v24, v16;
	v24 =	vperm.xlane v14, v0  }
0x5ee: {  	v10 =	vadd.f32 v10, v42;
	v42 =	vld [tilespmem:s21+$0x120];
	v17 =	vmul.f32 v17, v29;
	v7 =	vadd.f32 v7, v23  }
0x5ef: {  	v31 =	vperm.xlane v16, v0;
	v14 =	vadd.f32 v24, v14;
	v23 =	vld [tilespmem:s21+$0x160];
	v19 =	vmul.f32 v19, v49  }
0x5f0: {  	v24 =	vld [tilespmem:s21+$0x130];
	v18 =	vmul.f32 v18, v50;
	v10 =	vadd.f32 v17, v10;
	v43 =	vperm.xlane v7, v6  }
0x5f1: {  	v17 =	vmul.f32 v20, v49;
	v20 =	vmul.f32 v27, v50;
	v16 =	vadd.f32 v31, v16;
	v31 =	vld [tilespmem:s21+$0x170]  }
0x5f2: {  	v9 =	vadd.f32 v21, v9;
	v8 =	vmul.f32 v8, v36;
	v27 =	vld [tilespmem:s20+$0xFFFFFDF0];
	v7 =	vadd.f32 v7, v43  }
0x5f3: {  	v18 =	vadd.f32 v18, v19;
	v19 =	vmul.f32 v42, v52;
	v17 =	vadd.f32 v20, v17  }
0x5f4: {  	v28 =	vadd.s32 s24, v32;
	v16 =	vsel vm0, v14, v16;
	v43 =	vmul.f32 v23, v52;
	[tilespmem:v22+s15+$0x0] =	vst.idx.msk vm1, v7  }
0x5f5: {  	v18 =	vadd.f32 v19, v18;
	v19 =	vmul.f32 v24, v51;
	v7 =	vperm.xlane v16, v4;
	v21 =	vld [tilespmem:s20+$0x400]  }
0x5f6: {  	v8 =	vadd.f32 v8, v9;
	v17 =	vadd.f32 v43, v17;
	v43 =	vmul.f32 v31, v51;
	v22 =	vld [tilespmem:s20+$0x410]  }
0x5f7: {  	v9 =	vld [tilespmem:s20+$0x450];
	v7 =	vadd.f32 v16, v7;
	v16 =	vadd.f32 v19, v18;
	v18 =	vmul.f32 v27, v36  }
0x5f8: {  	v20 =	vperm.xlane v15, v0;
	v14 =	vand.u32 $0xFF8, v28;
	v19 =	vld [tilespmem:s20+$0x440];
	v17 =	vadd.f32 v43, v17  }
0x5f9: {  	v43 =	vperm.xlane v7, v5;
	v24 =	vperm.xlane v16, v0;
	v10 =	vadd.f32 v18, v10;
	v18 =	vld [tilespmem:s20+$0x420]  }
0x5fa: {  	v28 =	vperm.xlane v8, v0;
	v15 =	vadd.f32 v20, v15;
	v31 =	vld [tilespmem:s20+$0x460];
	v27 =	vperm.xlane v17, v0  }
0x5fb: {  	v7 =	vadd.f32 v7, v43;
	v16 =	vadd.f32 v24, v16;
	v20 =	vperm.xlane v10, v0;
	v43 =	vld [tilespmem:s20+$0x430]  }
0x5fc: {  	v21 =	vmul.f32 v21, v40;
	v22 =	vmul.f32 v22, v41;
	v24 =	vld [tilespmem:s20+$0x470];
	v17 =	vadd.f32 v27, v17  }
0x5fd: {  	v8 =	vadd.f32 v28, v8;
	v9 =	vmul.f32 v9, v41;
	v19 =	vmul.f32 v19, v40  }
0x5fe: {  	v27 =	vperm.xlane v7, v6;
	v16 =	vsel vm0, v16, v17;
	v17 =	vmul.f32 v18, v39  }
0x5ff: {  	v18 =	vadd.f32 v22, v21;
	v9 =	vadd.f32 v9, v19;
	v19 =	vmul.f32 v31, v39  }
0x600: {  	v7 =	vadd.f32 v7, v27;
	v21 =	vperm.xlane v16, v4;
	v22 =	vmul.f32 v43, v25  }
0x601: {  	[tilespmem:$0x1FC50] =	vst v2;
	v42 =	vld [tilespmem:$0x1FF60];
	v17 =	vadd.f32 v17, v18;
	v9 =	vadd.f32 v19, v9;
	v18 =	vmul.f32 v24, v25  }
0x602: {  	v2 =	vor.u32 s24, v46;
	v28 =	vld [tilespmem:$0x1FE30];
	v10 =	vadd.f32 v20, v10;
	[tilespmem:v11+s15+$0x0] =	vst.idx.msk vm1, v7;
	v11 =	vadd.f32 v16, v21  }
0x603: {  	v46 =	vadd.s32 s29, v46;
	v16 =	vld [tilespmem:s21+$0xFFFFFC00];
	v17 =	vadd.f32 v22, v17;
	v9 =	vadd.f32 v18, v9  }
0x604: {  	v46 =	vand.u32 $0xFF8, v46;
	v18 =	vperm.xlane v13, v0;
	v19 =	vld [tilespmem:s21+$0xFFFFFC10];
	v20 =	vperm.xlane v11, v5  }
0x605: {  	v8 =	vsel vm0, v8, v10;
	v10 =	vld [tilespmem:s21+$0xFFFFFC40];
	v22 =	vperm.xlane v17, v0;
	v23 =	vperm.xlane v9, v0  }
0x606: {  	v21 =	vperm.xlane v8, v4;
	v24 =	vld [tilespmem:s21+$0xFFFFFC50];
	v13 =	vadd.f32 v18, v13;
	v11 =	vadd.f32 v11, v20  }
0x607: {  	v27 =	vld [tilespmem:s21+$0xFFFFFC20];
	v20 =	vor.u32 v42, v46;
	v17 =	vadd.f32 v22, v17;
	v9 =	vadd.f32 v23, v9  }
0x608: {  	v8 =	vadd.f32 v8, v21;
	v22 =	vld [tilespmem:s21+$0xFFFFFC60];
	v13 =	vsel vm0, v15, v13;
	v46 =	vperm.xlane v11, v6  }
0x609: {  	v21 =	vld [tilespmem:s21+$0xFFFFFC30];
	v16 =	vmul.f32 v16, v47;
	v19 =	vmul.f32 v19, v37;
	v9 =	vsel vm0, v17, v9  }
0x60a: {  	v10 =	vmul.f32 v10, v47;
	v17 =	vld [tilespmem:s21+$0xFFFFFC70];
	v11 =	vadd.f32 v11, v46;
	v18 =	vperm.xlane v9, v4  }
0x60b: {  	v43 =	vld [tilespmem:$0x1FF70];
	v16 =	vadd.f32 v19, v16;
	v19 =	vmul.f32 v24, v37;
	v46 =	vperm.xlane v8, v5  }
0x60c: {  	v24 =	vmul.f32 v27, v45;
	[tilespmem:v20+s15+$0x0] =	vst.idx.msk vm1, v11;
	v9 =	vadd.f32 v9, v18  }
0x60d: {  	v10 =	vadd.f32 v19, v10;
	v11 =	vmul.f32 v22, v45;
	v8 =	vadd.f32 v8, v46;
	v18 =	vld [tilespmem:s21+$0x180]  }
0x60e: {  	v16 =	vadd.f32 v24, v16;
	v19 =	vmul.f32 v21, v30;
	v20 =	vld [tilespmem:s21+$0x190];
	v21 =	vperm.xlane v9, v5  }
0x60f: {  	v15 =	vld [tilespmem:s21+$0x1A0];
	v10 =	vadd.f32 v11, v10;
	v11 =	vmul.f32 v17, v30;
	v46 =	vperm.xlane v8, v6  }
0x610: {  	v7 =	vadd.s32 s24, v43;
	v17 =	vld [tilespmem:s21+$0x1C0];
	v16 =	vadd.f32 v19, v16;
	v9 =	vadd.f32 v9, v21  }
0x611: {  	v19 =	vld [tilespmem:s21+$0x1D0];
	v10 =	vadd.f32 v11, v10;
	v8 =	vadd.f32 v8, v46;
	v21 =	vadd.s32 s23, v32  }
0x612: {  	v27 =	vld [tilespmem:s21+$0x1B0];
	v32 =	vperm.xlane v16, v0;
	v11 =	vor.u32 v42, v14;
	v46 =	vperm.xlane v9, v6  }
0x613: {  	v14 =	vld [tilespmem:s21+$0x1E0];
	v24 =	vperm.xlane v10, v0;
	[tilespmem:v28+s15+$0x0] =	vst.idx.msk vm1, v8;
	v8 =	vperm.xlane v13, v4;
	v28 =	vmov v54  }
0x614: {  	v18 =	vmul.f32 v18, v49;
	v20 =	vmul.f32 v20, v50;
	[tilespmem:$0x1FE30] =	vst v28;
	v28 =	vld [tilespmem:s21+$0x1F0];
	v9 =	vadd.f32 v9, v46  }
0x615: {  	v16 =	vadd.f32 v32, v16;
	v15 =	vmul.f32 v15, v52;
	v17 =	vmul.f32 v17, v49;
	v32 =	vld [tilespmem:s20+$0xFFFFFE00]  }
0x616: {  	v7 =	vand.u32 $0xFF8, v7;
	v19 =	vmul.f32 v19, v50;
	v10 =	vadd.f32 v24, v10;
	v46 =	vld [tilespmem:s20+$0xFFFFFE10];
	[tilespmem:v21+s15+$0x0] =	vst.idx.msk vm1, v9  }
0x617: {  	v54 =	vor.u32 v44, v7;
	v8 =	vadd.f32 v13, v8;
	v9 =	vadd.f32 v20, v18;
	v18 =	vld [tilespmem:s20+$0x480]  }
0x618: {  	v17 =	vadd.f32 v19, v17;
	v14 =	vmul.f32 v14, v52;
	v10 =	vsel vm0, v16, v10;
	v19 =	vld [tilespmem:s20+$0x490]  }
0x619: {  	v16 =	vmul.f32 v27, v51;
	v21 =	vperm.xlane v8, v5;
	v20 =	vld [tilespmem:s20+$0x4D0];
	v9 =	vadd.f32 v15, v9  }
0x61a: {  	v13 =	vadd.f32 v14, v17;
	v17 =	vperm.xlane v10, v4;
	v14 =	vmul.f32 v28, v51;
	v15 =	vld [tilespmem:s20+$0x4C0]  }
0x61b: {  	v7 =	vmul.f32 v32, v33;
	v8 =	vadd.f32 v8, v21;
	v21 =	vld [tilespmem:s20+$0xFFFFFE40];
	v9 =	vadd.f32 v16, v9  }
0x61c: {  	v10 =	vadd.f32 v10, v17;
	v17 =	vld [tilespmem:s20+$0x4E0];
	v13 =	vadd.f32 v14, v13;
	v14 =	vmul.f32 v46, v38  }
0x61d: {  	v16 =	vld [tilespmem:s20+$0x4A0];
	v32 =	vperm.xlane v9, v0  }
0x61e: {  	v46 =	vperm.xlane v13, v0;
	v7 =	vadd.f32 v14, v7;
	v14 =	vld [tilespmem:s20+$0x4B0];
	v18 =	vmul.f32 v18, v40  }
0x61f: {  	v24 =	vld [tilespmem:s20+$0x4F0];
	v19 =	vmul.f32 v19, v41;
	v20 =	vmul.f32 v20, v41  }
0x620: {  	v41 =	vmovc v50;
	v50 =	vld [tilespmem:s20+$0xFFFFFE50];
	v15 =	vmul.f32 v15, v40;
	v9 =	vadd.f32 v32, v9;
	v13 =	vadd.f32 v46, v13  }
0x621: {  	v40 =	vmovc v49;
	v49 =	vld [tilespmem:s20+$0xFFFFFE70];
	v18 =	vadd.f32 v19, v18;
	v17 =	vmul.f32 v17, v39;
	v19 =	vperm.xlane v10, v5  }
0x622: {  	v16 =	vmul.f32 v16, v39;
	v15 =	vadd.f32 v20, v15;
	v9 =	vsel vm0, v9, v13  }
0x623: {  	v32 =	vld [tilespmem:s20+$0xFFFFFE20];
	v10 =	vadd.f32 v10, v19;
	v19 =	vmul.f32 v21, v33;
	v14 =	vmul.f32 v14, v25  }
0x624: {  	v16 =	vadd.f32 v16, v18;
	v15 =	vadd.f32 v17, v15;
	v17 =	vmul.f32 v24, v25  }
0x625: {  	v13 =	vld [tilespmem:s20+$0xFFFFFE60];
	v18 =	vperm.xlane v9, v4;
	v22 =	vmul.f32 v50, v38  }
0x626: {  	v39 =	vmovc v52;
	v25 =	vmovc v51;
	v51 =	vadd.s32 s29, v53;
	v52 =	vmul.f32 v49, v36;
	v14 =	vadd.f32 v14, v16  }
0x627: {  	v46 =	vld [tilespmem:s20+$0xFFFFFE30];
	v15 =	vadd.f32 v17, v15;
	v16 =	vperm.xlane v10, v6;
	v9 =	vadd.f32 v9, v18  }
0x628: {  	v17 =	vmul.f32 v32, v29;
	v18 =	vadd.f32 v22, v19;
	v19 =	vperm.xlane v14, v0  }
0x629: {  	v50 =	vperm.xlane v15, v0;
	v10 =	vadd.f32 v10, v16;
	v16 =	vperm.xlane v9, v5  }
0x62a: {  	v13 =	vmul.f32 v13, v29;
	v7 =	vadd.f32 v17, v7;
	v14 =	vadd.f32 v19, v14  }
0x62b: {  	v15 =	vadd.f32 v50, v15;
	[tilespmem:v2+s15+$0x0] =	vst.idx.msk vm1, v10;
	v2 =	vadd.f32 v9, v16;
	v9 =	vand.u32 $0xFF8, v51;
	v50 =	vld [tilespmem:$0x1FDF0]  }
0x62c: {  	v13 =	vadd.f32 v13, v18;
	v19 =	vmul.f32 v46, v36;
	v10 =	vld [tilespmem:s21+$0xFFFFFC80];
	v9 =	vor.u32 v44, v9  }
0x62d: {  	v14 =	vsel vm0, v14, v15;
	v15 =	vld [tilespmem:s21+$0xFFFFFC90];
	v16 =	vperm.xlane v2, v6  }
0x62e: {  	v18 =	vld [tilespmem:s21+$0xFFFFFCC0];
	v7 =	vadd.f32 v19, v7;
	v13 =	vadd.f32 v52, v13  }
0x62f: {  	v12 =	vor.u32 v53, v12;
	v53 =	vld [tilespmem:s21+$0xFFFFFCD0];
	v17 =	vperm.xlane v14, v4;
	v2 =	vadd.f32 v2, v16  }
0x630: {  	v19 =	vld [tilespmem:s21+$0xFFFFFCE0];
	v44 =	vperm.xlane v7, v0;
	v46 =	vperm.xlane v13, v0  }
0x631: {  	v16 =	vperm.xlane v8, v6;
	v14 =	vadd.f32 v14, v17;
	v17 =	vld [tilespmem:s21+$0xFFFFFCA0];
	[tilespmem:v9+s15+$0x0] =	vst.idx.msk vm1, v2  }
0x632: {  	v7 =	vadd.f32 v44, v7;
	v13 =	vadd.f32 v46, v13;
	v9 =	vmul.f32 v15, v37;
	v15 =	vld [tilespmem:s21+$0x200]  }
0x633: {  	v10 =	vmul.f32 v10, v47;
	v8 =	vadd.f32 v8, v16;
	v16 =	vmul.f32 v18, v47;
	v18 =	vld [tilespmem:s21+$0x210]  }
0x634: {  	v2 =	vperm.xlane v14, v5;
	v7 =	vsel vm0, v7, v13;
	v13 =	vld [tilespmem:$0x1FC50]  }
0x635: {  	v9 =	vadd.f32 v9, v10;
	v10 =	vmul.f32 v53, v37;
	v53 =	vmov v12;
	v12 =	vld [tilespmem:$0x1FC40]  }
0x636: {  	v2 =	vadd.f32 v14, v2;
	v14 =	vld [tilespmem:s21+$0x240]  }
0x637: {  	v3 =	vmul.f32 v3, v48;
	v10 =	vadd.f32 v10, v16;
	v16 =	vmul.f32 v19, v45;
	v19 =	vld [tilespmem:s21+$0x220]  }
0x638: {  	v1 =	vmul.f32 v1, v26;
	[tilespmem:v50+s15+$0x0] =	vst.idx.msk vm1, v8;
	v8 =	vmul.f32 v17, v45;
	v17 =	vld [tilespmem:s21+$0x250]  }
0x639: {  	v15 =	vmul.f32 v15, v40;
	v18 =	vmul.f32 v18, v41;
	v10 =	vadd.f32 v16, v10;
	v16 =	vld [tilespmem:s21+$0x230]  }
0x63a: {  	v1 =	vadd.f32 v1, v3;
	v27 =	vld [tilespmem:$0x1FF30];
	v13 =	vmul.f32 v13, v26;
	v12 =	vmul.f32 v12, v48  }
0x63b: {  	v49 =	vadd.s32 s23, v43;
	v3 =	vld [tilespmem:s21+$0xFFFFFCF0];
	v51 =	vperm.xlane v2, v6;
	v8 =	vadd.f32 v8, v9  }
0x63c: {  	v9 =	vld [tilespmem:s21+$0x260];
	v19 =	vmul.f32 v19, v39;
	v12 =	vadd.f32 v13, v12;
	v13 =	vadd.f32 v18, v15  }
0x63d: {  	v32 =	vld [tilespmem:$0x1FC60];
	v14 =	vmul.f32 v14, v40;
	v17 =	vmul.f32 v17, v41  }
0x63e: {  	v20 =	vld [tilespmem:s21+$0x270];
	v2 =	vadd.f32 v2, v51;
	v16 =	vmul.f32 v16, v25;
	v13 =	vadd.f32 v19, v13  }
0x63f: {  	v43 =	vperm.xlane v7, v4;
	v14 =	vadd.f32 v17, v14;
	v17 =	vld [tilespmem:s19+$0xFFFFFF10]  }
0x640: {  	v3 =	vmul.f32 v3, v30;
	[tilespmem:v49+s15+$0x0] =	vst.idx.msk vm1, v2;
	v2 =	vld [tilespmem:s21+$0xFFFFFCB0];
	v13 =	vadd.f32 v16, v13  }
0x641: {  	v24 =	vld [tilespmem:$0x1FE90];
	v7 =	vadd.f32 v7, v43;
	v9 =	vmul.f32 v9, v39  }
0x642: {  	v28 =	vld [tilespmem:$0x1FF40];
	v3 =	vadd.f32 v3, v10;
	v10 =	vperm.xlane v13, v0  }
0x643: {  	v44 =	vmov v32;
	v49 =	vperm.xlane v7, v5;
	v15 =	vld [tilespmem:s19+$0xFFFFFF00];
	v9 =	vadd.f32 v9, v14  }
0x644: {  	v14 =	vmul.f32 v20, v25;
	v10 =	vadd.f32 v10, v13;
	v13 =	vmul.f32 v17, v44;
	v17 =	vld [tilespmem:$0x1FE50]  }
0x645: {  	v50 =	vld [tilespmem:s19+$0xFFFFFF50];
	v2 =	vmul.f32 v2, v30  }
0x646: {  	v52 =	vmovc v24;
	v18 =	vmul.f32 v62, v60;
	v7 =	vadd.f32 v7, v49;
	v9 =	vadd.f32 v14, v9;
	v14 =	vld [tilespmem:s19+$0xFFFFFF20]  }
0x647: {  	[tilespmem:$0x1FDF0] =	vst v52;
	v19 =	vld [tilespmem:s19+$0xFFFFFF40];
	v24 =	vperm.xlane v3, v0;
	v2 =	vadd.f32 v2, v8  }
0x648: {  	v46 =	vmovc v61;
	v62 =	vld [tilespmem:s19+$0xFFFFFF70];
	v1 =	vadd.f32 v18, v1;
	v52 =	vperm.xlane v7, v6;
	v16 =	vperm.xlane v9, v0  }
0x649: {  	v3 =	vadd.f32 v24, v3;
	v8 =	vmul.f32 v15, v46;
	v15 =	vld [tilespmem:s19+$0xFFFFFF60];
	v51 =	vperm.xlane v2, v0  }
0x64a: {  	s25 =	sadd.s32 $0x80, s25;
	v18 =	vld [tilespmem:s19+$0xFFFFFF30];
	v7 =	vadd.f32 v7, v52;
	v9 =	vadd.f32 v16, v9  }
0x64b: {  	v49 =	vld [tilespmem:s25+$0x0];
	v2 =	vadd.f32 v51, v2;
	v8 =	vadd.f32 v13, v8;
	v13 =	vmul.f32 v14, v34  }
0x64c: {  	v52 =	vld [tilespmem:s25+$0x20];
	v9 =	vsel vm0, v10, v9;
	v10 =	vmul.f32 v19, v46;
	[tilespmem:v17+s15+$0x0] =	vst.idx.msk vm1, v7  }
0x64d: {  	s28 =	sadd.s32 $0x80, s28;
	v16 =	vperm.xlane v9, v4;
	v2 =	vsel vm0, v2, v3;
	v7 =	vmul.f32 v50, v44;
	v3 =	vld [tilespmem:s20+$0xFFFFFE80]  }
0x64e: {  	v8 =	vadd.f32 v13, v8;
	v13 =	vmul.f32 v15, v34;
	v15 =	vld [tilespmem:s28+$0x0];
	v14 =	vperm.xlane v2, v4  }
0x64f: {  	v9 =	vadd.f32 v9, v16;
	v17 =	vmovc v63;
	v50 =	vld [tilespmem:s25+$0x10];
	v7 =	vadd.f32 v7, v10;
	v10 =	vmul.f32 v18, v35  }
0x650: {  	v48 =	vmov v33;
	v16 =	vmul.f32 v62, v35;
	[tilespmem:$0x1FE50] =	vst v17;
	v17 =	vld [tilespmem:s28+$0x10]  }
0x651: {  	v24 =	vmovc v29;
	v29 =	vld [tilespmem:$0x1FE00];
	v2 =	vadd.f32 v2, v14;
	v14 =	vperm.xlane v9, v5;
	v8 =	vadd.f32 v10, v8  }
0x652: {  	v7 =	vadd.f32 v13, v7;
	v10 =	vmul.f32 v57, v60;
	v57 =	vmul.f32 v3, v48;
	v3 =	vld [tilespmem:s28+$0x20]  }
0x653: {  	s23 =	smov.u32 s29;
	v51 =	vld [tilespmem:s25+$0x30];
	v15 =	vmul.f32 v15, v49;
	v9 =	vadd.f32 v9, v14;
	v13 =	vperm.xlane v2, v5  }
0x654: {  	v32 =	vmovc v37;
	v37 =	vld [tilespmem:s25+$0xFFFFFFD0];
	v14 =	vadd.s32 s23, v55;
	v7 =	vadd.f32 v16, v7;
	v16 =	vperm.xlane v8, v0  }
0x655: {  	v33 =	vld [tilespmem:s28+$0xFFFFFFD0];
	v2 =	vadd.f32 v2, v13;
	v13 =	vperm.xlane v9, v6;
	v17 =	vmul.f32 v17, v50  }
0x656: {  	v26 =	vmovc v34;
	v10 =	vadd.f32 v10, v12;
	v12 =	vld [tilespmem:s28+$0x30];
	v8 =	vadd.f32 v16, v8;
	v16 =	vperm.xlane v7, v0  }
0x657: {  	v34 =	vmovc v35;
	v35 =	vld [tilespmem:$0x1FF10];
	v9 =	vadd.f32 v9, v13;
	v15 =	vadd.f32 v17, v15;
	v3 =	vmul.f32 v3, v52  }
0x658: {  	v13 =	vld [tilespmem:s28+$0xFFFFFFC0];
	v7 =	vadd.f32 v16, v7  }
0x659: {  	[tilespmem:v14+s15+$0x0] =	vst.idx.msk vm1, v9;
	v3 =	vadd.f32 v3, v15;
	v15 =	vld [tilespmem:$0x1FC70]  }
0x65a: {  	v19 =	vperm.xlane v2, v6;
	v9 =	vld [tilespmem:s21+$0x280];
	v7 =	vsel vm0, v8, v7  }
0x65b: {  	v8 =	vmul.f32 v12, v51;
	v12 =	vld [tilespmem:s21+$0x290];
	v14 =	vperm.xlane v7, v4  }
0x65c: {  	v17 =	vld [tilespmem:s21+$0x2A0]  }
0x65d: {  	v2 =	vadd.f32 v2, v19;
	v19 =	vld [tilespmem:s21+$0x2E0];
	v7 =	vadd.f32 v7, v14;
	v14 =	vperm.xlane v35, v5  }
0x65e: {  	v18 =	vmul.f32 v59, v56;
	v3 =	vadd.f32 v8, v3;
	v8 =	vld [tilespmem:s21+$0x2D0]  }
0x65f: {  	v23 =	vmov v45;
	v9 =	vmul.f32 v9, v40;
	v21 =	vadd.f32 v35, v14;
	v14 =	vld [tilespmem:s21+$0x2B0]  }
0x660: {  	v61 =	vmovc v47;
	v1 =	vadd.f32 v18, v1;
	v18 =	vperm.xlane v3, v0;
	v35 =	vld [tilespmem:$0x1FEF0];
	v12 =	vmul.f32 v12, v41  }
0x661: {  	v43 =	vmov v36;
	v16 =	vmul.f32 v58, v56;
	v36 =	vperm.xlane v7, v5;
	[tilespmem:v15+s15+$0x0] =	vst.idx.msk vm1, v2;
	v2 =	vld [tilespmem:s21+$0x2C0]  }
0x662: {  	[tilespmem:$0x1FE90] =	vst v53;
	v17 =	vmul.f32 v17, v39;
	v3 =	vadd.f32 v3, v18;
	v9 =	vadd.f32 v12, v9;
	v47 =	vld [tilespmem:s25+$0xFFFFFFC0]  }
0x663: {  	v53 =	vmovc v38;
	v10 =	vadd.f32 v16, v10;
	v7 =	vadd.f32 v7, v36;
	v15 =	vperm.xlane v1, v0;
	v45 =	vld [tilespmem:s25+$0xFFFFFFE0]  }
0x664: {  	v38 =	vmovc v30;
	v18 =	vperm.xlane v3, v27;
	v9 =	vadd.f32 v17, v9;
	v30 =	vld [tilespmem:s25+$0xFFFFFFF0];
	v12 =	vmul.f32 v14, v25  }
0x665: {  	v14 =	vperm.xlane v7, v6;
	v17 =	vld [tilespmem:s21+$0xFFFFFD00];
	v1 =	vadd.f32 v15, v1;
	v15 =	vperm.xlane v10, v0  }
0x666: {  	v3 =	vadd.f32 v3, v18;
	v18 =	vld [tilespmem:s28+$0xFFFFFFF0]  }
0x667: {  	v56 =	vadd.f32 v7, v14;
	v14 =	vld [tilespmem:s21+$0xFFFFFD10];
	v10 =	vadd.f32 v15, v10  }
0x668: {  	v16 =	vmul.f32 v33, v37;
	v15 =	vld [tilespmem:s21+$0x2F0];
	v13 =	vmul.f32 v13, v47  }
0x669: {  	v8 =	vmul.f32 v8, v41;
	v2 =	vmul.f32 v2, v40;
	v1 =	vsel vm0, v1, v10;
	v10 =	vld [tilespmem:s28+$0xFFFFFFE0]  }
0x66a: {  	v9 =	vadd.f32 v12, v9;
	v12 =	vadd.f32 v16, v13;
	v13 =	vld [tilespmem:s21+$0xFFFFFD40]  }
0x66b: {  	v2 =	vadd.f32 v8, v2;
	v8 =	vmul.f32 v19, v39;
	v16 =	vld [tilespmem:s21+$0xFFFFFD50]  }
0x66c: {  	[tilespmem:v29+s15+$0x0] =	vst.idx.msk vm1, v56;
	v29 =	vld [tilespmem:$0x1FEB0]  }
0x66d: {  	v31 =	vld [tilespmem:$0x1FF50];
	v55 =	vperm.xlane v35, v6;
	v2 =	vadd.f32 v8, v2;
	v8 =	vmul.f32 v15, v25  }
0x66e: {  	v19 =	vperm.xlane v9, v0;
	v15 =	vperm.xlane v3, v28  }
0x66f: {  	v56 =	vadd.f32 v35, v55;
	v2 =	vadd.f32 v8, v2  }
0x670: {  	s29 =	sadd.s32 $0x1, s26;
	v9 =	vadd.f32 v19, v9;
	v10 =	vmul.f32 v10, v45;
	v3 =	vadd.f32 v3, v15  }
0x671: {  	v8 =	vperm.xlane v1, v4;
	v15 =	vmov s29;
	v58 =	vperm.xlane v2, v0;
	v7 =	vmovc v29  }
0x672: {  	[tilespmem:$0x1FE00] =	vst v7;
	v7 =	vadd.f32 v10, v12;
	v10 =	vmul.f32 v18, v30;
	v12 =	vperm.xlane v3, v31;
	v18 =	vld [tilespmem:s21+$0xFFFFFD20]  }
0x673: {  	v29 =	vmovc v11;
	v11 =	vmul.f32 v17, v61;
	v17 =	vld [tilespmem:s21+$0xFFFFFD60];
	v1 =	vadd.f32 v1, v8;
	v2 =	vadd.f32 v58, v2  }
0x674: {  	v7 =	vadd.f32 v10, v7;
	v3 =	vadd.f32 v3, v12;
	v12 =	vld [tilespmem:s21+$0xFFFFFD30]  }
0x675: {  	v20 =	vld [tilespmem:s21+$0xFFFFFD70];
	v19 =	vmul.f32 v13, v61;
	[tilespmem:$0x1FF10] =	vst v1;
	v10 =	vmul.f32 v14, v32;
	v2 =	vsel vm0, v9, v2  }
0x676: {  	p0 =	slt.u32 s26, $0x3E;
	s22 =	smov.u32 s21;
	v58 =	vld [tilespmem:s20+$0xFFFFFE90];
	s21 =	sadd.s32 $0xA00, s21;
	v1 =	vperm.xlane v7, v0;
	[tilespmem:v15+s4+$0x0] =	vst.idx.msk $0x1, v3;
	v3 =	vperm.xlane v2, v4  }
.Ltmp0:
0x677: {  	v59 =	vadd.f32 v10, v11;
	v10 =	vmul.f32 v16, v32;
	v15 =	vld [tilespmem:s21+$0x0];
	v9 =	vmul.f32 v18, v23;
	(pc) =	sbr.rel @p0 .LBB2_3-.Ltmp0, $4  }
0x678: {  	v60 =	vld [tilespmem:s21+$0x10];
	v14 =	vadd.f32 v7, v1;
	v7 =	vmul.f32 v17, v23;
	v11 =	vadd.f32 v2, v3  }
0x679: {  	v33 =	vmovc v61;
	v16 =	vld [tilespmem:s21+$0x40];
	v3 =	vadd.f32 v10, v19;
	v1 =	vadd.f32 v9, v59;
	v2 =	vmul.f32 v12, v38  }
0x67a: {  	v13 =	vmov s26;
	[tilespmem:$0x1FEB0] =	vst v29;
	v8 =	vmovc v21;
	v29 =	vmovc v23;
	v61 =	vld [tilespmem:s21+$0x20];
	v62 =	vperm.xlane v14, v27;
	v12 =	vperm.xlane v11, v5  }
0x67b: {  	s26 =	sadd.s32 $0x2, s26;
	[tilespmem:$0x1FEF0] =	vst v8;
	v59 =	vld [tilespmem:s21+$0x50];
	v1 =	vadd.f32 v2, v1;
	v2 =	vadd.f32 v7, v3;
	v3 =	vmul.f32 v20, v38  }
0x67c: {  	_ = 	snop  }
0x67d: {  	v7 =	vld [tilespmem:s21+$0x60]  }
0x67e: {  	v8 =	vld [tilespmem:s21+$0x30]  }
0x67f: {  	v9 =	vmul.f32 v15, v49;
	v36 =	vld [tilespmem:s21+$0x70];
	v10 =	vmul.f32 v60, v50  }
0x680: {  	v16 =	vmul.f32 v16, v49;
	v17 =	vmul.f32 v59, v50  }
0x681: {  	v18 =	vmul.f32 v61, v52  }
0x682: {  	v9 =	vadd.f32 v10, v9;
	v7 =	vmul.f32 v7, v52;
	v10 =	vadd.f32 v17, v16  }
0x683: {  	v14 =	vadd.f32 v14, v62;
	v8 =	vmul.f32 v8, v51  }
0x684: {  	v9 =	vadd.f32 v18, v9;
	v7 =	vadd.f32 v7, v10;
	v10 =	vmul.f32 v36, v51  }
0x685: {  	v55 =	vperm.xlane v14, v28  }
0x686: {  	v13 =	vand.u32 $0xFFFFFFFE, v13;
	v8 =	vadd.f32 v8, v9;
	v7 =	vadd.f32 v10, v7  }
0x687: {  	v9 =	vbroadcast v13, $0x0;
	v10 =	vadd.f32 v14, v55  }
0x688: {  	v59 =	vperm.xlane v8, v0;
	v60 =	vperm.xlane v7, v0  }
0x689: {  	v15 =	vperm.xlane v10, v31  }
0x68a: {  	v8 =	vadd.f32 v59, v8;
	v7 =	vadd.f32 v60, v7  }
0x68b: {  	v10 =	vadd.f32 v10, v15  }
0x68c: {  	v7 =	vsel vm0, v8, v7  }
0x68d: {  	[tilespmem:v9+s4+$0x0] =	vst.idx.msk $0x1, v10;
	v8 =	vperm.xlane v7, v4  }
0x68e: {  	v9 =	vld [tilespmem:s21+$0xFFFFFB00]  }
0x68f: {  	v10 =	vld [tilespmem:s21+$0xFFFFFB40];
	v7 =	vadd.f32 v7, v8  }
0x690: {  	v62 =	vld [tilespmem:s21+$0xFFFFFB50]  }
0x691: {  	v8 =	vld [tilespmem:s21+$0xFFFFFB10];
	v61 =	vperm.xlane v7, v5  }
0x692: {  	s24 =	sadd.s32 $0x28, s24;
	v21 =	vld [tilespmem:s21+$0xFFFFFB60]  }
0x693: {  	s25 =	sadd.s32 $0x14, s24;
	v63 =	vld [tilespmem:s21+$0xFFFFFB20];
	v7 =	vadd.f32 v7, v61  }
0x694: {  	v22 =	vor.u32 s25, v42;
	v9 =	vmul.f32 v9, v47  }
0x695: {  	v19 =	vld [tilespmem:s21+$0xFFFFFB70];
	v10 =	vmul.f32 v10, v47;
	v35 =	vperm.xlane v7, v6  }
0x696: {  	v23 =	vld [tilespmem:s21+$0xFFFFFB30];
	v14 =	vmul.f32 v62, v37;
	v8 =	vmul.f32 v8, v37  }
0x697: {  	v13 =	vmul.f32 v21, v45;
	v7 =	vadd.f32 v7, v35  }
0x698: {  	v10 =	vadd.f32 v14, v10;
	v8 =	vadd.f32 v8, v9;
	v9 =	vmul.f32 v63, v45  }
0x699: {  	[tilespmem:v22+s15+$0x0] =	vst.idx.msk vm1, v7  }
0x69a: {  	v36 =	vmul.f32 v19, v30;
	v10 =	vadd.f32 v13, v10;
	v7 =	vadd.f32 v9, v8;
	v9 =	vld [tilespmem:s21+$0x80]  }
0x69b: {  	v8 =	vmul.f32 v23, v30;
	v55 =	vld [tilespmem:s21+$0x90]  }
0x69c: {  	v10 =	vadd.f32 v36, v10;
	v59 =	vld [tilespmem:s21+$0xD0]  }
0x69d: {  	v7 =	vadd.f32 v8, v7;
	v8 =	vld [tilespmem:s21+$0xC0]  }
0x69e: {  	v16 =	vld [tilespmem:s21+$0xA0];
	v61 =	vperm.xlane v10, v0  }
0x69f: {  	v62 =	vld [tilespmem:s21+$0xE0];
	v60 =	vperm.xlane v7, v0  }
0x6a0: {  	v63 =	vld [tilespmem:s21+$0xB0];
	v10 =	vadd.f32 v61, v10  }
0x6a1: {  	v20 =	vld [tilespmem:s21+$0xF0];
	v7 =	vadd.f32 v60, v7;
	v9 =	vmul.f32 v9, v49;
	v14 =	vmul.f32 v55, v50  }
0x6a2: {  	v13 =	vmul.f32 v59, v50;
	v8 =	vmul.f32 v8, v49  }
0x6a3: {  	v7 =	vsel vm0, v7, v10;
	v10 =	vmul.f32 v16, v52;
	v9 =	vadd.f32 v14, v9  }
0x6a4: {  	v21 =	vmul.f32 v62, v52;
	v8 =	vadd.f32 v13, v8;
	v22 =	vperm.xlane v7, v4  }
0x6a5: {  	v15 =	vmul.f32 v63, v51;
	v9 =	vadd.f32 v10, v9  }
0x6a6: {  	v10 =	vmul.f32 v20, v51;
	v8 =	vadd.f32 v21, v8;
	v7 =	vadd.f32 v7, v22;
	_ =	sdelay $0x1  }
0x6a7: {  	v9 =	vadd.f32 v15, v9;
	v8 =	vadd.f32 v10, v8;
	v10 =	vperm.xlane v7, v5;
	_ =	sdelay $0x1  }
0x6a8: {  	v23 =	vperm.xlane v9, v0;
	v35 =	vperm.xlane v8, v0;
	v7 =	vadd.f32 v7, v10  }
0x6a9: {  	v10 =	vor.u32 s24, v42  }
0x6aa: {  	v9 =	vadd.f32 v23, v9;
	v8 =	vadd.f32 v35, v8;
	v36 =	vperm.xlane v7, v6;
	_ =	sdelay $0x1  }
0x6ab: {  	v8 =	vsel vm0, v9, v8;
	v7 =	vadd.f32 v7, v36  }
0x6ac: {  	v9 =	vperm.xlane v8, v4  }
0x6ad: {  	[tilespmem:v10+s15+$0x0] =	vst.idx.msk vm1, v7  }
0x6ae: {  	v35 =	vmov v43;
	v7 =	vadd.f32 v8, v9;
	v43 =	vld [tilespmem:$0x1FFC0]  }
0x6af: {  	v8 =	vld [tilespmem:s21+$0xFFFFFB80]  }
0x6b0: {  	v9 =	vld [tilespmem:s21+$0xFFFFFB90];
	v10 =	vperm.xlane v7, v5  }
0x6b1: {  	v55 =	vld [tilespmem:s21+$0xFFFFFBC0]  }
0x6b2: {  	v59 =	vld [tilespmem:s21+$0xFFFFFBD0];
	v7 =	vadd.f32 v7, v10  }
0x6b3: {  	v10 =	vld [tilespmem:s21+$0xFFFFFBA0];
	v60 =	vor.u32 s25, v43  }
0x6b4: {  	v61 =	vld [tilespmem:s21+$0xFFFFFBE0];
	v62 =	vperm.xlane v7, v6  }
0x6b5: {  	v63 =	vld [tilespmem:s21+$0xFFFFFBB0]  }
0x6b6: {  	v21 =	vld [tilespmem:s21+$0xFFFFFBF0];
	v8 =	vmul.f32 v8, v47;
	v9 =	vmul.f32 v9, v37;
	v7 =	vadd.f32 v7, v62  }
0x6b7: {  	v13 =	vmul.f32 v55, v47;
	v14 =	vmul.f32 v59, v37  }
0x6b8: {  	v8 =	vadd.f32 v9, v8;
	v9 =	vmul.f32 v10, v45;
	[tilespmem:v60+s15+$0x0] =	vst.idx.msk vm1, v7  }
0x6b9: {  	v10 =	vadd.f32 v14, v13;
	v7 =	vmul.f32 v61, v45;
	v22 =	vld [tilespmem:s21+$0x100]  }
0x6ba: {  	v8 =	vadd.f32 v9, v8;
	v9 =	vld [tilespmem:s21+$0x110]  }
0x6bb: {  	v23 =	vmul.f32 v63, v30;
	v36 =	vmul.f32 v21, v30;
	v55 =	vld [tilespmem:s21+$0x150];
	v7 =	vadd.f32 v7, v10  }
0x6bc: {  	v10 =	vld [tilespmem:s21+$0x140]  }
0x6bd: {  	v59 =	vld [tilespmem:s21+$0x120];
	v8 =	vadd.f32 v23, v8;
	v7 =	vadd.f32 v36, v7  }
0x6be: {  	v60 =	vld [tilespmem:s21+$0x160]  }
0x6bf: {  	v63 =	vld [tilespmem:s21+$0x130];
	v61 =	vperm.xlane v8, v0;
	v62 =	vperm.xlane v7, v0  }
0x6c0: {  	v20 =	vld [tilespmem:s21+$0x170];
	v13 =	vmul.f32 v22, v49;
	v9 =	vmul.f32 v9, v50  }
0x6c1: {  	v16 =	vmul.f32 v55, v50;
	v8 =	vadd.f32 v61, v8;
	v10 =	vmul.f32 v10, v49  }
0x6c2: {  	v17 =	vmul.f32 v59, v52;
	v7 =	vadd.f32 v62, v7;
	v9 =	vadd.f32 v9, v13  }
0x6c3: {  	v18 =	vmul.f32 v60, v52;
	v10 =	vadd.f32 v16, v10  }
0x6c4: {  	v7 =	vsel vm0, v8, v7;
	v8 =	vadd.f32 v17, v9;
	v9 =	vmul.f32 v63, v51  }
0x6c5: {  	v20 =	vmul.f32 v20, v51;
	v10 =	vadd.f32 v18, v10;
	v21 =	vperm.xlane v7, v4  }
0x6c6: {  	v8 =	vadd.f32 v9, v8  }
0x6c7: {  	v36 =	vmov v32;
	v32 =	vld [tilespmem:$0x1FFA0];
	v9 =	vadd.f32 v20, v10;
	v7 =	vadd.f32 v7, v21  }
0x6c8: {  	v10 =	vperm.xlane v8, v0  }
0x6c9: {  	v13 =	vperm.xlane v9, v0;
	v14 =	vperm.xlane v7, v5  }
0x6ca: {  	v8 =	vadd.f32 v10, v8  }
0x6cb: {  	v9 =	vadd.f32 v13, v9;
	v7 =	vadd.f32 v7, v14  }
0x6cc: {  	v10 =	vor.u32 s24, v32  }
0x6cd: {  	v8 =	vsel vm0, v8, v9;
	v9 =	vperm.xlane v7, v6;
	_ =	sdelay $0x1  }
0x6ce: {  	v7 =	vadd.f32 v7, v9;
	_ =	sdelay $0x1  }
0x6cf: {  	[tilespmem:v10+s15+$0x0] =	vst.idx.msk vm1, v7  }
0x6d0: {  	v22 =	vperm.xlane v8, v4;
	v62 =	vld [tilespmem:$0x1FFB0];
	_ =	sdelay $0x1  }
0x6d1: {  	v8 =	vadd.f32 v8, v22;
	_ =	sdelay $0x1  }
0x6d2: {  	v7 =	vperm.xlane v8, v5  }
0x6d3: {  	v10 =	vadd.s32 s25, v62  }
0x6d4: {  	v7 =	vadd.f32 v8, v7;
	v8 =	vand.u32 $0xFF8, v10  }
0x6d5: {  	v8 =	vor.u32 v42, v8  }
0x6d6: {  	v9 =	vld [tilespmem:s21+$0xFFFFFC00];
	v23 =	vperm.xlane v7, v6  }
0x6d7: {  	v13 =	vld [tilespmem:s21+$0xFFFFFC10]  }
0x6d8: {  	v14 =	vld [tilespmem:s21+$0xFFFFFC50];
	v7 =	vadd.f32 v7, v23  }
0x6d9: {  	v16 =	vld [tilespmem:s21+$0xFFFFFC20]  }
0x6da: {  	v55 =	vld [tilespmem:s21+$0xFFFFFC60];
	[tilespmem:v8+s15+$0x0] =	vst.idx.msk vm1, v7  }
0x6db: {  	v60 =	vld [tilespmem:$0x1FFE0]  }
0x6dc: {  	v15 =	vld [tilespmem:s21+$0xFFFFFC30]  }
0x6dd: {  	v18 =	vld [tilespmem:s21+$0xFFFFFC70]  }
0x6de: {  	v10 =	vld [tilespmem:s21+$0xFFFFFC40]  }
0x6df: {  	v7 =	vadd.f32 v11, v12;
	v8 =	vld [tilespmem:s21+$0x180]  }
0x6e0: {  	v59 =	vld [tilespmem:s21+$0x190];
	v11 =	vadd.s32 s23, v60  }
0x6e1: {  	v63 =	vld [tilespmem:s21+$0x1C0];
	v61 =	vperm.xlane v7, v6  }
0x6e2: {  	v9 =	vmul.f32 v9, v47;
	v13 =	vmul.f32 v13, v37;
	v21 =	vld [tilespmem:s21+$0x1D0]  }
0x6e3: {  	v14 =	vmul.f32 v14, v37;
	v10 =	vmul.f32 v10, v47;
	v19 =	vld [tilespmem:s21+$0x1A0];
	v7 =	vadd.f32 v7, v61  }
0x6e4: {  	v22 =	vmul.f32 v16, v45;
	v15 =	vmul.f32 v15, v30;
	v9 =	vadd.f32 v13, v9;
	v23 =	vld [tilespmem:s21+$0x1E0]  }
0x6e5: {  	[tilespmem:v11+s15+$0x0] =	vst.idx.msk vm1, v7;
	v7 =	vadd.f32 v14, v10;
	v10 =	vmul.f32 v55, v45;
	v11 =	vld [tilespmem:s21+$0x1B0]  }
0x6e6: {  	v9 =	vadd.f32 v22, v9;
	v8 =	vmul.f32 v8, v49;
	v12 =	vmul.f32 v59, v50;
	v55 =	vld [tilespmem:s21+$0x1F0]  }
0x6e7: {  	v59 =	vmul.f32 v21, v50;
	v7 =	vadd.f32 v10, v7;
	v10 =	vmul.f32 v63, v49  }
0x6e8: {  	v18 =	vmul.f32 v18, v30;
	v19 =	vmul.f32 v19, v52;
	v8 =	vadd.f32 v12, v8;
	v61 =	vld [tilespmem:s22+$0x300]  }
0x6e9: {  	v9 =	vadd.f32 v15, v9;
	v21 =	vmul.f32 v23, v52;
	v63 =	vld [tilespmem:s22+$0x310];
	v10 =	vadd.f32 v59, v10  }
0x6ea: {  	v8 =	vadd.f32 v19, v8;
	v7 =	vadd.f32 v18, v7  }
0x6eb: {  	v16 =	vld [tilespmem:s22+$0x340];
	v11 =	vmul.f32 v11, v51;
	v13 =	vmul.f32 v55, v51;
	v10 =	vadd.f32 v21, v10  }
0x6ec: {  	v55 =	vperm.xlane v9, v0  }
0x6ed: {  	v22 =	vld [tilespmem:s22+$0x350];
	v59 =	vperm.xlane v7, v0;
	v8 =	vadd.f32 v11, v8;
	v10 =	vadd.f32 v13, v10  }
0x6ee: {  	v23 =	vld [tilespmem:s22+$0x320];
	v17 =	vmul.f32 v61, v40;
	v12 =	vmul.f32 v63, v41;
	v9 =	vadd.f32 v55, v9  }
0x6ef: {  	v61 =	vld [tilespmem:s22+$0x330];
	v7 =	vadd.f32 v59, v7;
	v63 =	vperm.xlane v8, v0;
	v21 =	vperm.xlane v10, v0  }
0x6f0: {  	v16 =	vmul.f32 v16, v40;
	v11 =	vld [tilespmem:s22+$0x360]  }
0x6f1: {  	v7 =	vsel vm0, v9, v7;
	v8 =	vadd.f32 v63, v8;
	v10 =	vadd.f32 v21, v10  }
0x6f2: {  	v15 =	vmul.f32 v22, v41;
	v9 =	vld [tilespmem:s22+$0x370];
	v22 =	vperm.xlane v7, v4  }
0x6f3: {  	v14 =	vmul.f32 v23, v39;
	v12 =	vadd.f32 v12, v17;
	v8 =	vsel vm0, v8, v10  }
0x6f4: {  	v15 =	vadd.f32 v15, v16;
	v7 =	vadd.f32 v7, v22;
	v23 =	vperm.xlane v8, v4  }
0x6f5: {  	v13 =	vmul.f32 v61, v25;
	v11 =	vmul.f32 v11, v39;
	v10 =	vadd.f32 v14, v12  }
0x6f6: {  	v55 =	vperm.xlane v7, v5;
	v8 =	vadd.f32 v8, v23  }
0x6f7: {  	v11 =	vadd.f32 v11, v15;
	v9 =	vmul.f32 v9, v25;
	v10 =	vadd.f32 v13, v10  }
0x6f8: {  	v61 =	vor.u32 s24, v62;
	v7 =	vadd.f32 v7, v55;
	v12 =	vperm.xlane v8, v5  }
0x6f9: {  	v63 =	vadd.s32 s25, v43;
	v9 =	vadd.f32 v9, v11;
	v11 =	vperm.xlane v10, v0  }
0x6fa: {  	v21 =	vand.u32 $0xFF8, v63;
	v20 =	vperm.xlane v7, v6;
	v8 =	vadd.f32 v8, v12  }
0x6fb: {  	v10 =	vadd.f32 v11, v10;
	v11 =	vor.u32 v32, v21  }
0x6fc: {  	v59 =	vperm.xlane v9, v0;
	v7 =	vadd.f32 v7, v20;
	v22 =	vperm.xlane v8, v6;
	_ =	sdelay $0x1  }
0x6fd: {  	v9 =	vadd.f32 v59, v9;
	[tilespmem:v61+s15+$0x0] =	vst.idx.msk vm1, v7;
	v7 =	vadd.f32 v8, v22;
	_ =	sdelay $0x1  }
0x6fe: {  	v9 =	vsel vm0, v10, v9;
	[tilespmem:v11+s15+$0x0] =	vst.idx.msk vm1, v7  }
0x6ff: {  	v10 =	vperm.xlane v9, v4;
	v61 =	vld [tilespmem:$0x1FFF0]  }
0x700: {  	v8 =	vld [tilespmem:s21+$0xFFFFFC80]  }
0x701: {  	v9 =	vadd.f32 v9, v10;
	v10 =	vld [tilespmem:s21+$0xFFFFFC90]  }
0x702: {  	v7 =	vld [tilespmem:s21+$0x200]  }
0x703: {  	v11 =	vperm.xlane v9, v5;
	v23 =	vld [tilespmem:s21+$0x210]  }
0x704: {  	v14 =	vld [tilespmem:s21+$0x240];
	v55 =	vadd.s32 s23, v61  }
0x705: {  	v13 =	vld [tilespmem:s21+$0x250];
	v9 =	vadd.f32 v9, v11;
	v11 =	vand.u32 $0xFF8, v55  }
0x706: {  	v2 =	vadd.f32 v3, v2;
	v3 =	vperm.xlane v1, v0;
	v59 =	vld [tilespmem:s21+$0x220];
	v11 =	vor.u32 v42, v11  }
0x707: {  	v21 =	vld [tilespmem:s21+$0x260];
	v63 =	vperm.xlane v9, v6  }
0x708: {  	v1 =	vadd.f32 v3, v1;
	v22 =	vperm.xlane v2, v0;
	v3 =	vld [tilespmem:s21+$0x230]  }
0x709: {  	v7 =	vmul.f32 v7, v49;
	v12 =	vmul.f32 v23, v50;
	v23 =	vld [tilespmem:s21+$0x270];
	v9 =	vadd.f32 v9, v63  }
0x70a: {  	v2 =	vadd.f32 v22, v2;
	v14 =	vmul.f32 v14, v49;
	v13 =	vmul.f32 v13, v50;
	v55 =	vld [tilespmem:s21+$0xFFFFFCC0]  }
0x70b: {  	v7 =	vadd.f32 v12, v7;
	[tilespmem:v11+s15+$0x0] =	vst.idx.msk vm1, v9;
	v9 =	vld [tilespmem:s21+$0xFFFFFCD0];
	v11 =	vmul.f32 v59, v52  }
0x70c: {  	v1 =	vsel vm0, v1, v2;
	v13 =	vadd.f32 v13, v14;
	v59 =	vmul.f32 v21, v52  }
0x70d: {  	v2 =	vld [tilespmem:s21+$0xFFFFFCA0];
	v8 =	vmul.f32 v8, v47;
	v3 =	vmul.f32 v3, v51;
	v7 =	vadd.f32 v11, v7  }
0x70e: {  	v63 =	vld [tilespmem:s21+$0xFFFFFCE0];
	v21 =	vmul.f32 v23, v51;
	v11 =	vperm.xlane v1, v4;
	v13 =	vadd.f32 v59, v13  }
0x70f: {  	v10 =	vmul.f32 v10, v37;
	v3 =	vadd.f32 v3, v7;
	v7 =	vmul.f32 v55, v47  }
0x710: {  	v13 =	vadd.f32 v21, v13;
	v1 =	vadd.f32 v1, v11;
	v11 =	vld [tilespmem:s21+$0xFFFFFCF0];
	v9 =	vmul.f32 v9, v37  }
0x711: {  	v8 =	vadd.f32 v10, v8;
	v22 =	vld [tilespmem:s22+$0x390]  }
0x712: {  	v10 =	vld [tilespmem:s22+$0x3D0];
	v55 =	vperm.xlane v3, v0;
	v7 =	vadd.f32 v9, v7;
	v9 =	vperm.xlane v13, v0  }
0x713: {  	v2 =	vmul.f32 v2, v45;
	v15 =	vmul.f32 v63, v45;
	v59 =	vld [tilespmem:s22+$0x3C0]  }
0x714: {  	v3 =	vadd.f32 v55, v3;
	v9 =	vadd.f32 v9, v13  }
0x715: {  	v2 =	vadd.f32 v2, v8;
	v8 =	vld [tilespmem:s22+$0x3E0];
	v7 =	vadd.f32 v15, v7;
	v11 =	vmul.f32 v11, v30  }
0x716: {  	v23 =	vld [tilespmem:s21+$0xFFFFFCB0];
	v3 =	vsel vm0, v3, v9  }
0x717: {  	v16 =	vmul.f32 v22, v41;
	v7 =	vadd.f32 v11, v7;
	v11 =	vld [tilespmem:s22+$0x3F0];
	v22 =	vperm.xlane v3, v4  }
0x718: {  	v10 =	vmul.f32 v10, v41;
	v9 =	vmul.f32 v59, v40  }
0x719: {  	v12 =	vld [tilespmem:s22+$0x380];
	v3 =	vadd.f32 v3, v22  }
0x71a: {  	v8 =	vmul.f32 v8, v39;
	v9 =	vadd.f32 v10, v9  }
0x71b: {  	v20 =	vld [tilespmem:s22+$0x3A0];
	v21 =	vmul.f32 v23, v30;
	v59 =	vperm.xlane v3, v5  }
0x71c: {  	v23 =	vld [tilespmem:s22+$0x3B0];
	v8 =	vadd.f32 v8, v9;
	v9 =	vmul.f32 v11, v25  }
0x71d: {  	v2 =	vadd.f32 v21, v2;
	v3 =	vadd.f32 v3, v59;
	v59 =	vld [tilespmem:$0x1FFD0]  }
0x71e: {  	v63 =	vperm.xlane v1, v5;
	v12 =	vmul.f32 v12, v40;
	v8 =	vadd.f32 v9, v8;
	v9 =	vld [tilespmem:$0x1FE20]  }
0x71f: {  	v10 =	vperm.xlane v2, v0;
	v55 =	vperm.xlane v7, v0  }
0x720: {  	v1 =	vadd.f32 v1, v63;
	v12 =	vadd.f32 v16, v12;
	v13 =	vmul.f32 v20, v39  }
0x721: {  	v2 =	vadd.f32 v10, v2;
	v7 =	vadd.f32 v55, v7  }
0x722: {  	v63 =	vperm.xlane v1, v6;
	v12 =	vadd.f32 v13, v12  }
0x723: {  	v10 =	vmul.f32 v23, v25;
	v2 =	vsel vm0, v2, v7;
	v7 =	vadd.s32 s25, v59  }
0x724: {  	v1 =	vadd.f32 v1, v63;
	v11 =	vperm.xlane v2, v4;
	v13 =	vperm.xlane v3, v6  }
0x725: {  	v10 =	vadd.f32 v10, v12  }
0x726: {  	[tilespmem:v9+s15+$0x0] =	vst.idx.msk vm1, v1;
	v1 =	vadd.f32 v2, v11;
	v2 =	vadd.f32 v3, v13  }
0x727: {  	v18 =	vperm.xlane v8, v0  }
0x728: {  	v9 =	vperm.xlane v10, v0;
	v3 =	vld [tilespmem:s22+$0xFFFFFD80];
	v19 =	vperm.xlane v1, v5;
	[tilespmem:v7+s15+$0x0] =	vst.idx.msk vm1, v2  }
0x729: {  	v8 =	vadd.f32 v18, v8;
	v7 =	vld [tilespmem:s21+$0x280]  }
0x72a: {  	v2 =	vadd.f32 v9, v10;
	v9 =	vld [tilespmem:s21+$0x290];
	v1 =	vadd.f32 v1, v19  }
0x72b: {  	v10 =	vor.u32 s24, v43;
	v20 =	vld [tilespmem:s21+$0x2C0]  }
0x72c: {  	v21 =	vld [tilespmem:s21+$0x2A0];
	v2 =	vsel vm0, v2, v8;
	v8 =	vperm.xlane v1, v6  }
0x72d: {  	v23 =	vld [tilespmem:s21+$0x2D0]  }
0x72e: {  	v55 =	vld [tilespmem:s21+$0x2E0];
	v22 =	vperm.xlane v2, v4;
	v1 =	vadd.f32 v1, v8  }
0x72f: {  	v8 =	vld [tilespmem:s21+$0x2B0];
	v7 =	vmul.f32 v7, v49;
	v9 =	vmul.f32 v9, v50  }
0x730: {  	[tilespmem:v10+s15+$0x0] =	vst.idx.msk vm1, v1;
	v1 =	vld [tilespmem:s21+$0x2F0]  }
0x731: {  	v2 =	vadd.f32 v2, v22;
	v7 =	vadd.f32 v9, v7;
	v9 =	vld [tilespmem:s21+$0xFFFFFD00]  }
0x732: {  	v13 =	vmul.f32 v21, v52;
	v63 =	vld [tilespmem:s21+$0xFFFFFD10]  }
0x733: {  	v12 =	vmul.f32 v20, v49;
	v10 =	vperm.xlane v2, v5;
	v14 =	vld [tilespmem:s21+$0xFFFFFD50]  }
0x734: {  	v15 =	vmul.f32 v23, v50;
	v20 =	vmul.f32 v55, v52;
	v55 =	vld [tilespmem:$0x1FF80]  }
0x735: {  	v23 =	vld [tilespmem:s21+$0xFFFFFD30];
	v2 =	vadd.f32 v2, v10  }
0x736: {  	v12 =	vadd.f32 v15, v12;
	v7 =	vadd.f32 v13, v7;
	v10 =	vld [tilespmem:s21+$0xFFFFFD40];
	v8 =	vmul.f32 v8, v51  }
0x737: {  	v3 =	vmul.f32 v3, v33;
	v13 =	vld [tilespmem:s21+$0xFFFFFD60];
	v21 =	vperm.xlane v2, v6  }
0x738: {  	v12 =	vadd.f32 v20, v12;
	v7 =	vadd.f32 v8, v7;
	v8 =	vld [tilespmem:s21+$0xFFFFFD20];
	v1 =	vmul.f32 v1, v51  }
0x739: {  	v11 =	vld [tilespmem:s22+$0xFFFFFD90];
	v2 =	vadd.f32 v2, v21;
	v9 =	vmul.f32 v9, v47;
	v63 =	vmul.f32 v63, v37  }
0x73a: {  	v21 =	vld [tilespmem:s21+$0xFFFFFD70];
	v14 =	vmul.f32 v14, v37;
	v23 =	vmul.f32 v23, v30;
	v1 =	vadd.f32 v1, v12  }
0x73b: {  	v19 =	vld [tilespmem:s22+$0xFFFFFDC0];
	v22 =	vadd.s32 s23, v55;
	v15 =	vperm.xlane v7, v0;
	v10 =	vmul.f32 v10, v47  }
0x73c: {  	v17 =	vand.u32 $0xFF8, v22;
	v13 =	vmul.f32 v13, v45;
	v22 =	vperm.xlane v1, v0  }
0x73d: {  	v12 =	vld [tilespmem:s22+$0xFFFFFDA0];
	v9 =	vadd.f32 v63, v9;
	v10 =	vadd.f32 v14, v10;
	v8 =	vmul.f32 v8, v45  }
0x73e: {  	v17 =	vor.u32 v32, v17;
	v7 =	vadd.f32 v15, v7;
	v1 =	vadd.f32 v22, v1  }
0x73f: {  	v14 =	vld [tilespmem:s22+$0xFFFFFDD0];
	v10 =	vadd.f32 v13, v10;
	v21 =	vmul.f32 v21, v30;
	v8 =	vadd.f32 v8, v9  }
0x740: {  	v11 =	vmul.f32 v11, v36;
	v22 =	vmul.f32 v19, v33  }
0x741: {  	v9 =	vld [tilespmem:s22+$0xFFFFFDE0];
	v1 =	vsel vm0, v7, v1;
	v7 =	vadd.f32 v23, v8;
	v8 =	vadd.f32 v21, v10  }
0x742: {  	v16 =	vld [tilespmem:s22+$0xFFFFFDB0];
	v3 =	vadd.f32 v11, v3;
	v12 =	vmul.f32 v12, v29;
	v23 =	vperm.xlane v1, v4  }
0x743: {  	[tilespmem:v17+s15+$0x0] =	vst.idx.msk vm1, v2;
	v2 =	vld [tilespmem:s22+$0xFFFFFDF0];
	v15 =	vperm.xlane v7, v0;
	v21 =	vperm.xlane v8, v0  }
0x744: {  	v10 =	vmul.f32 v14, v36;
	v11 =	vld [tilespmem:s22+$0x410];
	v3 =	vadd.f32 v12, v3;
	v1 =	vadd.f32 v1, v23  }
0x745: {  	v13 =	vld [tilespmem:s22+$0x400];
	v14 =	vadd.s32 s24, v59;
	v7 =	vadd.f32 v15, v7;
	v8 =	vadd.f32 v21, v8  }
0x746: {  	v18 =	vld [tilespmem:s22+$0x440];
	v14 =	vand.u32 $0xFF8, v14;
	v10 =	vadd.f32 v10, v22;
	v9 =	vmul.f32 v9, v29  }
0x747: {  	v22 =	vmul.f32 v16, v38;
	v15 =	vld [tilespmem:s22+$0x450];
	v23 =	vperm.xlane v1, v5;
	v7 =	vsel vm0, v7, v8  }
0x748: {  	v2 =	vmul.f32 v2, v38;
	v8 =	vadd.f32 v9, v10;
	v9 =	vld [tilespmem:s22+$0x420];
	v21 =	vperm.xlane v7, v4  }
0x749: {  	v17 =	vld [tilespmem:s22+$0x460];
	v3 =	vadd.f32 v22, v3;
	v11 =	vmul.f32 v11, v41;
	v1 =	vadd.f32 v1, v23  }
0x74a: {  	v16 =	vld [tilespmem:s22+$0x430];
	v10 =	vmul.f32 v13, v40;
	v13 =	vadd.s32 s25, v60;
	v7 =	vadd.f32 v7, v21  }
0x74b: {  	v18 =	vmul.f32 v18, v40;
	v2 =	vadd.f32 v2, v8;
	v8 =	vld [tilespmem:s22+$0x470];
	v22 =	vperm.xlane v1, v6  }
0x74c: {  	v14 =	vor.u32 v42, v14;
	v15 =	vmul.f32 v15, v41;
	v23 =	vperm.xlane v7, v5  }
0x74d: {  	v12 =	vld [tilespmem:s20+$0xFFFFFED0];
	v10 =	vadd.f32 v11, v10;
	v1 =	vadd.f32 v1, v22;
	v9 =	vmul.f32 v9, v39  }
0x74e: {  	v17 =	vmul.f32 v17, v39;
	v21 =	vld [tilespmem:s20+$0xFFFFFEC0];
	v11 =	vadd.f32 v15, v18;
	v7 =	vadd.f32 v7, v23  }
0x74f: {  	v16 =	vmul.f32 v16, v25;
	v15 =	vld [tilespmem:s20+$0xFFFFFEA0];
	[tilespmem:v13+s15+$0x0] =	vst.idx.msk vm1, v1;
	v9 =	vadd.f32 v9, v10  }
0x750: {  	v1 =	vadd.f32 v17, v11;
	v8 =	vmul.f32 v8, v25;
	v10 =	vld [tilespmem:s21+$0x300];
	v11 =	vperm.xlane v7, v6  }
0x751: {  	v22 =	vperm.xlane v3, v0;
	v13 =	vld [tilespmem:s21+$0x350];
	v9 =	vadd.f32 v16, v9  }
0x752: {  	v23 =	vperm.xlane v2, v0;
	v16 =	vld [tilespmem:s21+$0x310];
	v1 =	vadd.f32 v8, v1;
	v7 =	vadd.f32 v7, v11  }
0x753: {  	v3 =	vadd.f32 v22, v3;
	v22 =	vld [tilespmem:s21+$0x320];
	v18 =	vmul.f32 v21, v48;
	v8 =	vmul.f32 v58, v53  }
0x754: {  	v58 =	vld [tilespmem:s21+$0x370];
	v21 =	vperm.xlane v9, v0;
	[tilespmem:v14+s15+$0x0] =	vst.idx.msk vm1, v7;
	v7 =	vperm.xlane v1, v0  }
0x755: {  	v2 =	vadd.f32 v23, v2;
	v11 =	vld [tilespmem:s21+$0x340]  }
0x756: {  	v12 =	vmul.f32 v12, v53;
	v9 =	vadd.f32 v21, v9;
	v1 =	vadd.f32 v7, v1;
	v7 =	vld [tilespmem:s21+$0x330]  }
0x757: {  	v2 =	vsel vm0, v3, v2;
	v3 =	vld [tilespmem:s21+$0x360];
	v10 =	vmul.f32 v10, v49;
	v16 =	vmul.f32 v16, v50  }
0x758: {  	v12 =	vadd.f32 v12, v18;
	v23 =	vperm.xlane v2, v4;
	v1 =	vsel vm0, v9, v1;
	v9 =	vld [tilespmem:s20+$0xFFFFFEE0]  }
0x759: {  	v13 =	vmul.f32 v13, v50;
	v14 =	vmul.f32 v22, v52;
	v22 =	vld [tilespmem:s21+$0xFFFFFD90];
	v10 =	vadd.f32 v16, v10  }
0x75a: {  	v2 =	vadd.f32 v2, v23;
	v23 =	vld [tilespmem:s21+$0xFFFFFDD0];
	v11 =	vmul.f32 v11, v49;
	v20 =	vperm.xlane v1, v4  }
0x75b: {  	v8 =	vadd.f32 v8, v57;
	v17 =	vld [tilespmem:s21+$0xFFFFFDF0];
	v10 =	vadd.f32 v14, v10;
	v7 =	vmul.f32 v7, v51  }
0x75c: {  	v3 =	vmul.f32 v3, v52;
	v11 =	vadd.f32 v13, v11;
	v13 =	vld [tilespmem:s21+$0xFFFFFD80];
	v1 =	vadd.f32 v1, v20  }
0x75d: {  	v21 =	vperm.xlane v2, v5;
	v14 =	vld [tilespmem:s21+$0xFFFFFDC0];
	v9 =	vmul.f32 v9, v24;
	v7 =	vadd.f32 v7, v10  }
0x75e: {  	v3 =	vadd.f32 v3, v11;
	v11 =	vmul.f32 v58, v51;
	v57 =	vperm.xlane v1, v5;
	v10 =	vld [tilespmem:s21+$0xFFFFFDA0]  }
0x75f: {  	v2 =	vadd.f32 v2, v21;
	v9 =	vadd.f32 v9, v12;
	v12 =	vld [tilespmem:s21+$0xFFFFFDE0];
	v58 =	vperm.xlane v7, v0  }
0x760: {  	v22 =	vmul.f32 v22, v37;
	v3 =	vadd.f32 v11, v3;
	v1 =	vadd.f32 v1, v57;
	v57 =	vld [tilespmem:$0x1FF90]  }
0x761: {  	v11 =	vperm.xlane v2, v6;
	v7 =	vadd.f32 v58, v7;
	v58 =	vmul.f32 v17, v30;
	v17 =	vld [tilespmem:$0x1FE30]  }
0x762: {  	v23 =	vmul.f32 v23, v37;
	v14 =	vmul.f32 v14, v47  }
0x763: {  	v19 =	vld [tilespmem:s21+$0xFFFFFDB0];
	v21 =	vperm.xlane v3, v0;
	v2 =	vadd.f32 v2, v11;
	v11 =	vmul.f32 v13, v47  }
0x764: {  	v14 =	vadd.f32 v23, v14  }
0x765: {  	v15 =	vmul.f32 v15, v24;
	v16 =	vld [tilespmem:s20+$0xFFFFFEB0];
	v3 =	vadd.f32 v21, v3;
	v11 =	vadd.f32 v22, v11  }
0x766: {  	v21 =	vld [tilespmem:s20+$0xFFFFFEF0];
	v10 =	vmul.f32 v10, v45;
	v22 =	vadd.s32 s23, v57;
	v12 =	vmul.f32 v12, v45  }
0x767: {  	v8 =	vadd.f32 v15, v8;
	v23 =	vperm.xlane v1, v6;
	v3 =	vsel vm0, v7, v3  }
0x768: {  	v7 =	vadd.f32 v10, v11;
	v11 =	vmul.f32 v19, v30;
	v10 =	vadd.f32 v12, v14  }
0x769: {  	v1 =	vadd.f32 v1, v23;
	[tilespmem:v17+s15+$0x0] =	vst.idx.msk vm1, v2;
	v2 =	vperm.xlane v3, v4  }
0x76a: {  	v19 =	vmul.f32 v16, v35;
	v7 =	vadd.f32 v11, v7;
	v10 =	vadd.f32 v58, v10  }
0x76b: {  	v11 =	vmul.f32 v21, v35;
	[tilespmem:v22+s15+$0x0] =	vst.idx.msk vm1, v1;
	v1 =	vadd.f32 v3, v2  }
0x76c: {  	v15 =	vld [tilespmem:s22+$0xFFFFFE00];
	v20 =	vperm.xlane v10, v0;
	v3 =	vperm.xlane v7, v0  }
0x76d: {  	v8 =	vadd.f32 v19, v8;
	v9 =	vadd.f32 v11, v9;
	v12 =	vld [tilespmem:s22+$0xFFFFFE10];
	v21 =	vperm.xlane v1, v5  }
0x76e: {  	v22 =	vadd.s32 s25, v61;
	v11 =	vld [tilespmem:s22+$0x490];
	v3 =	vadd.f32 v3, v7;
	v7 =	vadd.f32 v20, v10  }
0x76f: {  	v16 =	vld [tilespmem:s22+$0x4C0];
	v23 =	vand.u32 $0xFF8, v22;
	v17 =	vperm.xlane v9, v0;
	v1 =	vadd.f32 v1, v21  }
0x770: {  	v18 =	vld [tilespmem:s22+$0xFFFFFE40];
	v14 =	vor.u32 v42, v23;
	v10 =	vperm.xlane v8, v0;
	v3 =	vsel vm0, v3, v7  }
0x771: {  	v7 =	vld [tilespmem:s22+$0xFFFFFE50];
	v58 =	vperm.xlane v3, v4;
	v19 =	vperm.xlane v1, v6  }
0x772: {  	v9 =	vadd.f32 v17, v9;
	v8 =	vadd.f32 v10, v8;
	v10 =	vld [tilespmem:s22+$0xFFFFFE20]  }
0x773: {  	v63 =	vmovc v33;
	v23 =	vadd.s32 s24, v60;
	v3 =	vadd.f32 v3, v58;
	v1 =	vadd.f32 v1, v19;
	v19 =	vld [tilespmem:s22+$0xFFFFFE60]  }
0x774: {  	v12 =	vmul.f32 v12, v36;
	v8 =	vsel vm0, v8, v9;
	v9 =	vmul.f32 v15, v63;
	v15 =	vld [tilespmem:s22+$0xFFFFFE30]  }
0x775: {  	v17 =	vand.u32 $0xFF8, v23;
	v23 =	vmul.f32 v18, v63;
	v22 =	vperm.xlane v3, v5;
	[tilespmem:v14+s15+$0x0] =	vst.idx.msk vm1, v1;
	v1 =	vld [tilespmem:s22+$0xFFFFFE70]  }
0x776: {  	v13 =	vld [tilespmem:s22+$0x4D0];
	v17 =	vor.u32 v32, v17;
	v58 =	vperm.xlane v8, v4;
	v7 =	vmul.f32 v7, v36  }
0x777: {  	v2 =	vld [tilespmem:s22+$0x480];
	v9 =	vadd.f32 v12, v9;
	v10 =	vmul.f32 v10, v29;
	v3 =	vadd.f32 v3, v22  }
0x778: {  	v8 =	vadd.f32 v8, v58;
	v18 =	vld [tilespmem:s21+$0x380];
	v7 =	vadd.f32 v7, v23;
	v58 =	vmul.f32 v19, v29  }
0x779: {  	v9 =	vadd.f32 v10, v9;
	v10 =	vmul.f32 v15, v38;
	v15 =	vld [tilespmem:s21+$0x3D0];
	v20 =	vperm.xlane v3, v6  }
0x77a: {  	v19 =	vld [tilespmem:s21+$0x3C0];
	v7 =	vadd.f32 v58, v7;
	v1 =	vmul.f32 v1, v38  }
0x77b: {  	v14 =	vld [tilespmem:s21+$0x390];
	v9 =	vadd.f32 v10, v9;
	v10 =	vperm.xlane v8, v5;
	v3 =	vadd.f32 v3, v20  }
0x77c: {  	v11 =	vmul.f32 v11, v41;
	v16 =	vmul.f32 v16, v40;
	v20 =	vld [tilespmem:s21+$0x3E0];
	v1 =	vadd.f32 v1, v7  }
0x77d: {  	v8 =	vadd.f32 v8, v10;
	v10 =	vperm.xlane v9, v0;
	[tilespmem:v17+s15+$0x0] =	vst.idx.msk vm1, v3;
	v3 =	vld [tilespmem:s21+$0x3F0]  }
0x77e: {  	v2 =	vmul.f32 v2, v40;
	v58 =	vld [tilespmem:s21+$0x3A0];
	v40 =	vperm.xlane v1, v0  }
0x77f: {  	v15 =	vmul.f32 v15, v50;
	v9 =	vadd.f32 v10, v9;
	v10 =	vld [tilespmem:s21+$0xFFFFFE10];
	v19 =	vmul.f32 v19, v49  }
0x780: {  	v13 =	vmul.f32 v13, v41;
	v41 =	vmul.f32 v18, v49;
	v21 =	vld [tilespmem:s21+$0xFFFFFE00];
	v1 =	vadd.f32 v40, v1  }
0x781: {  	v14 =	vmul.f32 v14, v50;
	v15 =	vadd.f32 v15, v19;
	v40 =	vmul.f32 v20, v52  }
0x782: {  	v3 =	vmul.f32 v3, v51;
	v1 =	vsel vm0, v9, v1  }
0x783: {  	v9 =	vmul.f32 v58, v52;
	v58 =	vadd.f32 v14, v41;
	v15 =	vadd.f32 v40, v15  }
0x784: {  	v7 =	vld [tilespmem:s21+$0x3B0];
	v22 =	vperm.xlane v8, v6;
	v10 =	vmul.f32 v10, v37  }
0x785: {  	v18 =	vld [tilespmem:s21+$0xFFFFFE40];
	v9 =	vadd.f32 v9, v58;
	v58 =	vmul.f32 v21, v47;
	v3 =	vadd.f32 v3, v15  }
0x786: {  	v8 =	vadd.f32 v8, v22;
	v22 =	vld [tilespmem:s21+$0xFFFFFE50]  }
0x787: {  	v14 =	vld [tilespmem:s21+$0xFFFFFE20];
	v10 =	vadd.f32 v10, v58;
	v58 =	vperm.xlane v3, v0  }
0x788: {  	v41 =	vld [tilespmem:s21+$0xFFFFFE60]  }
0x789: {  	v3 =	vadd.f32 v58, v3;
	v58 =	vld [tilespmem:$0x1FDF0]  }
0x78a: {  	v12 =	vld [tilespmem:s21+$0xFFFFFE30];
	v7 =	vmul.f32 v7, v51;
	_ =	sdelay $0x1  }
0x78b: {  	v17 =	vperm.xlane v1, v4;
	v23 =	vmul.f32 v22, v37;
	v21 =	vld [tilespmem:s21+$0xFFFFFE70];
	v7 =	vadd.f32 v7, v9  }
0x78c: {  	v9 =	vmul.f32 v18, v47;
	v14 =	vmul.f32 v14, v45  }
0x78d: {  	v1 =	vadd.f32 v1, v17;
	v40 =	vmul.f32 v41, v45;
	v41 =	vperm.xlane v7, v0  }
0x78e: {  	v12 =	vmul.f32 v12, v30;
	v9 =	vadd.f32 v23, v9  }
0x78f: {  	v15 =	vld [tilespmem:s22+$0x4A0];
	v10 =	vadd.f32 v14, v10;
	v7 =	vadd.f32 v41, v7;
	v41 =	vperm.xlane v1, v5  }
0x790: {  	v14 =	vld [tilespmem:s22+$0x4E0];
	v9 =	vadd.f32 v40, v9;
	v40 =	vmul.f32 v21, v30;
	[tilespmem:v58+s15+$0x0] =	vst.idx.msk vm1, v8  }
0x791: {  	v1 =	vadd.f32 v1, v41;
	v22 =	vld [tilespmem:$0x1FE50]  }
0x792: {  	v19 =	vld [tilespmem:s22+$0x4F0];
	v9 =	vadd.f32 v40, v9;
	v8 =	vadd.f32 v12, v10  }
0x793: {  	v13 =	vadd.f32 v13, v16;
	v2 =	vadd.f32 v11, v2;
	v20 =	vld [tilespmem:s22+$0x4B0];
	v41 =	vperm.xlane v1, v6  }
0x794: {  	v3 =	vsel vm0, v7, v3;
	v40 =	vperm.xlane v9, v0;
	v7 =	vperm.xlane v8, v0  }
0x795: {  	v10 =	vmul.f32 v15, v39;
	v58 =	vperm.xlane v3, v4;
	v1 =	vadd.f32 v1, v41;
	v11 =	vld [tilespmem:s20+$0xFFFFFF00]  }
0x796: {  	v14 =	vmul.f32 v14, v39;
	v12 =	vld [tilespmem:s20+$0xFFFFFF10];
	v7 =	vadd.f32 v7, v8;
	v8 =	vadd.f32 v40, v9  }
0x797: {  	v39 =	vmul.f32 v19, v25;
	v16 =	vld [tilespmem:s20+$0xFFFFFF40];
	v3 =	vadd.f32 v3, v58;
	v2 =	vadd.f32 v10, v2  }
0x798: {  	v21 =	vld [tilespmem:s20+$0xFFFFFF50];
	v10 =	vadd.f32 v14, v13;
	v9 =	vmul.f32 v20, v25;
	v7 =	vsel vm0, v7, v8  }
0x799: {  	v15 =	vld [tilespmem:s20+$0xFFFFFF20];
	v23 =	vperm.xlane v7, v4;
	[tilespmem:v22+s15+$0x0] =	vst.idx.msk vm1, v1;
	v1 =	vperm.xlane v3, v5  }
0x79a: {  	v40 =	vadd.s32 s25, v55;
	v10 =	vadd.f32 v39, v10;
	v2 =	vadd.f32 v9, v2;
	v9 =	vld [tilespmem:s22+$0xFFFFFE80]  }
0x79b: {  	v33 =	vmovc v29;
	v7 =	vadd.f32 v7, v23;
	v19 =	vld [tilespmem:s22+$0xFFFFFE90];
	v1 =	vadd.f32 v3, v1;
	v3 =	vand.u32 $0xFF8, v40  }
0x79c: {  	v29 =	vmovc v24;
	v24 =	vperm.xlane v10, v0;
	v41 =	vperm.xlane v2, v0;
	v17 =	vld [tilespmem:s22+$0xFFFFFEC0];
	v3 =	vor.u32 v32, v3  }
0x79d: {  	v18 =	vld [tilespmem:s22+$0xFFFFFED0];
	v39 =	vperm.xlane v7, v5;
	v58 =	vperm.xlane v1, v6  }
0x79e: {  	v11 =	vmul.f32 v11, v48;
	v23 =	vadd.s32 s24, v61;
	v2 =	vadd.f32 v41, v2;
	v40 =	vld [tilespmem:s22+$0xFFFFFEA0]  }
0x79f: {  	v41 =	vand.u32 $0xFF8, v23;
	v7 =	vadd.f32 v7, v39;
	v1 =	vadd.f32 v1, v58;
	v58 =	vld [tilespmem:s22+$0xFFFFFEE0]  }
0x7a0: {  	v10 =	vadd.f32 v24, v10;
	v20 =	vor.u32 v62, v41;
	v39 =	vld [tilespmem:s22+$0xFFFFFEB0];
	v9 =	vmul.f32 v9, v63  }
0x7a1: {  	v19 =	vmul.f32 v19, v36;
	[tilespmem:v3+s15+$0x0] =	vst.idx.msk vm1, v1;
	v1 =	vld [tilespmem:s22+$0xFFFFFEF0];
	v3 =	vperm.xlane v7, v6  }
0x7a2: {  	v13 =	vld [tilespmem:s20+$0xFFFFFF60];
	v17 =	vmul.f32 v17, v63;
	v18 =	vmul.f32 v18, v36  }
0x7a3: {  	v8 =	vld [tilespmem:s20+$0xFFFFFF30];
	v2 =	vsel vm0, v2, v10;
	v14 =	vmul.f32 v40, v33;
	v3 =	vadd.f32 v7, v3  }
0x7a4: {  	v10 =	vld [tilespmem:s20+$0xFFFFFF70];
	v9 =	vadd.f32 v19, v9;
	v17 =	vadd.f32 v18, v17;
	v40 =	vmul.f32 v58, v33  }
0x7a5: {  	v12 =	vmul.f32 v12, v53;
	v19 =	vld [tilespmem:s21+$0x410];
	v41 =	vmul.f32 v39, v38;
	[tilespmem:v20+s15+$0x0] =	vst.idx.msk vm1, v3  }
0x7a6: {  	v9 =	vadd.f32 v14, v9;
	v3 =	vadd.f32 v40, v17;
	v1 =	vmul.f32 v1, v38;
	v18 =	vld [tilespmem:s21+$0xFFFFFE80]  }
0x7a7: {  	v11 =	vadd.f32 v12, v11;
	v23 =	vmul.f32 v15, v29;
	v15 =	vld [tilespmem:s21+$0xFFFFFE90]  }
0x7a8: {  	v58 =	vperm.xlane v2, v4;
	v9 =	vadd.f32 v41, v9;
	v12 =	vld [tilespmem:s21+$0xFFFFFED0];
	v1 =	vadd.f32 v1, v3  }
0x7a9: {  	v8 =	vmul.f32 v8, v35;
	v11 =	vadd.f32 v23, v11;
	v3 =	vld [tilespmem:s21+$0xFFFFFEC0]  }
0x7aa: {  	v2 =	vadd.f32 v2, v58;
	v58 =	vld [tilespmem:s21+$0xFFFFFEA0];
	v40 =	vperm.xlane v9, v0;
	v41 =	vperm.xlane v1, v0  }
0x7ab: {  	v16 =	vmul.f32 v16, v48;
	v8 =	vadd.f32 v8, v11;
	v39 =	vmul.f32 v21, v53;
	v11 =	vld [tilespmem:s21+$0xFFFFFEE0]  }
0x7ac: {  	v7 =	vld [tilespmem:s21+$0x400];
	v9 =	vadd.f32 v40, v9;
	v1 =	vadd.f32 v41, v1  }
0x7ad: {  	v16 =	vadd.f32 v39, v16;
	v17 =	vld [tilespmem:s21+$0xFFFFFEB0];
	v39 =	vmul.f32 v18, v47;
	v15 =	vmul.f32 v15, v37  }
0x7ae: {  	v14 =	vld [tilespmem:s21+$0x440];
	v3 =	vmul.f32 v3, v47;
	v1 =	vsel vm0, v9, v1;
	v9 =	vmul.f32 v12, v37  }
0x7af: {  	v20 =	vld [tilespmem:s21+$0x450];
	v41 =	vmul.f32 v58, v45  }
0x7b0: {  	v40 =	vld [tilespmem:s21+$0xFFFFFEF0];
	v15 =	vadd.f32 v15, v39;
	v3 =	vadd.f32 v9, v3;
	v9 =	vmul.f32 v11, v45  }
0x7b1: {  	v13 =	vmul.f32 v13, v29;
	v10 =	vmul.f32 v10, v35;
	v21 =	vld [tilespmem:s21+$0x460]  }
0x7b2: {  	v12 =	vld [tilespmem:s21+$0x420];
	v15 =	vadd.f32 v41, v15;
	v3 =	vadd.f32 v9, v3;
	v9 =	vmul.f32 v17, v30  }
0x7b3: {  	v19 =	vmul.f32 v19, v50;
	v7 =	vmul.f32 v7, v49;
	v39 =	vld [tilespmem:s21+$0x430]  }
0x7b4: {  	v20 =	vmul.f32 v20, v50;
	v58 =	vperm.xlane v1, v4;
	v41 =	vld [tilespmem:s21+$0x470];
	v9 =	vadd.f32 v9, v15  }
0x7b5: {  	v13 =	vadd.f32 v13, v16;
	v40 =	vmul.f32 v40, v30;
	v11 =	vmul.f32 v14, v49  }
0x7b6: {  	v1 =	vadd.f32 v1, v58;
	v58 =	vmul.f32 v21, v52;
	v21 =	vperm.xlane v9, v0  }
0x7b7: {  	v7 =	vadd.f32 v19, v7;
	v11 =	vadd.f32 v20, v11;
	v12 =	vmul.f32 v12, v52  }
0x7b8: {  	v20 =	vperm.xlane v1, v5;
	v3 =	vadd.f32 v40, v3;
	v9 =	vadd.f32 v21, v9;
	v21 =	vld [tilespmem:$0x1FE90]  }
0x7b9: {  	v16 =	vmul.f32 v39, v51;
	v11 =	vadd.f32 v58, v11;
	v22 =	vmul.f32 v41, v51  }
0x7ba: {  	v7 =	vadd.f32 v12, v7;
	v1 =	vadd.f32 v1, v20;
	v17 =	vperm.xlane v3, v0  }
0x7bb: {  	v23 =	vperm.xlane v8, v0;
	v10 =	vadd.f32 v10, v13;
	v11 =	vadd.f32 v22, v11  }
0x7bc: {  	v7 =	vadd.f32 v16, v7;
	v39 =	vperm.xlane v1, v6;
	v3 =	vadd.f32 v17, v3  }
0x7bd: {  	v40 =	vperm.xlane v10, v0;
	v58 =	vperm.xlane v11, v0  }
0x7be: {  	v16 =	vperm.xlane v7, v0;
	v1 =	vadd.f32 v1, v39;
	v3 =	vsel vm0, v9, v3  }
0x7bf: {  	v8 =	vadd.f32 v23, v8;
	v10 =	vadd.f32 v40, v10;
	v41 =	vperm.xlane v3, v4  }
0x7c0: {  	v11 =	vadd.f32 v58, v11;
	v7 =	vadd.f32 v16, v7;
	[tilespmem:v21+s15+$0x0] =	vst.idx.msk vm1, v1  }
0x7c1: {  	v8 =	vsel vm0, v8, v10;
	v3 =	vadd.f32 v3, v41;
	v10 =	vld [tilespmem:s22+$0xFFFFFF00]  }
0x7c2: {  	v7 =	vsel vm0, v7, v11;
	v11 =	vld [tilespmem:s22+$0xFFFFFF10]  }
0x7c3: {  	v22 =	vperm.xlane v3, v5;
	v1 =	vperm.xlane v2, v5;
	v18 =	vld [tilespmem:s22+$0xFFFFFF40]  }
0x7c4: {  	v16 =	vld [tilespmem:s22+$0xFFFFFF50]  }
0x7c5: {  	v13 =	vld [tilespmem:s19+$0xFFFFFFC0];
	v20 =	vadd.s32 s24, v55;
	v3 =	vadd.f32 v3, v22;
	v1 =	vadd.f32 v2, v1  }
0x7c6: {  	v14 =	vand.u32 $0xFF8, v20;
	v23 =	vperm.xlane v8, v4;
	v41 =	vld [tilespmem:s22+$0xFFFFFF60];
	v2 =	vperm.xlane v7, v4  }
0x7c7: {  	v15 =	vld [tilespmem:s19+$0xFFFFFF90];
	v14 =	vor.u32 v43, v14;
	v19 =	vperm.xlane v3, v6;
	v39 =	vperm.xlane v1, v6  }
0x7c8: {  	v12 =	vld [tilespmem:s19+$0xFFFFFFD0];
	v2 =	vadd.f32 v7, v2;
	v10 =	vmul.f32 v10, v63;
	v11 =	vmul.f32 v11, v36  }
0x7c9: {  	v8 =	vadd.f32 v8, v23;
	v7 =	vld [tilespmem:s22+$0xFFFFFF20];
	v18 =	vmul.f32 v18, v63;
	v16 =	vmul.f32 v16, v36  }
0x7ca: {  	v3 =	vadd.f32 v3, v19;
	v19 =	vld [tilespmem:s22+$0xFFFFFF70];
	v1 =	vadd.f32 v1, v39;
	v58 =	vperm.xlane v2, v5  }
0x7cb: {  	v39 =	vld [tilespmem:s22+$0xFFFFFF30];
	v41 =	vmul.f32 v41, v33;
	v10 =	vadd.f32 v11, v10;
	v11 =	vadd.f32 v16, v18  }
0x7cc: {  	v20 =	vld [tilespmem:s19+$0xFFFFFFA0];
	[tilespmem:v14+s15+$0x0] =	vst.idx.msk vm1, v3  }
0x7cd: {  	v40 =	vperm.xlane v8, v5;
	v2 =	vadd.f32 v2, v58;
	v11 =	vadd.f32 v41, v11;
	v41 =	vld [tilespmem:$0x1FE00]  }
0x7ce: {  	v9 =	vld [tilespmem:s19+$0xFFFFFF80];
	v7 =	vmul.f32 v7, v33  }
0x7cf: {  	v8 =	vadd.f32 v8, v40;
	v17 =	vld [tilespmem:s21+$0xFFFFFF00];
	v18 =	vadd.s32 s25, v57;
	v58 =	vperm.xlane v2, v6  }
0x7d0: {  	v23 =	vld [tilespmem:s21+$0xFFFFFF40];
	v19 =	vmul.f32 v19, v38;
	v7 =	vadd.f32 v7, v10;
	v10 =	vmul.f32 v39, v38  }
0x7d1: {  	v40 =	vperm.xlane v8, v6;
	v39 =	vld [tilespmem:s21+$0xFFFFFF10];
	v2 =	vadd.f32 v2, v58  }
0x7d2: {  	v11 =	vadd.f32 v19, v11;
	v7 =	vadd.f32 v10, v7;
	v10 =	vld [tilespmem:s21+$0xFFFFFF50]  }
0x7d3: {  	v13 =	vmul.f32 v13, v46;
	v8 =	vadd.f32 v8, v40;
	v40 =	vmul.f32 v15, v44;
	v15 =	vld [tilespmem:s21+$0xFFFFFF20]  }
0x7d4: {  	v12 =	vmul.f32 v12, v44;
	v44 =	vld [tilespmem:s21+$0xFFFFFF60];
	[tilespmem:v18+s15+$0x0] =	vst.idx.msk vm1, v2;
	v2 =	vperm.xlane v11, v0  }
0x7d5: {  	v9 =	vmul.f32 v9, v46;
	v46 =	vld [tilespmem:s21+$0xFFFFFF30];
	[tilespmem:v41+s15+$0x0] =	vst.idx.msk vm1, v8;
	v8 =	vperm.xlane v7, v0  }
0x7d6: {  	v58 =	vld [tilespmem:s21+$0xFFFFFF70];
	v16 =	vmul.f32 v23, v47;
	v39 =	vmul.f32 v39, v37;
	v2 =	vadd.f32 v2, v11  }
0x7d7: {  	v11 =	vld [tilespmem:s19+$0xFFFFFFB0];
	v10 =	vmul.f32 v10, v37;
	v7 =	vadd.f32 v8, v7;
	v8 =	vmul.f32 v17, v47  }
0x7d8: {  	v15 =	vmul.f32 v15, v45  }
0x7d9: {  	v41 =	vmul.f32 v44, v45;
	v10 =	vadd.f32 v10, v16;
	v8 =	vadd.f32 v39, v8  }
0x7da: {  	v20 =	vmul.f32 v20, v26;
	v9 =	vadd.f32 v40, v9;
	v14 =	vmul.f32 v46, v30  }
0x7db: {  	v40 =	vld [tilespmem:s19+$0xFFFFFFF0];
	v17 =	vmul.f32 v58, v30;
	v10 =	vadd.f32 v41, v10;
	v8 =	vadd.f32 v15, v8  }
0x7dc: {  	v9 =	vadd.f32 v20, v9;
	v11 =	vmul.f32 v11, v34  }
0x7dd: {  	v3 =	vld [tilespmem:s19+$0xFFFFFFE0];
	v2 =	vsel vm0, v7, v2;
	v10 =	vadd.f32 v17, v10;
	v8 =	vadd.f32 v14, v8  }
0x7de: {  	v12 =	vadd.f32 v12, v13;
	v13 =	vld [tilespmem:s21+$0x4C0];
	v44 =	vperm.xlane v2, v4;
	v9 =	vadd.f32 v11, v9  }
0x7df: {  	v16 =	vld [tilespmem:s21+$0x480];
	v39 =	vperm.xlane v10, v0;
	v58 =	vperm.xlane v8, v0  }
0x7e0: {  	v34 =	vmul.f32 v40, v34;
	v11 =	vld [tilespmem:s21+$0x4D0];
	v2 =	vadd.f32 v2, v44;
	v40 =	vperm.xlane v9, v0  }
0x7e1: {  	v15 =	vld [tilespmem:s21+$0x490];
	v10 =	vadd.f32 v39, v10;
	v8 =	vadd.f32 v58, v8  }
0x7e2: {  	v46 =	vperm.xlane v2, v5;
	v9 =	vadd.f32 v40, v9;
	v40 =	vld [tilespmem:$0x1FEB0]  }
0x7e3: {  	v22 =	vld [tilespmem:s21+$0x4B0];
	v8 =	vsel vm0, v8, v10  }
0x7e4: {  	v41 =	vld [tilespmem:s21+$0x4A0];
	v16 =	vmul.f32 v16, v49;
	v2 =	vadd.f32 v2, v46;
	v58 =	vperm.xlane v8, v4  }
0x7e5: {  	v19 =	vld [tilespmem:s20+$0xFFFFFF90];
	v49 =	vmul.f32 v13, v49;
	v11 =	vmul.f32 v11, v50  }
0x7e6: {  	v15 =	vmul.f32 v15, v50;
	v50 =	vld [tilespmem:s21+$0x4F0];
	v10 =	vperm.xlane v2, v6;
	v8 =	vadd.f32 v8, v58  }
0x7e7: {  	v3 =	vmul.f32 v3, v26;
	v46 =	vld [tilespmem:s21+$0x4E0]  }
0x7e8: {  	v18 =	vld [tilespmem:s20+$0xFFFFFFC0];
	v11 =	vadd.f32 v11, v49;
	v2 =	vadd.f32 v2, v10;
	v49 =	vperm.xlane v8, v5  }
0x7e9: {  	v7 =	vld [tilespmem:s20+$0xFFFFFF80];
	v14 =	vmul.f32 v41, v52;
	v41 =	vadd.s32 s24, v57  }
0x7ea: {  	v3 =	vadd.f32 v3, v12;
	v24 =	vld [tilespmem:$0x1FF10];
	v17 =	vand.u32 $0xFF8, v41;
	[tilespmem:v40+s15+$0x0] =	vst.idx.msk vm1, v2;
	v8 =	vadd.f32 v8, v49  }
0x7eb: {  	v22 =	vmul.f32 v22, v51;
	v17 =	vor.u32 v42, v17;
	v21 =	vmul.f32 v50, v51;
	v50 =	vld [tilespmem:s22+$0xFFFFFF90]  }
0x7ec: {  	v20 =	vmul.f32 v46, v52;
	v51 =	vld [tilespmem:s22+$0xFFFFFFD0];
	v52 =	vperm.xlane v8, v6  }
0x7ed: {  	v3 =	vadd.f32 v34, v3;
	v13 =	vld [tilespmem:s20+$0xFFFFFFD0]  }
0x7ee: {  	v19 =	vmul.f32 v19, v53;
	v7 =	vmul.f32 v7, v48;
	v39 =	vld [tilespmem:s20+$0xFFFFFFE0];
	v8 =	vadd.f32 v8, v52  }
0x7ef: {  	v18 =	vmul.f32 v18, v48;
	v44 =	vperm.xlane v24, v5;
	v15 =	vadd.f32 v15, v16;
	v10 =	vld [tilespmem:s20+$0xFFFFFFA0]  }
0x7f0: {  	v34 =	vperm.xlane v3, v0;
	v7 =	vadd.f32 v19, v7;
	v46 =	vld [tilespmem:s20+$0xFFFFFFF0];
	[tilespmem:v17+s15+$0x0] =	vst.idx.msk vm1, v8  }
0x7f1: {  	v14 =	vadd.f32 v14, v15;
	v48 =	vmul.f32 v50, v36;
	v19 =	vmul.f32 v51, v36;
	v36 =	vld [tilespmem:$0x1FC80]  }
0x7f2: {  	v2 =	vadd.f32 v24, v44;
	v44 =	vld [tilespmem:s20+$0xFFFFFFB0];
	v11 =	vadd.f32 v20, v11  }
0x7f3: {  	v3 =	vadd.f32 v34, v3;
	v23 =	vld [tilespmem:s22+$0xFFFFFF80]  }
0x7f4: {  	v14 =	vadd.f32 v22, v14;
	v24 =	vld [tilespmem:s22+$0xFFFFFFC0];
	v11 =	vadd.f32 v21, v11  }
0x7f5: {  	v13 =	vmul.f32 v13, v53;
	v49 =	vld [tilespmem:s21+$0xFFFFFFE0]  }
0x7f6: {  	v3 =	vsel vm0, v9, v3;
	v53 =	vld [tilespmem:s22+$0xFFFFFFA0];
	v9 =	vperm.xlane v11, v0;
	v8 =	vperm.xlane v14, v0  }
0x7f7: {  	v58 =	vld [tilespmem:s22+$0xFFFFFFE0]  }
0x7f8: {  	v9 =	vadd.f32 v9, v11;
	v40 =	vld [tilespmem:s21+$0xFFFFFF90];
	v8 =	vadd.f32 v8, v14  }
0x7f9: {  	v10 =	vmul.f32 v10, v29;
	v12 =	vmul.f32 v44, v35;
	v44 =	vld [tilespmem:s21+$0xFFFFFFD0];
	[tilespmem:v36+s15+$0x0] =	vst.idx.msk vm1, v56  }
0x7fa: {  	v8 =	vsel vm0, v8, v9;
	v9 =	vmul.f32 v23, v63;
	v23 =	vmul.f32 v49, v45;
	v49 =	vld [tilespmem:$0x1FF70]  }
0x7fb: {  	v15 =	vmul.f32 v46, v35;
	v35 =	vld [tilespmem:s22+$0xFFFFFFF0]  }
0x7fc: {  	v7 =	vadd.f32 v10, v7;
	v17 =	vld [tilespmem:s21+$0xFFFFFF80]  }
0x7fd: {  	v13 =	vadd.f32 v13, v18;
	v16 =	vmul.f32 v39, v29;
	v46 =	vmul.f32 v24, v63;
	v11 =	vld [tilespmem:s21+$0xFFFFFFC0]  }
0x7fe: {  	v50 =	vmul.f32 v53, v33;
	v51 =	vmul.f32 v58, v33;
	v7 =	vadd.f32 v12, v7;
	v24 =	vld [tilespmem:s21+$0xFFFFFFA0]  }
0x7ff: {  	v12 =	vmul.f32 v40, v37;
	v22 =	vmul.f32 v44, v37;
	v37 =	vadd.s32 s23, v49  }
0x800: {  	v10 =	vadd.f32 v16, v13;
	v53 =	vld [tilespmem:s21+$0xFFFFFFF0];
	v16 =	vmul.f32 v35, v38;
	v35 =	vperm.xlane v8, v4  }
0x801: {  	v41 =	vperm.xlane v7, v0;
	v52 =	vld [tilespmem:s21+$0xFFFFFFB0];
	v17 =	vmul.f32 v17, v47  }
0x802: {  	v10 =	vadd.f32 v15, v10;
	v11 =	vmul.f32 v11, v47;
	v8 =	vadd.f32 v8, v35  }
0x803: {  	v7 =	vadd.f32 v41, v7;
	v58 =	vmul.f32 v24, v45;
	v12 =	vadd.f32 v12, v17  }
0x804: {  	v11 =	vadd.f32 v22, v11;
	v45 =	vperm.xlane v8, v5;
	v41 =	vld [tilespmem:$0x1FEF0];
	[tilespmem:v37+s15+$0x0] =	vst.idx.msk vm1, v1  }
0x805: {  	v15 =	vperm.xlane v10, v0;
	v14 =	vmul.f32 v53, v30;
	v12 =	vadd.f32 v58, v12;
	v53 =	vld [tilespmem:$0x1FC90]  }
0x806: {  	v34 =	vld [tilespmem:s22+$0xFFFFFFB0];
	v33 =	vmul.f32 v52, v30;
	v11 =	vadd.f32 v23, v11;
	v8 =	vadd.f32 v8, v45  }
0x807: {  	v10 =	vadd.f32 v15, v10;
	v9 =	vadd.f32 v48, v9;
	v1 =	vadd.s32 s25, v49  }
0x808: {  	v12 =	vadd.f32 v33, v12;
	v11 =	vadd.f32 v14, v11;
	v48 =	vperm.xlane v8, v6  }
0x809: {  	v19 =	vadd.f32 v19, v46;
	v7 =	vsel vm0, v7, v10;
	v44 =	vperm.xlane v41, v6  }
0x80a: {  	v10 =	vperm.xlane v12, v0;
	v40 =	vperm.xlane v11, v0;
	v8 =	vadd.f32 v8, v48  }
0x80b: {  	v13 =	vmul.f32 v34, v38;
	v63 =	vadd.f32 v51, v19;
	v14 =	vadd.f32 v41, v44  }
0x80c: {  	v10 =	vadd.f32 v10, v12;
	v11 =	vadd.f32 v40, v11;
	[tilespmem:v1+s15+$0x0] =	vst.idx.msk vm1, v8  }
0x80d: {  	v46 =	vperm.xlane v7, v4;
	v9 =	vadd.f32 v50, v9;
	[tilespmem:v53+s15+$0x0] =	vst.idx.msk vm1, v14  }
0x80e: {  	v39 =	vperm.xlane v3, v4;
	v34 =	vadd.f32 v16, v63;
	v10 =	vsel vm0, v10, v11;
	v63 =	vld [tilespmem:$0x1FCC0]  }
0x80f: {  	v7 =	vadd.f32 v7, v46;
	v9 =	vadd.f32 v13, v9;
	v11 =	vperm.xlane v10, v4  }
0x810: {  	v3 =	vadd.f32 v3, v39;
	v39 =	vperm.xlane v34, v0  }
0x811: {  	v38 =	vperm.xlane v9, v0;
	v10 =	vadd.f32 v10, v11;
	v11 =	vperm.xlane v7, v5  }
0x812: {  	v51 =	vperm.xlane v2, v6;
	v13 =	vadd.f32 v39, v34  }
0x813: {  	v9 =	vadd.f32 v38, v9;
	v7 =	vadd.f32 v7, v11;
	v11 =	vperm.xlane v10, v5  }
0x814: {  	v2 =	vadd.f32 v2, v51  }
0x815: {  	v9 =	vsel vm0, v9, v13;
	v8 =	vadd.f32 v10, v11;
	v10 =	vperm.xlane v7, v6  }
0x816: {  	v47 =	vperm.xlane v9, v4;
	[tilespmem:v63+s15+$0x0] =	vst.idx.msk vm1, v2  }
0x817: {  	v50 =	vperm.xlane v3, v5;
	v2 =	vadd.f32 v7, v10;
	v10 =	vld [tilespmem:$0x1FD30]  }
0x818: {  	v9 =	vadd.f32 v9, v47  }
0x819: {  	v3 =	vadd.f32 v3, v50  }
0x81a: {  	v52 =	vperm.xlane v9, v5  }
0x81b: {  	v58 =	vperm.xlane v3, v6  }
0x81c: {  	v9 =	vadd.f32 v9, v52  }
0x81d: {  	v3 =	vadd.f32 v3, v58  }
0x81e: {  	v11 =	vperm.xlane v9, v6  }
0x81f: {  	[tilespmem:v10+s15+$0x0] =	vst.idx.msk vm1, v3  }
0x820: {  	v3 =	vadd.f32 v9, v11;
	v9 =	vld [tilespmem:$0x1FE10];
	_ =	sdelay $0x2  }
0x821: {  	v56 =	vadd.s32 s24, v49  }
0x822: {  	v1 =	vand.u32 $0xFF8, v56  }
0x823: {  	v1 =	vor.u32 v32, v1  }
0x824: {  	v7 =	vperm.xlane v8, v6;
	_ =	sdelay $0x1  }
0x825: {  	[tilespmem:v9+s15+$0x0] =	vst.idx.msk vm1, v2;
	v2 =	vadd.f32 v8, v7  }
0x826: {  	s28 =	rddreg [dreg:$0x4];
	[tilespmem:v54+s15+$0x0] =	vst.idx.msk vm1, v3  }
0x827: {  	s17 =	sadd.s32 s28, s17;
	[tilespmem:v1+s15+$0x0] =	vst.idx.msk vm1, v2  }
0x828: {  	[hbm4b:s17+s5] =	stream.linear.scatter [tilespmem:s4], [sflag:$0x2], $0x40, $0x38;
	[tilespmem:$0x16AC0] =	vst v63  }
0x829: {  	s16 =	sadd.s32 $0x1, s16;
	_ =	swait.ge [sflag:s12], $0x40  }
0x82a: {  	p0 =	sne.s32 s16, $0x8;
	[sflag:s12] =	ssyncset.done $0x0  }
.Ltmp1:
0x82b: {  	s29 =	sadd.s32 s9, s18;
	[sflag:s12] =	ssyncadd.s32 $0xFFFFFFC0;
	(pc) =	sbr.rel @p0 .LBB2_2-.Ltmp1, $4  }
0x82c: {  	[hbm4b:s29+s5] =	stream.linear.scatter [tilespmem:s15], [sflag:$0x2], $0x500, $0x38;
	[tilespmem:$0x16AC0] =	vst v63  }
0x82d: {  	_ =	swait.ge [sflag:s12], $0x500  }
0x82e: {  	[sflag:s12] =	ssyncset.done $0x0  }
0x82f: {  	v10 =	vmov v43;
	v8 =	vmov v32;
	[sflag:s12] =	ssyncadd.s32 $0xFFFFFB00  }
0x830: {  	s17 =	rddreg [dreg:$0x7]  }
0x831: {  	s16 =	rddreg [dreg:$0x6];
	s17 =	sadd.s32 $0x1, s17  }
0x832: {  	p0 =	sne.s32 s17, s16  }
.Ltmp2:
0x833: {  	_ = 	snop;
	(pc) =	sbr.rel @p0 .LBB2_1-.Ltmp2, $1  }
0x834: {  	_ =	sdelay $0x3  }
0x835: {  	_ =	sfence.sel $0x180000  }
0x836: {  	[bflag:$0x0] =	sbarrier.arrive $0xFFFF  }
0x837: {  	_ =	strace $0x90000047  }
0x838: {  	s0 =	stileid.u32;
	[bflag:$0x2] =	sbarrier.arrive $0xFFFF  }
0x839: {  	p0 =	sne.s32 s0, $0x0;
	s0 =	rddreg [dreg:$0x5]  }
0x83a: {  	s0 =	sadd.s32 @!p0 $0x100000, s0  }
0x83b: {  	[sflag:s0] =	ssyncadd.tile.s32 @!p0 $0x1;
	_ =	shalt  }
.Lfunc_end2:
_tile_overlayer_lowered:
.L_overlay_start_2:
0x83c: {  	(tag) =	ssettag $0x2  }
0x83d: {  	s0 =	rddreg [dreg:$0x0];
	s2 =	stileid.u32  }
0x83e: {  	s1 =	rddreg [dreg:$0x1];
	p0 =	sne.s32 s2, $0x0  }
0x83f: {  	s3 =	rddreg [dreg:$0x2];
	[bflag:$0x3] =	sbarrier.arrive $0xFFFF;
	s2 =	simm.s32 @!p0 $0x1C02  }
0x840: {  	[timem:s3], [sflag:s2] =	dma.local @!p0 [hbm:s0], s1  }
0x841: {  	s0 =	simm.s32 @!p0 $0x2  }
0x842: {  	_ =	swait.ge @!p0 [sflag:s0], s1  }
0x843: {  	s1 =	ssub.s32 @!p0 $0x0, s1;
	[sflag:s0] =	ssyncset.done @!p0 $0x0  }
0x844: {  	[sflag:s0] =	ssyncadd.s32 @!p0 s1  }
0x845: {  	[bflag:$0x3] =	sbarrier.arrive $0xFFFF  }
0x846: {  	_ =	shalt  }

</sc_bundles>
